<compile_context>
chip_gen: v7x
topology: tpu7x:2x2x1
jax: 0.10.2.dev20260603
libtpu: 0.0.44.dev20260713+nightly
codegen_flags: <defaults>
</compile_context>

<pallas_src>
import functools

import jax
import jax.numpy as jnp
from jax import lax
from jax.experimental import pallas as pl
from jax.experimental.pallas import tpu as pltpu
from jax.experimental.pallas import tpu_sc as plsc

_B, _N, _D_IN, _D_LAT, _K, _NUM_CB = 16, 576, 768, 256, 8192, 4
_BETA = 0.25
_M = _B * _N


def _proj_in_body(z_ref, w_ref, b_ref, o_ref):
    o_ref[...] = (
        jnp.dot(z_ref[...], w_ref[...], preferred_element_type=jnp.float32)
        + b_ref[...]
    )


def _proj_in(z2, w, b):
    tm = 1024
    return pl.pallas_call(
        _proj_in_body,
        grid=(_M // tm,),
        in_specs=[
            pl.BlockSpec((tm, _D_IN), lambda i: (i, 0)),
            pl.BlockSpec((_D_IN, _D_LAT), lambda i: (0, 0)),
            pl.BlockSpec((1, _D_LAT), lambda i: (0, 0)),
        ],
        out_specs=pl.BlockSpec((tm, _D_LAT), lambda i: (i, 0)),
        out_shape=jax.ShapeDtypeStruct((_M, _D_LAT), jnp.float32),
    )(z2, w, b)



def _e2_body(cb_ref, e2_ref):
    e = cb_ref[0]
    e2_ref[0, 0, :] = jnp.sum(e * e, axis=1)


def _e2_all(codebooks):
    out = pl.pallas_call(
        _e2_body,
        grid=(_NUM_CB,),
        in_specs=[pl.BlockSpec((1, _K, _D_LAT), lambda h: (h, 0, 0))],
        out_specs=pl.BlockSpec((1, 1, _K), lambda h: (h, 0, 0)),
        out_shape=jax.ShapeDtypeStruct((_NUM_CB, 1, _K), jnp.float32),
    )(codebooks)
    return [out[h] for h in range(_NUM_CB)]



_W = 128
_C = _K // _W


def _dist_core(rn, e_ref, e2_ref, idx_ref):
    a = jnp.sum(rn * rn, axis=1, keepdims=True)
    rs = rn * (-2.0)
    s2 = lax.dot_general(
        rs, e_ref[...], (((1,), (1,)), ((), ())),
        preferred_element_type=jnp.float32,
    )
    e2r = e2_ref[...]
    big = float(_K)

    def dslice(c):
        return (a + e2r[:, c * _W:(c + 1) * _W]) + s2[:, c * _W:(c + 1) * _W]

    nv, ni = [], []
    for i in range(_C // 2):
        va, vb = dslice(2 * i), dslice(2 * i + 1)
        nv.append(jnp.minimum(va, vb))
        ni.append(jnp.where(va <= vb, float(2 * i), float(2 * i + 1)))
    vals, idxs = nv, ni
    while len(vals) > 1:
        nv, ni = [], []
        for i in range(len(vals) // 2):
            va, vb = vals[2 * i], vals[2 * i + 1]
            nv.append(jnp.minimum(va, vb))
            ni.append(jnp.where(va <= vb, idxs[2 * i], idxs[2 * i + 1]))
        vals, idxs = nv, ni
    colmin, runc = vals[0], idxs[0]
    rowmin = jnp.min(colmin, axis=1, keepdims=True)
    lane = lax.broadcasted_iota(jnp.int32, (1, _W), 1).astype(jnp.float32)
    key = jnp.where(colmin == rowmin, runc * float(_W) + lane, big * big)
    idxf = jnp.min(key, axis=1)
    idx_ref[...] = idxf.astype(jnp.int32)


def _upd_core(r, g, act):
    delta = g - r
    zql = jnp.where(act, r + delta, jnp.zeros_like(r))
    m = jnp.mean(delta * delta, axis=1, keepdims=True)
    lossl = jnp.where(act, m + m * _BETA, jnp.zeros_like(m))
    return zql, lossl, r - zql



_TM = 1024


def _proj_dist0_body(z_ref, w_ref, b_ref, e_ref, e2_ref, r_ref, idx_ref):
    r0 = (
        jnp.dot(z_ref[...], w_ref[...], preferred_element_type=jnp.float32)
        + b_ref[...]
    )
    r_ref[...] = r0
    _dist_core(r0, e_ref, e2_ref, idx_ref)


def _proj_dist0(z2, w, b, e, e2):
    return pl.pallas_call(
        _proj_dist0_body,
        grid=(_M // _TM,),
        in_specs=[
            pl.BlockSpec((_TM, _D_IN), lambda i: (i, 0)),
            pl.BlockSpec((_D_IN, _D_LAT), lambda i: (0, 0)),
            pl.BlockSpec((1, _D_LAT), lambda i: (0, 0)),
            pl.BlockSpec((_K, _D_LAT), lambda i: (0, 0)),
            pl.BlockSpec((1, _K), lambda i: (0, 0)),
        ],
        out_specs=[
            pl.BlockSpec((_TM, _D_LAT), lambda i: (i, 0)),
            pl.BlockSpec((_TM,), lambda i: (i,)),
        ],
        out_shape=[
            jax.ShapeDtypeStruct((_M, _D_LAT), jnp.float32),
            jax.ShapeDtypeStruct((_M,), jnp.int32),
        ],
        compiler_params=pltpu.CompilerParams(
            dimension_semantics=("parallel",)),
    )(z2, w, b, e, e2)


def _upd_dist_body(r_ref, g_ref, act_ref, e_ref, e2_ref,
                   zql_ref, loss_ref, rn_ref, idx_ref):
    act = act_ref[0] != 0
    zql, lossl, rn = _upd_core(r_ref[...], g_ref[...], act)
    zql_ref[...] = zql
    loss_ref[...] = lossl
    rn_ref[...] = rn
    _dist_core(rn, e_ref, e2_ref, idx_ref)


def _upd_dist(r, g, act, e, e2):
    return pl.pallas_call(
        _upd_dist_body,
        grid=(_M // _TM,),
        in_specs=[
            pl.BlockSpec((_TM, _D_LAT), lambda i: (i, 0)),
            pl.BlockSpec((_TM, _D_LAT), lambda i: (i, 0)),
            pl.BlockSpec(memory_space=pltpu.SMEM),
            pl.BlockSpec((_K, _D_LAT), lambda i: (0, 0)),
            pl.BlockSpec((1, _K), lambda i: (0, 0)),
        ],
        out_specs=[
            pl.BlockSpec((_TM, _D_LAT), lambda i: (i, 0)),
            pl.BlockSpec((_TM, 1), lambda i: (i, 0)),
            pl.BlockSpec((_TM, _D_LAT), lambda i: (i, 0)),
            pl.BlockSpec((_TM,), lambda i: (i,)),
        ],
        out_shape=[
            jax.ShapeDtypeStruct((_M, _D_LAT), jnp.float32),
            jax.ShapeDtypeStruct((_M, 1), jnp.float32),
            jax.ShapeDtypeStruct((_M, _D_LAT), jnp.float32),
            jax.ShapeDtypeStruct((_M,), jnp.int32),
        ],
        compiler_params=pltpu.CompilerParams(
            dimension_semantics=("parallel",)),
    )(r, g, act, e, e2)



_NW = 32
_BPW = _M // _NW
_CH = 96
_NCH = _BPW // _CH


def _gather_body(tab_hbm, idx_hbm, out_hbm, idx_v, rows_v, sem):
    c = lax.axis_index("c")
    s = lax.axis_index("s")
    wid = s * 2 + c
    base = wid * _BPW
    for j in range(_NCH):
        pltpu.sync_copy(idx_hbm.at[pl.ds(base + j * _CH, _CH)], idx_v.at[j])
    copies = [
        pltpu.async_copy(tab_hbm.at[idx_v.at[j]], rows_v.at[j], sem)
        for j in range(_NCH)
    ]
    for cp in copies:
        cp.wait()
    for j in range(_NCH):
        pltpu.sync_copy(rows_v.at[j], out_hbm.at[pl.ds(base + j * _CH, _CH)])


@functools.cache
def _gather_kernel():
    return pl.kernel(
        _gather_body,
        out_type=jax.ShapeDtypeStruct((_M, _D_LAT), jnp.float32),
        mesh=plsc.VectorSubcoreMesh(core_axis_name="c", subcore_axis_name="s"),
        scratch_types=[
            pltpu.VMEM((_NCH, _CH), jnp.int32),
            pltpu.VMEM((_NCH, _CH, _D_LAT), jnp.float32),
            pltpu.SemaphoreType.DMA,
        ],
    )


def _gather(tab, idx):
    return _gather_kernel()(tab, idx)



def _final_body(z0, z1, z2, r3, g3, act_ref, w_ref, b_ref, l0, l1, l2,
                zq_ref, zqout_ref, loss_ref, zql3_ref):
    act = act_ref[0] != 0
    zql3, l3, _ = _upd_core(r3[...], g3[...], act)
    zql3_ref[...] = zql3
    zo = ((z0[...] + z1[...]) + z2[...]) + zql3
    zqout_ref[...] = zo
    zq_ref[...] = (
        jnp.dot(zo, w_ref[...], preferred_element_type=jnp.float32) + b_ref[...]
    )
    loss_ref[...] = (((l0[...] + l1[...]) + l2[...]) + l3) / 4.0


def _final(zqls, r3, g3, act, w, b, lossls):
    tm = 1024
    zspec = pl.BlockSpec((tm, _D_LAT), lambda i: (i, 0))
    lspec = pl.BlockSpec((tm, 1), lambda i: (i, 0))
    return pl.pallas_call(
        _final_body,
        grid=(_M // tm,),
        in_specs=[zspec, zspec, zspec, zspec, zspec,
                  pl.BlockSpec(memory_space=pltpu.SMEM),
                  pl.BlockSpec((_D_LAT, _D_IN), lambda i: (0, 0)),
                  pl.BlockSpec((1, _D_IN), lambda i: (0, 0)),
                  lspec, lspec, lspec],
        out_specs=[
            pl.BlockSpec((tm, _D_IN), lambda i: (i, 0)),
            pl.BlockSpec((tm, _D_LAT), lambda i: (i, 0)),
            lspec,
            zspec,
        ],
        out_shape=[
            jax.ShapeDtypeStruct((_M, _D_IN), jnp.float32),
            jax.ShapeDtypeStruct((_M, _D_LAT), jnp.float32),
            jax.ShapeDtypeStruct((_M, 1), jnp.float32),
            jax.ShapeDtypeStruct((_M, _D_LAT), jnp.float32),
        ],
    )(*zqls, r3, g3, act, w, b, *lossls)



def kernel(z, W_q, b_q, codebooks, W_post, b_post, use_codebook_num=4):
    z2 = z.astype(jnp.float32).reshape(_M, _D_IN)
    e2s = _e2_all(codebooks)

    acts = [
        (jnp.asarray(h) < use_codebook_num).astype(jnp.int32).reshape(1)
        for h in range(_NUM_CB)
    ]
    r0, idx = _proj_dist0(z2, W_q, b_q.reshape(1, _D_LAT), codebooks[0], e2s[0])
    g = _gather(codebooks[0], idx)
    idx0 = jnp.where(acts[0][0] != 0, idx, jnp.zeros_like(idx))

    zqls, lossls = [], []
    r, gprev = r0, g
    for h in range(1, _NUM_CB):
        zql, lossl, r, idx = _upd_dist(r, gprev, acts[h - 1], codebooks[h], e2s[h])
        gprev = _gather(codebooks[h], idx)
        zqls.append(zql)
        lossls.append(lossl)

    zq, zqout, loss, zql3 = _final(
        zqls, r, gprev, acts[_NUM_CB - 1],
        W_post, b_post.reshape(1, _D_IN), lossls,
    )
    zqls.append(zql3)

    z_q = zq.reshape(_B, _N, _D_IN)
    zq_cat = jnp.stack([a.reshape(_B, _N, _D_LAT) for a in zqls], axis=1)
    z_q_out = zqout.reshape(_B, _N, _D_LAT)
    loss = loss.reshape(_B, _N)
    return (z_q, idx0, loss, zq_cat, z_q_out)

# --- scband reference (transcript-rebuilt; emitter-appended) ---
"""Pipeline reference for scband-residual-codebook-33535104647889 (READ-ONLY COPY).

The authoritative reference and input builder live on the scoring server;
editing this copy changes nothing except your own understanding.
"""

import jax, jax.numpy as jnp
import numpy as np

B, N, D_IN, D_LAT, K, NUM_CB = 16, 576, 768, 256, 8192, 4
BETA = 0.25


def setup_inputs(seed: int = 0):
    key = jax.random.key(seed)
    ks = jax.random.split(key, 6)
    z = jax.random.normal(ks[0], (B, N, D_IN), dtype=jnp.float32)
    W_q = jax.random.normal(ks[1], (D_IN, D_LAT), dtype=jnp.float32) * (1.0 / np.sqrt(D_IN))
    b_q = jnp.zeros((D_LAT,), dtype=jnp.float32)
    codebooks = jax.random.uniform(ks[2], (NUM_CB, K, D_LAT), dtype=jnp.float32, minval=-1.0 / K, maxval=1.0 / K)
    W_post = jax.random.normal(ks[3], (D_LAT, D_IN), dtype=jnp.float32) * (1.0 / np.sqrt(D_LAT))
    b_post = jnp.zeros((D_IN,), dtype=jnp.float32)
    return {"z": z, "W_q": W_q, "b_q": b_q, "codebooks": codebooks, "W_post": W_post, "b_post": b_post, "use_codebook_num": 4}


def _compute_each_codebook(cb, z):
    z_flat = z.reshape(-1, D_LAT)
    emb = jax.lax.stop_gradient(cb)
    d = jnp.sum(z_flat ** 2, axis=1, keepdims=True) + jnp.sum(emb ** 2, axis=1) - 2.0 * (z_flat @ emb.T)
    idx = jnp.argmin(d, axis=1)
    z_q = jnp.take(cb, idx, axis=0).reshape(z.shape)
    encoder_qloss = jnp.mean((jax.lax.stop_gradient(z_q) - z) ** 2, axis=-1)
    code_qloss = jnp.mean((z_q - jax.lax.stop_gradient(z)) ** 2, axis=-1)
    loss = encoder_qloss + code_qloss * BETA
    z_q = z + jax.lax.stop_gradient(z_q - z)
    return z_q, idx, loss


def reference(z, W_q, b_q, codebooks, W_post, b_post, use_codebook_num=4):
    zq_in = z.astype(jnp.float32) @ W_q + b_q
    residual = zq_in
    z_q_out = jnp.zeros_like(zq_in)
    loss = jnp.zeros(zq_in.shape[:2], dtype=jnp.float32)
    idx_list = []
    zq_list = []
    for h in range(NUM_CB):
        active = h < use_codebook_num
        z_q_l, idx_l, loss_l = _compute_each_codebook(codebooks[h], residual)
        z_q_l = jnp.where(active, z_q_l, jnp.zeros_like(z_q_l))
        idx_l = jnp.where(active, idx_l, jnp.zeros_like(idx_l))
        loss_l = jnp.where(active, loss_l, jnp.zeros_like(loss_l))
        z_q_out = z_q_out + z_q_l
        residual = residual - z_q_l
        loss = loss + loss_l
        idx_list.append(idx_l)
        zq_list.append(z_q_l[:, None])
    loss = loss / float(NUM_CB)
    z_q = z_q_out @ W_post + b_post
    zq_cat = jnp.concatenate(zq_list, axis=1)
    return (z_q, idx_list[0], loss, zq_cat, z_q_out)

if __name__ == "__main__":
    import jax
    _d = setup_inputs()
    print(jax.jit(kernel)(*tuple(_d.values())))

</pallas_src>

<mosaic_0001>
#map = affine_map<(d0, d1) -> (0, 0)>
#map1 = affine_map<(d0, d1) -> (0)>
module attributes {stable_mosaic.version = 14 : i64} {
  func.func @_gather_body(%arg0: i32, %arg1: i32, %arg2: memref<8192x256xf32, #tpu.memory_space<hbm>>, %arg3: memref<9216xi32, #tpu.memory_space<hbm>>, %arg4: memref<9216x256xf32, #tpu.memory_space<hbm>>, %arg5: memref<3x96xi32, #tpu.memory_space<vmem>>, %arg6: memref<3x96x256xf32, #tpu.memory_space<vmem>>, %arg7: memref<!tpu.dma_semaphore, #tpu.memory_space<semaphore_mem>>) attributes {dimension_semantics = [#tpu.dimension_semantics<core_parallel>, #tpu.dimension_semantics<subcore_parallel>], iteration_bounds = array<i64: 2, 16>, scalar_prefetch = 0 : i64, scratch_operands = 3 : i64, tpu.core_type = #tpu.core_type<sc_vector_subcore>, window_params = [{transform_indices = #map}, {transform_indices = #map1}, {transform_indices = #map}]} {
    %mul3A = arith.constant 2 : i32
    %mul3A_0 = arith.muli %arg1, %mul3A : i32
    %add3A = arith.addi %mul3A_0, %arg0 : i32
    %mul3A_1 = arith.constant 288 : i32
    %mul3A_2 = arith.muli %add3A, %mul3A_1 : i32
    %add3A_3 = arith.constant 0 : i32
    %add3A_4 = arith.addi %mul3A_2, %add3A_3 : i32
    %run_scoped3A = arith.constant 0 : i32
    "tpu.region"() ({
      %run_scoped3A_90 = tpu.sem_alloc : memref<!tpu.dma_semaphore, #tpu.memory_space<semaphore_mem>>
      %dma_start3A_91 = arith.constant 0 : i32
      %dma_start3A_92 = tpu.memref_slice %arg5[%run_scoped3A, %dma_start3A_91] : memref<3x96xi32, #tpu.memory_space<vmem>> -> memref<1x96xi32, #tpu.memory_space<vmem>>
      %dma_start3A_93 = tpu.memref_squeeze %dma_start3A_92 : memref<1x96xi32, #tpu.memory_space<vmem>> -> memref<96xi32, #tpu.memory_space<vmem>>
      %dma_start3A_94 = tpu.memref_slice %arg3[%add3A_4] : memref<9216xi32, #tpu.memory_space<hbm>> -> memref<96xi32, #tpu.memory_space<hbm>>
      %dma_start3A_95 = arith.constant 0 : i32
      %dma_start3A_96 = tpu.memref_slice %arg5[%run_scoped3A, %dma_start3A_95] : memref<3x96xi32, #tpu.memory_space<vmem>> -> memref<1x96xi32, #tpu.memory_space<vmem>>
      %dma_start3A_97 = tpu.memref_squeeze %dma_start3A_96 : memref<1x96xi32, #tpu.memory_space<vmem>> -> memref<96xi32, #tpu.memory_space<vmem>>
      %dma_start3A_98 = tpu.memref_slice %arg3[%add3A_4] : memref<9216xi32, #tpu.memory_space<hbm>> -> memref<96xi32, #tpu.memory_space<hbm>>
      tpu.enqueue_dma source(%dma_start3A_98 : memref<96xi32, #tpu.memory_space<hbm>>) target(%dma_start3A_97 : memref<96xi32, #tpu.memory_space<vmem>>) target_semaphore(%run_scoped3A_90 : memref<!tpu.dma_semaphore, #tpu.memory_space<semaphore_mem>>)
      %dma_wait3A_99 = arith.constant 0 : i32
      %dma_wait3A_100 = tpu.memref_slice %arg5[%run_scoped3A, %dma_wait3A_99] : memref<3x96xi32, #tpu.memory_space<vmem>> -> memref<1x96xi32, #tpu.memory_space<vmem>>
      %dma_wait3A_101 = tpu.memref_squeeze %dma_wait3A_100 : memref<1x96xi32, #tpu.memory_space<vmem>> -> memref<96xi32, #tpu.memory_space<vmem>>
      %dma_wait3A_102 = tpu.memref_slice %arg3[%add3A_4] : memref<9216xi32, #tpu.memory_space<hbm>> -> memref<96xi32, #tpu.memory_space<hbm>>
      %dma_wait3A_103 = arith.constant 0 : i32
      %dma_wait3A_104 = tpu.memref_slice %arg5[%run_scoped3A, %dma_wait3A_103] : memref<3x96xi32, #tpu.memory_space<vmem>> -> memref<1x96xi32, #tpu.memory_space<vmem>>
      %dma_wait3A_105 = tpu.memref_squeeze %dma_wait3A_104 : memref<1x96xi32, #tpu.memory_space<vmem>> -> memref<96xi32, #tpu.memory_space<vmem>>
      %dma_wait3A_106 = tpu.memref_slice %arg3[%add3A_4] : memref<9216xi32, #tpu.memory_space<hbm>> -> memref<96xi32, #tpu.memory_space<hbm>>
      tpu.wait_dma2 semaphore(%run_scoped3A_90 : memref<!tpu.dma_semaphore, #tpu.memory_space<semaphore_mem>>) src(%dma_wait3A_106 : memref<96xi32, #tpu.memory_space<hbm>>) dst(%dma_wait3A_105 : memref<96xi32, #tpu.memory_space<vmem>>)
      tpu.yield
    }) : () -> ()
    %add3A_5 = arith.constant 96 : i32
    %add3A_6 = arith.addi %mul3A_2, %add3A_5 : i32
    %run_scoped3A_7 = arith.constant 1 : i32
    "tpu.region"() ({
      %run_scoped3A_90 = tpu.sem_alloc : memref<!tpu.dma_semaphore, #tpu.memory_space<semaphore_mem>>
      %dma_start3A_91 = arith.constant 0 : i32
      %dma_start3A_92 = tpu.memref_slice %arg5[%run_scoped3A_7, %dma_start3A_91] : memref<3x96xi32, #tpu.memory_space<vmem>> -> memref<1x96xi32, #tpu.memory_space<vmem>>
      %dma_start3A_93 = tpu.memref_squeeze %dma_start3A_92 : memref<1x96xi32, #tpu.memory_space<vmem>> -> memref<96xi32, #tpu.memory_space<vmem>>
      %dma_start3A_94 = tpu.memref_slice %arg3[%add3A_6] : memref<9216xi32, #tpu.memory_space<hbm>> -> memref<96xi32, #tpu.memory_space<hbm>>
      %dma_start3A_95 = arith.constant 0 : i32
      %dma_start3A_96 = tpu.memref_slice %arg5[%run_scoped3A_7, %dma_start3A_95] : memref<3x96xi32, #tpu.memory_space<vmem>> -> memref<1x96xi32, #tpu.memory_space<vmem>>
      %dma_start3A_97 = tpu.memref_squeeze %dma_start3A_96 : memref<1x96xi32, #tpu.memory_space<vmem>> -> memref<96xi32, #tpu.memory_space<vmem>>
      %dma_start3A_98 = tpu.memref_slice %arg3[%add3A_6] : memref<9216xi32, #tpu.memory_space<hbm>> -> memref<96xi32, #tpu.memory_space<hbm>>
      tpu.enqueue_dma source(%dma_start3A_98 : memref<96xi32, #tpu.memory_space<hbm>>) target(%dma_start3A_97 : memref<96xi32, #tpu.memory_space<vmem>>) target_semaphore(%run_scoped3A_90 : memref<!tpu.dma_semaphore, #tpu.memory_space<semaphore_mem>>)
      %dma_wait3A_99 = arith.constant 0 : i32
      %dma_wait3A_100 = tpu.memref_slice %arg5[%run_scoped3A_7, %dma_wait3A_99] : memref<3x96xi32, #tpu.memory_space<vmem>> -> memref<1x96xi32, #tpu.memory_space<vmem>>
      %dma_wait3A_101 = tpu.memref_squeeze %dma_wait3A_100 : memref<1x96xi32, #tpu.memory_space<vmem>> -> memref<96xi32, #tpu.memory_space<vmem>>
      %dma_wait3A_102 = tpu.memref_slice %arg3[%add3A_6] : memref<9216xi32, #tpu.memory_space<hbm>> -> memref<96xi32, #tpu.memory_space<hbm>>
      %dma_wait3A_103 = arith.constant 0 : i32
      %dma_wait3A_104 = tpu.memref_slice %arg5[%run_scoped3A_7, %dma_wait3A_103] : memref<3x96xi32, #tpu.memory_space<vmem>> -> memref<1x96xi32, #tpu.memory_space<vmem>>
      %dma_wait3A_105 = tpu.memref_squeeze %dma_wait3A_104 : memref<1x96xi32, #tpu.memory_space<vmem>> -> memref<96xi32, #tpu.memory_space<vmem>>
      %dma_wait3A_106 = tpu.memref_slice %arg3[%add3A_6] : memref<9216xi32, #tpu.memory_space<hbm>> -> memref<96xi32, #tpu.memory_space<hbm>>
      tpu.wait_dma2 semaphore(%run_scoped3A_90 : memref<!tpu.dma_semaphore, #tpu.memory_space<semaphore_mem>>) src(%dma_wait3A_106 : memref<96xi32, #tpu.memory_space<hbm>>) dst(%dma_wait3A_105 : memref<96xi32, #tpu.memory_space<vmem>>)
      tpu.yield
    }) : () -> ()
    %add3A_8 = arith.constant 192 : i32
    %add3A_9 = arith.addi %mul3A_2, %add3A_8 : i32
    %run_scoped3A_10 = arith.constant 2 : i32
    "tpu.region"() ({
      %run_scoped3A_90 = tpu.sem_alloc : memref<!tpu.dma_semaphore, #tpu.memory_space<semaphore_mem>>
      %dma_start3A_91 = arith.constant 0 : i32
      %dma_start3A_92 = tpu.memref_slice %arg5[%run_scoped3A_10, %dma_start3A_91] : memref<3x96xi32, #tpu.memory_space<vmem>> -> memref<1x96xi32, #tpu.memory_space<vmem>>
      %dma_start3A_93 = tpu.memref_squeeze %dma_start3A_92 : memref<1x96xi32, #tpu.memory_space<vmem>> -> memref<96xi32, #tpu.memory_space<vmem>>
      %dma_start3A_94 = tpu.memref_slice %arg3[%add3A_9] : memref<9216xi32, #tpu.memory_space<hbm>> -> memref<96xi32, #tpu.memory_space<hbm>>
      %dma_start3A_95 = arith.constant 0 : i32
      %dma_start3A_96 = tpu.memref_slice %arg5[%run_scoped3A_10, %dma_start3A_95] : memref<3x96xi32, #tpu.memory_space<vmem>> -> memref<1x96xi32, #tpu.memory_space<vmem>>
      %dma_start3A_97 = tpu.memref_squeeze %dma_start3A_96 : memref<1x96xi32, #tpu.memory_space<vmem>> -> memref<96xi32, #tpu.memory_space<vmem>>
      %dma_start3A_98 = tpu.memref_slice %arg3[%add3A_9] : memref<9216xi32, #tpu.memory_space<hbm>> -> memref<96xi32, #tpu.memory_space<hbm>>
      tpu.enqueue_dma source(%dma_start3A_98 : memref<96xi32, #tpu.memory_space<hbm>>) target(%dma_start3A_97 : memref<96xi32, #tpu.memory_space<vmem>>) target_semaphore(%run_scoped3A_90 : memref<!tpu.dma_semaphore, #tpu.memory_space<semaphore_mem>>)
      %dma_wait3A_99 = arith.constant 0 : i32
      %dma_wait3A_100 = tpu.memref_slice %arg5[%run_scoped3A_10, %dma_wait3A_99] : memref<3x96xi32, #tpu.memory_space<vmem>> -> memref<1x96xi32, #tpu.memory_space<vmem>>
      %dma_wait3A_101 = tpu.memref_squeeze %dma_wait3A_100 : memref<1x96xi32, #tpu.memory_space<vmem>> -> memref<96xi32, #tpu.memory_space<vmem>>
      %dma_wait3A_102 = tpu.memref_slice %arg3[%add3A_9] : memref<9216xi32, #tpu.memory_space<hbm>> -> memref<96xi32, #tpu.memory_space<hbm>>
      %dma_wait3A_103 = arith.constant 0 : i32
      %dma_wait3A_104 = tpu.memref_slice %arg5[%run_scoped3A_10, %dma_wait3A_103] : memref<3x96xi32, #tpu.memory_space<vmem>> -> memref<1x96xi32, #tpu.memory_space<vmem>>
      %dma_wait3A_105 = tpu.memref_squeeze %dma_wait3A_104 : memref<1x96xi32, #tpu.memory_space<vmem>> -> memref<96xi32, #tpu.memory_space<vmem>>
      %dma_wait3A_106 = tpu.memref_slice %arg3[%add3A_9] : memref<9216xi32, #tpu.memory_space<hbm>> -> memref<96xi32, #tpu.memory_space<hbm>>
      tpu.wait_dma2 semaphore(%run_scoped3A_90 : memref<!tpu.dma_semaphore, #tpu.memory_space<semaphore_mem>>) src(%dma_wait3A_106 : memref<96xi32, #tpu.memory_space<hbm>>) dst(%dma_wait3A_105 : memref<96xi32, #tpu.memory_space<vmem>>)
      tpu.yield
    }) : () -> ()
    %dma_start3A = arith.constant 0 : i32
    %dma_start3A_11 = arith.constant 0 : i32
    %dma_start3A_12 = arith.constant 0 : i32
    %dma_start3A_13 = arith.constant 0 : i32
    %dma_start3A_14 = tpu.memref_slice %arg6[%dma_start3A_11, %dma_start3A_12, %dma_start3A_13] : memref<3x96x256xf32, #tpu.memory_space<vmem>> -> memref<1x96x256xf32, #tpu.memory_space<vmem>>
    %dma_start3A_15 = tpu.memref_squeeze %dma_start3A_14 : memref<1x96x256xf32, #tpu.memory_space<vmem>> -> memref<96x256xf32, #tpu.memory_space<vmem>>
    %dma_start3A_16 = arith.constant 0 : i32
    %dma_start3A_17 = tpu.memref_slice %arg5[%dma_start3A, %dma_start3A_16] : memref<3x96xi32, #tpu.memory_space<vmem>> -> memref<1x96xi32, #tpu.memory_space<vmem>>
    %dma_start3A_18 = tpu.memref_squeeze %dma_start3A_17 : memref<1x96xi32, #tpu.memory_space<vmem>> -> memref<96xi32, #tpu.memory_space<vmem>>
    %dma_start3A_19 = arith.constant 0 : i32
    %dma_start3A_20 = arith.constant 0 : i32
    %dma_start3A_21 = tpu.memref_slice %arg2[%dma_start3A_19, %dma_start3A_20] : memref<8192x256xf32, #tpu.memory_space<hbm>> -> memref<8192x256xf32, #tpu.memory_space<hbm>>
    tpu.enqueue_indirect_dma source(%dma_start3A_21 : memref<8192x256xf32, #tpu.memory_space<hbm>>) target(%dma_start3A_15 : memref<96x256xf32, #tpu.memory_space<vmem>>) offsets(%dma_start3A_18 : memref<96xi32, #tpu.memory_space<vmem>>) semaphore(%arg7 : memref<!tpu.dma_semaphore, #tpu.memory_space<semaphore_mem>>)
    %dma_start3A_22 = arith.constant 1 : i32
    %dma_start3A_23 = arith.constant 1 : i32
    %dma_start3A_24 = arith.constant 0 : i32
    %dma_start3A_25 = arith.constant 0 : i32
    %dma_start3A_26 = tpu.memref_slice %arg6[%dma_start3A_23, %dma_start3A_24, %dma_start3A_25] : memref<3x96x256xf32, #tpu.memory_space<vmem>> -> memref<1x96x256xf32, #tpu.memory_space<vmem>>
    %dma_start3A_27 = tpu.memref_squeeze %dma_start3A_26 : memref<1x96x256xf32, #tpu.memory_space<vmem>> -> memref<96x256xf32, #tpu.memory_space<vmem>>
    %dma_start3A_28 = arith.constant 0 : i32
    %dma_start3A_29 = tpu.memref_slice %arg5[%dma_start3A_22, %dma_start3A_28] : memref<3x96xi32, #tpu.memory_space<vmem>> -> memref<1x96xi32, #tpu.memory_space<vmem>>
    %dma_start3A_30 = tpu.memref_squeeze %dma_start3A_29 : memref<1x96xi32, #tpu.memory_space<vmem>> -> memref<96xi32, #tpu.memory_space<vmem>>
    %dma_start3A_31 = arith.constant 0 : i32
    %dma_start3A_32 = arith.constant 0 : i32
    %dma_start3A_33 = tpu.memref_slice %arg2[%dma_start3A_31, %dma_start3A_32] : memref<8192x256xf32, #tpu.memory_space<hbm>> -> memref<8192x256xf32, #tpu.memory_space<hbm>>
    tpu.enqueue_indirect_dma source(%dma_start3A_33 : memref<8192x256xf32, #tpu.memory_space<hbm>>) target(%dma_start3A_27 : memref<96x256xf32, #tpu.memory_space<vmem>>) offsets(%dma_start3A_30 : memref<96xi32, #tpu.memory_space<vmem>>) semaphore(%arg7 : memref<!tpu.dma_semaphore, #tpu.memory_space<semaphore_mem>>)
    %dma_start3A_34 = arith.constant 2 : i32
    %dma_start3A_35 = arith.constant 2 : i32
    %dma_start3A_36 = arith.constant 0 : i32
    %dma_start3A_37 = arith.constant 0 : i32
    %dma_start3A_38 = tpu.memref_slice %arg6[%dma_start3A_35, %dma_start3A_36, %dma_start3A_37] : memref<3x96x256xf32, #tpu.memory_space<vmem>> -> memref<1x96x256xf32, #tpu.memory_space<vmem>>
    %dma_start3A_39 = tpu.memref_squeeze %dma_start3A_38 : memref<1x96x256xf32, #tpu.memory_space<vmem>> -> memref<96x256xf32, #tpu.memory_space<vmem>>
    %dma_start3A_40 = arith.constant 0 : i32
    %dma_start3A_41 = tpu.memref_slice %arg5[%dma_start3A_34, %dma_start3A_40] : memref<3x96xi32, #tpu.memory_space<vmem>> -> memref<1x96xi32, #tpu.memory_space<vmem>>
    %dma_start3A_42 = tpu.memref_squeeze %dma_start3A_41 : memref<1x96xi32, #tpu.memory_space<vmem>> -> memref<96xi32, #tpu.memory_space<vmem>>
    %dma_start3A_43 = arith.constant 0 : i32
    %dma_start3A_44 = arith.constant 0 : i32
    %dma_start3A_45 = tpu.memref_slice %arg2[%dma_start3A_43, %dma_start3A_44] : memref<8192x256xf32, #tpu.memory_space<hbm>> -> memref<8192x256xf32, #tpu.memory_space<hbm>>
    tpu.enqueue_indirect_dma source(%dma_start3A_45 : memref<8192x256xf32, #tpu.memory_space<hbm>>) target(%dma_start3A_39 : memref<96x256xf32, #tpu.memory_space<vmem>>) offsets(%dma_start3A_42 : memref<96xi32, #tpu.memory_space<vmem>>) semaphore(%arg7 : memref<!tpu.dma_semaphore, #tpu.memory_space<semaphore_mem>>)
    %dma_wait3A = arith.constant 0 : i32
    %dma_wait3A_46 = arith.constant 0 : i32
    %dma_wait3A_47 = arith.constant 0 : i32
    %dma_wait3A_48 = arith.constant 0 : i32
    %dma_wait3A_49 = tpu.memref_slice %arg6[%dma_wait3A_46, %dma_wait3A_47, %dma_wait3A_48] : memref<3x96x256xf32, #tpu.memory_space<vmem>> -> memref<1x96x256xf32, #tpu.memory_space<vmem>>
    %dma_wait3A_50 = tpu.memref_squeeze %dma_wait3A_49 : memref<1x96x256xf32, #tpu.memory_space<vmem>> -> memref<96x256xf32, #tpu.memory_space<vmem>>
    %dma_wait3A_51 = arith.constant 0 : i32
    %dma_wait3A_52 = tpu.memref_slice %arg5[%dma_wait3A, %dma_wait3A_51] : memref<3x96xi32, #tpu.memory_space<vmem>> -> memref<1x96xi32, #tpu.memory_space<vmem>>
    %dma_wait3A_53 = tpu.memref_squeeze %dma_wait3A_52 : memref<1x96xi32, #tpu.memory_space<vmem>> -> memref<96xi32, #tpu.memory_space<vmem>>
    %dma_wait3A_54 = arith.constant 0 : i32
    %dma_wait3A_55 = arith.constant 0 : i32
    %dma_wait3A_56 = tpu.memref_slice %arg2[%dma_wait3A_54, %dma_wait3A_55] : memref<8192x256xf32, #tpu.memory_space<hbm>> -> memref<8192x256xf32, #tpu.memory_space<hbm>>
    tpu.wait_indirect_dma semaphore(%arg7 : memref<!tpu.dma_semaphore, #tpu.memory_space<semaphore_mem>>) src(%dma_wait3A_56 : memref<8192x256xf32, #tpu.memory_space<hbm>>) dst(%dma_wait3A_50 : memref<96x256xf32, #tpu.memory_space<vmem>>)
    %dma_wait3A_57 = arith.constant 1 : i32
    %dma_wait3A_58 = arith.constant 1 : i32
    %dma_wait3A_59 = arith.constant 0 : i32
    %dma_wait3A_60 = arith.constant 0 : i32
    %dma_wait3A_61 = tpu.memref_slice %arg6[%dma_wait3A_58, %dma_wait3A_59, %dma_wait3A_60] : memref<3x96x256xf32, #tpu.memory_space<vmem>> -> memref<1x96x256xf32, #tpu.memory_space<vmem>>
    %dma_wait3A_62 = tpu.memref_squeeze %dma_wait3A_61 : memref<1x96x256xf32, #tpu.memory_space<vmem>> -> memref<96x256xf32, #tpu.memory_space<vmem>>
    %dma_wait3A_63 = arith.constant 0 : i32
    %dma_wait3A_64 = tpu.memref_slice %arg5[%dma_wait3A_57, %dma_wait3A_63] : memref<3x96xi32, #tpu.memory_space<vmem>> -> memref<1x96xi32, #tpu.memory_space<vmem>>
    %dma_wait3A_65 = tpu.memref_squeeze %dma_wait3A_64 : memref<1x96xi32, #tpu.memory_space<vmem>> -> memref<96xi32, #tpu.memory_space<vmem>>
    %dma_wait3A_66 = arith.constant 0 : i32
    %dma_wait3A_67 = arith.constant 0 : i32
    %dma_wait3A_68 = tpu.memref_slice %arg2[%dma_wait3A_66, %dma_wait3A_67] : memref<8192x256xf32, #tpu.memory_space<hbm>> -> memref<8192x256xf32, #tpu.memory_space<hbm>>
    tpu.wait_indirect_dma semaphore(%arg7 : memref<!tpu.dma_semaphore, #tpu.memory_space<semaphore_mem>>) src(%dma_wait3A_68 : memref<8192x256xf32, #tpu.memory_space<hbm>>) dst(%dma_wait3A_62 : memref<96x256xf32, #tpu.memory_space<vmem>>)
    %dma_wait3A_69 = arith.constant 2 : i32
    %dma_wait3A_70 = arith.constant 2 : i32
    %dma_wait3A_71 = arith.constant 0 : i32
    %dma_wait3A_72 = arith.constant 0 : i32
    %dma_wait3A_73 = tpu.memref_slice %arg6[%dma_wait3A_70, %dma_wait3A_71, %dma_wait3A_72] : memref<3x96x256xf32, #tpu.memory_space<vmem>> -> memref<1x96x256xf32, #tpu.memory_space<vmem>>
    %dma_wait3A_74 = tpu.memref_squeeze %dma_wait3A_73 : memref<1x96x256xf32, #tpu.memory_space<vmem>> -> memref<96x256xf32, #tpu.memory_space<vmem>>
    %dma_wait3A_75 = arith.constant 0 : i32
    %dma_wait3A_76 = tpu.memref_slice %arg5[%dma_wait3A_69, %dma_wait3A_75] : memref<3x96xi32, #tpu.memory_space<vmem>> -> memref<1x96xi32, #tpu.memory_space<vmem>>
    %dma_wait3A_77 = tpu.memref_squeeze %dma_wait3A_76 : memref<1x96xi32, #tpu.memory_space<vmem>> -> memref<96xi32, #tpu.memory_space<vmem>>
    %dma_wait3A_78 = arith.constant 0 : i32
    %dma_wait3A_79 = arith.constant 0 : i32
    %dma_wait3A_80 = tpu.memref_slice %arg2[%dma_wait3A_78, %dma_wait3A_79] : memref<8192x256xf32, #tpu.memory_space<hbm>> -> memref<8192x256xf32, #tpu.memory_space<hbm>>
    tpu.wait_indirect_dma semaphore(%arg7 : memref<!tpu.dma_semaphore, #tpu.memory_space<semaphore_mem>>) src(%dma_wait3A_80 : memref<8192x256xf32, #tpu.memory_space<hbm>>) dst(%dma_wait3A_74 : memref<96x256xf32, #tpu.memory_space<vmem>>)
    %add3A_81 = arith.constant 0 : i32
    %add3A_82 = arith.addi %mul3A_2, %add3A_81 : i32
    %run_scoped3A_83 = arith.constant 0 : i32
    "tpu.region"() ({
      %run_scoped3A_90 = tpu.sem_alloc : memref<!tpu.dma_semaphore, #tpu.memory_space<semaphore_mem>>
      %dma_start3A_91 = arith.constant 0 : i32
      %dma_start3A_92 = arith.constant 0 : i32
      %dma_start3A_93 = tpu.memref_slice %arg6[%run_scoped3A_83, %dma_start3A_91, %dma_start3A_92] : memref<3x96x256xf32, #tpu.memory_space<vmem>> -> memref<1x96x256xf32, #tpu.memory_space<vmem>>
      %dma_start3A_94 = tpu.memref_squeeze %dma_start3A_93 : memref<1x96x256xf32, #tpu.memory_space<vmem>> -> memref<96x256xf32, #tpu.memory_space<vmem>>
      %dma_start3A_95 = arith.constant 0 : i32
      %dma_start3A_96 = tpu.memref_slice %arg4[%add3A_82, %dma_start3A_95] : memref<9216x256xf32, #tpu.memory_space<hbm>> -> memref<96x256xf32, #tpu.memory_space<hbm>>
      %dma_start3A_97 = arith.constant 0 : i32
      %dma_start3A_98 = tpu.memref_slice %arg4[%add3A_82, %dma_start3A_97] : memref<9216x256xf32, #tpu.memory_space<hbm>> -> memref<96x256xf32, #tpu.memory_space<hbm>>
      %dma_start3A_99 = arith.constant 0 : i32
      %dma_start3A_100 = arith.constant 0 : i32
      %dma_start3A_101 = tpu.memref_slice %arg6[%run_scoped3A_83, %dma_start3A_99, %dma_start3A_100] : memref<3x96x256xf32, #tpu.memory_space<vmem>> -> memref<1x96x256xf32, #tpu.memory_space<vmem>>
      %dma_start3A_102 = tpu.memref_squeeze %dma_start3A_101 : memref<1x96x256xf32, #tpu.memory_space<vmem>> -> memref<96x256xf32, #tpu.memory_space<vmem>>
      tpu.enqueue_dma source(%dma_start3A_102 : memref<96x256xf32, #tpu.memory_space<vmem>>) target(%dma_start3A_98 : memref<96x256xf32, #tpu.memory_space<hbm>>) target_semaphore(%run_scoped3A_90 : memref<!tpu.dma_semaphore, #tpu.memory_space<semaphore_mem>>)
      %dma_wait3A_103 = arith.constant 0 : i32
      %dma_wait3A_104 = arith.constant 0 : i32
      %dma_wait3A_105 = tpu.memref_slice %arg6[%run_scoped3A_83, %dma_wait3A_103, %dma_wait3A_104] : memref<3x96x256xf32, #tpu.memory_space<vmem>> -> memref<1x96x256xf32, #tpu.memory_space<vmem>>
      %dma_wait3A_106 = tpu.memref_squeeze %dma_wait3A_105 : memref<1x96x256xf32, #tpu.memory_space<vmem>> -> memref<96x256xf32, #tpu.memory_space<vmem>>
      %dma_wait3A_107 = arith.constant 0 : i32
      %dma_wait3A_108 = tpu.memref_slice %arg4[%add3A_82, %dma_wait3A_107] : memref<9216x256xf32, #tpu.memory_space<hbm>> -> memref<96x256xf32, #tpu.memory_space<hbm>>
      %dma_wait3A_109 = arith.constant 0 : i32
      %dma_wait3A_110 = tpu.memref_slice %arg4[%add3A_82, %dma_wait3A_109] : memref<9216x256xf32, #tpu.memory_space<hbm>> -> memref<96x256xf32, #tpu.memory_space<hbm>>
      %dma_wait3A_111 = arith.constant 0 : i32
      %dma_wait3A_112 = arith.constant 0 : i32
      %dma_wait3A_113 = tpu.memref_slice %arg6[%run_scoped3A_83, %dma_wait3A_111, %dma_wait3A_112] : memref<3x96x256xf32, #tpu.memory_space<vmem>> -> memref<1x96x256xf32, #tpu.memory_space<vmem>>
      %dma_wait3A_114 = tpu.memref_squeeze %dma_wait3A_113 : memref<1x96x256xf32, #tpu.memory_space<vmem>> -> memref<96x256xf32, #tpu.memory_space<vmem>>
      tpu.wait_dma2 semaphore(%run_scoped3A_90 : memref<!tpu.dma_semaphore, #tpu.memory_space<semaphore_mem>>) src(%dma_wait3A_114 : memref<96x256xf32, #tpu.memory_space<vmem>>) dst(%dma_wait3A_110 : memref<96x256xf32, #tpu.memory_space<hbm>>)
      tpu.yield
    }) : () -> ()
    %add3A_84 = arith.constant 96 : i32
    %add3A_85 = arith.addi %mul3A_2, %add3A_84 : i32
    %run_scoped3A_86 = arith.constant 1 : i32
    "tpu.region"() ({
      %run_scoped3A_90 = tpu.sem_alloc : memref<!tpu.dma_semaphore, #tpu.memory_space<semaphore_mem>>
      %dma_start3A_91 = arith.constant 0 : i32
      %dma_start3A_92 = arith.constant 0 : i32
      %dma_start3A_93 = tpu.memref_slice %arg6[%run_scoped3A_86, %dma_start3A_91, %dma_start3A_92] : memref<3x96x256xf32, #tpu.memory_space<vmem>> -> memref<1x96x256xf32, #tpu.memory_space<vmem>>
      %dma_start3A_94 = tpu.memref_squeeze %dma_start3A_93 : memref<1x96x256xf32, #tpu.memory_space<vmem>> -> memref<96x256xf32, #tpu.memory_space<vmem>>
      %dma_start3A_95 = arith.constant 0 : i32
      %dma_start3A_96 = tpu.memref_slice %arg4[%add3A_85, %dma_start3A_95] : memref<9216x256xf32, #tpu.memory_space<hbm>> -> memref<96x256xf32, #tpu.memory_space<hbm>>
      %dma_start3A_97 = arith.constant 0 : i32
      %dma_start3A_98 = tpu.memref_slice %arg4[%add3A_85, %dma_start3A_97] : memref<9216x256xf32, #tpu.memory_space<hbm>> -> memref<96x256xf32, #tpu.memory_space<hbm>>
      %dma_start3A_99 = arith.constant 0 : i32
      %dma_start3A_100 = arith.constant 0 : i32
      %dma_start3A_101 = tpu.memref_slice %arg6[%run_scoped3A_86, %dma_start3A_99, %dma_start3A_100] : memref<3x96x256xf32, #tpu.memory_space<vmem>> -> memref<1x96x256xf32, #tpu.memory_space<vmem>>
      %dma_start3A_102 = tpu.memref_squeeze %dma_start3A_101 : memref<1x96x256xf32, #tpu.memory_space<vmem>> -> memref<96x256xf32, #tpu.memory_space<vmem>>
      tpu.enqueue_dma source(%dma_start3A_102 : memref<96x256xf32, #tpu.memory_space<vmem>>) target(%dma_start3A_98 : memref<96x256xf32, #tpu.memory_space<hbm>>) target_semaphore(%run_scoped3A_90 : memref<!tpu.dma_semaphore, #tpu.memory_space<semaphore_mem>>)
      %dma_wait3A_103 = arith.constant 0 : i32
      %dma_wait3A_104 = arith.constant 0 : i32
      %dma_wait3A_105 = tpu.memref_slice %arg6[%run_scoped3A_86, %dma_wait3A_103, %dma_wait3A_104] : memref<3x96x256xf32, #tpu.memory_space<vmem>> -> memref<1x96x256xf32, #tpu.memory_space<vmem>>
      %dma_wait3A_106 = tpu.memref_squeeze %dma_wait3A_105 : memref<1x96x256xf32, #tpu.memory_space<vmem>> -> memref<96x256xf32, #tpu.memory_space<vmem>>
      %dma_wait3A_107 = arith.constant 0 : i32
      %dma_wait3A_108 = tpu.memref_slice %arg4[%add3A_85, %dma_wait3A_107] : memref<9216x256xf32, #tpu.memory_space<hbm>> -> memref<96x256xf32, #tpu.memory_space<hbm>>
      %dma_wait3A_109 = arith.constant 0 : i32
      %dma_wait3A_110 = tpu.memref_slice %arg4[%add3A_85, %dma_wait3A_109] : memref<9216x256xf32, #tpu.memory_space<hbm>> -> memref<96x256xf32, #tpu.memory_space<hbm>>
      %dma_wait3A_111 = arith.constant 0 : i32
      %dma_wait3A_112 = arith.constant 0 : i32
      %dma_wait3A_113 = tpu.memref_slice %arg6[%run_scoped3A_86, %dma_wait3A_111, %dma_wait3A_112] : memref<3x96x256xf32, #tpu.memory_space<vmem>> -> memref<1x96x256xf32, #tpu.memory_space<vmem>>
      %dma_wait3A_114 = tpu.memref_squeeze %dma_wait3A_113 : memref<1x96x256xf32, #tpu.memory_space<vmem>> -> memref<96x256xf32, #tpu.memory_space<vmem>>
      tpu.wait_dma2 semaphore(%run_scoped3A_90 : memref<!tpu.dma_semaphore, #tpu.memory_space<semaphore_mem>>) src(%dma_wait3A_114 : memref<96x256xf32, #tpu.memory_space<vmem>>) dst(%dma_wait3A_110 : memref<96x256xf32, #tpu.memory_space<hbm>>)
      tpu.yield
    }) : () -> ()
    %add3A_87 = arith.constant 192 : i32
    %add3A_88 = arith.addi %mul3A_2, %add3A_87 : i32
    %run_scoped3A_89 = arith.constant 2 : i32
    "tpu.region"() ({
      %run_scoped3A_90 = tpu.sem_alloc : memref<!tpu.dma_semaphore, #tpu.memory_space<semaphore_mem>>
      %dma_start3A_91 = arith.constant 0 : i32
      %dma_start3A_92 = arith.constant 0 : i32
      %dma_start3A_93 = tpu.memref_slice %arg6[%run_scoped3A_89, %dma_start3A_91, %dma_start3A_92] : memref<3x96x256xf32, #tpu.memory_space<vmem>> -> memref<1x96x256xf32, #tpu.memory_space<vmem>>
      %dma_start3A_94 = tpu.memref_squeeze %dma_start3A_93 : memref<1x96x256xf32, #tpu.memory_space<vmem>> -> memref<96x256xf32, #tpu.memory_space<vmem>>
      %dma_start3A_95 = arith.constant 0 : i32
      %dma_start3A_96 = tpu.memref_slice %arg4[%add3A_88, %dma_start3A_95] : memref<9216x256xf32, #tpu.memory_space<hbm>> -> memref<96x256xf32, #tpu.memory_space<hbm>>
      %dma_start3A_97 = arith.constant 0 : i32
      %dma_start3A_98 = tpu.memref_slice %arg4[%add3A_88, %dma_start3A_97] : memref<9216x256xf32, #tpu.memory_space<hbm>> -> memref<96x256xf32, #tpu.memory_space<hbm>>
      %dma_start3A_99 = arith.constant 0 : i32
      %dma_start3A_100 = arith.constant 0 : i32
      %dma_start3A_101 = tpu.memref_slice %arg6[%run_scoped3A_89, %dma_start3A_99, %dma_start3A_100] : memref<3x96x256xf32, #tpu.memory_space<vmem>> -> memref<1x96x256xf32, #tpu.memory_space<vmem>>
      %dma_start3A_102 = tpu.memref_squeeze %dma_start3A_101 : memref<1x96x256xf32, #tpu.memory_space<vmem>> -> memref<96x256xf32, #tpu.memory_space<vmem>>
      tpu.enqueue_dma source(%dma_start3A_102 : memref<96x256xf32, #tpu.memory_space<vmem>>) target(%dma_start3A_98 : memref<96x256xf32, #tpu.memory_space<hbm>>) target_semaphore(%run_scoped3A_90 : memref<!tpu.dma_semaphore, #tpu.memory_space<semaphore_mem>>)
      %dma_wait3A_103 = arith.constant 0 : i32
      %dma_wait3A_104 = arith.constant 0 : i32
      %dma_wait3A_105 = tpu.memref_slice %arg6[%run_scoped3A_89, %dma_wait3A_103, %dma_wait3A_104] : memref<3x96x256xf32, #tpu.memory_space<vmem>> -> memref<1x96x256xf32, #tpu.memory_space<vmem>>
      %dma_wait3A_106 = tpu.memref_squeeze %dma_wait3A_105 : memref<1x96x256xf32, #tpu.memory_space<vmem>> -> memref<96x256xf32, #tpu.memory_space<vmem>>
      %dma_wait3A_107 = arith.constant 0 : i32
      %dma_wait3A_108 = tpu.memref_slice %arg4[%add3A_88, %dma_wait3A_107] : memref<9216x256xf32, #tpu.memory_space<hbm>> -> memref<96x256xf32, #tpu.memory_space<hbm>>
      %dma_wait3A_109 = arith.constant 0 : i32
      %dma_wait3A_110 = tpu.memref_slice %arg4[%add3A_88, %dma_wait3A_109] : memref<9216x256xf32, #tpu.memory_space<hbm>> -> memref<96x256xf32, #tpu.memory_space<hbm>>
      %dma_wait3A_111 = arith.constant 0 : i32
      %dma_wait3A_112 = arith.constant 0 : i32
      %dma_wait3A_113 = tpu.memref_slice %arg6[%run_scoped3A_89, %dma_wait3A_111, %dma_wait3A_112] : memref<3x96x256xf32, #tpu.memory_space<vmem>> -> memref<1x96x256xf32, #tpu.memory_space<vmem>>
      %dma_wait3A_114 = tpu.memref_squeeze %dma_wait3A_113 : memref<1x96x256xf32, #tpu.memory_space<vmem>> -> memref<96x256xf32, #tpu.memory_space<vmem>>
      tpu.wait_dma2 semaphore(%run_scoped3A_90 : memref<!tpu.dma_semaphore, #tpu.memory_space<semaphore_mem>>) src(%dma_wait3A_114 : memref<96x256xf32, #tpu.memory_space<vmem>>) dst(%dma_wait3A_110 : memref<96x256xf32, #tpu.memory_space<hbm>>)
      tpu.yield
    }) : () -> ()
    return
  }
}

#map = affine_map<(d0, d1) -> (0, 0)>
#map1 = affine_map<(d0, d1) -> (0)>
module attributes {stable_mosaic.version = 14 : i64} {
  func.func @_gather_body(%arg0: i32, %arg1: i32, %arg2: memref<8192x256xf32, #tpu.memory_space<hbm>>, %arg3: memref<9216xi32, #tpu.memory_space<hbm>>, %arg4: memref<9216x256xf32, #tpu.memory_space<hbm>>, %arg5: memref<3x96xi32, #tpu.memory_space<vmem>>, %arg6: memref<3x96x256xf32, #tpu.memory_space<vmem>>, %arg7: memref<!tpu.dma_semaphore, #tpu.memory_space<semaphore_mem>>) attributes {dimension_semantics = [#tpu.dimension_semantics<core_parallel>, #tpu.dimension_semantics<subcore_parallel>], iteration_bounds = array<i64: 2, 16>, scalar_prefetch = 0 : i64, scratch_operands = 3 : i64, tpu.core_type = #tpu.core_type<sc_vector_subcore>, window_params = [{transform_indices = #map}, {transform_indices = #map1}, {transform_indices = #map}]} {
    %mul3A = arith.constant 2 : i32
    %mul3A_0 = arith.muli %arg1, %mul3A : i32
    %add3A = arith.addi %mul3A_0, %arg0 : i32
    %mul3A_1 = arith.constant 288 : i32
    %mul3A_2 = arith.muli %add3A, %mul3A_1 : i32
    %add3A_3 = arith.constant 0 : i32
    %add3A_4 = arith.addi %mul3A_2, %add3A_3 : i32
    %run_scoped3A = arith.constant 0 : i32
    "tpu.region"() ({
      %run_scoped3A_90 = tpu.sem_alloc : memref<!tpu.dma_semaphore, #tpu.memory_space<semaphore_mem>>
      %dma_start3A_91 = arith.constant 0 : i32
      %dma_start3A_92 = tpu.memref_slice %arg5[%run_scoped3A, %dma_start3A_91] : memref<3x96xi32, #tpu.memory_space<vmem>> -> memref<1x96xi32, #tpu.memory_space<vmem>>
      %dma_start3A_93 = tpu.memref_squeeze %dma_start3A_92 : memref<1x96xi32, #tpu.memory_space<vmem>> -> memref<96xi32, #tpu.memory_space<vmem>>
      %dma_start3A_94 = tpu.memref_slice %arg3[%add3A_4] : memref<9216xi32, #tpu.memory_space<hbm>> -> memref<96xi32, #tpu.memory_space<hbm>>
      %dma_start3A_95 = arith.constant 0 : i32
      %dma_start3A_96 = tpu.memref_slice %arg5[%run_scoped3A, %dma_start3A_95] : memref<3x96xi32, #tpu.memory_space<vmem>> -> memref<1x96xi32, #tpu.memory_space<vmem>>
      %dma_start3A_97 = tpu.memref_squeeze %dma_start3A_96 : memref<1x96xi32, #tpu.memory_space<vmem>> -> memref<96xi32, #tpu.memory_space<vmem>>
      %dma_start3A_98 = tpu.memref_slice %arg3[%add3A_4] : memref<9216xi32, #tpu.memory_space<hbm>> -> memref<96xi32, #tpu.memory_space<hbm>>
      tpu.enqueue_dma source(%dma_start3A_98 : memref<96xi32, #tpu.memory_space<hbm>>) target(%dma_start3A_97 : memref<96xi32, #tpu.memory_space<vmem>>) target_semaphore(%run_scoped3A_90 : memref<!tpu.dma_semaphore, #tpu.memory_space<semaphore_mem>>)
      %dma_wait3A_99 = arith.constant 0 : i32
      %dma_wait3A_100 = tpu.memref_slice %arg5[%run_scoped3A, %dma_wait3A_99] : memref<3x96xi32, #tpu.memory_space<vmem>> -> memref<1x96xi32, #tpu.memory_space<vmem>>
      %dma_wait3A_101 = tpu.memref_squeeze %dma_wait3A_100 : memref<1x96xi32, #tpu.memory_space<vmem>> -> memref<96xi32, #tpu.memory_space<vmem>>
      %dma_wait3A_102 = tpu.memref_slice %arg3[%add3A_4] : memref<9216xi32, #tpu.memory_space<hbm>> -> memref<96xi32, #tpu.memory_space<hbm>>
      %dma_wait3A_103 = arith.constant 0 : i32
      %dma_wait3A_104 = tpu.memref_slice %arg5[%run_scoped3A, %dma_wait3A_103] : memref<3x96xi32, #tpu.memory_space<vmem>> -> memref<1x96xi32, #tpu.memory_space<vmem>>
      %dma_wait3A_105 = tpu.memref_squeeze %dma_wait3A_104 : memref<1x96xi32, #tpu.memory_space<vmem>> -> memref<96xi32, #tpu.memory_space<vmem>>
      %dma_wait3A_106 = tpu.memref_slice %arg3[%add3A_4] : memref<9216xi32, #tpu.memory_space<hbm>> -> memref<96xi32, #tpu.memory_space<hbm>>
      tpu.wait_dma2 semaphore(%run_scoped3A_90 : memref<!tpu.dma_semaphore, #tpu.memory_space<semaphore_mem>>) src(%dma_wait3A_106 : memref<96xi32, #tpu.memory_space<hbm>>) dst(%dma_wait3A_105 : memref<96xi32, #tpu.memory_space<vmem>>)
      tpu.yield
    }) : () -> ()
    %add3A_5 = arith.constant 96 : i32
    %add3A_6 = arith.addi %mul3A_2, %add3A_5 : i32
    %run_scoped3A_7 = arith.constant 1 : i32
    "tpu.region"() ({
      %run_scoped3A_90 = tpu.sem_alloc : memref<!tpu.dma_semaphore, #tpu.memory_space<semaphore_mem>>
      %dma_start3A_91 = arith.constant 0 : i32
      %dma_start3A_92 = tpu.memref_slice %arg5[%run_scoped3A_7, %dma_start3A_91] : memref<3x96xi32, #tpu.memory_space<vmem>> -> memref<1x96xi32, #tpu.memory_space<vmem>>
      %dma_start3A_93 = tpu.memref_squeeze %dma_start3A_92 : memref<1x96xi32, #tpu.memory_space<vmem>> -> memref<96xi32, #tpu.memory_space<vmem>>
      %dma_start3A_94 = tpu.memref_slice %arg3[%add3A_6] : memref<9216xi32, #tpu.memory_space<hbm>> -> memref<96xi32, #tpu.memory_space<hbm>>
      %dma_start3A_95 = arith.constant 0 : i32
      %dma_start3A_96 = tpu.memref_slice %arg5[%run_scoped3A_7, %dma_start3A_95] : memref<3x96xi32, #tpu.memory_space<vmem>> -> memref<1x96xi32, #tpu.memory_space<vmem>>
      %dma_start3A_97 = tpu.memref_squeeze %dma_start3A_96 : memref<1x96xi32, #tpu.memory_space<vmem>> -> memref<96xi32, #tpu.memory_space<vmem>>
      %dma_start3A_98 = tpu.memref_slice %arg3[%add3A_6] : memref<9216xi32, #tpu.memory_space<hbm>> -> memref<96xi32, #tpu.memory_space<hbm>>
      tpu.enqueue_dma source(%dma_start3A_98 : memref<96xi32, #tpu.memory_space<hbm>>) target(%dma_start3A_97 : memref<96xi32, #tpu.memory_space<vmem>>) target_semaphore(%run_scoped3A_90 : memref<!tpu.dma_semaphore, #tpu.memory_space<semaphore_mem>>)
      %dma_wait3A_99 = arith.constant 0 : i32
      %dma_wait3A_100 = tpu.memref_slice %arg5[%run_scoped3A_7, %dma_wait3A_99] : memref<3x96xi32, #tpu.memory_space<vmem>> -> memref<1x96xi32, #tpu.memory_space<vmem>>
      %dma_wait3A_101 = tpu.memref_squeeze %dma_wait3A_100 : memref<1x96xi32, #tpu.memory_space<vmem>> -> memref<96xi32, #tpu.memory_space<vmem>>
      %dma_wait3A_102 = tpu.memref_slice %arg3[%add3A_6] : memref<9216xi32, #tpu.memory_space<hbm>> -> memref<96xi32, #tpu.memory_space<hbm>>
      %dma_wait3A_103 = arith.constant 0 : i32
      %dma_wait3A_104 = tpu.memref_slice %arg5[%run_scoped3A_7, %dma_wait3A_103] : memref<3x96xi32, #tpu.memory_space<vmem>> -> memref<1x96xi32, #tpu.memory_space<vmem>>
      %dma_wait3A_105 = tpu.memref_squeeze %dma_wait3A_104 : memref<1x96xi32, #tpu.memory_space<vmem>> -> memref<96xi32, #tpu.memory_space<vmem>>
      %dma_wait3A_106 = tpu.memref_slice %arg3[%add3A_6] : memref<9216xi32, #tpu.memory_space<hbm>> -> memref<96xi32, #tpu.memory_space<hbm>>
      tpu.wait_dma2 semaphore(%run_scoped3A_90 : memref<!tpu.dma_semaphore, #tpu.memory_space<semaphore_mem>>) src(%dma_wait3A_106 : memref<96xi32, #tpu.memory_space<hbm>>) dst(%dma_wait3A_105 : memref<96xi32, #tpu.memory_space<vmem>>)
      tpu.yield
    }) : () -> ()
    %add3A_8 = arith.constant 192 : i32
    %add3A_9 = arith.addi %mul3A_2, %add3A_8 : i32
    %run_scoped3A_10 = arith.constant 2 : i32
    "tpu.region"() ({
      %run_scoped3A_90 = tpu.sem_alloc : memref<!tpu.dma_semaphore, #tpu.memory_space<semaphore_mem>>
      %dma_start3A_91 = arith.constant 0 : i32
      %dma_start3A_92 = tpu.memref_slice %arg5[%run_scoped3A_10, %dma_start3A_91] : memref<3x96xi32, #tpu.memory_space<vmem>> -> memref<1x96xi32, #tpu.memory_space<vmem>>
      %dma_start3A_93 = tpu.memref_squeeze %dma_start3A_92 : memref<1x96xi32, #tpu.memory_space<vmem>> -> memref<96xi32, #tpu.memory_space<vmem>>
      %dma_start3A_94 = tpu.memref_slice %arg3[%add3A_9] : memref<9216xi32, #tpu.memory_space<hbm>> -> memref<96xi32, #tpu.memory_space<hbm>>
      %dma_start3A_95 = arith.constant 0 : i32
      %dma_start3A_96 = tpu.memref_slice %arg5[%run_scoped3A_10, %dma_start3A_95] : memref<3x96xi32, #tpu.memory_space<vmem>> -> memref<1x96xi32, #tpu.memory_space<vmem>>
      %dma_start3A_97 = tpu.memref_squeeze %dma_start3A_96 : memref<1x96xi32, #tpu.memory_space<vmem>> -> memref<96xi32, #tpu.memory_space<vmem>>
      %dma_start3A_98 = tpu.memref_slice %arg3[%add3A_9] : memref<9216xi32, #tpu.memory_space<hbm>> -> memref<96xi32, #tpu.memory_space<hbm>>
      tpu.enqueue_dma source(%dma_start3A_98 : memref<96xi32, #tpu.memory_space<hbm>>) target(%dma_start3A_97 : memref<96xi32, #tpu.memory_space<vmem>>) target_semaphore(%run_scoped3A_90 : memref<!tpu.dma_semaphore, #tpu.memory_space<semaphore_mem>>)
      %dma_wait3A_99 = arith.constant 0 : i32
      %dma_wait3A_100 = tpu.memref_slice %arg5[%run_scoped3A_10, %dma_wait3A_99] : memref<3x96xi32, #tpu.memory_space<vmem>> -> memref<1x96xi32, #tpu.memory_space<vmem>>
      %dma_wait3A_101 = tpu.memref_squeeze %dma_wait3A_100 : memref<1x96xi32, #tpu.memory_space<vmem>> -> memref<96xi32, #tpu.memory_space<vmem>>
      %dma_wait3A_102 = tpu.memref_slice %arg3[%add3A_9] : memref<9216xi32, #tpu.memory_space<hbm>> -> memref<96xi32, #tpu.memory_space<hbm>>
      %dma_wait3A_103 = arith.constant 0 : i32
      %dma_wait3A_104 = tpu.memref_slice %arg5[%run_scoped3A_10, %dma_wait3A_103] : memref<3x96xi32, #tpu.memory_space<vmem>> -> memref<1x96xi32, #tpu.memory_space<vmem>>
      %dma_wait3A_105 = tpu.memref_squeeze %dma_wait3A_104 : memref<1x96xi32, #tpu.memory_space<vmem>> -> memref<96xi32, #tpu.memory_space<vmem>>
      %dma_wait3A_106 = tpu.memref_slice %arg3[%add3A_9] : memref<9216xi32, #tpu.memory_space<hbm>> -> memref<96xi32, #tpu.memory_space<hbm>>
      tpu.wait_dma2 semaphore(%run_scoped3A_90 : memref<!tpu.dma_semaphore, #tpu.memory_space<semaphore_mem>>) src(%dma_wait3A_106 : memref<96xi32, #tpu.memory_space<hbm>>) dst(%dma_wait3A_105 : memref<96xi32, #tpu.memory_space<vmem>>)
      tpu.yield
    }) : () -> ()
    %dma_start3A = arith.constant 0 : i32
    %dma_start3A_11 = arith.constant 0 : i32
    %dma_start3A_12 = arith.constant 0 : i32
    %dma_start3A_13 = arith.constant 0 : i32
    %dma_start3A_14 = tpu.memref_slice %arg6[%dma_start3A_11, %dma_start3A_12, %dma_start3A_13] : memref<3x96x256xf32, #tpu.memory_space<vmem>> -> memref<1x96x256xf32, #tpu.memory_space<vmem>>
    %dma_start3A_15 = tpu.memref_squeeze %dma_start3A_14 : memref<1x96x256xf32, #tpu.memory_space<vmem>> -> memref<96x256xf32, #tpu.memory_space<vmem>>
    %dma_start3A_16 = arith.constant 0 : i32
    %dma_start3A_17 = tpu.memref_slice %arg5[%dma_start3A, %dma_start3A_16] : memref<3x96xi32, #tpu.memory_space<vmem>> -> memref<1x96xi32, #tpu.memory_space<vmem>>
    %dma_start3A_18 = tpu.memref_squeeze %dma_start3A_17 : memref<1x96xi32, #tpu.memory_space<vmem>> -> memref<96xi32, #tpu.memory_space<vmem>>
    %dma_start3A_19 = arith.constant 0 : i32
    %dma_start3A_20 = arith.constant 0 : i32
    %dma_start3A_21 = tpu.memref_slice %arg2[%dma_start3A_19, %dma_start3A_20] : memref<8192x256xf32, #tpu.memory_space<hbm>> -> memref<8192x256xf32, #tpu.memory_space<hbm>>
    tpu.enqueue_indirect_dma source(%dma_start3A_21 : memref<8192x256xf32, #tpu.memory_space<hbm>>) target(%dma_start3A_15 : memref<96x256xf32, #tpu.memory_space<vmem>>) offsets(%dma_start3A_18 : memref<96xi32, #tpu.memory_space<vmem>>) semaphore(%arg7 : memref<!tpu.dma_semaphore, #tpu.memory_space<semaphore_mem>>)
    %dma_start3A_22 = arith.constant 1 : i32
    %dma_start3A_23 = arith.constant 1 : i32
    %dma_start3A_24 = arith.constant 0 : i32
    %dma_start3A_25 = arith.constant 0 : i32
    %dma_start3A_26 = tpu.memref_slice %arg6[%dma_start3A_23, %dma_start3A_24, %dma_start3A_25] : memref<3x96x256xf32, #tpu.memory_space<vmem>> -> memref<1x96x256xf32, #tpu.memory_space<vmem>>
    %dma_start3A_27 = tpu.memref_squeeze %dma_start3A_26 : memref<1x96x256xf32, #tpu.memory_space<vmem>> -> memref<96x256xf32, #tpu.memory_space<vmem>>
    %dma_start3A_28 = arith.constant 0 : i32
    %dma_start3A_29 = tpu.memref_slice %arg5[%dma_start3A_22, %dma_start3A_28] : memref<3x96xi32, #tpu.memory_space<vmem>> -> memref<1x96xi32, #tpu.memory_space<vmem>>
    %dma_start3A_30 = tpu.memref_squeeze %dma_start3A_29 : memref<1x96xi32, #tpu.memory_space<vmem>> -> memref<96xi32, #tpu.memory_space<vmem>>
    %dma_start3A_31 = arith.constant 0 : i32
    %dma_start3A_32 = arith.constant 0 : i32
    %dma_start3A_33 = tpu.memref_slice %arg2[%dma_start3A_31, %dma_start3A_32] : memref<8192x256xf32, #tpu.memory_space<hbm>> -> memref<8192x256xf32, #tpu.memory_space<hbm>>
    tpu.enqueue_indirect_dma source(%dma_start3A_33 : memref<8192x256xf32, #tpu.memory_space<hbm>>) target(%dma_start3A_27 : memref<96x256xf32, #tpu.memory_space<vmem>>) offsets(%dma_start3A_30 : memref<96xi32, #tpu.memory_space<vmem>>) semaphore(%arg7 : memref<!tpu.dma_semaphore, #tpu.memory_space<semaphore_mem>>)
    %dma_start3A_34 = arith.constant 2 : i32
    %dma_start3A_35 = arith.constant 2 : i32
    %dma_start3A_36 = arith.constant 0 : i32
    %dma_start3A_37 = arith.constant 0 : i32
    %dma_start3A_38 = tpu.memref_slice %arg6[%dma_start3A_35, %dma_start3A_36, %dma_start3A_37] : memref<3x96x256xf32, #tpu.memory_space<vmem>> -> memref<1x96x256xf32, #tpu.memory_space<vmem>>
    %dma_start3A_39 = tpu.memref_squeeze %dma_start3A_38 : memref<1x96x256xf32, #tpu.memory_space<vmem>> -> memref<96x256xf32, #tpu.memory_space<vmem>>
    %dma_start3A_40 = arith.constant 0 : i32
    %dma_start3A_41 = tpu.memref_slice %arg5[%dma_start3A_34, %dma_start3A_40] : memref<3x96xi32, #tpu.memory_space<vmem>> -> memref<1x96xi32, #tpu.memory_space<vmem>>
    %dma_start3A_42 = tpu.memref_squeeze %dma_start3A_41 : memref<1x96xi32, #tpu.memory_space<vmem>> -> memref<96xi32, #tpu.memory_space<vmem>>
    %dma_start3A_43 = arith.constant 0 : i32
    %dma_start3A_44 = arith.constant 0 : i32
    %dma_start3A_45 = tpu.memref_slice %arg2[%dma_start3A_43, %dma_start3A_44] : memref<8192x256xf32, #tpu.memory_space<hbm>> -> memref<8192x256xf32, #tpu.memory_space<hbm>>
    tpu.enqueue_indirect_dma source(%dma_start3A_45 : memref<8192x256xf32, #tpu.memory_space<hbm>>) target(%dma_start3A_39 : memref<96x256xf32, #tpu.memory_space<vmem>>) offsets(%dma_start3A_42 : memref<96xi32, #tpu.memory_space<vmem>>) semaphore(%arg7 : memref<!tpu.dma_semaphore, #tpu.memory_space<semaphore_mem>>)
    %dma_wait3A = arith.constant 0 : i32
    %dma_wait3A_46 = arith.constant 0 : i32
    %dma_wait3A_47 = arith.constant 0 : i32
    %dma_wait3A_48 = arith.constant 0 : i32
    %dma_wait3A_49 = tpu.memref_slice %arg6[%dma_wait3A_46, %dma_wait3A_47, %dma_wait3A_48] : memref<3x96x256xf32, #tpu.memory_space<vmem>> -> memref<1x96x256xf32, #tpu.memory_space<vmem>>
    %dma_wait3A_50 = tpu.memref_squeeze %dma_wait3A_49 : memref<1x96x256xf32, #tpu.memory_space<vmem>> -> memref<96x256xf32, #tpu.memory_space<vmem>>
    %dma_wait3A_51 = arith.constant 0 : i32
    %dma_wait3A_52 = tpu.memref_slice %arg5[%dma_wait3A, %dma_wait3A_51] : memref<3x96xi32, #tpu.memory_space<vmem>> -> memref<1x96xi32, #tpu.memory_space<vmem>>
    %dma_wait3A_53 = tpu.memref_squeeze %dma_wait3A_52 : memref<1x96xi32, #tpu.memory_space<vmem>> -> memref<96xi32, #tpu.memory_space<vmem>>
    %dma_wait3A_54 = arith.constant 0 : i32
    %dma_wait3A_55 = arith.constant 0 : i32
    %dma_wait3A_56 = tpu.memref_slice %arg2[%dma_wait3A_54, %dma_wait3A_55] : memref<8192x256xf32, #tpu.memory_space<hbm>> -> memref<8192x256xf32, #tpu.memory_space<hbm>>
    tpu.wait_indirect_dma semaphore(%arg7 : memref<!tpu.dma_semaphore, #tpu.memory_space<semaphore_mem>>) src(%dma_wait3A_56 : memref<8192x256xf32, #tpu.memory_space<hbm>>) dst(%dma_wait3A_50 : memref<96x256xf32, #tpu.memory_space<vmem>>)
    %dma_wait3A_57 = arith.constant 1 : i32
    %dma_wait3A_58 = arith.constant 1 : i32
    %dma_wait3A_59 = arith.constant 0 : i32
    %dma_wait3A_60 = arith.constant 0 : i32
    %dma_wait3A_61 = tpu.memref_slice %arg6[%dma_wait3A_58, %dma_wait3A_59, %dma_wait3A_60] : memref<3x96x256xf32, #tpu.memory_space<vmem>> -> memref<1x96x256xf32, #tpu.memory_space<vmem>>
    %dma_wait3A_62 = tpu.memref_squeeze %dma_wait3A_61 : memref<1x96x256xf32, #tpu.memory_space<vmem>> -> memref<96x256xf32, #tpu.memory_space<vmem>>
    %dma_wait3A_63 = arith.constant 0 : i32
    %dma_wait3A_64 = tpu.memref_slice %arg5[%dma_wait3A_57, %dma_wait3A_63] : memref<3x96xi32, #tpu.memory_space<vmem>> -> memref<1x96xi32, #tpu.memory_space<vmem>>
    %dma_wait3A_65 = tpu.memref_squeeze %dma_wait3A_64 : memref<1x96xi32, #tpu.memory_space<vmem>> -> memref<96xi32, #tpu.memory_space<vmem>>
    %dma_wait3A_66 = arith.constant 0 : i32
    %dma_wait3A_67 = arith.constant 0 : i32
    %dma_wait3A_68 = tpu.memref_slice %arg2[%dma_wait3A_66, %dma_wait3A_67] : memref<8192x256xf32, #tpu.memory_space<hbm>> -> memref<8192x256xf32, #tpu.memory_space<hbm>>
    tpu.wait_indirect_dma semaphore(%arg7 : memref<!tpu.dma_semaphore, #tpu.memory_space<semaphore_mem>>) src(%dma_wait3A_68 : memref<8192x256xf32, #tpu.memory_space<hbm>>) dst(%dma_wait3A_62 : memref<96x256xf32, #tpu.memory_space<vmem>>)
    %dma_wait3A_69 = arith.constant 2 : i32
    %dma_wait3A_70 = arith.constant 2 : i32
    %dma_wait3A_71 = arith.constant 0 : i32
    %dma_wait3A_72 = arith.constant 0 : i32
    %dma_wait3A_73 = tpu.memref_slice %arg6[%dma_wait3A_70, %dma_wait3A_71, %dma_wait3A_72] : memref<3x96x256xf32, #tpu.memory_space<vmem>> -> memref<1x96x256xf32, #tpu.memory_space<vmem>>
    %dma_wait3A_74 = tpu.memref_squeeze %dma_wait3A_73 : memref<1x96x256xf32, #tpu.memory_space<vmem>> -> memref<96x256xf32, #tpu.memory_space<vmem>>
    %dma_wait3A_75 = arith.constant 0 : i32
    %dma_wait3A_76 = tpu.memref_slice %arg5[%dma_wait3A_69, %dma_wait3A_75] : memref<3x96xi32, #tpu.memory_space<vmem>> -> memref<1x96xi32, #tpu.memory_space<vmem>>
    %dma_wait3A_77 = tpu.memref_squeeze %dma_wait3A_76 : memref<1x96xi32, #tpu.memory_space<vmem>> -> memref<96xi32, #tpu.memory_space<vmem>>
    %dma_wait3A_78 = arith.constant 0 : i32
    %dma_wait3A_79 = arith.constant 0 : i32
    %dma_wait3A_80 = tpu.memref_slice %arg2[%dma_wait3A_78, %dma_wait3A_79] : memref<8192x256xf32, #tpu.memory_space<hbm>> -> memref<8192x256xf32, #tpu.memory_space<hbm>>
    tpu.wait_indirect_dma semaphore(%arg7 : memref<!tpu.dma_semaphore, #tpu.memory_space<semaphore_mem>>) src(%dma_wait3A_80 : memref<8192x256xf32, #tpu.memory_space<hbm>>) dst(%dma_wait3A_74 : memref<96x256xf32, #tpu.memory_space<vmem>>)
    %add3A_81 = arith.constant 0 : i32
    %add3A_82 = arith.addi %mul3A_2, %add3A_81 : i32
    %run_scoped3A_83 = arith.constant 0 : i32
    "tpu.region"() ({
      %run_scoped3A_90 = tpu.sem_alloc : memref<!tpu.dma_semaphore, #tpu.memory_space<semaphore_mem>>
      %dma_start3A_91 = arith.constant 0 : i32
      %dma_start3A_92 = arith.constant 0 : i32
      %dma_start3A_93 = tpu.memref_slice %arg6[%run_scoped3A_83, %dma_start3A_91, %dma_start3A_92] : memref<3x96x256xf32, #tpu.memory_space<vmem>> -> memref<1x96x256xf32, #tpu.memory_space<vmem>>
      %dma_start3A_94 = tpu.memref_squeeze %dma_start3A_93 : memref<1x96x256xf32, #tpu.memory_space<vmem>> -> memref<96x256xf32, #tpu.memory_space<vmem>>
      %dma_start3A_95 = arith.constant 0 : i32
      %dma_start3A_96 = tpu.memref_slice %arg4[%add3A_82, %dma_start3A_95] : memref<9216x256xf32, #tpu.memory_space<hbm>> -> memref<96x256xf32, #tpu.memory_space<hbm>>
      %dma_start3A_97 = arith.constant 0 : i32
      %dma_start3A_98 = tpu.memref_slice %arg4[%add3A_82, %dma_start3A_97] : memref<9216x256xf32, #tpu.memory_space<hbm>> -> memref<96x256xf32, #tpu.memory_space<hbm>>
      %dma_start3A_99 = arith.constant 0 : i32
      %dma_start3A_100 = arith.constant 0 : i32
      %dma_start3A_101 = tpu.memref_slice %arg6[%run_scoped3A_83, %dma_start3A_99, %dma_start3A_100] : memref<3x96x256xf32, #tpu.memory_space<vmem>> -> memref<1x96x256xf32, #tpu.memory_space<vmem>>
      %dma_start3A_102 = tpu.memref_squeeze %dma_start3A_101 : memref<1x96x256xf32, #tpu.memory_space<vmem>> -> memref<96x256xf32, #tpu.memory_space<vmem>>
      tpu.enqueue_dma source(%dma_start3A_102 : memref<96x256xf32, #tpu.memory_space<vmem>>) target(%dma_start3A_98 : memref<96x256xf32, #tpu.memory_space<hbm>>) target_semaphore(%run_scoped3A_90 : memref<!tpu.dma_semaphore, #tpu.memory_space<semaphore_mem>>)
      %dma_wait3A_103 = arith.constant 0 : i32
      %dma_wait3A_104 = arith.constant 0 : i32
      %dma_wait3A_105 = tpu.memref_slice %arg6[%run_scoped3A_83, %dma_wait3A_103, %dma_wait3A_104] : memref<3x96x256xf32, #tpu.memory_space<vmem>> -> memref<1x96x256xf32, #tpu.memory_space<vmem>>
      %dma_wait3A_106 = tpu.memref_squeeze %dma_wait3A_105 : memref<1x96x256xf32, #tpu.memory_space<vmem>> -> memref<96x256xf32, #tpu.memory_space<vmem>>
      %dma_wait3A_107 = arith.constant 0 : i32
      %dma_wait3A_108 = tpu.memref_slice %arg4[%add3A_82, %dma_wait3A_107] : memref<9216x256xf32, #tpu.memory_space<hbm>> -> memref<96x256xf32, #tpu.memory_space<hbm>>
      %dma_wait3A_109 = arith.constant 0 : i32
      %dma_wait3A_110 = tpu.memref_slice %arg4[%add3A_82, %dma_wait3A_109] : memref<9216x256xf32, #tpu.memory_space<hbm>> -> memref<96x256xf32, #tpu.memory_space<hbm>>
      %dma_wait3A_111 = arith.constant 0 : i32
      %dma_wait3A_112 = arith.constant 0 : i32
      %dma_wait3A_113 = tpu.memref_slice %arg6[%run_scoped3A_83, %dma_wait3A_111, %dma_wait3A_112] : memref<3x96x256xf32, #tpu.memory_space<vmem>> -> memref<1x96x256xf32, #tpu.memory_space<vmem>>
      %dma_wait3A_114 = tpu.memref_squeeze %dma_wait3A_113 : memref<1x96x256xf32, #tpu.memory_space<vmem>> -> memref<96x256xf32, #tpu.memory_space<vmem>>
      tpu.wait_dma2 semaphore(%run_scoped3A_90 : memref<!tpu.dma_semaphore, #tpu.memory_space<semaphore_mem>>) src(%dma_wait3A_114 : memref<96x256xf32, #tpu.memory_space<vmem>>) dst(%dma_wait3A_110 : memref<96x256xf32, #tpu.memory_space<hbm>>)
      tpu.yield
    }) : () -> ()
    %add3A_84 = arith.constant 96 : i32
    %add3A_85 = arith.addi %mul3A_2, %add3A_84 : i32
    %run_scoped3A_86 = arith.constant 1 : i32
    "tpu.region"() ({
      %run_scoped3A_90 = tpu.sem_alloc : memref<!tpu.dma_semaphore, #tpu.memory_space<semaphore_mem>>
      %dma_start3A_91 = arith.constant 0 : i32
      %dma_start3A_92 = arith.constant 0 : i32
      %dma_start3A_93 = tpu.memref_slice %arg6[%run_scoped3A_86, %dma_start3A_91, %dma_start3A_92] : memref<3x96x256xf32, #tpu.memory_space<vmem>> -> memref<1x96x256xf32, #tpu.memory_space<vmem>>
      %dma_start3A_94 = tpu.memref_squeeze %dma_start3A_93 : memref<1x96x256xf32, #tpu.memory_space<vmem>> -> memref<96x256xf32, #tpu.memory_space<vmem>>
      %dma_start3A_95 = arith.constant 0 : i32
      %dma_start3A_96 = tpu.memref_slice %arg4[%add3A_85, %dma_start3A_95] : memref<9216x256xf32, #tpu.memory_space<hbm>> -> memref<96x256xf32, #tpu.memory_space<hbm>>
      %dma_start3A_97 = arith.constant 0 : i32
      %dma_start3A_98 = tpu.memref_slice %arg4[%add3A_85, %dma_start3A_97] : memref<9216x256xf32, #tpu.memory_space<hbm>> -> memref<96x256xf32, #tpu.memory_space<hbm>>
      %dma_start3A_99 = arith.constant 0 : i32
      %dma_start3A_100 = arith.constant 0 : i32
      %dma_start3A_101 = tpu.memref_slice %arg6[%run_scoped3A_86, %dma_start3A_99, %dma_start3A_100] : memref<3x96x256xf32, #tpu.memory_space<vmem>> -> memref<1x96x256xf32, #tpu.memory_space<vmem>>
      %dma_start3A_102 = tpu.memref_squeeze %dma_start3A_101 : memref<1x96x256xf32, #tpu.memory_space<vmem>> -> memref<96x256xf32, #tpu.memory_space<vmem>>
      tpu.enqueue_dma source(%dma_start3A_102 : memref<96x256xf32, #tpu.memory_space<vmem>>) target(%dma_start3A_98 : memref<96x256xf32, #tpu.memory_space<hbm>>) target_semaphore(%run_scoped3A_90 : memref<!tpu.dma_semaphore, #tpu.memory_space<semaphore_mem>>)
      %dma_wait3A_103 = arith.constant 0 : i32
      %dma_wait3A_104 = arith.constant 0 : i32
      %dma_wait3A_105 = tpu.memref_slice %arg6[%run_scoped3A_86, %dma_wait3A_103, %dma_wait3A_104] : memref<3x96x256xf32, #tpu.memory_space<vmem>> -> memref<1x96x256xf32, #tpu.memory_space<vmem>>
      %dma_wait3A_106 = tpu.memref_squeeze %dma_wait3A_105 : memref<1x96x256xf32, #tpu.memory_space<vmem>> -> memref<96x256xf32, #tpu.memory_space<vmem>>
      %dma_wait3A_107 = arith.constant 0 : i32
      %dma_wait3A_108 = tpu.memref_slice %arg4[%add3A_85, %dma_wait3A_107] : memref<9216x256xf32, #tpu.memory_space<hbm>> -> memref<96x256xf32, #tpu.memory_space<hbm>>
      %dma_wait3A_109 = arith.constant 0 : i32
      %dma_wait3A_110 = tpu.memref_slice %arg4[%add3A_85, %dma_wait3A_109] : memref<9216x256xf32, #tpu.memory_space<hbm>> -> memref<96x256xf32, #tpu.memory_space<hbm>>
      %dma_wait3A_111 = arith.constant 0 : i32
      %dma_wait3A_112 = arith.constant 0 : i32
      %dma_wait3A_113 = tpu.memref_slice %arg6[%run_scoped3A_86, %dma_wait3A_111, %dma_wait3A_112] : memref<3x96x256xf32, #tpu.memory_space<vmem>> -> memref<1x96x256xf32, #tpu.memory_space<vmem>>
      %dma_wait3A_114 = tpu.memref_squeeze %dma_wait3A_113 : memref<1x96x256xf32, #tpu.memory_space<vmem>> -> memref<96x256xf32, #tpu.memory_space<vmem>>
      tpu.wait_dma2 semaphore(%run_scoped3A_90 : memref<!tpu.dma_semaphore, #tpu.memory_space<semaphore_mem>>) src(%dma_wait3A_114 : memref<96x256xf32, #tpu.memory_space<vmem>>) dst(%dma_wait3A_110 : memref<96x256xf32, #tpu.memory_space<hbm>>)
      tpu.yield
    }) : () -> ()
    %add3A_87 = arith.constant 192 : i32
    %add3A_88 = arith.addi %mul3A_2, %add3A_87 : i32
    %run_scoped3A_89 = arith.constant 2 : i32
    "tpu.region"() ({
      %run_scoped3A_90 = tpu.sem_alloc : memref<!tpu.dma_semaphore, #tpu.memory_space<semaphore_mem>>
      %dma_start3A_91 = arith.constant 0 : i32
      %dma_start3A_92 = arith.constant 0 : i32
      %dma_start3A_93 = tpu.memref_slice %arg6[%run_scoped3A_89, %dma_start3A_91, %dma_start3A_92] : memref<3x96x256xf32, #tpu.memory_space<vmem>> -> memref<1x96x256xf32, #tpu.memory_space<vmem>>
      %dma_start3A_94 = tpu.memref_squeeze %dma_start3A_93 : memref<1x96x256xf32, #tpu.memory_space<vmem>> -> memref<96x256xf32, #tpu.memory_space<vmem>>
      %dma_start3A_95 = arith.constant 0 : i32
      %dma_start3A_96 = tpu.memref_slice %arg4[%add3A_88, %dma_start3A_95] : memref<9216x256xf32, #tpu.memory_space<hbm>> -> memref<96x256xf32, #tpu.memory_space<hbm>>
      %dma_start3A_97 = arith.constant 0 : i32
      %dma_start3A_98 = tpu.memref_slice %arg4[%add3A_88, %dma_start3A_97] : memref<9216x256xf32, #tpu.memory_space<hbm>> -> memref<96x256xf32, #tpu.memory_space<hbm>>
      %dma_start3A_99 = arith.constant 0 : i32
      %dma_start3A_100 = arith.constant 0 : i32
      %dma_start3A_101 = tpu.memref_slice %arg6[%run_scoped3A_89, %dma_start3A_99, %dma_start3A_100] : memref<3x96x256xf32, #tpu.memory_space<vmem>> -> memref<1x96x256xf32, #tpu.memory_space<vmem>>
      %dma_start3A_102 = tpu.memref_squeeze %dma_start3A_101 : memref<1x96x256xf32, #tpu.memory_space<vmem>> -> memref<96x256xf32, #tpu.memory_space<vmem>>
      tpu.enqueue_dma source(%dma_start3A_102 : memref<96x256xf32, #tpu.memory_space<vmem>>) target(%dma_start3A_98 : memref<96x256xf32, #tpu.memory_space<hbm>>) target_semaphore(%run_scoped3A_90 : memref<!tpu.dma_semaphore, #tpu.memory_space<semaphore_mem>>)
      %dma_wait3A_103 = arith.constant 0 : i32
      %dma_wait3A_104 = arith.constant 0 : i32
      %dma_wait3A_105 = tpu.memref_slice %arg6[%run_scoped3A_89, %dma_wait3A_103, %dma_wait3A_104] : memref<3x96x256xf32, #tpu.memory_space<vmem>> -> memref<1x96x256xf32, #tpu.memory_space<vmem>>
      %dma_wait3A_106 = tpu.memref_squeeze %dma_wait3A_105 : memref<1x96x256xf32, #tpu.memory_space<vmem>> -> memref<96x256xf32, #tpu.memory_space<vmem>>
      %dma_wait3A_107 = arith.constant 0 : i32
      %dma_wait3A_108 = tpu.memref_slice %arg4[%add3A_88, %dma_wait3A_107] : memref<9216x256xf32, #tpu.memory_space<hbm>> -> memref<96x256xf32, #tpu.memory_space<hbm>>
      %dma_wait3A_109 = arith.constant 0 : i32
      %dma_wait3A_110 = tpu.memref_slice %arg4[%add3A_88, %dma_wait3A_109] : memref<9216x256xf32, #tpu.memory_space<hbm>> -> memref<96x256xf32, #tpu.memory_space<hbm>>
      %dma_wait3A_111 = arith.constant 0 : i32
      %dma_wait3A_112 = arith.constant 0 : i32
      %dma_wait3A_113 = tpu.memref_slice %arg6[%run_scoped3A_89, %dma_wait3A_111, %dma_wait3A_112] : memref<3x96x256xf32, #tpu.memory_space<vmem>> -> memref<1x96x256xf32, #tpu.memory_space<vmem>>
      %dma_wait3A_114 = tpu.memref_squeeze %dma_wait3A_113 : memref<1x96x256xf32, #tpu.memory_space<vmem>> -> memref<96x256xf32, #tpu.memory_space<vmem>>
      tpu.wait_dma2 semaphore(%run_scoped3A_90 : memref<!tpu.dma_semaphore, #tpu.memory_space<semaphore_mem>>) src(%dma_wait3A_114 : memref<96x256xf32, #tpu.memory_space<vmem>>) dst(%dma_wait3A_110 : memref<96x256xf32, #tpu.memory_space<hbm>>)
      tpu.yield
    }) : () -> ()
    return
  }
}

#map = affine_map<(d0, d1) -> (0, 0)>
#map1 = affine_map<(d0, d1) -> (0)>
module attributes {stable_mosaic.version = 14 : i64} {
  func.func @_gather_body(%arg0: i32, %arg1: i32, %arg2: memref<8192x256xf32, #tpu.memory_space<hbm>>, %arg3: memref<9216xi32, #tpu.memory_space<hbm>>, %arg4: memref<9216x256xf32, #tpu.memory_space<hbm>>, %arg5: memref<3x96xi32, #tpu.memory_space<vmem>>, %arg6: memref<3x96x256xf32, #tpu.memory_space<vmem>>, %arg7: memref<!tpu.dma_semaphore, #tpu.memory_space<semaphore_mem>>) attributes {dimension_semantics = [#tpu.dimension_semantics<core_parallel>, #tpu.dimension_semantics<subcore_parallel>], iteration_bounds = array<i64: 2, 16>, scalar_prefetch = 0 : i64, scratch_operands = 3 : i64, tpu.core_type = #tpu.core_type<sc_vector_subcore>, window_params = [{transform_indices = #map}, {transform_indices = #map1}, {transform_indices = #map}]} {
    %mul3A = arith.constant 2 : i32
    %mul3A_0 = arith.muli %arg1, %mul3A : i32
    %add3A = arith.addi %mul3A_0, %arg0 : i32
    %mul3A_1 = arith.constant 288 : i32
    %mul3A_2 = arith.muli %add3A, %mul3A_1 : i32
    %add3A_3 = arith.constant 0 : i32
    %add3A_4 = arith.addi %mul3A_2, %add3A_3 : i32
    %run_scoped3A = arith.constant 0 : i32
    "tpu.region"() ({
      %run_scoped3A_90 = tpu.sem_alloc : memref<!tpu.dma_semaphore, #tpu.memory_space<semaphore_mem>>
      %dma_start3A_91 = arith.constant 0 : i32
      %dma_start3A_92 = tpu.memref_slice %arg5[%run_scoped3A, %dma_start3A_91] : memref<3x96xi32, #tpu.memory_space<vmem>> -> memref<1x96xi32, #tpu.memory_space<vmem>>
      %dma_start3A_93 = tpu.memref_squeeze %dma_start3A_92 : memref<1x96xi32, #tpu.memory_space<vmem>> -> memref<96xi32, #tpu.memory_space<vmem>>
      %dma_start3A_94 = tpu.memref_slice %arg3[%add3A_4] : memref<9216xi32, #tpu.memory_space<hbm>> -> memref<96xi32, #tpu.memory_space<hbm>>
      %dma_start3A_95 = arith.constant 0 : i32
      %dma_start3A_96 = tpu.memref_slice %arg5[%run_scoped3A, %dma_start3A_95] : memref<3x96xi32, #tpu.memory_space<vmem>> -> memref<1x96xi32, #tpu.memory_space<vmem>>
      %dma_start3A_97 = tpu.memref_squeeze %dma_start3A_96 : memref<1x96xi32, #tpu.memory_space<vmem>> -> memref<96xi32, #tpu.memory_space<vmem>>
      %dma_start3A_98 = tpu.memref_slice %arg3[%add3A_4] : memref<9216xi32, #tpu.memory_space<hbm>> -> memref<96xi32, #tpu.memory_space<hbm>>
      tpu.enqueue_dma source(%dma_start3A_98 : memref<96xi32, #tpu.memory_space<hbm>>) target(%dma_start3A_97 : memref<96xi32, #tpu.memory_space<vmem>>) target_semaphore(%run_scoped3A_90 : memref<!tpu.dma_semaphore, #tpu.memory_space<semaphore_mem>>)
      %dma_wait3A_99 = arith.constant 0 : i32
      %dma_wait3A_100 = tpu.memref_slice %arg5[%run_scoped3A, %dma_wait3A_99] : memref<3x96xi32, #tpu.memory_space<vmem>> -> memref<1x96xi32, #tpu.memory_space<vmem>>
      %dma_wait3A_101 = tpu.memref_squeeze %dma_wait3A_100 : memref<1x96xi32, #tpu.memory_space<vmem>> -> memref<96xi32, #tpu.memory_space<vmem>>
      %dma_wait3A_102 = tpu.memref_slice %arg3[%add3A_4] : memref<9216xi32, #tpu.memory_space<hbm>> -> memref<96xi32, #tpu.memory_space<hbm>>
      %dma_wait3A_103 = arith.constant 0 : i32
      %dma_wait3A_104 = tpu.memref_slice %arg5[%run_scoped3A, %dma_wait3A_103] : memref<3x96xi32, #tpu.memory_space<vmem>> -> memref<1x96xi32, #tpu.memory_space<vmem>>
      %dma_wait3A_105 = tpu.memref_squeeze %dma_wait3A_104 : memref<1x96xi32, #tpu.memory_space<vmem>> -> memref<96xi32, #tpu.memory_space<vmem>>
      %dma_wait3A_106 = tpu.memref_slice %arg3[%add3A_4] : memref<9216xi32, #tpu.memory_space<hbm>> -> memref<96xi32, #tpu.memory_space<hbm>>
      tpu.wait_dma2 semaphore(%run_scoped3A_90 : memref<!tpu.dma_semaphore, #tpu.memory_space<semaphore_mem>>) src(%dma_wait3A_106 : memref<96xi32, #tpu.memory_space<hbm>>) dst(%dma_wait3A_105 : memref<96xi32, #tpu.memory_space<vmem>>)
      tpu.yield
    }) : () -> ()
    %add3A_5 = arith.constant 96 : i32
    %add3A_6 = arith.addi %mul3A_2, %add3A_5 : i32
    %run_scoped3A_7 = arith.constant 1 : i32
    "tpu.region"() ({
      %run_scoped3A_90 = tpu.sem_alloc : memref<!tpu.dma_semaphore, #tpu.memory_space<semaphore_mem>>
      %dma_start3A_91 = arith.constant 0 : i32
      %dma_start3A_92 = tpu.memref_slice %arg5[%run_scoped3A_7, %dma_start3A_91] : memref<3x96xi32, #tpu.memory_space<vmem>> -> memref<1x96xi32, #tpu.memory_space<vmem>>
      %dma_start3A_93 = tpu.memref_squeeze %dma_start3A_92 : memref<1x96xi32, #tpu.memory_space<vmem>> -> memref<96xi32, #tpu.memory_space<vmem>>
      %dma_start3A_94 = tpu.memref_slice %arg3[%add3A_6] : memref<9216xi32, #tpu.memory_space<hbm>> -> memref<96xi32, #tpu.memory_space<hbm>>
      %dma_start3A_95 = arith.constant 0 : i32
      %dma_start3A_96 = tpu.memref_slice %arg5[%run_scoped3A_7, %dma_start3A_95] : memref<3x96xi32, #tpu.memory_space<vmem>> -> memref<1x96xi32, #tpu.memory_space<vmem>>
      %dma_start3A_97 = tpu.memref_squeeze %dma_start3A_96 : memref<1x96xi32, #tpu.memory_space<vmem>> -> memref<96xi32, #tpu.memory_space<vmem>>
      %dma_start3A_98 = tpu.memref_slice %arg3[%add3A_6] : memref<9216xi32, #tpu.memory_space<hbm>> -> memref<96xi32, #tpu.memory_space<hbm>>
      tpu.enqueue_dma source(%dma_start3A_98 : memref<96xi32, #tpu.memory_space<hbm>>) target(%dma_start3A_97 : memref<96xi32, #tpu.memory_space<vmem>>) target_semaphore(%run_scoped3A_90 : memref<!tpu.dma_semaphore, #tpu.memory_space<semaphore_mem>>)
      %dma_wait3A_99 = arith.constant 0 : i32
      %dma_wait3A_100 = tpu.memref_slice %arg5[%run_scoped3A_7, %dma_wait3A_99] : memref<3x96xi32, #tpu.memory_space<vmem>> -> memref<1x96xi32, #tpu.memory_space<vmem>>
      %dma_wait3A_101 = tpu.memref_squeeze %dma_wait3A_100 : memref<1x96xi32, #tpu.memory_space<vmem>> -> memref<96xi32, #tpu.memory_space<vmem>>
      %dma_wait3A_102 = tpu.memref_slice %arg3[%add3A_6] : memref<9216xi32, #tpu.memory_space<hbm>> -> memref<96xi32, #tpu.memory_space<hbm>>
      %dma_wait3A_103 = arith.constant 0 : i32
      %dma_wait3A_104 = tpu.memref_slice %arg5[%run_scoped3A_7, %dma_wait3A_103] : memref<3x96xi32, #tpu.memory_space<vmem>> -> memref<1x96xi32, #tpu.memory_space<vmem>>
      %dma_wait3A_105 = tpu.memref_squeeze %dma_wait3A_104 : memref<1x96xi32, #tpu.memory_space<vmem>> -> memref<96xi32, #tpu.memory_space<vmem>>
      %dma_wait3A_106 = tpu.memref_slice %arg3[%add3A_6] : memref<9216xi32, #tpu.memory_space<hbm>> -> memref<96xi32, #tpu.memory_space<hbm>>
      tpu.wait_dma2 semaphore(%run_scoped3A_90 : memref<!tpu.dma_semaphore, #tpu.memory_space<semaphore_mem>>) src(%dma_wait3A_106 : memref<96xi32, #tpu.memory_space<hbm>>) dst(%dma_wait3A_105 : memref<96xi32, #tpu.memory_space<vmem>>)
      tpu.yield
    }) : () -> ()
    %add3A_8 = arith.constant 192 : i32
    %add3A_9 = arith.addi %mul3A_2, %add3A_8 : i32
    %run_scoped3A_10 = arith.constant 2 : i32
    "tpu.region"() ({
      %run_scoped3A_90 = tpu.sem_alloc : memref<!tpu.dma_semaphore, #tpu.memory_space<semaphore_mem>>
      %dma_start3A_91 = arith.constant 0 : i32
      %dma_start3A_92 = tpu.memref_slice %arg5[%run_scoped3A_10, %dma_start3A_91] : memref<3x96xi32, #tpu.memory_space<vmem>> -> memref<1x96xi32, #tpu.memory_space<vmem>>
      %dma_start3A_93 = tpu.memref_squeeze %dma_start3A_92 : memref<1x96xi32, #tpu.memory_space<vmem>> -> memref<96xi32, #tpu.memory_space<vmem>>
      %dma_start3A_94 = tpu.memref_slice %arg3[%add3A_9] : memref<9216xi32, #tpu.memory_space<hbm>> -> memref<96xi32, #tpu.memory_space<hbm>>
      %dma_start3A_95 = arith.constant 0 : i32
      %dma_start3A_96 = tpu.memref_slice %arg5[%run_scoped3A_10, %dma_start3A_95] : memref<3x96xi32, #tpu.memory_space<vmem>> -> memref<1x96xi32, #tpu.memory_space<vmem>>
      %dma_start3A_97 = tpu.memref_squeeze %dma_start3A_96 : memref<1x96xi32, #tpu.memory_space<vmem>> -> memref<96xi32, #tpu.memory_space<vmem>>
      %dma_start3A_98 = tpu.memref_slice %arg3[%add3A_9] : memref<9216xi32, #tpu.memory_space<hbm>> -> memref<96xi32, #tpu.memory_space<hbm>>
      tpu.enqueue_dma source(%dma_start3A_98 : memref<96xi32, #tpu.memory_space<hbm>>) target(%dma_start3A_97 : memref<96xi32, #tpu.memory_space<vmem>>) target_semaphore(%run_scoped3A_90 : memref<!tpu.dma_semaphore, #tpu.memory_space<semaphore_mem>>)
      %dma_wait3A_99 = arith.constant 0 : i32
      %dma_wait3A_100 = tpu.memref_slice %arg5[%run_scoped3A_10, %dma_wait3A_99] : memref<3x96xi32, #tpu.memory_space<vmem>> -> memref<1x96xi32, #tpu.memory_space<vmem>>
      %dma_wait3A_101 = tpu.memref_squeeze %dma_wait3A_100 : memref<1x96xi32, #tpu.memory_space<vmem>> -> memref<96xi32, #tpu.memory_space<vmem>>
      %dma_wait3A_102 = tpu.memref_slice %arg3[%add3A_9] : memref<9216xi32, #tpu.memory_space<hbm>> -> memref<96xi32, #tpu.memory_space<hbm>>
      %dma_wait3A_103 = arith.constant 0 : i32
      %dma_wait3A_104 = tpu.memref_slice %arg5[%run_scoped3A_10, %dma_wait3A_103] : memref<3x96xi32, #tpu.memory_space<vmem>> -> memref<1x96xi32, #tpu.memory_space<vmem>>
      %dma_wait3A_105 = tpu.memref_squeeze %dma_wait3A_104 : memref<1x96xi32, #tpu.memory_space<vmem>> -> memref<96xi32, #tpu.memory_space<vmem>>
      %dma_wait3A_106 = tpu.memref_slice %arg3[%add3A_9] : memref<9216xi32, #tpu.memory_space<hbm>> -> memref<96xi32, #tpu.memory_space<hbm>>
      tpu.wait_dma2 semaphore(%run_scoped3A_90 : memref<!tpu.dma_semaphore, #tpu.memory_space<semaphore_mem>>) src(%dma_wait3A_106 : memref<96xi32, #tpu.memory_space<hbm>>) dst(%dma_wait3A_105 : memref<96xi32, #tpu.memory_space<vmem>>)
      tpu.yield
    }) : () -> ()
    %dma_start3A = arith.constant 0 : i32
    %dma_start3A_11 = arith.constant 0 : i32
    %dma_start3A_12 = arith.constant 0 : i32
    %dma_start3A_13 = arith.constant 0 : i32
    %dma_start3A_14 = tpu.memref_slice %arg6[%dma_start3A_11, %dma_start3A_12, %dma_start3A_13] : memref<3x96x256xf32, #tpu.memory_space<vmem>> -> memref<1x96x256xf32, #tpu.memory_space<vmem>>
    %dma_start3A_15 = tpu.memref_squeeze %dma_start3A_14 : memref<1x96x256xf32, #tpu.memory_space<vmem>> -> memref<96x256xf32, #tpu.memory_space<vmem>>
    %dma_start3A_16 = arith.constant 0 : i32
    %dma_start3A_17 = tpu.memref_slice %arg5[%dma_start3A, %dma_start3A_16] : memref<3x96xi32, #tpu.memory_space<vmem>> -> memref<1x96xi32, #tpu.memory_space<vmem>>
    %dma_start3A_18 = tpu.memref_squeeze %dma_start3A_17 : memref<1x96xi32, #tpu.memory_space<vmem>> -> memref<96xi32, #tpu.memory_space<vmem>>
    %dma_start3A_19 = arith.constant 0 : i32
    %dma_start3A_20 = arith.constant 0 : i32
    %dma_start3A_21 = tpu.memref_slice %arg2[%dma_start3A_19, %dma_start3A_20] : memref<8192x256xf32, #tpu.memory_space<hbm>> -> memref<8192x256xf32, #tpu.memory_space<hbm>>
    tpu.enqueue_indirect_dma source(%dma_start3A_21 : memref<8192x256xf32, #tpu.memory_space<hbm>>) target(%dma_start3A_15 : memref<96x256xf32, #tpu.memory_space<vmem>>) offsets(%dma_start3A_18 : memref<96xi32, #tpu.memory_space<vmem>>) semaphore(%arg7 : memref<!tpu.dma_semaphore, #tpu.memory_space<semaphore_mem>>)
    %dma_start3A_22 = arith.constant 1 : i32
    %dma_start3A_23 = arith.constant 1 : i32
    %dma_start3A_24 = arith.constant 0 : i32
    %dma_start3A_25 = arith.constant 0 : i32
    %dma_start3A_26 = tpu.memref_slice %arg6[%dma_start3A_23, %dma_start3A_24, %dma_start3A_25] : memref<3x96x256xf32, #tpu.memory_space<vmem>> -> memref<1x96x256xf32, #tpu.memory_space<vmem>>
    %dma_start3A_27 = tpu.memref_squeeze %dma_start3A_26 : memref<1x96x256xf32, #tpu.memory_space<vmem>> -> memref<96x256xf32, #tpu.memory_space<vmem>>
    %dma_start3A_28 = arith.constant 0 : i32
    %dma_start3A_29 = tpu.memref_slice %arg5[%dma_start3A_22, %dma_start3A_28] : memref<3x96xi32, #tpu.memory_space<vmem>> -> memref<1x96xi32, #tpu.memory_space<vmem>>
    %dma_start3A_30 = tpu.memref_squeeze %dma_start3A_29 : memref<1x96xi32, #tpu.memory_space<vmem>> -> memref<96xi32, #tpu.memory_space<vmem>>
    %dma_start3A_31 = arith.constant 0 : i32
    %dma_start3A_32 = arith.constant 0 : i32
    %dma_start3A_33 = tpu.memref_slice %arg2[%dma_start3A_31, %dma_start3A_32] : memref<8192x256xf32, #tpu.memory_space<hbm>> -> memref<8192x256xf32, #tpu.memory_space<hbm>>
    tpu.enqueue_indirect_dma source(%dma_start3A_33 : memref<8192x256xf32, #tpu.memory_space<hbm>>) target(%dma_start3A_27 : memref<96x256xf32, #tpu.memory_space<vmem>>) offsets(%dma_start3A_30 : memref<96xi32, #tpu.memory_space<vmem>>) semaphore(%arg7 : memref<!tpu.dma_semaphore, #tpu.memory_space<semaphore_mem>>)
    %dma_start3A_34 = arith.constant 2 : i32
    %dma_start3A_35 = arith.constant 2 : i32
    %dma_start3A_36 = arith.constant 0 : i32
    %dma_start3A_37 = arith.constant 0 : i32
    %dma_start3A_38 = tpu.memref_slice %arg6[%dma_start3A_35, %dma_start3A_36, %dma_start3A_37] : memref<3x96x256xf32, #tpu.memory_space<vmem>> -> memref<1x96x256xf32, #tpu.memory_space<vmem>>
    %dma_start3A_39 = tpu.memref_squeeze %dma_start3A_38 : memref<1x96x256xf32, #tpu.memory_space<vmem>> -> memref<96x256xf32, #tpu.memory_space<vmem>>
    %dma_start3A_40 = arith.constant 0 : i32
    %dma_start3A_41 = tpu.memref_slice %arg5[%dma_start3A_34, %dma_start3A_40] : memref<3x96xi32, #tpu.memory_space<vmem>> -> memref<1x96xi32, #tpu.memory_space<vmem>>
    %dma_start3A_42 = tpu.memref_squeeze %dma_start3A_41 : memref<1x96xi32, #tpu.memory_space<vmem>> -> memref<96xi32, #tpu.memory_space<vmem>>
    %dma_start3A_43 = arith.constant 0 : i32
    %dma_start3A_44 = arith.constant 0 : i32
    %dma_start3A_45 = tpu.memref_slice %arg2[%dma_start3A_43, %dma_start3A_44] : memref<8192x256xf32, #tpu.memory_space<hbm>> -> memref<8192x256xf32, #tpu.memory_space<hbm>>
    tpu.enqueue_indirect_dma source(%dma_start3A_45 : memref<8192x256xf32, #tpu.memory_space<hbm>>) target(%dma_start3A_39 : memref<96x256xf32, #tpu.memory_space<vmem>>) offsets(%dma_start3A_42 : memref<96xi32, #tpu.memory_space<vmem>>) semaphore(%arg7 : memref<!tpu.dma_semaphore, #tpu.memory_space<semaphore_mem>>)
    %dma_wait3A = arith.constant 0 : i32
    %dma_wait3A_46 = arith.constant 0 : i32
    %dma_wait3A_47 = arith.constant 0 : i32
    %dma_wait3A_48 = arith.constant 0 : i32
    %dma_wait3A_49 = tpu.memref_slice %arg6[%dma_wait3A_46, %dma_wait3A_47, %dma_wait3A_48] : memref<3x96x256xf32, #tpu.memory_space<vmem>> -> memref<1x96x256xf32, #tpu.memory_space<vmem>>
    %dma_wait3A_50 = tpu.memref_squeeze %dma_wait3A_49 : memref<1x96x256xf32, #tpu.memory_space<vmem>> -> memref<96x256xf32, #tpu.memory_space<vmem>>
    %dma_wait3A_51 = arith.constant 0 : i32
    %dma_wait3A_52 = tpu.memref_slice %arg5[%dma_wait3A, %dma_wait3A_51] : memref<3x96xi32, #tpu.memory_space<vmem>> -> memref<1x96xi32, #tpu.memory_space<vmem>>
    %dma_wait3A_53 = tpu.memref_squeeze %dma_wait3A_52 : memref<1x96xi32, #tpu.memory_space<vmem>> -> memref<96xi32, #tpu.memory_space<vmem>>
    %dma_wait3A_54 = arith.constant 0 : i32
    %dma_wait3A_55 = arith.constant 0 : i32
    %dma_wait3A_56 = tpu.memref_slice %arg2[%dma_wait3A_54, %dma_wait3A_55] : memref<8192x256xf32, #tpu.memory_space<hbm>> -> memref<8192x256xf32, #tpu.memory_space<hbm>>
    tpu.wait_indirect_dma semaphore(%arg7 : memref<!tpu.dma_semaphore, #tpu.memory_space<semaphore_mem>>) src(%dma_wait3A_56 : memref<8192x256xf32, #tpu.memory_space<hbm>>) dst(%dma_wait3A_50 : memref<96x256xf32, #tpu.memory_space<vmem>>)
    %dma_wait3A_57 = arith.constant 1 : i32
    %dma_wait3A_58 = arith.constant 1 : i32
    %dma_wait3A_59 = arith.constant 0 : i32
    %dma_wait3A_60 = arith.constant 0 : i32
    %dma_wait3A_61 = tpu.memref_slice %arg6[%dma_wait3A_58, %dma_wait3A_59, %dma_wait3A_60] : memref<3x96x256xf32, #tpu.memory_space<vmem>> -> memref<1x96x256xf32, #tpu.memory_space<vmem>>
    %dma_wait3A_62 = tpu.memref_squeeze %dma_wait3A_61 : memref<1x96x256xf32, #tpu.memory_space<vmem>> -> memref<96x256xf32, #tpu.memory_space<vmem>>
    %dma_wait3A_63 = arith.constant 0 : i32
    %dma_wait3A_64 = tpu.memref_slice %arg5[%dma_wait3A_57, %dma_wait3A_63] : memref<3x96xi32, #tpu.memory_space<vmem>> -> memref<1x96xi32, #tpu.memory_space<vmem>>
    %dma_wait3A_65 = tpu.memref_squeeze %dma_wait3A_64 : memref<1x96xi32, #tpu.memory_space<vmem>> -> memref<96xi32, #tpu.memory_space<vmem>>
    %dma_wait3A_66 = arith.constant 0 : i32
    %dma_wait3A_67 = arith.constant 0 : i32
    %dma_wait3A_68 = tpu.memref_slice %arg2[%dma_wait3A_66, %dma_wait3A_67] : memref<8192x256xf32, #tpu.memory_space<hbm>> -> memref<8192x256xf32, #tpu.memory_space<hbm>>
    tpu.wait_indirect_dma semaphore(%arg7 : memref<!tpu.dma_semaphore, #tpu.memory_space<semaphore_mem>>) src(%dma_wait3A_68 : memref<8192x256xf32, #tpu.memory_space<hbm>>) dst(%dma_wait3A_62 : memref<96x256xf32, #tpu.memory_space<vmem>>)
    %dma_wait3A_69 = arith.constant 2 : i32
    %dma_wait3A_70 = arith.constant 2 : i32
    %dma_wait3A_71 = arith.constant 0 : i32
    %dma_wait3A_72 = arith.constant 0 : i32
    %dma_wait3A_73 = tpu.memref_slice %arg6[%dma_wait3A_70, %dma_wait3A_71, %dma_wait3A_72] : memref<3x96x256xf32, #tpu.memory_space<vmem>> -> memref<1x96x256xf32, #tpu.memory_space<vmem>>
    %dma_wait3A_74 = tpu.memref_squeeze %dma_wait3A_73 : memref<1x96x256xf32, #tpu.memory_space<vmem>> -> memref<96x256xf32, #tpu.memory_space<vmem>>
    %dma_wait3A_75 = arith.constant 0 : i32
    %dma_wait3A_76 = tpu.memref_slice %arg5[%dma_wait3A_69, %dma_wait3A_75] : memref<3x96xi32, #tpu.memory_space<vmem>> -> memref<1x96xi32, #tpu.memory_space<vmem>>
    %dma_wait3A_77 = tpu.memref_squeeze %dma_wait3A_76 : memref<1x96xi32, #tpu.memory_space<vmem>> -> memref<96xi32, #tpu.memory_space<vmem>>
    %dma_wait3A_78 = arith.constant 0 : i32
    %dma_wait3A_79 = arith.constant 0 : i32
    %dma_wait3A_80 = tpu.memref_slice %arg2[%dma_wait3A_78, %dma_wait3A_79] : memref<8192x256xf32, #tpu.memory_space<hbm>> -> memref<8192x256xf32, #tpu.memory_space<hbm>>
    tpu.wait_indirect_dma semaphore(%arg7 : memref<!tpu.dma_semaphore, #tpu.memory_space<semaphore_mem>>) src(%dma_wait3A_80 : memref<8192x256xf32, #tpu.memory_space<hbm>>) dst(%dma_wait3A_74 : memref<96x256xf32, #tpu.memory_space<vmem>>)
    %add3A_81 = arith.constant 0 : i32
    %add3A_82 = arith.addi %mul3A_2, %add3A_81 : i32
    %run_scoped3A_83 = arith.constant 0 : i32
    "tpu.region"() ({
      %run_scoped3A_90 = tpu.sem_alloc : memref<!tpu.dma_semaphore, #tpu.memory_space<semaphore_mem>>
      %dma_start3A_91 = arith.constant 0 : i32
      %dma_start3A_92 = arith.constant 0 : i32
      %dma_start3A_93 = tpu.memref_slice %arg6[%run_scoped3A_83, %dma_start3A_91, %dma_start3A_92] : memref<3x96x256xf32, #tpu.memory_space<vmem>> -> memref<1x96x256xf32, #tpu.memory_space<vmem>>
      %dma_start3A_94 = tpu.memref_squeeze %dma_start3A_93 : memref<1x96x256xf32, #tpu.memory_space<vmem>> -> memref<96x256xf32, #tpu.memory_space<vmem>>
      %dma_start3A_95 = arith.constant 0 : i32
      %dma_start3A_96 = tpu.memref_slice %arg4[%add3A_82, %dma_start3A_95] : memref<9216x256xf32, #tpu.memory_space<hbm>> -> memref<96x256xf32, #tpu.memory_space<hbm>>
      %dma_start3A_97 = arith.constant 0 : i32
      %dma_start3A_98 = tpu.memref_slice %arg4[%add3A_82, %dma_start3A_97] : memref<9216x256xf32, #tpu.memory_space<hbm>> -> memref<96x256xf32, #tpu.memory_space<hbm>>
      %dma_start3A_99 = arith.constant 0 : i32
      %dma_start3A_100 = arith.constant 0 : i32
      %dma_start3A_101 = tpu.memref_slice %arg6[%run_scoped3A_83, %dma_start3A_99, %dma_start3A_100] : memref<3x96x256xf32, #tpu.memory_space<vmem>> -> memref<1x96x256xf32, #tpu.memory_space<vmem>>
      %dma_start3A_102 = tpu.memref_squeeze %dma_start3A_101 : memref<1x96x256xf32, #tpu.memory_space<vmem>> -> memref<96x256xf32, #tpu.memory_space<vmem>>
      tpu.enqueue_dma source(%dma_start3A_102 : memref<96x256xf32, #tpu.memory_space<vmem>>) target(%dma_start3A_98 : memref<96x256xf32, #tpu.memory_space<hbm>>) target_semaphore(%run_scoped3A_90 : memref<!tpu.dma_semaphore, #tpu.memory_space<semaphore_mem>>)
      %dma_wait3A_103 = arith.constant 0 : i32
      %dma_wait3A_104 = arith.constant 0 : i32
      %dma_wait3A_105 = tpu.memref_slice %arg6[%run_scoped3A_83, %dma_wait3A_103, %dma_wait3A_104] : memref<3x96x256xf32, #tpu.memory_space<vmem>> -> memref<1x96x256xf32, #tpu.memory_space<vmem>>
      %dma_wait3A_106 = tpu.memref_squeeze %dma_wait3A_105 : memref<1x96x256xf32, #tpu.memory_space<vmem>> -> memref<96x256xf32, #tpu.memory_space<vmem>>
      %dma_wait3A_107 = arith.constant 0 : i32
      %dma_wait3A_108 = tpu.memref_slice %arg4[%add3A_82, %dma_wait3A_107] : memref<9216x256xf32, #tpu.memory_space<hbm>> -> memref<96x256xf32, #tpu.memory_space<hbm>>
      %dma_wait3A_109 = arith.constant 0 : i32
      %dma_wait3A_110 = tpu.memref_slice %arg4[%add3A_82, %dma_wait3A_109] : memref<9216x256xf32, #tpu.memory_space<hbm>> -> memref<96x256xf32, #tpu.memory_space<hbm>>
      %dma_wait3A_111 = arith.constant 0 : i32
      %dma_wait3A_112 = arith.constant 0 : i32
      %dma_wait3A_113 = tpu.memref_slice %arg6[%run_scoped3A_83, %dma_wait3A_111, %dma_wait3A_112] : memref<3x96x256xf32, #tpu.memory_space<vmem>> -> memref<1x96x256xf32, #tpu.memory_space<vmem>>
      %dma_wait3A_114 = tpu.memref_squeeze %dma_wait3A_113 : memref<1x96x256xf32, #tpu.memory_space<vmem>> -> memref<96x256xf32, #tpu.memory_space<vmem>>
      tpu.wait_dma2 semaphore(%run_scoped3A_90 : memref<!tpu.dma_semaphore, #tpu.memory_space<semaphore_mem>>) src(%dma_wait3A_114 : memref<96x256xf32, #tpu.memory_space<vmem>>) dst(%dma_wait3A_110 : memref<96x256xf32, #tpu.memory_space<hbm>>)
      tpu.yield
    }) : () -> ()
    %add3A_84 = arith.constant 96 : i32
    %add3A_85 = arith.addi %mul3A_2, %add3A_84 : i32
    %run_scoped3A_86 = arith.constant 1 : i32
    "tpu.region"() ({
      %run_scoped3A_90 = tpu.sem_alloc : memref<!tpu.dma_semaphore, #tpu.memory_space<semaphore_mem>>
      %dma_start3A_91 = arith.constant 0 : i32
      %dma_start3A_92 = arith.constant 0 : i32
      %dma_start3A_93 = tpu.memref_slice %arg6[%run_scoped3A_86, %dma_start3A_91, %dma_start3A_92] : memref<3x96x256xf32, #tpu.memory_space<vmem>> -> memref<1x96x256xf32, #tpu.memory_space<vmem>>
      %dma_start3A_94 = tpu.memref_squeeze %dma_start3A_93 : memref<1x96x256xf32, #tpu.memory_space<vmem>> -> memref<96x256xf32, #tpu.memory_space<vmem>>
      %dma_start3A_95 = arith.constant 0 : i32
      %dma_start3A_96 = tpu.memref_slice %arg4[%add3A_85, %dma_start3A_95] : memref<9216x256xf32, #tpu.memory_space<hbm>> -> memref<96x256xf32, #tpu.memory_space<hbm>>
      %dma_start3A_97 = arith.constant 0 : i32
      %dma_start3A_98 = tpu.memref_slice %arg4[%add3A_85, %dma_start3A_97] : memref<9216x256xf32, #tpu.memory_space<hbm>> -> memref<96x256xf32, #tpu.memory_space<hbm>>
      %dma_start3A_99 = arith.constant 0 : i32
      %dma_start3A_100 = arith.constant 0 : i32
      %dma_start3A_101 = tpu.memref_slice %arg6[%run_scoped3A_86, %dma_start3A_99, %dma_start3A_100] : memref<3x96x256xf32, #tpu.memory_space<vmem>> -> memref<1x96x256xf32, #tpu.memory_space<vmem>>
      %dma_start3A_102 = tpu.memref_squeeze %dma_start3A_101 : memref<1x96x256xf32, #tpu.memory_space<vmem>> -> memref<96x256xf32, #tpu.memory_space<vmem>>
      tpu.enqueue_dma source(%dma_start3A_102 : memref<96x256xf32, #tpu.memory_space<vmem>>) target(%dma_start3A_98 : memref<96x256xf32, #tpu.memory_space<hbm>>) target_semaphore(%run_scoped3A_90 : memref<!tpu.dma_semaphore, #tpu.memory_space<semaphore_mem>>)
      %dma_wait3A_103 = arith.constant 0 : i32
      %dma_wait3A_104 = arith.constant 0 : i32
      %dma_wait3A_105 = tpu.memref_slice %arg6[%run_scoped3A_86, %dma_wait3A_103, %dma_wait3A_104] : memref<3x96x256xf32, #tpu.memory_space<vmem>> -> memref<1x96x256xf32, #tpu.memory_space<vmem>>
      %dma_wait3A_106 = tpu.memref_squeeze %dma_wait3A_105 : memref<1x96x256xf32, #tpu.memory_space<vmem>> -> memref<96x256xf32, #tpu.memory_space<vmem>>
      %dma_wait3A_107 = arith.constant 0 : i32
      %dma_wait3A_108 = tpu.memref_slice %arg4[%add3A_85, %dma_wait3A_107] : memref<9216x256xf32, #tpu.memory_space<hbm>> -> memref<96x256xf32, #tpu.memory_space<hbm>>
      %dma_wait3A_109 = arith.constant 0 : i32
      %dma_wait3A_110 = tpu.memref_slice %arg4[%add3A_85, %dma_wait3A_109] : memref<9216x256xf32, #tpu.memory_space<hbm>> -> memref<96x256xf32, #tpu.memory_space<hbm>>
      %dma_wait3A_111 = arith.constant 0 : i32
      %dma_wait3A_112 = arith.constant 0 : i32
      %dma_wait3A_113 = tpu.memref_slice %arg6[%run_scoped3A_86, %dma_wait3A_111, %dma_wait3A_112] : memref<3x96x256xf32, #tpu.memory_space<vmem>> -> memref<1x96x256xf32, #tpu.memory_space<vmem>>
      %dma_wait3A_114 = tpu.memref_squeeze %dma_wait3A_113 : memref<1x96x256xf32, #tpu.memory_space<vmem>> -> memref<96x256xf32, #tpu.memory_space<vmem>>
      tpu.wait_dma2 semaphore(%run_scoped3A_90 : memref<!tpu.dma_semaphore, #tpu.memory_space<semaphore_mem>>) src(%dma_wait3A_114 : memref<96x256xf32, #tpu.memory_space<vmem>>) dst(%dma_wait3A_110 : memref<96x256xf32, #tpu.memory_space<hbm>>)
      tpu.yield
    }) : () -> ()
    %add3A_87 = arith.constant 192 : i32
    %add3A_88 = arith.addi %mul3A_2, %add3A_87 : i32
    %run_scoped3A_89 = arith.constant 2 : i32
    "tpu.region"() ({
      %run_scoped3A_90 = tpu.sem_alloc : memref<!tpu.dma_semaphore, #tpu.memory_space<semaphore_mem>>
      %dma_start3A_91 = arith.constant 0 : i32
      %dma_start3A_92 = arith.constant 0 : i32
      %dma_start3A_93 = tpu.memref_slice %arg6[%run_scoped3A_89, %dma_start3A_91, %dma_start3A_92] : memref<3x96x256xf32, #tpu.memory_space<vmem>> -> memref<1x96x256xf32, #tpu.memory_space<vmem>>
      %dma_start3A_94 = tpu.memref_squeeze %dma_start3A_93 : memref<1x96x256xf32, #tpu.memory_space<vmem>> -> memref<96x256xf32, #tpu.memory_space<vmem>>
      %dma_start3A_95 = arith.constant 0 : i32
      %dma_start3A_96 = tpu.memref_slice %arg4[%add3A_88, %dma_start3A_95] : memref<9216x256xf32, #tpu.memory_space<hbm>> -> memref<96x256xf32, #tpu.memory_space<hbm>>
      %dma_start3A_97 = arith.constant 0 : i32
      %dma_start3A_98 = tpu.memref_slice %arg4[%add3A_88, %dma_start3A_97] : memref<9216x256xf32, #tpu.memory_space<hbm>> -> memref<96x256xf32, #tpu.memory_space<hbm>>
      %dma_start3A_99 = arith.constant 0 : i32
      %dma_start3A_100 = arith.constant 0 : i32
      %dma_start3A_101 = tpu.memref_slice %arg6[%run_scoped3A_89, %dma_start3A_99, %dma_start3A_100] : memref<3x96x256xf32, #tpu.memory_space<vmem>> -> memref<1x96x256xf32, #tpu.memory_space<vmem>>
      %dma_start3A_102 = tpu.memref_squeeze %dma_start3A_101 : memref<1x96x256xf32, #tpu.memory_space<vmem>> -> memref<96x256xf32, #tpu.memory_space<vmem>>
      tpu.enqueue_dma source(%dma_start3A_102 : memref<96x256xf32, #tpu.memory_space<vmem>>) target(%dma_start3A_98 : memref<96x256xf32, #tpu.memory_space<hbm>>) target_semaphore(%run_scoped3A_90 : memref<!tpu.dma_semaphore, #tpu.memory_space<semaphore_mem>>)
      %dma_wait3A_103 = arith.constant 0 : i32
      %dma_wait3A_104 = arith.constant 0 : i32
      %dma_wait3A_105 = tpu.memref_slice %arg6[%run_scoped3A_89, %dma_wait3A_103, %dma_wait3A_104] : memref<3x96x256xf32, #tpu.memory_space<vmem>> -> memref<1x96x256xf32, #tpu.memory_space<vmem>>
      %dma_wait3A_106 = tpu.memref_squeeze %dma_wait3A_105 : memref<1x96x256xf32, #tpu.memory_space<vmem>> -> memref<96x256xf32, #tpu.memory_space<vmem>>
      %dma_wait3A_107 = arith.constant 0 : i32
      %dma_wait3A_108 = tpu.memref_slice %arg4[%add3A_88, %dma_wait3A_107] : memref<9216x256xf32, #tpu.memory_space<hbm>> -> memref<96x256xf32, #tpu.memory_space<hbm>>
      %dma_wait3A_109 = arith.constant 0 : i32
      %dma_wait3A_110 = tpu.memref_slice %arg4[%add3A_88, %dma_wait3A_109] : memref<9216x256xf32, #tpu.memory_space<hbm>> -> memref<96x256xf32, #tpu.memory_space<hbm>>
      %dma_wait3A_111 = arith.constant 0 : i32
      %dma_wait3A_112 = arith.constant 0 : i32
      %dma_wait3A_113 = tpu.memref_slice %arg6[%run_scoped3A_89, %dma_wait3A_111, %dma_wait3A_112] : memref<3x96x256xf32, #tpu.memory_space<vmem>> -> memref<1x96x256xf32, #tpu.memory_space<vmem>>
      %dma_wait3A_114 = tpu.memref_squeeze %dma_wait3A_113 : memref<1x96x256xf32, #tpu.memory_space<vmem>> -> memref<96x256xf32, #tpu.memory_space<vmem>>
      tpu.wait_dma2 semaphore(%run_scoped3A_90 : memref<!tpu.dma_semaphore, #tpu.memory_space<semaphore_mem>>) src(%dma_wait3A_114 : memref<96x256xf32, #tpu.memory_space<vmem>>) dst(%dma_wait3A_110 : memref<96x256xf32, #tpu.memory_space<hbm>>)
      tpu.yield
    }) : () -> ()
    return
  }
}

#map = affine_map<(d0, d1) -> (0, 0)>
#map1 = affine_map<(d0, d1) -> (0)>
module attributes {stable_mosaic.version = 14 : i64} {
  func.func @_gather_body(%arg0: i32, %arg1: i32, %arg2: memref<8192x256xf32, #tpu.memory_space<hbm>>, %arg3: memref<9216xi32, #tpu.memory_space<hbm>>, %arg4: memref<9216x256xf32, #tpu.memory_space<hbm>>, %arg5: memref<3x96xi32, #tpu.memory_space<vmem>>, %arg6: memref<3x96x256xf32, #tpu.memory_space<vmem>>, %arg7: memref<!tpu.dma_semaphore, #tpu.memory_space<semaphore_mem>>) attributes {dimension_semantics = [#tpu.dimension_semantics<core_parallel>, #tpu.dimension_semantics<subcore_parallel>], iteration_bounds = array<i64: 2, 16>, scalar_prefetch = 0 : i64, scratch_operands = 3 : i64, tpu.core_type = #tpu.core_type<sc_vector_subcore>, window_params = [{transform_indices = #map}, {transform_indices = #map1}, {transform_indices = #map}]} {
    %mul3A = arith.constant 2 : i32
    %mul3A_0 = arith.muli %arg1, %mul3A : i32
    %add3A = arith.addi %mul3A_0, %arg0 : i32
    %mul3A_1 = arith.constant 288 : i32
    %mul3A_2 = arith.muli %add3A, %mul3A_1 : i32
    %add3A_3 = arith.constant 0 : i32
    %add3A_4 = arith.addi %mul3A_2, %add3A_3 : i32
    %run_scoped3A = arith.constant 0 : i32
    "tpu.region"() ({
      %run_scoped3A_90 = tpu.sem_alloc : memref<!tpu.dma_semaphore, #tpu.memory_space<semaphore_mem>>
      %dma_start3A_91 = arith.constant 0 : i32
      %dma_start3A_92 = tpu.memref_slice %arg5[%run_scoped3A, %dma_start3A_91] : memref<3x96xi32, #tpu.memory_space<vmem>> -> memref<1x96xi32, #tpu.memory_space<vmem>>
      %dma_start3A_93 = tpu.memref_squeeze %dma_start3A_92 : memref<1x96xi32, #tpu.memory_space<vmem>> -> memref<96xi32, #tpu.memory_space<vmem>>
      %dma_start3A_94 = tpu.memref_slice %arg3[%add3A_4] : memref<9216xi32, #tpu.memory_space<hbm>> -> memref<96xi32, #tpu.memory_space<hbm>>
      %dma_start3A_95 = arith.constant 0 : i32
      %dma_start3A_96 = tpu.memref_slice %arg5[%run_scoped3A, %dma_start3A_95] : memref<3x96xi32, #tpu.memory_space<vmem>> -> memref<1x96xi32, #tpu.memory_space<vmem>>
      %dma_start3A_97 = tpu.memref_squeeze %dma_start3A_96 : memref<1x96xi32, #tpu.memory_space<vmem>> -> memref<96xi32, #tpu.memory_space<vmem>>
      %dma_start3A_98 = tpu.memref_slice %arg3[%add3A_4] : memref<9216xi32, #tpu.memory_space<hbm>> -> memref<96xi32, #tpu.memory_space<hbm>>
      tpu.enqueue_dma source(%dma_start3A_98 : memref<96xi32, #tpu.memory_space<hbm>>) target(%dma_start3A_97 : memref<96xi32, #tpu.memory_space<vmem>>) target_semaphore(%run_scoped3A_90 : memref<!tpu.dma_semaphore, #tpu.memory_space<semaphore_mem>>)
      %dma_wait3A_99 = arith.constant 0 : i32
      %dma_wait3A_100 = tpu.memref_slice %arg5[%run_scoped3A, %dma_wait3A_99] : memref<3x96xi32, #tpu.memory_space<vmem>> -> memref<1x96xi32, #tpu.memory_space<vmem>>
      %dma_wait3A_101 = tpu.memref_squeeze %dma_wait3A_100 : memref<1x96xi32, #tpu.memory_space<vmem>> -> memref<96xi32, #tpu.memory_space<vmem>>
      %dma_wait3A_102 = tpu.memref_slice %arg3[%add3A_4] : memref<9216xi32, #tpu.memory_space<hbm>> -> memref<96xi32, #tpu.memory_space<hbm>>
      %dma_wait3A_103 = arith.constant 0 : i32
      %dma_wait3A_104 = tpu.memref_slice %arg5[%run_scoped3A, %dma_wait3A_103] : memref<3x96xi32, #tpu.memory_space<vmem>> -> memref<1x96xi32, #tpu.memory_space<vmem>>
      %dma_wait3A_105 = tpu.memref_squeeze %dma_wait3A_104 : memref<1x96xi32, #tpu.memory_space<vmem>> -> memref<96xi32, #tpu.memory_space<vmem>>
      %dma_wait3A_106 = tpu.memref_slice %arg3[%add3A_4] : memref<9216xi32, #tpu.memory_space<hbm>> -> memref<96xi32, #tpu.memory_space<hbm>>
      tpu.wait_dma2 semaphore(%run_scoped3A_90 : memref<!tpu.dma_semaphore, #tpu.memory_space<semaphore_mem>>) src(%dma_wait3A_106 : memref<96xi32, #tpu.memory_space<hbm>>) dst(%dma_wait3A_105 : memref<96xi32, #tpu.memory_space<vmem>>)
      tpu.yield
    }) : () -> ()
    %add3A_5 = arith.constant 96 : i32
    %add3A_6 = arith.addi %mul3A_2, %add3A_5 : i32
    %run_scoped3A_7 = arith.constant 1 : i32
    "tpu.region"() ({
      %run_scoped3A_90 = tpu.sem_alloc : memref<!tpu.dma_semaphore, #tpu.memory_space<semaphore_mem>>
      %dma_start3A_91 = arith.constant 0 : i32
      %dma_start3A_92 = tpu.memref_slice %arg5[%run_scoped3A_7, %dma_start3A_91] : memref<3x96xi32, #tpu.memory_space<vmem>> -> memref<1x96xi32, #tpu.memory_space<vmem>>
      %dma_start3A_93 = tpu.memref_squeeze %dma_start3A_92 : memref<1x96xi32, #tpu.memory_space<vmem>> -> memref<96xi32, #tpu.memory_space<vmem>>
      %dma_start3A_94 = tpu.memref_slice %arg3[%add3A_6] : memref<9216xi32, #tpu.memory_space<hbm>> -> memref<96xi32, #tpu.memory_space<hbm>>
      %dma_start3A_95 = arith.constant 0 : i32
      %dma_start3A_96 = tpu.memref_slice %arg5[%run_scoped3A_7, %dma_start3A_95] : memref<3x96xi32, #tpu.memory_space<vmem>> -> memref<1x96xi32, #tpu.memory_space<vmem>>
      %dma_start3A_97 = tpu.memref_squeeze %dma_start3A_96 : memref<1x96xi32, #tpu.memory_space<vmem>> -> memref<96xi32, #tpu.memory_space<vmem>>
      %dma_start3A_98 = tpu.memref_slice %arg3[%add3A_6] : memref<9216xi32, #tpu.memory_space<hbm>> -> memref<96xi32, #tpu.memory_space<hbm>>
      tpu.enqueue_dma source(%dma_start3A_98 : memref<96xi32, #tpu.memory_space<hbm>>) target(%dma_start3A_97 : memref<96xi32, #tpu.memory_space<vmem>>) target_semaphore(%run_scoped3A_90 : memref<!tpu.dma_semaphore, #tpu.memory_space<semaphore_mem>>)
      %dma_wait3A_99 = arith.constant 0 : i32
      %dma_wait3A_100 = tpu.memref_slice %arg5[%run_scoped3A_7, %dma_wait3A_99] : memref<3x96xi32, #tpu.memory_space<vmem>> -> memref<1x96xi32, #tpu.memory_space<vmem>>
      %dma_wait3A_101 = tpu.memref_squeeze %dma_wait3A_100 : memref<1x96xi32, #tpu.memory_space<vmem>> -> memref<96xi32, #tpu.memory_space<vmem>>
      %dma_wait3A_102 = tpu.memref_slice %arg3[%add3A_6] : memref<9216xi32, #tpu.memory_space<hbm>> -> memref<96xi32, #tpu.memory_space<hbm>>
      %dma_wait3A_103 = arith.constant 0 : i32
      %dma_wait3A_104 = tpu.memref_slice %arg5[%run_scoped3A_7, %dma_wait3A_103] : memref<3x96xi32, #tpu.memory_space<vmem>> -> memref<1x96xi32, #tpu.memory_space<vmem>>
      %dma_wait3A_105 = tpu.memref_squeeze %dma_wait3A_104 : memref<1x96xi32, #tpu.memory_space<vmem>> -> memref<96xi32, #tpu.memory_space<vmem>>
      %dma_wait3A_106 = tpu.memref_slice %arg3[%add3A_6] : memref<9216xi32, #tpu.memory_space<hbm>> -> memref<96xi32, #tpu.memory_space<hbm>>
      tpu.wait_dma2 semaphore(%run_scoped3A_90 : memref<!tpu.dma_semaphore, #tpu.memory_space<semaphore_mem>>) src(%dma_wait3A_106 : memref<96xi32, #tpu.memory_space<hbm>>) dst(%dma_wait3A_105 : memref<96xi32, #tpu.memory_space<vmem>>)
      tpu.yield
    }) : () -> ()
    %add3A_8 = arith.constant 192 : i32
    %add3A_9 = arith.addi %mul3A_2, %add3A_8 : i32
    %run_scoped3A_10 = arith.constant 2 : i32
    "tpu.region"() ({
      %run_scoped3A_90 = tpu.sem_alloc : memref<!tpu.dma_semaphore, #tpu.memory_space<semaphore_mem>>
      %dma_start3A_91 = arith.constant 0 : i32
      %dma_start3A_92 = tpu.memref_slice %arg5[%run_scoped3A_10, %dma_start3A_91] : memref<3x96xi32, #tpu.memory_space<vmem>> -> memref<1x96xi32, #tpu.memory_space<vmem>>
      %dma_start3A_93 = tpu.memref_squeeze %dma_start3A_92 : memref<1x96xi32, #tpu.memory_space<vmem>> -> memref<96xi32, #tpu.memory_space<vmem>>
      %dma_start3A_94 = tpu.memref_slice %arg3[%add3A_9] : memref<9216xi32, #tpu.memory_space<hbm>> -> memref<96xi32, #tpu.memory_space<hbm>>
      %dma_start3A_95 = arith.constant 0 : i32
      %dma_start3A_96 = tpu.memref_slice %arg5[%run_scoped3A_10, %dma_start3A_95] : memref<3x96xi32, #tpu.memory_space<vmem>> -> memref<1x96xi32, #tpu.memory_space<vmem>>
      %dma_start3A_97 = tpu.memref_squeeze %dma_start3A_96 : memref<1x96xi32, #tpu.memory_space<vmem>> -> memref<96xi32, #tpu.memory_space<vmem>>
      %dma_start3A_98 = tpu.memref_slice %arg3[%add3A_9] : memref<9216xi32, #tpu.memory_space<hbm>> -> memref<96xi32, #tpu.memory_space<hbm>>
      tpu.enqueue_dma source(%dma_start3A_98 : memref<96xi32, #tpu.memory_space<hbm>>) target(%dma_start3A_97 : memref<96xi32, #tpu.memory_space<vmem>>) target_semaphore(%run_scoped3A_90 : memref<!tpu.dma_semaphore, #tpu.memory_space<semaphore_mem>>)
      %dma_wait3A_99 = arith.constant 0 : i32
      %dma_wait3A_100 = tpu.memref_slice %arg5[%run_scoped3A_10, %dma_wait3A_99] : memref<3x96xi32, #tpu.memory_space<vmem>> -> memref<1x96xi32, #tpu.memory_space<vmem>>
      %dma_wait3A_101 = tpu.memref_squeeze %dma_wait3A_100 : memref<1x96xi32, #tpu.memory_space<vmem>> -> memref<96xi32, #tpu.memory_space<vmem>>
      %dma_wait3A_102 = tpu.memref_slice %arg3[%add3A_9] : memref<9216xi32, #tpu.memory_space<hbm>> -> memref<96xi32, #tpu.memory_space<hbm>>
      %dma_wait3A_103 = arith.constant 0 : i32
      %dma_wait3A_104 = tpu.memref_slice %arg5[%run_scoped3A_10, %dma_wait3A_103] : memref<3x96xi32, #tpu.memory_space<vmem>> -> memref<1x96xi32, #tpu.memory_space<vmem>>
      %dma_wait3A_105 = tpu.memref_squeeze %dma_wait3A_104 : memref<1x96xi32, #tpu.memory_space<vmem>> -> memref<96xi32, #tpu.memory_space<vmem>>
      %dma_wait3A_106 = tpu.memref_slice %arg3[%add3A_9] : memref<9216xi32, #tpu.memory_space<hbm>> -> memref<96xi32, #tpu.memory_space<hbm>>
      tpu.wait_dma2 semaphore(%run_scoped3A_90 : memref<!tpu.dma_semaphore, #tpu.memory_space<semaphore_mem>>) src(%dma_wait3A_106 : memref<96xi32, #tpu.memory_space<hbm>>) dst(%dma_wait3A_105 : memref<96xi32, #tpu.memory_space<vmem>>)
      tpu.yield
    }) : () -> ()
    %dma_start3A = arith.constant 0 : i32
    %dma_start3A_11 = arith.constant 0 : i32
    %dma_start3A_12 = arith.constant 0 : i32
    %dma_start3A_13 = arith.constant 0 : i32
    %dma_start3A_14 = tpu.memref_slice %arg6[%dma_start3A_11, %dma_start3A_12, %dma_start3A_13] : memref<3x96x256xf32, #tpu.memory_space<vmem>> -> memref<1x96x256xf32, #tpu.memory_space<vmem>>
    %dma_start3A_15 = tpu.memref_squeeze %dma_start3A_14 : memref<1x96x256xf32, #tpu.memory_space<vmem>> -> memref<96x256xf32, #tpu.memory_space<vmem>>
    %dma_start3A_16 = arith.constant 0 : i32
    %dma_start3A_17 = tpu.memref_slice %arg5[%dma_start3A, %dma_start3A_16] : memref<3x96xi32, #tpu.memory_space<vmem>> -> memref<1x96xi32, #tpu.memory_space<vmem>>
    %dma_start3A_18 = tpu.memref_squeeze %dma_start3A_17 : memref<1x96xi32, #tpu.memory_space<vmem>> -> memref<96xi32, #tpu.memory_space<vmem>>
    %dma_start3A_19 = arith.constant 0 : i32
    %dma_start3A_20 = arith.constant 0 : i32
    %dma_start3A_21 = tpu.memref_slice %arg2[%dma_start3A_19, %dma_start3A_20] : memref<8192x256xf32, #tpu.memory_space<hbm>> -> memref<8192x256xf32, #tpu.memory_space<hbm>>
    tpu.enqueue_indirect_dma source(%dma_start3A_21 : memref<8192x256xf32, #tpu.memory_space<hbm>>) target(%dma_start3A_15 : memref<96x256xf32, #tpu.memory_space<vmem>>) offsets(%dma_start3A_18 : memref<96xi32, #tpu.memory_space<vmem>>) semaphore(%arg7 : memref<!tpu.dma_semaphore, #tpu.memory_space<semaphore_mem>>)
    %dma_start3A_22 = arith.constant 1 : i32
    %dma_start3A_23 = arith.constant 1 : i32
    %dma_start3A_24 = arith.constant 0 : i32
    %dma_start3A_25 = arith.constant 0 : i32
    %dma_start3A_26 = tpu.memref_slice %arg6[%dma_start3A_23, %dma_start3A_24, %dma_start3A_25] : memref<3x96x256xf32, #tpu.memory_space<vmem>> -> memref<1x96x256xf32, #tpu.memory_space<vmem>>
    %dma_start3A_27 = tpu.memref_squeeze %dma_start3A_26 : memref<1x96x256xf32, #tpu.memory_space<vmem>> -> memref<96x256xf32, #tpu.memory_space<vmem>>
    %dma_start3A_28 = arith.constant 0 : i32
    %dma_start3A_29 = tpu.memref_slice %arg5[%dma_start3A_22, %dma_start3A_28] : memref<3x96xi32, #tpu.memory_space<vmem>> -> memref<1x96xi32, #tpu.memory_space<vmem>>
    %dma_start3A_30 = tpu.memref_squeeze %dma_start3A_29 : memref<1x96xi32, #tpu.memory_space<vmem>> -> memref<96xi32, #tpu.memory_space<vmem>>
    %dma_start3A_31 = arith.constant 0 : i32
    %dma_start3A_32 = arith.constant 0 : i32
    %dma_start3A_33 = tpu.memref_slice %arg2[%dma_start3A_31, %dma_start3A_32] : memref<8192x256xf32, #tpu.memory_space<hbm>> -> memref<8192x256xf32, #tpu.memory_space<hbm>>
    tpu.enqueue_indirect_dma source(%dma_start3A_33 : memref<8192x256xf32, #tpu.memory_space<hbm>>) target(%dma_start3A_27 : memref<96x256xf32, #tpu.memory_space<vmem>>) offsets(%dma_start3A_30 : memref<96xi32, #tpu.memory_space<vmem>>) semaphore(%arg7 : memref<!tpu.dma_semaphore, #tpu.memory_space<semaphore_mem>>)
    %dma_start3A_34 = arith.constant 2 : i32
    %dma_start3A_35 = arith.constant 2 : i32
    %dma_start3A_36 = arith.constant 0 : i32
    %dma_start3A_37 = arith.constant 0 : i32
    %dma_start3A_38 = tpu.memref_slice %arg6[%dma_start3A_35, %dma_start3A_36, %dma_start3A_37] : memref<3x96x256xf32, #tpu.memory_space<vmem>> -> memref<1x96x256xf32, #tpu.memory_space<vmem>>
    %dma_start3A_39 = tpu.memref_squeeze %dma_start3A_38 : memref<1x96x256xf32, #tpu.memory_space<vmem>> -> memref<96x256xf32, #tpu.memory_space<vmem>>
    %dma_start3A_40 = arith.constant 0 : i32
    %dma_start3A_41 = tpu.memref_slice %arg5[%dma_start3A_34, %dma_start3A_40] : memref<3x96xi32, #tpu.memory_space<vmem>> -> memref<1x96xi32, #tpu.memory_space<vmem>>
    %dma_start3A_42 = tpu.memref_squeeze %dma_start3A_41 : memref<1x96xi32, #tpu.memory_space<vmem>> -> memref<96xi32, #tpu.memory_space<vmem>>
    %dma_start3A_43 = arith.constant 0 : i32
    %dma_start3A_44 = arith.constant 0 : i32
    %dma_start3A_45 = tpu.memref_slice %arg2[%dma_start3A_43, %dma_start3A_44] : memref<8192x256xf32, #tpu.memory_space<hbm>> -> memref<8192x256xf32, #tpu.memory_space<hbm>>
    tpu.enqueue_indirect_dma source(%dma_start3A_45 : memref<8192x256xf32, #tpu.memory_space<hbm>>) target(%dma_start3A_39 : memref<96x256xf32, #tpu.memory_space<vmem>>) offsets(%dma_start3A_42 : memref<96xi32, #tpu.memory_space<vmem>>) semaphore(%arg7 : memref<!tpu.dma_semaphore, #tpu.memory_space<semaphore_mem>>)
    %dma_wait3A = arith.constant 0 : i32
    %dma_wait3A_46 = arith.constant 0 : i32
    %dma_wait3A_47 = arith.constant 0 : i32
    %dma_wait3A_48 = arith.constant 0 : i32
    %dma_wait3A_49 = tpu.memref_slice %arg6[%dma_wait3A_46, %dma_wait3A_47, %dma_wait3A_48] : memref<3x96x256xf32, #tpu.memory_space<vmem>> -> memref<1x96x256xf32, #tpu.memory_space<vmem>>
    %dma_wait3A_50 = tpu.memref_squeeze %dma_wait3A_49 : memref<1x96x256xf32, #tpu.memory_space<vmem>> -> memref<96x256xf32, #tpu.memory_space<vmem>>
    %dma_wait3A_51 = arith.constant 0 : i32
    %dma_wait3A_52 = tpu.memref_slice %arg5[%dma_wait3A, %dma_wait3A_51] : memref<3x96xi32, #tpu.memory_space<vmem>> -> memref<1x96xi32, #tpu.memory_space<vmem>>
    %dma_wait3A_53 = tpu.memref_squeeze %dma_wait3A_52 : memref<1x96xi32, #tpu.memory_space<vmem>> -> memref<96xi32, #tpu.memory_space<vmem>>
    %dma_wait3A_54 = arith.constant 0 : i32
    %dma_wait3A_55 = arith.constant 0 : i32
    %dma_wait3A_56 = tpu.memref_slice %arg2[%dma_wait3A_54, %dma_wait3A_55] : memref<8192x256xf32, #tpu.memory_space<hbm>> -> memref<8192x256xf32, #tpu.memory_space<hbm>>
    tpu.wait_indirect_dma semaphore(%arg7 : memref<!tpu.dma_semaphore, #tpu.memory_space<semaphore_mem>>) src(%dma_wait3A_56 : memref<8192x256xf32, #tpu.memory_space<hbm>>) dst(%dma_wait3A_50 : memref<96x256xf32, #tpu.memory_space<vmem>>)
    %dma_wait3A_57 = arith.constant 1 : i32
    %dma_wait3A_58 = arith.constant 1 : i32
    %dma_wait3A_59 = arith.constant 0 : i32
    %dma_wait3A_60 = arith.constant 0 : i32
    %dma_wait3A_61 = tpu.memref_slice %arg6[%dma_wait3A_58, %dma_wait3A_59, %dma_wait3A_60] : memref<3x96x256xf32, #tpu.memory_space<vmem>> -> memref<1x96x256xf32, #tpu.memory_space<vmem>>
    %dma_wait3A_62 = tpu.memref_squeeze %dma_wait3A_61 : memref<1x96x256xf32, #tpu.memory_space<vmem>> -> memref<96x256xf32, #tpu.memory_space<vmem>>
    %dma_wait3A_63 = arith.constant 0 : i32
    %dma_wait3A_64 = tpu.memref_slice %arg5[%dma_wait3A_57, %dma_wait3A_63] : memref<3x96xi32, #tpu.memory_space<vmem>> -> memref<1x96xi32, #tpu.memory_space<vmem>>
    %dma_wait3A_65 = tpu.memref_squeeze %dma_wait3A_64 : memref<1x96xi32, #tpu.memory_space<vmem>> -> memref<96xi32, #tpu.memory_space<vmem>>
    %dma_wait3A_66 = arith.constant 0 : i32
    %dma_wait3A_67 = arith.constant 0 : i32
    %dma_wait3A_68 = tpu.memref_slice %arg2[%dma_wait3A_66, %dma_wait3A_67] : memref<8192x256xf32, #tpu.memory_space<hbm>> -> memref<8192x256xf32, #tpu.memory_space<hbm>>
    tpu.wait_indirect_dma semaphore(%arg7 : memref<!tpu.dma_semaphore, #tpu.memory_space<semaphore_mem>>) src(%dma_wait3A_68 : memref<8192x256xf32, #tpu.memory_space<hbm>>) dst(%dma_wait3A_62 : memref<96x256xf32, #tpu.memory_space<vmem>>)
    %dma_wait3A_69 = arith.constant 2 : i32
    %dma_wait3A_70 = arith.constant 2 : i32
    %dma_wait3A_71 = arith.constant 0 : i32
    %dma_wait3A_72 = arith.constant 0 : i32
    %dma_wait3A_73 = tpu.memref_slice %arg6[%dma_wait3A_70, %dma_wait3A_71, %dma_wait3A_72] : memref<3x96x256xf32, #tpu.memory_space<vmem>> -> memref<1x96x256xf32, #tpu.memory_space<vmem>>
    %dma_wait3A_74 = tpu.memref_squeeze %dma_wait3A_73 : memref<1x96x256xf32, #tpu.memory_space<vmem>> -> memref<96x256xf32, #tpu.memory_space<vmem>>
    %dma_wait3A_75 = arith.constant 0 : i32
    %dma_wait3A_76 = tpu.memref_slice %arg5[%dma_wait3A_69, %dma_wait3A_75] : memref<3x96xi32, #tpu.memory_space<vmem>> -> memref<1x96xi32, #tpu.memory_space<vmem>>
    %dma_wait3A_77 = tpu.memref_squeeze %dma_wait3A_76 : memref<1x96xi32, #tpu.memory_space<vmem>> -> memref<96xi32, #tpu.memory_space<vmem>>
    %dma_wait3A_78 = arith.constant 0 : i32
    %dma_wait3A_79 = arith.constant 0 : i32
    %dma_wait3A_80 = tpu.memref_slice %arg2[%dma_wait3A_78, %dma_wait3A_79] : memref<8192x256xf32, #tpu.memory_space<hbm>> -> memref<8192x256xf32, #tpu.memory_space<hbm>>
    tpu.wait_indirect_dma semaphore(%arg7 : memref<!tpu.dma_semaphore, #tpu.memory_space<semaphore_mem>>) src(%dma_wait3A_80 : memref<8192x256xf32, #tpu.memory_space<hbm>>) dst(%dma_wait3A_74 : memref<96x256xf32, #tpu.memory_space<vmem>>)
    %add3A_81 = arith.constant 0 : i32
    %add3A_82 = arith.addi %mul3A_2, %add3A_81 : i32
    %run_scoped3A_83 = arith.constant 0 : i32
    "tpu.region"() ({
      %run_scoped3A_90 = tpu.sem_alloc : memref<!tpu.dma_semaphore, #tpu.memory_space<semaphore_mem>>
      %dma_start3A_91 = arith.constant 0 : i32
      %dma_start3A_92 = arith.constant 0 : i32
      %dma_start3A_93 = tpu.memref_slice %arg6[%run_scoped3A_83, %dma_start3A_91, %dma_start3A_92] : memref<3x96x256xf32, #tpu.memory_space<vmem>> -> memref<1x96x256xf32, #tpu.memory_space<vmem>>
      %dma_start3A_94 = tpu.memref_squeeze %dma_start3A_93 : memref<1x96x256xf32, #tpu.memory_space<vmem>> -> memref<96x256xf32, #tpu.memory_space<vmem>>
      %dma_start3A_95 = arith.constant 0 : i32
      %dma_start3A_96 = tpu.memref_slice %arg4[%add3A_82, %dma_start3A_95] : memref<9216x256xf32, #tpu.memory_space<hbm>> -> memref<96x256xf32, #tpu.memory_space<hbm>>
      %dma_start3A_97 = arith.constant 0 : i32
      %dma_start3A_98 = tpu.memref_slice %arg4[%add3A_82, %dma_start3A_97] : memref<9216x256xf32, #tpu.memory_space<hbm>> -> memref<96x256xf32, #tpu.memory_space<hbm>>
      %dma_start3A_99 = arith.constant 0 : i32
      %dma_start3A_100 = arith.constant 0 : i32
      %dma_start3A_101 = tpu.memref_slice %arg6[%run_scoped3A_83, %dma_start3A_99, %dma_start3A_100] : memref<3x96x256xf32, #tpu.memory_space<vmem>> -> memref<1x96x256xf32, #tpu.memory_space<vmem>>
      %dma_start3A_102 = tpu.memref_squeeze %dma_start3A_101 : memref<1x96x256xf32, #tpu.memory_space<vmem>> -> memref<96x256xf32, #tpu.memory_space<vmem>>
      tpu.enqueue_dma source(%dma_start3A_102 : memref<96x256xf32, #tpu.memory_space<vmem>>) target(%dma_start3A_98 : memref<96x256xf32, #tpu.memory_space<hbm>>) target_semaphore(%run_scoped3A_90 : memref<!tpu.dma_semaphore, #tpu.memory_space<semaphore_mem>>)
      %dma_wait3A_103 = arith.constant 0 : i32
      %dma_wait3A_104 = arith.constant 0 : i32
      %dma_wait3A_105 = tpu.memref_slice %arg6[%run_scoped3A_83, %dma_wait3A_103, %dma_wait3A_104] : memref<3x96x256xf32, #tpu.memory_space<vmem>> -> memref<1x96x256xf32, #tpu.memory_space<vmem>>
      %dma_wait3A_106 = tpu.memref_squeeze %dma_wait3A_105 : memref<1x96x256xf32, #tpu.memory_space<vmem>> -> memref<96x256xf32, #tpu.memory_space<vmem>>
      %dma_wait3A_107 = arith.constant 0 : i32
      %dma_wait3A_108 = tpu.memref_slice %arg4[%add3A_82, %dma_wait3A_107] : memref<9216x256xf32, #tpu.memory_space<hbm>> -> memref<96x256xf32, #tpu.memory_space<hbm>>
      %dma_wait3A_109 = arith.constant 0 : i32
      %dma_wait3A_110 = tpu.memref_slice %arg4[%add3A_82, %dma_wait3A_109] : memref<9216x256xf32, #tpu.memory_space<hbm>> -> memref<96x256xf32, #tpu.memory_space<hbm>>
      %dma_wait3A_111 = arith.constant 0 : i32
      %dma_wait3A_112 = arith.constant 0 : i32
      %dma_wait3A_113 = tpu.memref_slice %arg6[%run_scoped3A_83, %dma_wait3A_111, %dma_wait3A_112] : memref<3x96x256xf32, #tpu.memory_space<vmem>> -> memref<1x96x256xf32, #tpu.memory_space<vmem>>
      %dma_wait3A_114 = tpu.memref_squeeze %dma_wait3A_113 : memref<1x96x256xf32, #tpu.memory_space<vmem>> -> memref<96x256xf32, #tpu.memory_space<vmem>>
      tpu.wait_dma2 semaphore(%run_scoped3A_90 : memref<!tpu.dma_semaphore, #tpu.memory_space<semaphore_mem>>) src(%dma_wait3A_114 : memref<96x256xf32, #tpu.memory_space<vmem>>) dst(%dma_wait3A_110 : memref<96x256xf32, #tpu.memory_space<hbm>>)
      tpu.yield
    }) : () -> ()
    %add3A_84 = arith.constant 96 : i32
    %add3A_85 = arith.addi %mul3A_2, %add3A_84 : i32
    %run_scoped3A_86 = arith.constant 1 : i32
    "tpu.region"() ({
      %run_scoped3A_90 = tpu.sem_alloc : memref<!tpu.dma_semaphore, #tpu.memory_space<semaphore_mem>>
      %dma_start3A_91 = arith.constant 0 : i32
      %dma_start3A_92 = arith.constant 0 : i32
      %dma_start3A_93 = tpu.memref_slice %arg6[%run_scoped3A_86, %dma_start3A_91, %dma_start3A_92] : memref<3x96x256xf32, #tpu.memory_space<vmem>> -> memref<1x96x256xf32, #tpu.memory_space<vmem>>
      %dma_start3A_94 = tpu.memref_squeeze %dma_start3A_93 : memref<1x96x256xf32, #tpu.memory_space<vmem>> -> memref<96x256xf32, #tpu.memory_space<vmem>>
      %dma_start3A_95 = arith.constant 0 : i32
      %dma_start3A_96 = tpu.memref_slice %arg4[%add3A_85, %dma_start3A_95] : memref<9216x256xf32, #tpu.memory_space<hbm>> -> memref<96x256xf32, #tpu.memory_space<hbm>>
      %dma_start3A_97 = arith.constant 0 : i32
      %dma_start3A_98 = tpu.memref_slice %arg4[%add3A_85, %dma_start3A_97] : memref<9216x256xf32, #tpu.memory_space<hbm>> -> memref<96x256xf32, #tpu.memory_space<hbm>>
      %dma_start3A_99 = arith.constant 0 : i32
      %dma_start3A_100 = arith.constant 0 : i32
      %dma_start3A_101 = tpu.memref_slice %arg6[%run_scoped3A_86, %dma_start3A_99, %dma_start3A_100] : memref<3x96x256xf32, #tpu.memory_space<vmem>> -> memref<1x96x256xf32, #tpu.memory_space<vmem>>
      %dma_start3A_102 = tpu.memref_squeeze %dma_start3A_101 : memref<1x96x256xf32, #tpu.memory_space<vmem>> -> memref<96x256xf32, #tpu.memory_space<vmem>>
      tpu.enqueue_dma source(%dma_start3A_102 : memref<96x256xf32, #tpu.memory_space<vmem>>) target(%dma_start3A_98 : memref<96x256xf32, #tpu.memory_space<hbm>>) target_semaphore(%run_scoped3A_90 : memref<!tpu.dma_semaphore, #tpu.memory_space<semaphore_mem>>)
      %dma_wait3A_103 = arith.constant 0 : i32
      %dma_wait3A_104 = arith.constant 0 : i32
      %dma_wait3A_105 = tpu.memref_slice %arg6[%run_scoped3A_86, %dma_wait3A_103, %dma_wait3A_104] : memref<3x96x256xf32, #tpu.memory_space<vmem>> -> memref<1x96x256xf32, #tpu.memory_space<vmem>>
      %dma_wait3A_106 = tpu.memref_squeeze %dma_wait3A_105 : memref<1x96x256xf32, #tpu.memory_space<vmem>> -> memref<96x256xf32, #tpu.memory_space<vmem>>
      %dma_wait3A_107 = arith.constant 0 : i32
      %dma_wait3A_108 = tpu.memref_slice %arg4[%add3A_85, %dma_wait3A_107] : memref<9216x256xf32, #tpu.memory_space<hbm>> -> memref<96x256xf32, #tpu.memory_space<hbm>>
      %dma_wait3A_109 = arith.constant 0 : i32
      %dma_wait3A_110 = tpu.memref_slice %arg4[%add3A_85, %dma_wait3A_109] : memref<9216x256xf32, #tpu.memory_space<hbm>> -> memref<96x256xf32, #tpu.memory_space<hbm>>
      %dma_wait3A_111 = arith.constant 0 : i32
      %dma_wait3A_112 = arith.constant 0 : i32
      %dma_wait3A_113 = tpu.memref_slice %arg6[%run_scoped3A_86, %dma_wait3A_111, %dma_wait3A_112] : memref<3x96x256xf32, #tpu.memory_space<vmem>> -> memref<1x96x256xf32, #tpu.memory_space<vmem>>
      %dma_wait3A_114 = tpu.memref_squeeze %dma_wait3A_113 : memref<1x96x256xf32, #tpu.memory_space<vmem>> -> memref<96x256xf32, #tpu.memory_space<vmem>>
      tpu.wait_dma2 semaphore(%run_scoped3A_90 : memref<!tpu.dma_semaphore, #tpu.memory_space<semaphore_mem>>) src(%dma_wait3A_114 : memref<96x256xf32, #tpu.memory_space<vmem>>) dst(%dma_wait3A_110 : memref<96x256xf32, #tpu.memory_space<hbm>>)
      tpu.yield
    }) : () -> ()
    %add3A_87 = arith.constant 192 : i32
    %add3A_88 = arith.addi %mul3A_2, %add3A_87 : i32
    %run_scoped3A_89 = arith.constant 2 : i32
    "tpu.region"() ({
      %run_scoped3A_90 = tpu.sem_alloc : memref<!tpu.dma_semaphore, #tpu.memory_space<semaphore_mem>>
      %dma_start3A_91 = arith.constant 0 : i32
      %dma_start3A_92 = arith.constant 0 : i32
      %dma_start3A_93 = tpu.memref_slice %arg6[%run_scoped3A_89, %dma_start3A_91, %dma_start3A_92] : memref<3x96x256xf32, #tpu.memory_space<vmem>> -> memref<1x96x256xf32, #tpu.memory_space<vmem>>
      %dma_start3A_94 = tpu.memref_squeeze %dma_start3A_93 : memref<1x96x256xf32, #tpu.memory_space<vmem>> -> memref<96x256xf32, #tpu.memory_space<vmem>>
      %dma_start3A_95 = arith.constant 0 : i32
      %dma_start3A_96 = tpu.memref_slice %arg4[%add3A_88, %dma_start3A_95] : memref<9216x256xf32, #tpu.memory_space<hbm>> -> memref<96x256xf32, #tpu.memory_space<hbm>>
      %dma_start3A_97 = arith.constant 0 : i32
      %dma_start3A_98 = tpu.memref_slice %arg4[%add3A_88, %dma_start3A_97] : memref<9216x256xf32, #tpu.memory_space<hbm>> -> memref<96x256xf32, #tpu.memory_space<hbm>>
      %dma_start3A_99 = arith.constant 0 : i32
      %dma_start3A_100 = arith.constant 0 : i32
      %dma_start3A_101 = tpu.memref_slice %arg6[%run_scoped3A_89, %dma_start3A_99, %dma_start3A_100] : memref<3x96x256xf32, #tpu.memory_space<vmem>> -> memref<1x96x256xf32, #tpu.memory_space<vmem>>
      %dma_start3A_102 = tpu.memref_squeeze %dma_start3A_101 : memref<1x96x256xf32, #tpu.memory_space<vmem>> -> memref<96x256xf32, #tpu.memory_space<vmem>>
      tpu.enqueue_dma source(%dma_start3A_102 : memref<96x256xf32, #tpu.memory_space<vmem>>) target(%dma_start3A_98 : memref<96x256xf32, #tpu.memory_space<hbm>>) target_semaphore(%run_scoped3A_90 : memref<!tpu.dma_semaphore, #tpu.memory_space<semaphore_mem>>)
      %dma_wait3A_103 = arith.constant 0 : i32
      %dma_wait3A_104 = arith.constant 0 : i32
      %dma_wait3A_105 = tpu.memref_slice %arg6[%run_scoped3A_89, %dma_wait3A_103, %dma_wait3A_104] : memref<3x96x256xf32, #tpu.memory_space<vmem>> -> memref<1x96x256xf32, #tpu.memory_space<vmem>>
      %dma_wait3A_106 = tpu.memref_squeeze %dma_wait3A_105 : memref<1x96x256xf32, #tpu.memory_space<vmem>> -> memref<96x256xf32, #tpu.memory_space<vmem>>
      %dma_wait3A_107 = arith.constant 0 : i32
      %dma_wait3A_108 = tpu.memref_slice %arg4[%add3A_88, %dma_wait3A_107] : memref<9216x256xf32, #tpu.memory_space<hbm>> -> memref<96x256xf32, #tpu.memory_space<hbm>>
      %dma_wait3A_109 = arith.constant 0 : i32
      %dma_wait3A_110 = tpu.memref_slice %arg4[%add3A_88, %dma_wait3A_109] : memref<9216x256xf32, #tpu.memory_space<hbm>> -> memref<96x256xf32, #tpu.memory_space<hbm>>
      %dma_wait3A_111 = arith.constant 0 : i32
      %dma_wait3A_112 = arith.constant 0 : i32
      %dma_wait3A_113 = tpu.memref_slice %arg6[%run_scoped3A_89, %dma_wait3A_111, %dma_wait3A_112] : memref<3x96x256xf32, #tpu.memory_space<vmem>> -> memref<1x96x256xf32, #tpu.memory_space<vmem>>
      %dma_wait3A_114 = tpu.memref_squeeze %dma_wait3A_113 : memref<1x96x256xf32, #tpu.memory_space<vmem>> -> memref<96x256xf32, #tpu.memory_space<vmem>>
      tpu.wait_dma2 semaphore(%run_scoped3A_90 : memref<!tpu.dma_semaphore, #tpu.memory_space<semaphore_mem>>) src(%dma_wait3A_114 : memref<96x256xf32, #tpu.memory_space<vmem>>) dst(%dma_wait3A_110 : memref<96x256xf32, #tpu.memory_space<hbm>>)
      tpu.yield
    }) : () -> ()
    return
  }
}

module attributes {stable_mosaic.version = 14 : i64} {
  func.func @_proj_dist0_body(%arg0: i32, %arg1: memref<1024x768xf32, #tpu.memory_space<vmem>>, %arg2: memref<768x256xf32, #tpu.memory_space<vmem>>, %arg3: memref<1x256xf32, #tpu.memory_space<vmem>>, %arg4: memref<8192x256xf32, #tpu.memory_space<vmem>>, %arg5: memref<1x8192xf32, #tpu.memory_space<vmem>>, %arg6: memref<1024x256xf32, #tpu.memory_space<vmem>>, %arg7: memref<1024xi32, #tpu.memory_space<vmem>>) attributes {dimension_semantics = [#tpu.dimension_semantics<parallel>], iteration_bounds = array<i64: 9>, scalar_prefetch = 0 : i64, scratch_operands = 0 : i64, tpu.core_type = #tpu.core_type<tc>, window_params = [{transform_indices = @transform_0, window_bounds = array<i64: 1024, 768>}, {pipeline_mode = #tpu.pipeline_mode<synchronous>, transform_indices = @transform_1, window_bounds = array<i64: 768, 256>}, {pipeline_mode = #tpu.pipeline_mode<synchronous>, transform_indices = @transform_2, window_bounds = array<i64: 1, 256>}, {pipeline_mode = #tpu.pipeline_mode<synchronous>, transform_indices = @transform_3, window_bounds = array<i64: 8192, 256>}, {pipeline_mode = #tpu.pipeline_mode<synchronous>, transform_indices = @transform_4, window_bounds = array<i64: 1, 8192>}, {transform_indices = @transform_5, window_bounds = array<i64: 1024, 256>}, {transform_indices = @transform_6, window_bounds = array<i64: 1024>}]} {
    %get3A = arith.constant 0 : index
    %get3A_0 = arith.constant 0 : index
    %get3A_1 = vector.load %arg1[%get3A, %get3A_0] : memref<1024x768xf32, #tpu.memory_space<vmem>>, vector<1024x768xf32>
    %get3A_2 = arith.constant 0 : index
    %get3A_3 = arith.constant 0 : index
    %get3A_4 = vector.load %arg2[%get3A_2, %get3A_3] : memref<768x256xf32, #tpu.memory_space<vmem>>, vector<768x256xf32>
    %dot_general3A = arith.constant dense<0.000000e+00> : vector<1024x256xf32>
    %dot_general3A_5 = tpu.matmul %get3A_1, %get3A_4, %dot_general3A {dimension_numbers = #tpu.dot_dimension_numbers<[1], [0], [0], [1], [0, 0, 1, 1], [], []>, transpose_lhs_hint = false} : vector<1024x768xf32>, vector<768x256xf32>, vector<1024x256xf32> -> vector<1024x256xf32>
    %get3A_6 = arith.constant 0 : index
    %get3A_7 = arith.constant 0 : index
    %get3A_8 = vector.load %arg3[%get3A_6, %get3A_7] : memref<1x256xf32, #tpu.memory_space<vmem>>, vector<1x256xf32>
    %add3A = vector.broadcast %get3A_8 : vector<1x256xf32> to vector<1024x256xf32>
    %add3A_9 = arith.addf %dot_general3A_5, %add3A : vector<1024x256xf32>
    %swap3A = arith.constant 0 : index
    %swap3A_10 = arith.constant 0 : index
    %swap3A_11 = vector.load %arg6[%swap3A, %swap3A_10] : memref<1024x256xf32, #tpu.memory_space<vmem>>, vector<1024x256xf32>
    tpu.vector_store %arg6[%swap3A, %swap3A_10], %add3A_9 {strides = array<i32>} : memref<1024x256xf32, #tpu.memory_space<vmem>>, vector<1024x256xf32>,
    %mul3A = arith.mulf %add3A_9, %add3A_9 : vector<1024x256xf32>
    %reduce_sum3A = arith.constant dense<0.000000e+00> : vector<1024xf32>
    %reduce_sum3A_12 = vector.multi_reduction <add>, %mul3A, %reduce_sum3A [1] : vector<1024x256xf32> to vector<1024xf32>
    %broadcast_in_dim3A = vector.shape_cast %reduce_sum3A_12 : vector<1024xf32> to vector<1024x1xf32>
    %mul3A_13 = arith.constant -2.000000e+00 : f32
    %mul3A_14 = vector.broadcast %mul3A_13 : f32 to vector<1024x256xf32>
    %mul3A_15 = arith.mulf %add3A_9, %mul3A_14 : vector<1024x256xf32>
    %get3A_16 = arith.constant 0 : index
    %get3A_17 = arith.constant 0 : index
    %get3A_18 = vector.load %arg4[%get3A_16, %get3A_17] : memref<8192x256xf32, #tpu.memory_space<vmem>>, vector<8192x256xf32>
    %dot_general3A_19 = arith.constant dense<0.000000e+00> : vector<1024x8192xf32>
    %dot_general3A_20 = tpu.matmul %mul3A_15, %get3A_18, %dot_general3A_19 {dimension_numbers = #tpu.dot_dimension_numbers<[1], [1], [0], [0], [0, 0, 1, 0], [], []>, transpose_lhs_hint = false} : vector<1024x256xf32>, vector<8192x256xf32>, vector<1024x8192xf32> -> vector<1024x8192xf32>
    %get3A_21 = arith.constant 0 : index
    %get3A_22 = arith.constant 0 : index
    %get3A_23 = vector.load %arg5[%get3A_21, %get3A_22] : memref<1x8192xf32, #tpu.memory_space<vmem>>, vector<1x8192xf32>
    %slice3A = vector.extract_strided_slice %get3A_23 {offsets = [0, 0], sizes = [1, 128], strides = [1, 1]} : vector<1x8192xf32> to vector<1x128xf32>
    %add3A_24 = vector.broadcast %broadcast_in_dim3A : vector<1024x1xf32> to vector<1024x128xf32>
    %add3A_25 = vector.broadcast %slice3A : vector<1x128xf32> to vector<1024x128xf32>
    %add3A_26 = arith.addf %add3A_24, %add3A_25 : vector<1024x128xf32>
    %slice3A_27 = vector.extract_strided_slice %dot_general3A_20 {offsets = [0, 0], sizes = [1024, 128], strides = [1, 1]} : vector<1024x8192xf32> to vector<1024x128xf32>
    %add3A_28 = arith.addf %add3A_26, %slice3A_27 : vector<1024x128xf32>
    %slice3A_29 = vector.extract_strided_slice %get3A_23 {offsets = [0, 128], sizes = [1, 128], strides = [1, 1]} : vector<1x8192xf32> to vector<1x128xf32>
    %add3A_30 = vector.broadcast %broadcast_in_dim3A : vector<1024x1xf32> to vector<1024x128xf32>
    %add3A_31 = vector.broadcast %slice3A_29 : vector<1x128xf32> to vector<1024x128xf32>
    %add3A_32 = arith.addf %add3A_30, %add3A_31 : vector<1024x128xf32>
    %slice3A_33 = vector.extract_strided_slice %dot_general3A_20 {offsets = [0, 128], sizes = [1024, 128], strides = [1, 1]} : vector<1024x8192xf32> to vector<1024x128xf32>
    %add3A_34 = arith.addf %add3A_32, %slice3A_33 : vector<1024x128xf32>
    %min3A = arith.minimumf %add3A_28, %add3A_34 : vector<1024x128xf32>
    %le3A = arith.cmpf ole, %add3A_28, %add3A_34 : vector<1024x128xf32>
    %jit3A = arith.constant 0.000000e+00 : f32
    %jit3A_35 = arith.constant 1.000000e+00 : f32
    %broadcast_in_dim3A_36 = vector.broadcast %jit3A : f32 to vector<1024x128xf32>
    %broadcast_in_dim3A_37 = vector.broadcast %jit3A_35 : f32 to vector<1024x128xf32>
    %select_n3A = arith.select %le3A, %broadcast_in_dim3A_36, %broadcast_in_dim3A_37 : vector<1024x128xi1>, vector<1024x128xf32>
    %slice3A_38 = vector.extract_strided_slice %get3A_23 {offsets = [0, 256], sizes = [1, 128], strides = [1, 1]} : vector<1x8192xf32> to vector<1x128xf32>
    %add3A_39 = vector.broadcast %broadcast_in_dim3A : vector<1024x1xf32> to vector<1024x128xf32>
    %add3A_40 = vector.broadcast %slice3A_38 : vector<1x128xf32> to vector<1024x128xf32>
    %add3A_41 = arith.addf %add3A_39, %add3A_40 : vector<1024x128xf32>
    %slice3A_42 = vector.extract_strided_slice %dot_general3A_20 {offsets = [0, 256], sizes = [1024, 128], strides = [1, 1]} : vector<1024x8192xf32> to vector<1024x128xf32>
    %add3A_43 = arith.addf %add3A_41, %slice3A_42 : vector<1024x128xf32>
    %slice3A_44 = vector.extract_strided_slice %get3A_23 {offsets = [0, 384], sizes = [1, 128], strides = [1, 1]} : vector<1x8192xf32> to vector<1x128xf32>
    %add3A_45 = vector.broadcast %broadcast_in_dim3A : vector<1024x1xf32> to vector<1024x128xf32>
    %add3A_46 = vector.broadcast %slice3A_44 : vector<1x128xf32> to vector<1024x128xf32>
    %add3A_47 = arith.addf %add3A_45, %add3A_46 : vector<1024x128xf32>
    %slice3A_48 = vector.extract_strided_slice %dot_general3A_20 {offsets = [0, 384], sizes = [1024, 128], strides = [1, 1]} : vector<1024x8192xf32> to vector<1024x128xf32>
    %add3A_49 = arith.addf %add3A_47, %slice3A_48 : vector<1024x128xf32>
    %min3A_50 = arith.minimumf %add3A_43, %add3A_49 : vector<1024x128xf32>
    %le3A_51 = arith.cmpf ole, %add3A_43, %add3A_49 : vector<1024x128xf32>
    %jit3A_52 = arith.constant 2.000000e+00 : f32
    %jit3A_53 = arith.constant 3.000000e+00 : f32
    %broadcast_in_dim3A_54 = vector.broadcast %jit3A_52 : f32 to vector<1024x128xf32>
    %broadcast_in_dim3A_55 = vector.broadcast %jit3A_53 : f32 to vector<1024x128xf32>
    %select_n3A_56 = arith.select %le3A_51, %broadcast_in_dim3A_54, %broadcast_in_dim3A_55 : vector<1024x128xi1>, vector<1024x128xf32>
    %slice3A_57 = vector.extract_strided_slice %get3A_23 {offsets = [0, 512], sizes = [1, 128], strides = [1, 1]} : vector<1x8192xf32> to vector<1x128xf32>
    %add3A_58 = vector.broadcast %broadcast_in_dim3A : vector<1024x1xf32> to vector<1024x128xf32>
    %add3A_59 = vector.broadcast %slice3A_57 : vector<1x128xf32> to vector<1024x128xf32>
    %add3A_60 = arith.addf %add3A_58, %add3A_59 : vector<1024x128xf32>
    %slice3A_61 = vector.extract_strided_slice %dot_general3A_20 {offsets = [0, 512], sizes = [1024, 128], strides = [1, 1]} : vector<1024x8192xf32> to vector<1024x128xf32>
    %add3A_62 = arith.addf %add3A_60, %slice3A_61 : vector<1024x128xf32>
    %slice3A_63 = vector.extract_strided_slice %get3A_23 {offsets = [0, 640], sizes = [1, 128], strides = [1, 1]} : vector<1x8192xf32> to vector<1x128xf32>
    %add3A_64 = vector.broadcast %broadcast_in_dim3A : vector<1024x1xf32> to vector<1024x128xf32>
    %add3A_65 = vector.broadcast %slice3A_63 : vector<1x128xf32> to vector<1024x128xf32>
    %add3A_66 = arith.addf %add3A_64, %add3A_65 : vector<1024x128xf32>
    %slice3A_67 = vector.extract_strided_slice %dot_general3A_20 {offsets = [0, 640], sizes = [1024, 128], strides = [1, 1]} : vector<1024x8192xf32> to vector<1024x128xf32>
    %add3A_68 = arith.addf %add3A_66, %slice3A_67 : vector<1024x128xf32>
    %min3A_69 = arith.minimumf %add3A_62, %add3A_68 : vector<1024x128xf32>
    %le3A_70 = arith.cmpf ole, %add3A_62, %add3A_68 : vector<1024x128xf32>
    %jit3A_71 = arith.constant 4.000000e+00 : f32
    %jit3A_72 = arith.constant 5.000000e+00 : f32
    %broadcast_in_dim3A_73 = vector.broadcast %jit3A_71 : f32 to vector<1024x128xf32>
    %broadcast_in_dim3A_74 = vector.broadcast %jit3A_72 : f32 to vector<1024x128xf32>
    %select_n3A_75 = arith.select %le3A_70, %broadcast_in_dim3A_73, %broadcast_in_dim3A_74 : vector<1024x128xi1>, vector<1024x128xf32>
    %slice3A_76 = vector.extract_strided_slice %get3A_23 {offsets = [0, 768], sizes = [1, 128], strides = [1, 1]} : vector<1x8192xf32> to vector<1x128xf32>
    %add3A_77 = vector.broadcast %broadcast_in_dim3A : vector<1024x1xf32> to vector<1024x128xf32>
    %add3A_78 = vector.broadcast %slice3A_76 : vector<1x128xf32> to vector<1024x128xf32>
    %add3A_79 = arith.addf %add3A_77, %add3A_78 : vector<1024x128xf32>
    %slice3A_80 = vector.extract_strided_slice %dot_general3A_20 {offsets = [0, 768], sizes = [1024, 128], strides = [1, 1]} : vector<1024x8192xf32> to vector<1024x128xf32>
    %add3A_81 = arith.addf %add3A_79, %slice3A_80 : vector<1024x128xf32>
    %slice3A_82 = vector.extract_strided_slice %get3A_23 {offsets = [0, 896], sizes = [1, 128], strides = [1, 1]} : vector<1x8192xf32> to vector<1x128xf32>
    %add3A_83 = vector.broadcast %broadcast_in_dim3A : vector<1024x1xf32> to vector<1024x128xf32>
    %add3A_84 = vector.broadcast %slice3A_82 : vector<1x128xf32> to vector<1024x128xf32>
    %add3A_85 = arith.addf %add3A_83, %add3A_84 : vector<1024x128xf32>
    %slice3A_86 = vector.extract_strided_slice %dot_general3A_20 {offsets = [0, 896], sizes = [1024, 128], strides = [1, 1]} : vector<1024x8192xf32> to vector<1024x128xf32>
    %add3A_87 = arith.addf %add3A_85, %slice3A_86 : vector<1024x128xf32>
    %min3A_88 = arith.minimumf %add3A_81, %add3A_87 : vector<1024x128xf32>
    %le3A_89 = arith.cmpf ole, %add3A_81, %add3A_87 : vector<1024x128xf32>
    %jit3A_90 = arith.constant 6.000000e+00 : f32
    %jit3A_91 = arith.constant 7.000000e+00 : f32
    %broadcast_in_dim3A_92 = vector.broadcast %jit3A_90 : f32 to vector<1024x128xf32>
    %broadcast_in_dim3A_93 = vector.broadcast %jit3A_91 : f32 to vector<1024x128xf32>
    %select_n3A_94 = arith.select %le3A_89, %broadcast_in_dim3A_92, %broadcast_in_dim3A_93 : vector<1024x128xi1>, vector<1024x128xf32>
    %slice3A_95 = vector.extract_strided_slice %get3A_23 {offsets = [0, 1024], sizes = [1, 128], strides = [1, 1]} : vector<1x8192xf32> to vector<1x128xf32>
    %add3A_96 = vector.broadcast %broadcast_in_dim3A : vector<1024x1xf32> to vector<1024x128xf32>
    %add3A_97 = vector.broadcast %slice3A_95 : vector<1x128xf32> to vector<1024x128xf32>
    %add3A_98 = arith.addf %add3A_96, %add3A_97 : vector<1024x128xf32>
    %slice3A_99 = vector.extract_strided_slice %dot_general3A_20 {offsets = [0, 1024], sizes = [1024, 128], strides = [1, 1]} : vector<1024x8192xf32> to vector<1024x128xf32>
    %add3A_100 = arith.addf %add3A_98, %slice3A_99 : vector<1024x128xf32>
    %slice3A_101 = vector.extract_strided_slice %get3A_23 {offsets = [0, 1152], sizes = [1, 128], strides = [1, 1]} : vector<1x8192xf32> to vector<1x128xf32>
    %add3A_102 = vector.broadcast %broadcast_in_dim3A : vector<1024x1xf32> to vector<1024x128xf32>
    %add3A_103 = vector.broadcast %slice3A_101 : vector<1x128xf32> to vector<1024x128xf32>
    %add3A_104 = arith.addf %add3A_102, %add3A_103 : vector<1024x128xf32>
    %slice3A_105 = vector.extract_strided_slice %dot_general3A_20 {offsets = [0, 1152], sizes = [1024, 128], strides = [1, 1]} : vector<1024x8192xf32> to vector<1024x128xf32>
    %add3A_106 = arith.addf %add3A_104, %slice3A_105 : vector<1024x128xf32>
    %min3A_107 = arith.minimumf %add3A_100, %add3A_106 : vector<1024x128xf32>
    %le3A_108 = arith.cmpf ole, %add3A_100, %add3A_106 : vector<1024x128xf32>
    %jit3A_109 = arith.constant 8.000000e+00 : f32
    %jit3A_110 = arith.constant 9.000000e+00 : f32
    %broadcast_in_dim3A_111 = vector.broadcast %jit3A_109 : f32 to vector<1024x128xf32>
    %broadcast_in_dim3A_112 = vector.broadcast %jit3A_110 : f32 to vector<1024x128xf32>
    %select_n3A_113 = arith.select %le3A_108, %broadcast_in_dim3A_111, %broadcast_in_dim3A_112 : vector<1024x128xi1>, vector<1024x128xf32>
    %slice3A_114 = vector.extract_strided_slice %get3A_23 {offsets = [0, 1280], sizes = [1, 128], strides = [1, 1]} : vector<1x8192xf32> to vector<1x128xf32>
    %add3A_115 = vector.broadcast %broadcast_in_dim3A : vector<1024x1xf32> to vector<1024x128xf32>
    %add3A_116 = vector.broadcast %slice3A_114 : vector<1x128xf32> to vector<1024x128xf32>
    %add3A_117 = arith.addf %add3A_115, %add3A_116 : vector<1024x128xf32>
    %slice3A_118 = vector.extract_strided_slice %dot_general3A_20 {offsets = [0, 1280], sizes = [1024, 128], strides = [1, 1]} : vector<1024x8192xf32> to vector<1024x128xf32>
    %add3A_119 = arith.addf %add3A_117, %slice3A_118 : vector<1024x128xf32>
    %slice3A_120 = vector.extract_strided_slice %get3A_23 {offsets = [0, 1408], sizes = [1, 128], strides = [1, 1]} : vector<1x8192xf32> to vector<1x128xf32>
    %add3A_121 = vector.broadcast %broadcast_in_dim3A : vector<1024x1xf32> to vector<1024x128xf32>
    %add3A_122 = vector.broadcast %slice3A_120 : vector<1x128xf32> to vector<1024x128xf32>
    %add3A_123 = arith.addf %add3A_121, %add3A_122 : vector<1024x128xf32>
    %slice3A_124 = vector.extract_strided_slice %dot_general3A_20 {offsets = [0, 1408], sizes = [1024, 128], strides = [1, 1]} : vector<1024x8192xf32> to vector<1024x128xf32>
    %add3A_125 = arith.addf %add3A_123, %slice3A_124 : vector<1024x128xf32>
    %min3A_126 = arith.minimumf %add3A_119, %add3A_125 : vector<1024x128xf32>
    %le3A_127 = arith.cmpf ole, %add3A_119, %add3A_125 : vector<1024x128xf32>
    %jit3A_128 = arith.constant 1.000000e+01 : f32
    %jit3A_129 = arith.constant 1.100000e+01 : f32
    %broadcast_in_dim3A_130 = vector.broadcast %jit3A_128 : f32 to vector<1024x128xf32>
    %broadcast_in_dim3A_131 = vector.broadcast %jit3A_129 : f32 to vector<1024x128xf32>
    %select_n3A_132 = arith.select %le3A_127, %broadcast_in_dim3A_130, %broadcast_in_dim3A_131 : vector<1024x128xi1>, vector<1024x128xf32>
    %slice3A_133 = vector.extract_strided_slice %get3A_23 {offsets = [0, 1536], sizes = [1, 128], strides = [1, 1]} : vector<1x8192xf32> to vector<1x128xf32>
    %add3A_134 = vector.broadcast %broadcast_in_dim3A : vector<1024x1xf32> to vector<1024x128xf32>
    %add3A_135 = vector.broadcast %slice3A_133 : vector<1x128xf32> to vector<1024x128xf32>
    %add3A_136 = arith.addf %add3A_134, %add3A_135 : vector<1024x128xf32>
    %slice3A_137 = vector.extract_strided_slice %dot_general3A_20 {offsets = [0, 1536], sizes = [1024, 128], strides = [1, 1]} : vector<1024x8192xf32> to vector<1024x128xf32>
    %add3A_138 = arith.addf %add3A_136, %slice3A_137 : vector<1024x128xf32>
    %slice3A_139 = vector.extract_strided_slice %get3A_23 {offsets = [0, 1664], sizes = [1, 128], strides = [1, 1]} : vector<1x8192xf32> to vector<1x128xf32>
    %add3A_140 = vector.broadcast %broadcast_in_dim3A : vector<1024x1xf32> to vector<1024x128xf32>
    %add3A_141 = vector.broadcast %slice3A_139 : vector<1x128xf32> to vector<1024x128xf32>
    %add3A_142 = arith.addf %add3A_140, %add3A_141 : vector<1024x128xf32>
    %slice3A_143 = vector.extract_strided_slice %dot_general3A_20 {offsets = [0, 1664], sizes = [1024, 128], strides = [1, 1]} : vector<1024x8192xf32> to vector<1024x128xf32>
    %add3A_144 = arith.addf %add3A_142, %slice3A_143 : vector<1024x128xf32>
    %min3A_145 = arith.minimumf %add3A_138, %add3A_144 : vector<1024x128xf32>
    %le3A_146 = arith.cmpf ole, %add3A_138, %add3A_144 : vector<1024x128xf32>
    %jit3A_147 = arith.constant 1.200000e+01 : f32
    %jit3A_148 = arith.constant 1.300000e+01 : f32
    %broadcast_in_dim3A_149 = vector.broadcast %jit3A_147 : f32 to vector<1024x128xf32>
    %broadcast_in_dim3A_150 = vector.broadcast %jit3A_148 : f32 to vector<1024x128xf32>
    %select_n3A_151 = arith.select %le3A_146, %broadcast_in_dim3A_149, %broadcast_in_dim3A_150 : vector<1024x128xi1>, vector<1024x128xf32>
    %slice3A_152 = vector.extract_strided_slice %get3A_23 {offsets = [0, 1792], sizes = [1, 128], strides = [1, 1]} : vector<1x8192xf32> to vector<1x128xf32>
    %add3A_153 = vector.broadcast %broadcast_in_dim3A : vector<1024x1xf32> to vector<1024x128xf32>
    %add3A_154 = vector.broadcast %slice3A_152 : vector<1x128xf32> to vector<1024x128xf32>
    %add3A_155 = arith.addf %add3A_153, %add3A_154 : vector<1024x128xf32>
    %slice3A_156 = vector.extract_strided_slice %dot_general3A_20 {offsets = [0, 1792], sizes = [1024, 128], strides = [1, 1]} : vector<1024x8192xf32> to vector<1024x128xf32>
    %add3A_157 = arith.addf %add3A_155, %slice3A_156 : vector<1024x128xf32>
    %slice3A_158 = vector.extract_strided_slice %get3A_23 {offsets = [0, 1920], sizes = [1, 128], strides = [1, 1]} : vector<1x8192xf32> to vector<1x128xf32>
    %add3A_159 = vector.broadcast %broadcast_in_dim3A : vector<1024x1xf32> to vector<1024x128xf32>
    %add3A_160 = vector.broadcast %slice3A_158 : vector<1x128xf32> to vector<1024x128xf32>
    %add3A_161 = arith.addf %add3A_159, %add3A_160 : vector<1024x128xf32>
    %slice3A_162 = vector.extract_strided_slice %dot_general3A_20 {offsets = [0, 1920], sizes = [1024, 128], strides = [1, 1]} : vector<1024x8192xf32> to vector<1024x128xf32>
    %add3A_163 = arith.addf %add3A_161, %slice3A_162 : vector<1024x128xf32>
    %min3A_164 = arith.minimumf %add3A_157, %add3A_163 : vector<1024x128xf32>
    %le3A_165 = arith.cmpf ole, %add3A_157, %add3A_163 : vector<1024x128xf32>
    %jit3A_166 = arith.constant 1.400000e+01 : f32
    %jit3A_167 = arith.constant 1.500000e+01 : f32
    %broadcast_in_dim3A_168 = vector.broadcast %jit3A_166 : f32 to vector<1024x128xf32>
    %broadcast_in_dim3A_169 = vector.broadcast %jit3A_167 : f32 to vector<1024x128xf32>
    %select_n3A_170 = arith.select %le3A_165, %broadcast_in_dim3A_168, %broadcast_in_dim3A_169 : vector<1024x128xi1>, vector<1024x128xf32>
    %slice3A_171 = vector.extract_strided_slice %get3A_23 {offsets = [0, 2048], sizes = [1, 128], strides = [1, 1]} : vector<1x8192xf32> to vector<1x128xf32>
    %add3A_172 = vector.broadcast %broadcast_in_dim3A : vector<1024x1xf32> to vector<1024x128xf32>
    %add3A_173 = vector.broadcast %slice3A_171 : vector<1x128xf32> to vector<1024x128xf32>
    %add3A_174 = arith.addf %add3A_172, %add3A_173 : vector<1024x128xf32>
    %slice3A_175 = vector.extract_strided_slice %dot_general3A_20 {offsets = [0, 2048], sizes = [1024, 128], strides = [1, 1]} : vector<1024x8192xf32> to vector<1024x128xf32>
    %add3A_176 = arith.addf %add3A_174, %slice3A_175 : vector<1024x128xf32>
    %slice3A_177 = vector.extract_strided_slice %get3A_23 {offsets = [0, 2176], sizes = [1, 128], strides = [1, 1]} : vector<1x8192xf32> to vector<1x128xf32>
    %add3A_178 = vector.broadcast %broadcast_in_dim3A : vector<1024x1xf32> to vector<1024x128xf32>
    %add3A_179 = vector.broadcast %slice3A_177 : vector<1x128xf32> to vector<1024x128xf32>
    %add3A_180 = arith.addf %add3A_178, %add3A_179 : vector<1024x128xf32>
    %slice3A_181 = vector.extract_strided_slice %dot_general3A_20 {offsets = [0, 2176], sizes = [1024, 128], strides = [1, 1]} : vector<1024x8192xf32> to vector<1024x128xf32>
    %add3A_182 = arith.addf %add3A_180, %slice3A_181 : vector<1024x128xf32>
    %min3A_183 = arith.minimumf %add3A_176, %add3A_182 : vector<1024x128xf32>
    %le3A_184 = arith.cmpf ole, %add3A_176, %add3A_182 : vector<1024x128xf32>
    %jit3A_185 = arith.constant 1.600000e+01 : f32
    %jit3A_186 = arith.constant 1.700000e+01 : f32
    %broadcast_in_dim3A_187 = vector.broadcast %jit3A_185 : f32 to vector<1024x128xf32>
    %broadcast_in_dim3A_188 = vector.broadcast %jit3A_186 : f32 to vector<1024x128xf32>
    %select_n3A_189 = arith.select %le3A_184, %broadcast_in_dim3A_187, %broadcast_in_dim3A_188 : vector<1024x128xi1>, vector<1024x128xf32>
    %slice3A_190 = vector.extract_strided_slice %get3A_23 {offsets = [0, 2304], sizes = [1, 128], strides = [1, 1]} : vector<1x8192xf32> to vector<1x128xf32>
    %add3A_191 = vector.broadcast %broadcast_in_dim3A : vector<1024x1xf32> to vector<1024x128xf32>
    %add3A_192 = vector.broadcast %slice3A_190 : vector<1x128xf32> to vector<1024x128xf32>
    %add3A_193 = arith.addf %add3A_191, %add3A_192 : vector<1024x128xf32>
    %slice3A_194 = vector.extract_strided_slice %dot_general3A_20 {offsets = [0, 2304], sizes = [1024, 128], strides = [1, 1]} : vector<1024x8192xf32> to vector<1024x128xf32>
    %add3A_195 = arith.addf %add3A_193, %slice3A_194 : vector<1024x128xf32>
    %slice3A_196 = vector.extract_strided_slice %get3A_23 {offsets = [0, 2432], sizes = [1, 128], strides = [1, 1]} : vector<1x8192xf32> to vector<1x128xf32>
    %add3A_197 = vector.broadcast %broadcast_in_dim3A : vector<1024x1xf32> to vector<1024x128xf32>
    %add3A_198 = vector.broadcast %slice3A_196 : vector<1x128xf32> to vector<1024x128xf32>
    %add3A_199 = arith.addf %add3A_197, %add3A_198 : vector<1024x128xf32>
    %slice3A_200 = vector.extract_strided_slice %dot_general3A_20 {offsets = [0, 2432], sizes = [1024, 128], strides = [1, 1]} : vector<1024x8192xf32> to vector<1024x128xf32>
    %add3A_201 = arith.addf %add3A_199, %slice3A_200 : vector<1024x128xf32>
    %min3A_202 = arith.minimumf %add3A_195, %add3A_201 : vector<1024x128xf32>
    %le3A_203 = arith.cmpf ole, %add3A_195, %add3A_201 : vector<1024x128xf32>
    %jit3A_204 = arith.constant 1.800000e+01 : f32
    %jit3A_205 = arith.constant 1.900000e+01 : f32
    %broadcast_in_dim3A_206 = vector.broadcast %jit3A_204 : f32 to vector<1024x128xf32>
    %broadcast_in_dim3A_207 = vector.broadcast %jit3A_205 : f32 to vector<1024x128xf32>
    %select_n3A_208 = arith.select %le3A_203, %broadcast_in_dim3A_206, %broadcast_in_dim3A_207 : vector<1024x128xi1>, vector<1024x128xf32>
    %slice3A_209 = vector.extract_strided_slice %get3A_23 {offsets = [0, 2560], sizes = [1, 128], strides = [1, 1]} : vector<1x8192xf32> to vector<1x128xf32>
    %add3A_210 = vector.broadcast %broadcast_in_dim3A : vector<1024x1xf32> to vector<1024x128xf32>
    %add3A_211 = vector.broadcast %slice3A_209 : vector<1x128xf32> to vector<1024x128xf32>
    %add3A_212 = arith.addf %add3A_210, %add3A_211 : vector<1024x128xf32>
    %slice3A_213 = vector.extract_strided_slice %dot_general3A_20 {offsets = [0, 2560], sizes = [1024, 128], strides = [1, 1]} : vector<1024x8192xf32> to vector<1024x128xf32>
    %add3A_214 = arith.addf %add3A_212, %slice3A_213 : vector<1024x128xf32>
    %slice3A_215 = vector.extract_strided_slice %get3A_23 {offsets = [0, 2688], sizes = [1, 128], strides = [1, 1]} : vector<1x8192xf32> to vector<1x128xf32>
    %add3A_216 = vector.broadcast %broadcast_in_dim3A : vector<1024x1xf32> to vector<1024x128xf32>
    %add3A_217 = vector.broadcast %slice3A_215 : vector<1x128xf32> to vector<1024x128xf32>
    %add3A_218 = arith.addf %add3A_216, %add3A_217 : vector<1024x128xf32>
    %slice3A_219 = vector.extract_strided_slice %dot_general3A_20 {offsets = [0, 2688], sizes = [1024, 128], strides = [1, 1]} : vector<1024x8192xf32> to vector<1024x128xf32>
    %add3A_220 = arith.addf %add3A_218, %slice3A_219 : vector<1024x128xf32>
    %min3A_221 = arith.minimumf %add3A_214, %add3A_220 : vector<1024x128xf32>
    %le3A_222 = arith.cmpf ole, %add3A_214, %add3A_220 : vector<1024x128xf32>
    %jit3A_223 = arith.constant 2.000000e+01 : f32
    %jit3A_224 = arith.constant 2.100000e+01 : f32
    %broadcast_in_dim3A_225 = vector.broadcast %jit3A_223 : f32 to vector<1024x128xf32>
    %broadcast_in_dim3A_226 = vector.broadcast %jit3A_224 : f32 to vector<1024x128xf32>
    %select_n3A_227 = arith.select %le3A_222, %broadcast_in_dim3A_225, %broadcast_in_dim3A_226 : vector<1024x128xi1>, vector<1024x128xf32>
    %slice3A_228 = vector.extract_strided_slice %get3A_23 {offsets = [0, 2816], sizes = [1, 128], strides = [1, 1]} : vector<1x8192xf32> to vector<1x128xf32>
    %add3A_229 = vector.broadcast %broadcast_in_dim3A : vector<1024x1xf32> to vector<1024x128xf32>
    %add3A_230 = vector.broadcast %slice3A_228 : vector<1x128xf32> to vector<1024x128xf32>
    %add3A_231 = arith.addf %add3A_229, %add3A_230 : vector<1024x128xf32>
    %slice3A_232 = vector.extract_strided_slice %dot_general3A_20 {offsets = [0, 2816], sizes = [1024, 128], strides = [1, 1]} : vector<1024x8192xf32> to vector<1024x128xf32>
    %add3A_233 = arith.addf %add3A_231, %slice3A_232 : vector<1024x128xf32>
    %slice3A_234 = vector.extract_strided_slice %get3A_23 {offsets = [0, 2944], sizes = [1, 128], strides = [1, 1]} : vector<1x8192xf32> to vector<1x128xf32>
    %add3A_235 = vector.broadcast %broadcast_in_dim3A : vector<1024x1xf32> to vector<1024x128xf32>
    %add3A_236 = vector.broadcast %slice3A_234 : vector<1x128xf32> to vector<1024x128xf32>
    %add3A_237 = arith.addf %add3A_235, %add3A_236 : vector<1024x128xf32>
    %slice3A_238 = vector.extract_strided_slice %dot_general3A_20 {offsets = [0, 2944], sizes = [1024, 128], strides = [1, 1]} : vector<1024x8192xf32> to vector<1024x128xf32>
    %add3A_239 = arith.addf %add3A_237, %slice3A_238 : vector<1024x128xf32>
    %min3A_240 = arith.minimumf %add3A_233, %add3A_239 : vector<1024x128xf32>
    %le3A_241 = arith.cmpf ole, %add3A_233, %add3A_239 : vector<1024x128xf32>
    %jit3A_242 = arith.constant 2.200000e+01 : f32
    %jit3A_243 = arith.constant 2.300000e+01 : f32
    %broadcast_in_dim3A_244 = vector.broadcast %jit3A_242 : f32 to vector<1024x128xf32>
    %broadcast_in_dim3A_245 = vector.broadcast %jit3A_243 : f32 to vector<1024x128xf32>
    %select_n3A_246 = arith.select %le3A_241, %broadcast_in_dim3A_244, %broadcast_in_dim3A_245 : vector<1024x128xi1>, vector<1024x128xf32>
    %slice3A_247 = vector.extract_strided_slice %get3A_23 {offsets = [0, 3072], sizes = [1, 128], strides = [1, 1]} : vector<1x8192xf32> to vector<1x128xf32>
    %add3A_248 = vector.broadcast %broadcast_in_dim3A : vector<1024x1xf32> to vector<1024x128xf32>
    %add3A_249 = vector.broadcast %slice3A_247 : vector<1x128xf32> to vector<1024x128xf32>
    %add3A_250 = arith.addf %add3A_248, %add3A_249 : vector<1024x128xf32>
    %slice3A_251 = vector.extract_strided_slice %dot_general3A_20 {offsets = [0, 3072], sizes = [1024, 128], strides = [1, 1]} : vector<1024x8192xf32> to vector<1024x128xf32>
    %add3A_252 = arith.addf %add3A_250, %slice3A_251 : vector<1024x128xf32>
    %slice3A_253 = vector.extract_strided_slice %get3A_23 {offsets = [0, 3200], sizes = [1, 128], strides = [1, 1]} : vector<1x8192xf32> to vector<1x128xf32>
    %add3A_254 = vector.broadcast %broadcast_in_dim3A : vector<1024x1xf32> to vector<1024x128xf32>
    %add3A_255 = vector.broadcast %slice3A_253 : vector<1x128xf32> to vector<1024x128xf32>
    %add3A_256 = arith.addf %add3A_254, %add3A_255 : vector<1024x128xf32>
    %slice3A_257 = vector.extract_strided_slice %dot_general3A_20 {offsets = [0, 3200], sizes = [1024, 128], strides = [1, 1]} : vector<1024x8192xf32> to vector<1024x128xf32>
    %add3A_258 = arith.addf %add3A_256, %slice3A_257 : vector<1024x128xf32>
    %min3A_259 = arith.minimumf %add3A_252, %add3A_258 : vector<1024x128xf32>
    %le3A_260 = arith.cmpf ole, %add3A_252, %add3A_258 : vector<1024x128xf32>
    %jit3A_261 = arith.constant 2.400000e+01 : f32
    %jit3A_262 = arith.constant 2.500000e+01 : f32
    %broadcast_in_dim3A_263 = vector.broadcast %jit3A_261 : f32 to vector<1024x128xf32>
    %broadcast_in_dim3A_264 = vector.broadcast %jit3A_262 : f32 to vector<1024x128xf32>
    %select_n3A_265 = arith.select %le3A_260, %broadcast_in_dim3A_263, %broadcast_in_dim3A_264 : vector<1024x128xi1>, vector<1024x128xf32>
    %slice3A_266 = vector.extract_strided_slice %get3A_23 {offsets = [0, 3328], sizes = [1, 128], strides = [1, 1]} : vector<1x8192xf32> to vector<1x128xf32>
    %add3A_267 = vector.broadcast %broadcast_in_dim3A : vector<1024x1xf32> to vector<1024x128xf32>
    %add3A_268 = vector.broadcast %slice3A_266 : vector<1x128xf32> to vector<1024x128xf32>
    %add3A_269 = arith.addf %add3A_267, %add3A_268 : vector<1024x128xf32>
    %slice3A_270 = vector.extract_strided_slice %dot_general3A_20 {offsets = [0, 3328], sizes = [1024, 128], strides = [1, 1]} : vector<1024x8192xf32> to vector<1024x128xf32>
    %add3A_271 = arith.addf %add3A_269, %slice3A_270 : vector<1024x128xf32>
    %slice3A_272 = vector.extract_strided_slice %get3A_23 {offsets = [0, 3456], sizes = [1, 128], strides = [1, 1]} : vector<1x8192xf32> to vector<1x128xf32>
    %add3A_273 = vector.broadcast %broadcast_in_dim3A : vector<1024x1xf32> to vector<1024x128xf32>
    %add3A_274 = vector.broadcast %slice3A_272 : vector<1x128xf32> to vector<1024x128xf32>
    %add3A_275 = arith.addf %add3A_273, %add3A_274 : vector<1024x128xf32>
    %slice3A_276 = vector.extract_strided_slice %dot_general3A_20 {offsets = [0, 3456], sizes = [1024, 128], strides = [1, 1]} : vector<1024x8192xf32> to vector<1024x128xf32>
    %add3A_277 = arith.addf %add3A_275, %slice3A_276 : vector<1024x128xf32>
    %min3A_278 = arith.minimumf %add3A_271, %add3A_277 : vector<1024x128xf32>
    %le3A_279 = arith.cmpf ole, %add3A_271, %add3A_277 : vector<1024x128xf32>
    %jit3A_280 = arith.constant 2.600000e+01 : f32
    %jit3A_281 = arith.constant 2.700000e+01 : f32
    %broadcast_in_dim3A_282 = vector.broadcast %jit3A_280 : f32 to vector<1024x128xf32>
    %broadcast_in_dim3A_283 = vector.broadcast %jit3A_281 : f32 to vector<1024x128xf32>
    %select_n3A_284 = arith.select %le3A_279, %broadcast_in_dim3A_282, %broadcast_in_dim3A_283 : vector<1024x128xi1>, vector<1024x128xf32>
    %slice3A_285 = vector.extract_strided_slice %get3A_23 {offsets = [0, 3584], sizes = [1, 128], strides = [1, 1]} : vector<1x8192xf32> to vector<1x128xf32>
    %add3A_286 = vector.broadcast %broadcast_in_dim3A : vector<1024x1xf32> to vector<1024x128xf32>
    %add3A_287 = vector.broadcast %slice3A_285 : vector<1x128xf32> to vector<1024x128xf32>
    %add3A_288 = arith.addf %add3A_286, %add3A_287 : vector<1024x128xf32>
    %slice3A_289 = vector.extract_strided_slice %dot_general3A_20 {offsets = [0, 3584], sizes = [1024, 128], strides = [1, 1]} : vector<1024x8192xf32> to vector<1024x128xf32>
    %add3A_290 = arith.addf %add3A_288, %slice3A_289 : vector<1024x128xf32>
    %slice3A_291 = vector.extract_strided_slice %get3A_23 {offsets = [0, 3712], sizes = [1, 128], strides = [1, 1]} : vector<1x8192xf32> to vector<1x128xf32>
    %add3A_292 = vector.broadcast %broadcast_in_dim3A : vector<1024x1xf32> to vector<1024x128xf32>
    %add3A_293 = vector.broadcast %slice3A_291 : vector<1x128xf32> to vector<1024x128xf32>
    %add3A_294 = arith.addf %add3A_292, %add3A_293 : vector<1024x128xf32>
    %slice3A_295 = vector.extract_strided_slice %dot_general3A_20 {offsets = [0, 3712], sizes = [1024, 128], strides = [1, 1]} : vector<1024x8192xf32> to vector<1024x128xf32>
    %add3A_296 = arith.addf %add3A_294, %slice3A_295 : vector<1024x128xf32>
    %min3A_297 = arith.minimumf %add3A_290, %add3A_296 : vector<1024x128xf32>
    %le3A_298 = arith.cmpf ole, %add3A_290, %add3A_296 : vector<1024x128xf32>
    %jit3A_299 = arith.constant 2.800000e+01 : f32
    %jit3A_300 = arith.constant 2.900000e+01 : f32
    %broadcast_in_dim3A_301 = vector.broadcast %jit3A_299 : f32 to vector<1024x128xf32>
    %broadcast_in_dim3A_302 = vector.broadcast %jit3A_300 : f32 to vector<1024x128xf32>
    %select_n3A_303 = arith.select %le3A_298, %broadcast_in_dim3A_301, %broadcast_in_dim3A_302 : vector<1024x128xi1>, vector<1024x128xf32>
    %slice3A_304 = vector.extract_strided_slice %get3A_23 {offsets = [0, 3840], sizes = [1, 128], strides = [1, 1]} : vector<1x8192xf32> to vector<1x128xf32>
    %add3A_305 = vector.broadcast %broadcast_in_dim3A : vector<1024x1xf32> to vector<1024x128xf32>
    %add3A_306 = vector.broadcast %slice3A_304 : vector<1x128xf32> to vector<1024x128xf32>
    %add3A_307 = arith.addf %add3A_305, %add3A_306 : vector<1024x128xf32>
    %slice3A_308 = vector.extract_strided_slice %dot_general3A_20 {offsets = [0, 3840], sizes = [1024, 128], strides = [1, 1]} : vector<1024x8192xf32> to vector<1024x128xf32>
    %add3A_309 = arith.addf %add3A_307, %slice3A_308 : vector<1024x128xf32>
    %slice3A_310 = vector.extract_strided_slice %get3A_23 {offsets = [0, 3968], sizes = [1, 128], strides = [1, 1]} : vector<1x8192xf32> to vector<1x128xf32>
    %add3A_311 = vector.broadcast %broadcast_in_dim3A : vector<1024x1xf32> to vector<1024x128xf32>
    %add3A_312 = vector.broadcast %slice3A_310 : vector<1x128xf32> to vector<1024x128xf32>
    %add3A_313 = arith.addf %add3A_311, %add3A_312 : vector<1024x128xf32>
    %slice3A_314 = vector.extract_strided_slice %dot_general3A_20 {offsets = [0, 3968], sizes = [1024, 128], strides = [1, 1]} : vector<1024x8192xf32> to vector<1024x128xf32>
    %add3A_315 = arith.addf %add3A_313, %slice3A_314 : vector<1024x128xf32>
    %min3A_316 = arith.minimumf %add3A_309, %add3A_315 : vector<1024x128xf32>
    %le3A_317 = arith.cmpf ole, %add3A_309, %add3A_315 : vector<1024x128xf32>
    %jit3A_318 = arith.constant 3.000000e+01 : f32
    %jit3A_319 = arith.constant 3.100000e+01 : f32
    %broadcast_in_dim3A_320 = vector.broadcast %jit3A_318 : f32 to vector<1024x128xf32>
    %broadcast_in_dim3A_321 = vector.broadcast %jit3A_319 : f32 to vector<1024x128xf32>
    %select_n3A_322 = arith.select %le3A_317, %broadcast_in_dim3A_320, %broadcast_in_dim3A_321 : vector<1024x128xi1>, vector<1024x128xf32>
    %slice3A_323 = vector.extract_strided_slice %get3A_23 {offsets = [0, 4096], sizes = [1, 128], strides = [1, 1]} : vector<1x8192xf32> to vector<1x128xf32>
    %add3A_324 = vector.broadcast %broadcast_in_dim3A : vector<1024x1xf32> to vector<1024x128xf32>
    %add3A_325 = vector.broadcast %slice3A_323 : vector<1x128xf32> to vector<1024x128xf32>
    %add3A_326 = arith.addf %add3A_324, %add3A_325 : vector<1024x128xf32>
    %slice3A_327 = vector.extract_strided_slice %dot_general3A_20 {offsets = [0, 4096], sizes = [1024, 128], strides = [1, 1]} : vector<1024x8192xf32> to vector<1024x128xf32>
    %add3A_328 = arith.addf %add3A_326, %slice3A_327 : vector<1024x128xf32>
    %slice3A_329 = vector.extract_strided_slice %get3A_23 {offsets = [0, 4224], sizes = [1, 128], strides = [1, 1]} : vector<1x8192xf32> to vector<1x128xf32>
    %add3A_330 = vector.broadcast %broadcast_in_dim3A : vector<1024x1xf32> to vector<1024x128xf32>
    %add3A_331 = vector.broadcast %slice3A_329 : vector<1x128xf32> to vector<1024x128xf32>
    %add3A_332 = arith.addf %add3A_330, %add3A_331 : vector<1024x128xf32>
    %slice3A_333 = vector.extract_strided_slice %dot_general3A_20 {offsets = [0, 4224], sizes = [1024, 128], strides = [1, 1]} : vector<1024x8192xf32> to vector<1024x128xf32>
    %add3A_334 = arith.addf %add3A_332, %slice3A_333 : vector<1024x128xf32>
    %min3A_335 = arith.minimumf %add3A_328, %add3A_334 : vector<1024x128xf32>
    %le3A_336 = arith.cmpf ole, %add3A_328, %add3A_334 : vector<1024x128xf32>
    %jit3A_337 = arith.constant 3.200000e+01 : f32
    %jit3A_338 = arith.constant 3.300000e+01 : f32
    %broadcast_in_dim3A_339 = vector.broadcast %jit3A_337 : f32 to vector<1024x128xf32>
    %broadcast_in_dim3A_340 = vector.broadcast %jit3A_338 : f32 to vector<1024x128xf32>
    %select_n3A_341 = arith.select %le3A_336, %broadcast_in_dim3A_339, %broadcast_in_dim3A_340 : vector<1024x128xi1>, vector<1024x128xf32>
    %slice3A_342 = vector.extract_strided_slice %get3A_23 {offsets = [0, 4352], sizes = [1, 128], strides = [1, 1]} : vector<1x8192xf32> to vector<1x128xf32>
    %add3A_343 = vector.broadcast %broadcast_in_dim3A : vector<1024x1xf32> to vector<1024x128xf32>
    %add3A_344 = vector.broadcast %slice3A_342 : vector<1x128xf32> to vector<1024x128xf32>
    %add3A_345 = arith.addf %add3A_343, %add3A_344 : vector<1024x128xf32>
    %slice3A_346 = vector.extract_strided_slice %dot_general3A_20 {offsets = [0, 4352], sizes = [1024, 128], strides = [1, 1]} : vector<1024x8192xf32> to vector<1024x128xf32>
    %add3A_347 = arith.addf %add3A_345, %slice3A_346 : vector<1024x128xf32>
    %slice3A_348 = vector.extract_strided_slice %get3A_23 {offsets = [0, 4480], sizes = [1, 128], strides = [1, 1]} : vector<1x8192xf32> to vector<1x128xf32>
    %add3A_349 = vector.broadcast %broadcast_in_dim3A : vector<1024x1xf32> to vector<1024x128xf32>
    %add3A_350 = vector.broadcast %slice3A_348 : vector<1x128xf32> to vector<1024x128xf32>
    %add3A_351 = arith.addf %add3A_349, %add3A_350 : vector<1024x128xf32>
    %slice3A_352 = vector.extract_strided_slice %dot_general3A_20 {offsets = [0, 4480], sizes = [1024, 128], strides = [1, 1]} : vector<1024x8192xf32> to vector<1024x128xf32>
    %add3A_353 = arith.addf %add3A_351, %slice3A_352 : vector<1024x128xf32>
    %min3A_354 = arith.minimumf %add3A_347, %add3A_353 : vector<1024x128xf32>
    %le3A_355 = arith.cmpf ole, %add3A_347, %add3A_353 : vector<1024x128xf32>
    %jit3A_356 = arith.constant 3.400000e+01 : f32
    %jit3A_357 = arith.constant 3.500000e+01 : f32
    %broadcast_in_dim3A_358 = vector.broadcast %jit3A_356 : f32 to vector<1024x128xf32>
    %broadcast_in_dim3A_359 = vector.broadcast %jit3A_357 : f32 to vector<1024x128xf32>
    %select_n3A_360 = arith.select %le3A_355, %broadcast_in_dim3A_358, %broadcast_in_dim3A_359 : vector<1024x128xi1>, vector<1024x128xf32>
    %slice3A_361 = vector.extract_strided_slice %get3A_23 {offsets = [0, 4608], sizes = [1, 128], strides = [1, 1]} : vector<1x8192xf32> to vector<1x128xf32>
    %add3A_362 = vector.broadcast %broadcast_in_dim3A : vector<1024x1xf32> to vector<1024x128xf32>
    %add3A_363 = vector.broadcast %slice3A_361 : vector<1x128xf32> to vector<1024x128xf32>
    %add3A_364 = arith.addf %add3A_362, %add3A_363 : vector<1024x128xf32>
    %slice3A_365 = vector.extract_strided_slice %dot_general3A_20 {offsets = [0, 4608], sizes = [1024, 128], strides = [1, 1]} : vector<1024x8192xf32> to vector<1024x128xf32>
    %add3A_366 = arith.addf %add3A_364, %slice3A_365 : vector<1024x128xf32>
    %slice3A_367 = vector.extract_strided_slice %get3A_23 {offsets = [0, 4736], sizes = [1, 128], strides = [1, 1]} : vector<1x8192xf32> to vector<1x128xf32>
    %add3A_368 = vector.broadcast %broadcast_in_dim3A : vector<1024x1xf32> to vector<1024x128xf32>
    %add3A_369 = vector.broadcast %slice3A_367 : vector<1x128xf32> to vector<1024x128xf32>
    %add3A_370 = arith.addf %add3A_368, %add3A_369 : vector<1024x128xf32>
    %slice3A_371 = vector.extract_strided_slice %dot_general3A_20 {offsets = [0, 4736], sizes = [1024, 128], strides = [1, 1]} : vector<1024x8192xf32> to vector<1024x128xf32>
    %add3A_372 = arith.addf %add3A_370, %slice3A_371 : vector<1024x128xf32>
    %min3A_373 = arith.minimumf %add3A_366, %add3A_372 : vector<1024x128xf32>
    %le3A_374 = arith.cmpf ole, %add3A_366, %add3A_372 : vector<1024x128xf32>
    %jit3A_375 = arith.constant 3.600000e+01 : f32
    %jit3A_376 = arith.constant 3.700000e+01 : f32
    %broadcast_in_dim3A_377 = vector.broadcast %jit3A_375 : f32 to vector<1024x128xf32>
    %broadcast_in_dim3A_378 = vector.broadcast %jit3A_376 : f32 to vector<1024x128xf32>
    %select_n3A_379 = arith.select %le3A_374, %broadcast_in_dim3A_377, %broadcast_in_dim3A_378 : vector<1024x128xi1>, vector<1024x128xf32>
    %slice3A_380 = vector.extract_strided_slice %get3A_23 {offsets = [0, 4864], sizes = [1, 128], strides = [1, 1]} : vector<1x8192xf32> to vector<1x128xf32>
    %add3A_381 = vector.broadcast %broadcast_in_dim3A : vector<1024x1xf32> to vector<1024x128xf32>
    %add3A_382 = vector.broadcast %slice3A_380 : vector<1x128xf32> to vector<1024x128xf32>
    %add3A_383 = arith.addf %add3A_381, %add3A_382 : vector<1024x128xf32>
    %slice3A_384 = vector.extract_strided_slice %dot_general3A_20 {offsets = [0, 4864], sizes = [1024, 128], strides = [1, 1]} : vector<1024x8192xf32> to vector<1024x128xf32>
    %add3A_385 = arith.addf %add3A_383, %slice3A_384 : vector<1024x128xf32>
    %slice3A_386 = vector.extract_strided_slice %get3A_23 {offsets = [0, 4992], sizes = [1, 128], strides = [1, 1]} : vector<1x8192xf32> to vector<1x128xf32>
    %add3A_387 = vector.broadcast %broadcast_in_dim3A : vector<1024x1xf32> to vector<1024x128xf32>
    %add3A_388 = vector.broadcast %slice3A_386 : vector<1x128xf32> to vector<1024x128xf32>
    %add3A_389 = arith.addf %add3A_387, %add3A_388 : vector<1024x128xf32>
    %slice3A_390 = vector.extract_strided_slice %dot_general3A_20 {offsets = [0, 4992], sizes = [1024, 128], strides = [1, 1]} : vector<1024x8192xf32> to vector<1024x128xf32>
    %add3A_391 = arith.addf %add3A_389, %slice3A_390 : vector<1024x128xf32>
    %min3A_392 = arith.minimumf %add3A_385, %add3A_391 : vector<1024x128xf32>
    %le3A_393 = arith.cmpf ole, %add3A_385, %add3A_391 : vector<1024x128xf32>
    %jit3A_394 = arith.constant 3.800000e+01 : f32
    %jit3A_395 = arith.constant 3.900000e+01 : f32
    %broadcast_in_dim3A_396 = vector.broadcast %jit3A_394 : f32 to vector<1024x128xf32>
    %broadcast_in_dim3A_397 = vector.broadcast %jit3A_395 : f32 to vector<1024x128xf32>
    %select_n3A_398 = arith.select %le3A_393, %broadcast_in_dim3A_396, %broadcast_in_dim3A_397 : vector<1024x128xi1>, vector<1024x128xf32>
    %slice3A_399 = vector.extract_strided_slice %get3A_23 {offsets = [0, 5120], sizes = [1, 128], strides = [1, 1]} : vector<1x8192xf32> to vector<1x128xf32>
    %add3A_400 = vector.broadcast %broadcast_in_dim3A : vector<1024x1xf32> to vector<1024x128xf32>
    %add3A_401 = vector.broadcast %slice3A_399 : vector<1x128xf32> to vector<1024x128xf32>
    %add3A_402 = arith.addf %add3A_400, %add3A_401 : vector<1024x128xf32>
    %slice3A_403 = vector.extract_strided_slice %dot_general3A_20 {offsets = [0, 5120], sizes = [1024, 128], strides = [1, 1]} : vector<1024x8192xf32> to vector<1024x128xf32>
    %add3A_404 = arith.addf %add3A_402, %slice3A_403 : vector<1024x128xf32>
    %slice3A_405 = vector.extract_strided_slice %get3A_23 {offsets = [0, 5248], sizes = [1, 128], strides = [1, 1]} : vector<1x8192xf32> to vector<1x128xf32>
    %add3A_406 = vector.broadcast %broadcast_in_dim3A : vector<1024x1xf32> to vector<1024x128xf32>
    %add3A_407 = vector.broadcast %slice3A_405 : vector<1x128xf32> to vector<1024x128xf32>
    %add3A_408 = arith.addf %add3A_406, %add3A_407 : vector<1024x128xf32>
    %slice3A_409 = vector.extract_strided_slice %dot_general3A_20 {offsets = [0, 5248], sizes = [1024, 128], strides = [1, 1]} : vector<1024x8192xf32> to vector<1024x128xf32>
    %add3A_410 = arith.addf %add3A_408, %slice3A_409 : vector<1024x128xf32>
    %min3A_411 = arith.minimumf %add3A_404, %add3A_410 : vector<1024x128xf32>
    %le3A_412 = arith.cmpf ole, %add3A_404, %add3A_410 : vector<1024x128xf32>
    %jit3A_413 = arith.constant 4.000000e+01 : f32
    %jit3A_414 = arith.constant 4.100000e+01 : f32
    %broadcast_in_dim3A_415 = vector.broadcast %jit3A_413 : f32 to vector<1024x128xf32>
    %broadcast_in_dim3A_416 = vector.broadcast %jit3A_414 : f32 to vector<1024x128xf32>
    %select_n3A_417 = arith.select %le3A_412, %broadcast_in_dim3A_415, %broadcast_in_dim3A_416 : vector<1024x128xi1>, vector<1024x128xf32>
    %slice3A_418 = vector.extract_strided_slice %get3A_23 {offsets = [0, 5376], sizes = [1, 128], strides = [1, 1]} : vector<1x8192xf32> to vector<1x128xf32>
    %add3A_419 = vector.broadcast %broadcast_in_dim3A : vector<1024x1xf32> to vector<1024x128xf32>
    %add3A_420 = vector.broadcast %slice3A_418 : vector<1x128xf32> to vector<1024x128xf32>
    %add3A_421 = arith.addf %add3A_419, %add3A_420 : vector<1024x128xf32>
    %slice3A_422 = vector.extract_strided_slice %dot_general3A_20 {offsets = [0, 5376], sizes = [1024, 128], strides = [1, 1]} : vector<1024x8192xf32> to vector<1024x128xf32>
    %add3A_423 = arith.addf %add3A_421, %slice3A_422 : vector<1024x128xf32>
    %slice3A_424 = vector.extract_strided_slice %get3A_23 {offsets = [0, 5504], sizes = [1, 128], strides = [1, 1]} : vector<1x8192xf32> to vector<1x128xf32>
    %add3A_425 = vector.broadcast %broadcast_in_dim3A : vector<1024x1xf32> to vector<1024x128xf32>
    %add3A_426 = vector.broadcast %slice3A_424 : vector<1x128xf32> to vector<1024x128xf32>
    %add3A_427 = arith.addf %add3A_425, %add3A_426 : vector<1024x128xf32>
    %slice3A_428 = vector.extract_strided_slice %dot_general3A_20 {offsets = [0, 5504], sizes = [1024, 128], strides = [1, 1]} : vector<1024x8192xf32> to vector<1024x128xf32>
    %add3A_429 = arith.addf %add3A_427, %slice3A_428 : vector<1024x128xf32>
    %min3A_430 = arith.minimumf %add3A_423, %add3A_429 : vector<1024x128xf32>
    %le3A_431 = arith.cmpf ole, %add3A_423, %add3A_429 : vector<1024x128xf32>
    %jit3A_432 = arith.constant 4.200000e+01 : f32
    %jit3A_433 = arith.constant 4.300000e+01 : f32
    %broadcast_in_dim3A_434 = vector.broadcast %jit3A_432 : f32 to vector<1024x128xf32>
    %broadcast_in_dim3A_435 = vector.broadcast %jit3A_433 : f32 to vector<1024x128xf32>
    %select_n3A_436 = arith.select %le3A_431, %broadcast_in_dim3A_434, %broadcast_in_dim3A_435 : vector<1024x128xi1>, vector<1024x128xf32>
    %slice3A_437 = vector.extract_strided_slice %get3A_23 {offsets = [0, 5632], sizes = [1, 128], strides = [1, 1]} : vector<1x8192xf32> to vector<1x128xf32>
    %add3A_438 = vector.broadcast %broadcast_in_dim3A : vector<1024x1xf32> to vector<1024x128xf32>
    %add3A_439 = vector.broadcast %slice3A_437 : vector<1x128xf32> to vector<1024x128xf32>
    %add3A_440 = arith.addf %add3A_438, %add3A_439 : vector<1024x128xf32>
    %slice3A_441 = vector.extract_strided_slice %dot_general3A_20 {offsets = [0, 5632], sizes = [1024, 128], strides = [1, 1]} : vector<1024x8192xf32> to vector<1024x128xf32>
    %add3A_442 = arith.addf %add3A_440, %slice3A_441 : vector<1024x128xf32>
    %slice3A_443 = vector.extract_strided_slice %get3A_23 {offsets = [0, 5760], sizes = [1, 128], strides = [1, 1]} : vector<1x8192xf32> to vector<1x128xf32>
    %add3A_444 = vector.broadcast %broadcast_in_dim3A : vector<1024x1xf32> to vector<1024x128xf32>
    %add3A_445 = vector.broadcast %slice3A_443 : vector<1x128xf32> to vector<1024x128xf32>
    %add3A_446 = arith.addf %add3A_444, %add3A_445 : vector<1024x128xf32>
    %slice3A_447 = vector.extract_strided_slice %dot_general3A_20 {offsets = [0, 5760], sizes = [1024, 128], strides = [1, 1]} : vector<1024x8192xf32> to vector<1024x128xf32>
    %add3A_448 = arith.addf %add3A_446, %slice3A_447 : vector<1024x128xf32>
    %min3A_449 = arith.minimumf %add3A_442, %add3A_448 : vector<1024x128xf32>
    %le3A_450 = arith.cmpf ole, %add3A_442, %add3A_448 : vector<1024x128xf32>
    %jit3A_451 = arith.constant 4.400000e+01 : f32
    %jit3A_452 = arith.constant 4.500000e+01 : f32
    %broadcast_in_dim3A_453 = vector.broadcast %jit3A_451 : f32 to vector<1024x128xf32>
    %broadcast_in_dim3A_454 = vector.broadcast %jit3A_452 : f32 to vector<1024x128xf32>
    %select_n3A_455 = arith.select %le3A_450, %broadcast_in_dim3A_453, %broadcast_in_dim3A_454 : vector<1024x128xi1>, vector<1024x128xf32>
    %slice3A_456 = vector.extract_strided_slice %get3A_23 {offsets = [0, 5888], sizes = [1, 128], strides = [1, 1]} : vector<1x8192xf32> to vector<1x128xf32>
    %add3A_457 = vector.broadcast %broadcast_in_dim3A : vector<1024x1xf32> to vector<1024x128xf32>
    %add3A_458 = vector.broadcast %slice3A_456 : vector<1x128xf32> to vector<1024x128xf32>
    %add3A_459 = arith.addf %add3A_457, %add3A_458 : vector<1024x128xf32>
    %slice3A_460 = vector.extract_strided_slice %dot_general3A_20 {offsets = [0, 5888], sizes = [1024, 128], strides = [1, 1]} : vector<1024x8192xf32> to vector<1024x128xf32>
    %add3A_461 = arith.addf %add3A_459, %slice3A_460 : vector<1024x128xf32>
    %slice3A_462 = vector.extract_strided_slice %get3A_23 {offsets = [0, 6016], sizes = [1, 128], strides = [1, 1]} : vector<1x8192xf32> to vector<1x128xf32>
    %add3A_463 = vector.broadcast %broadcast_in_dim3A : vector<1024x1xf32> to vector<1024x128xf32>
    %add3A_464 = vector.broadcast %slice3A_462 : vector<1x128xf32> to vector<1024x128xf32>
    %add3A_465 = arith.addf %add3A_463, %add3A_464 : vector<1024x128xf32>
    %slice3A_466 = vector.extract_strided_slice %dot_general3A_20 {offsets = [0, 6016], sizes = [1024, 128], strides = [1, 1]} : vector<1024x8192xf32> to vector<1024x128xf32>
    %add3A_467 = arith.addf %add3A_465, %slice3A_466 : vector<1024x128xf32>
    %min3A_468 = arith.minimumf %add3A_461, %add3A_467 : vector<1024x128xf32>
    %le3A_469 = arith.cmpf ole, %add3A_461, %add3A_467 : vector<1024x128xf32>
    %jit3A_470 = arith.constant 4.600000e+01 : f32
    %jit3A_471 = arith.constant 4.700000e+01 : f32
    %broadcast_in_dim3A_472 = vector.broadcast %jit3A_470 : f32 to vector<1024x128xf32>
    %broadcast_in_dim3A_473 = vector.broadcast %jit3A_471 : f32 to vector<1024x128xf32>
    %select_n3A_474 = arith.select %le3A_469, %broadcast_in_dim3A_472, %broadcast_in_dim3A_473 : vector<1024x128xi1>, vector<1024x128xf32>
    %slice3A_475 = vector.extract_strided_slice %get3A_23 {offsets = [0, 6144], sizes = [1, 128], strides = [1, 1]} : vector<1x8192xf32> to vector<1x128xf32>
    %add3A_476 = vector.broadcast %broadcast_in_dim3A : vector<1024x1xf32> to vector<1024x128xf32>
    %add3A_477 = vector.broadcast %slice3A_475 : vector<1x128xf32> to vector<1024x128xf32>
    %add3A_478 = arith.addf %add3A_476, %add3A_477 : vector<1024x128xf32>
    %slice3A_479 = vector.extract_strided_slice %dot_general3A_20 {offsets = [0, 6144], sizes = [1024, 128], strides = [1, 1]} : vector<1024x8192xf32> to vector<1024x128xf32>
    %add3A_480 = arith.addf %add3A_478, %slice3A_479 : vector<1024x128xf32>
    %slice3A_481 = vector.extract_strided_slice %get3A_23 {offsets = [0, 6272], sizes = [1, 128], strides = [1, 1]} : vector<1x8192xf32> to vector<1x128xf32>
    %add3A_482 = vector.broadcast %broadcast_in_dim3A : vector<1024x1xf32> to vector<1024x128xf32>
    %add3A_483 = vector.broadcast %slice3A_481 : vector<1x128xf32> to vector<1024x128xf32>
    %add3A_484 = arith.addf %add3A_482, %add3A_483 : vector<1024x128xf32>
    %slice3A_485 = vector.extract_strided_slice %dot_general3A_20 {offsets = [0, 6272], sizes = [1024, 128], strides = [1, 1]} : vector<1024x8192xf32> to vector<1024x128xf32>
    %add3A_486 = arith.addf %add3A_484, %slice3A_485 : vector<1024x128xf32>
    %min3A_487 = arith.minimumf %add3A_480, %add3A_486 : vector<1024x128xf32>
    %le3A_488 = arith.cmpf ole, %add3A_480, %add3A_486 : vector<1024x128xf32>
    %jit3A_489 = arith.constant 4.800000e+01 : f32
    %jit3A_490 = arith.constant 4.900000e+01 : f32
    %broadcast_in_dim3A_491 = vector.broadcast %jit3A_489 : f32 to vector<1024x128xf32>
    %broadcast_in_dim3A_492 = vector.broadcast %jit3A_490 : f32 to vector<1024x128xf32>
    %select_n3A_493 = arith.select %le3A_488, %broadcast_in_dim3A_491, %broadcast_in_dim3A_492 : vector<1024x128xi1>, vector<1024x128xf32>
    %slice3A_494 = vector.extract_strided_slice %get3A_23 {offsets = [0, 6400], sizes = [1, 128], strides = [1, 1]} : vector<1x8192xf32> to vector<1x128xf32>
    %add3A_495 = vector.broadcast %broadcast_in_dim3A : vector<1024x1xf32> to vector<1024x128xf32>
    %add3A_496 = vector.broadcast %slice3A_494 : vector<1x128xf32> to vector<1024x128xf32>
    %add3A_497 = arith.addf %add3A_495, %add3A_496 : vector<1024x128xf32>
    %slice3A_498 = vector.extract_strided_slice %dot_general3A_20 {offsets = [0, 6400], sizes = [1024, 128], strides = [1, 1]} : vector<1024x8192xf32> to vector<1024x128xf32>
    %add3A_499 = arith.addf %add3A_497, %slice3A_498 : vector<1024x128xf32>
    %slice3A_500 = vector.extract_strided_slice %get3A_23 {offsets = [0, 6528], sizes = [1, 128], strides = [1, 1]} : vector<1x8192xf32> to vector<1x128xf32>
    %add3A_501 = vector.broadcast %broadcast_in_dim3A : vector<1024x1xf32> to vector<1024x128xf32>
    %add3A_502 = vector.broadcast %slice3A_500 : vector<1x128xf32> to vector<1024x128xf32>
    %add3A_503 = arith.addf %add3A_501, %add3A_502 : vector<1024x128xf32>
    %slice3A_504 = vector.extract_strided_slice %dot_general3A_20 {offsets = [0, 6528], sizes = [1024, 128], strides = [1, 1]} : vector<1024x8192xf32> to vector<1024x128xf32>
    %add3A_505 = arith.addf %add3A_503, %slice3A_504 : vector<1024x128xf32>
    %min3A_506 = arith.minimumf %add3A_499, %add3A_505 : vector<1024x128xf32>
    %le3A_507 = arith.cmpf ole, %add3A_499, %add3A_505 : vector<1024x128xf32>
    %jit3A_508 = arith.constant 5.000000e+01 : f32
    %jit3A_509 = arith.constant 5.100000e+01 : f32
    %broadcast_in_dim3A_510 = vector.broadcast %jit3A_508 : f32 to vector<1024x128xf32>
    %broadcast_in_dim3A_511 = vector.broadcast %jit3A_509 : f32 to vector<1024x128xf32>
    %select_n3A_512 = arith.select %le3A_507, %broadcast_in_dim3A_510, %broadcast_in_dim3A_511 : vector<1024x128xi1>, vector<1024x128xf32>
    %slice3A_513 = vector.extract_strided_slice %get3A_23 {offsets = [0, 6656], sizes = [1, 128], strides = [1, 1]} : vector<1x8192xf32> to vector<1x128xf32>
    %add3A_514 = vector.broadcast %broadcast_in_dim3A : vector<1024x1xf32> to vector<1024x128xf32>
    %add3A_515 = vector.broadcast %slice3A_513 : vector<1x128xf32> to vector<1024x128xf32>
    %add3A_516 = arith.addf %add3A_514, %add3A_515 : vector<1024x128xf32>
    %slice3A_517 = vector.extract_strided_slice %dot_general3A_20 {offsets = [0, 6656], sizes = [1024, 128], strides = [1, 1]} : vector<1024x8192xf32> to vector<1024x128xf32>
    %add3A_518 = arith.addf %add3A_516, %slice3A_517 : vector<1024x128xf32>
    %slice3A_519 = vector.extract_strided_slice %get3A_23 {offsets = [0, 6784], sizes = [1, 128], strides = [1, 1]} : vector<1x8192xf32> to vector<1x128xf32>
    %add3A_520 = vector.broadcast %broadcast_in_dim3A : vector<1024x1xf32> to vector<1024x128xf32>
    %add3A_521 = vector.broadcast %slice3A_519 : vector<1x128xf32> to vector<1024x128xf32>
    %add3A_522 = arith.addf %add3A_520, %add3A_521 : vector<1024x128xf32>
    %slice3A_523 = vector.extract_strided_slice %dot_general3A_20 {offsets = [0, 6784], sizes = [1024, 128], strides = [1, 1]} : vector<1024x8192xf32> to vector<1024x128xf32>
    %add3A_524 = arith.addf %add3A_522, %slice3A_523 : vector<1024x128xf32>
    %min3A_525 = arith.minimumf %add3A_518, %add3A_524 : vector<1024x128xf32>
    %le3A_526 = arith.cmpf ole, %add3A_518, %add3A_524 : vector<1024x128xf32>
    %jit3A_527 = arith.constant 5.200000e+01 : f32
    %jit3A_528 = arith.constant 5.300000e+01 : f32
    %broadcast_in_dim3A_529 = vector.broadcast %jit3A_527 : f32 to vector<1024x128xf32>
    %broadcast_in_dim3A_530 = vector.broadcast %jit3A_528 : f32 to vector<1024x128xf32>
    %select_n3A_531 = arith.select %le3A_526, %broadcast_in_dim3A_529, %broadcast_in_dim3A_530 : vector<1024x128xi1>, vector<1024x128xf32>
    %slice3A_532 = vector.extract_strided_slice %get3A_23 {offsets = [0, 6912], sizes = [1, 128], strides = [1, 1]} : vector<1x8192xf32> to vector<1x128xf32>
    %add3A_533 = vector.broadcast %broadcast_in_dim3A : vector<1024x1xf32> to vector<1024x128xf32>
    %add3A_534 = vector.broadcast %slice3A_532 : vector<1x128xf32> to vector<1024x128xf32>
    %add3A_535 = arith.addf %add3A_533, %add3A_534 : vector<1024x128xf32>
    %slice3A_536 = vector.extract_strided_slice %dot_general3A_20 {offsets = [0, 6912], sizes = [1024, 128], strides = [1, 1]} : vector<1024x8192xf32> to vector<1024x128xf32>
    %add3A_537 = arith.addf %add3A_535, %slice3A_536 : vector<1024x128xf32>
    %slice3A_538 = vector.extract_strided_slice %get3A_23 {offsets = [0, 7040], sizes = [1, 128], strides = [1, 1]} : vector<1x8192xf32> to vector<1x128xf32>
    %add3A_539 = vector.broadcast %broadcast_in_dim3A : vector<1024x1xf32> to vector<1024x128xf32>
    %add3A_540 = vector.broadcast %slice3A_538 : vector<1x128xf32> to vector<1024x128xf32>
    %add3A_541 = arith.addf %add3A_539, %add3A_540 : vector<1024x128xf32>
    %slice3A_542 = vector.extract_strided_slice %dot_general3A_20 {offsets = [0, 7040], sizes = [1024, 128], strides = [1, 1]} : vector<1024x8192xf32> to vector<1024x128xf32>
    %add3A_543 = arith.addf %add3A_541, %slice3A_542 : vector<1024x128xf32>
    %min3A_544 = arith.minimumf %add3A_537, %add3A_543 : vector<1024x128xf32>
    %le3A_545 = arith.cmpf ole, %add3A_537, %add3A_543 : vector<1024x128xf32>
    %jit3A_546 = arith.constant 5.400000e+01 : f32
    %jit3A_547 = arith.constant 5.500000e+01 : f32
    %broadcast_in_dim3A_548 = vector.broadcast %jit3A_546 : f32 to vector<1024x128xf32>
    %broadcast_in_dim3A_549 = vector.broadcast %jit3A_547 : f32 to vector<1024x128xf32>
    %select_n3A_550 = arith.select %le3A_545, %broadcast_in_dim3A_548, %broadcast_in_dim3A_549 : vector<1024x128xi1>, vector<1024x128xf32>
    %slice3A_551 = vector.extract_strided_slice %get3A_23 {offsets = [0, 7168], sizes = [1, 128], strides = [1, 1]} : vector<1x8192xf32> to vector<1x128xf32>
    %add3A_552 = vector.broadcast %broadcast_in_dim3A : vector<1024x1xf32> to vector<1024x128xf32>
    %add3A_553 = vector.broadcast %slice3A_551 : vector<1x128xf32> to vector<1024x128xf32>
    %add3A_554 = arith.addf %add3A_552, %add3A_553 : vector<1024x128xf32>
    %slice3A_555 = vector.extract_strided_slice %dot_general3A_20 {offsets = [0, 7168], sizes = [1024, 128], strides = [1, 1]} : vector<1024x8192xf32> to vector<1024x128xf32>
    %add3A_556 = arith.addf %add3A_554, %slice3A_555 : vector<1024x128xf32>
    %slice3A_557 = vector.extract_strided_slice %get3A_23 {offsets = [0, 7296], sizes = [1, 128], strides = [1, 1]} : vector<1x8192xf32> to vector<1x128xf32>
    %add3A_558 = vector.broadcast %broadcast_in_dim3A : vector<1024x1xf32> to vector<1024x128xf32>
    %add3A_559 = vector.broadcast %slice3A_557 : vector<1x128xf32> to vector<1024x128xf32>
    %add3A_560 = arith.addf %add3A_558, %add3A_559 : vector<1024x128xf32>
    %slice3A_561 = vector.extract_strided_slice %dot_general3A_20 {offsets = [0, 7296], sizes = [1024, 128], strides = [1, 1]} : vector<1024x8192xf32> to vector<1024x128xf32>
    %add3A_562 = arith.addf %add3A_560, %slice3A_561 : vector<1024x128xf32>
    %min3A_563 = arith.minimumf %add3A_556, %add3A_562 : vector<1024x128xf32>
    %le3A_564 = arith.cmpf ole, %add3A_556, %add3A_562 : vector<1024x128xf32>
    %jit3A_565 = arith.constant 5.600000e+01 : f32
    %jit3A_566 = arith.constant 5.700000e+01 : f32
    %broadcast_in_dim3A_567 = vector.broadcast %jit3A_565 : f32 to vector<1024x128xf32>
    %broadcast_in_dim3A_568 = vector.broadcast %jit3A_566 : f32 to vector<1024x128xf32>
    %select_n3A_569 = arith.select %le3A_564, %broadcast_in_dim3A_567, %broadcast_in_dim3A_568 : vector<1024x128xi1>, vector<1024x128xf32>
    %slice3A_570 = vector.extract_strided_slice %get3A_23 {offsets = [0, 7424], sizes = [1, 128], strides = [1, 1]} : vector<1x8192xf32> to vector<1x128xf32>
    %add3A_571 = vector.broadcast %broadcast_in_dim3A : vector<1024x1xf32> to vector<1024x128xf32>
    %add3A_572 = vector.broadcast %slice3A_570 : vector<1x128xf32> to vector<1024x128xf32>
    %add3A_573 = arith.addf %add3A_571, %add3A_572 : vector<1024x128xf32>
    %slice3A_574 = vector.extract_strided_slice %dot_general3A_20 {offsets = [0, 7424], sizes = [1024, 128], strides = [1, 1]} : vector<1024x8192xf32> to vector<1024x128xf32>
    %add3A_575 = arith.addf %add3A_573, %slice3A_574 : vector<1024x128xf32>
    %slice3A_576 = vector.extract_strided_slice %get3A_23 {offsets = [0, 7552], sizes = [1, 128], strides = [1, 1]} : vector<1x8192xf32> to vector<1x128xf32>
    %add3A_577 = vector.broadcast %broadcast_in_dim3A : vector<1024x1xf32> to vector<1024x128xf32>
    %add3A_578 = vector.broadcast %slice3A_576 : vector<1x128xf32> to vector<1024x128xf32>
    %add3A_579 = arith.addf %add3A_577, %add3A_578 : vector<1024x128xf32>
    %slice3A_580 = vector.extract_strided_slice %dot_general3A_20 {offsets = [0, 7552], sizes = [1024, 128], strides = [1, 1]} : vector<1024x8192xf32> to vector<1024x128xf32>
    %add3A_581 = arith.addf %add3A_579, %slice3A_580 : vector<1024x128xf32>
    %min3A_582 = arith.minimumf %add3A_575, %add3A_581 : vector<1024x128xf32>
    %le3A_583 = arith.cmpf ole, %add3A_575, %add3A_581 : vector<1024x128xf32>
    %jit3A_584 = arith.constant 5.800000e+01 : f32
    %jit3A_585 = arith.constant 5.900000e+01 : f32
    %broadcast_in_dim3A_586 = vector.broadcast %jit3A_584 : f32 to vector<1024x128xf32>
    %broadcast_in_dim3A_587 = vector.broadcast %jit3A_585 : f32 to vector<1024x128xf32>
    %select_n3A_588 = arith.select %le3A_583, %broadcast_in_dim3A_586, %broadcast_in_dim3A_587 : vector<1024x128xi1>, vector<1024x128xf32>
    %slice3A_589 = vector.extract_strided_slice %get3A_23 {offsets = [0, 7680], sizes = [1, 128], strides = [1, 1]} : vector<1x8192xf32> to vector<1x128xf32>
    %add3A_590 = vector.broadcast %broadcast_in_dim3A : vector<1024x1xf32> to vector<1024x128xf32>
    %add3A_591 = vector.broadcast %slice3A_589 : vector<1x128xf32> to vector<1024x128xf32>
    %add3A_592 = arith.addf %add3A_590, %add3A_591 : vector<1024x128xf32>
    %slice3A_593 = vector.extract_strided_slice %dot_general3A_20 {offsets = [0, 7680], sizes = [1024, 128], strides = [1, 1]} : vector<1024x8192xf32> to vector<1024x128xf32>
    %add3A_594 = arith.addf %add3A_592, %slice3A_593 : vector<1024x128xf32>
    %slice3A_595 = vector.extract_strided_slice %get3A_23 {offsets = [0, 7808], sizes = [1, 128], strides = [1, 1]} : vector<1x8192xf32> to vector<1x128xf32>
    %add3A_596 = vector.broadcast %broadcast_in_dim3A : vector<1024x1xf32> to vector<1024x128xf32>
    %add3A_597 = vector.broadcast %slice3A_595 : vector<1x128xf32> to vector<1024x128xf32>
    %add3A_598 = arith.addf %add3A_596, %add3A_597 : vector<1024x128xf32>
    %slice3A_599 = vector.extract_strided_slice %dot_general3A_20 {offsets = [0, 7808], sizes = [1024, 128], strides = [1, 1]} : vector<1024x8192xf32> to vector<1024x128xf32>
    %add3A_600 = arith.addf %add3A_598, %slice3A_599 : vector<1024x128xf32>
    %min3A_601 = arith.minimumf %add3A_594, %add3A_600 : vector<1024x128xf32>
    %le3A_602 = arith.cmpf ole, %add3A_594, %add3A_600 : vector<1024x128xf32>
    %jit3A_603 = arith.constant 6.000000e+01 : f32
    %jit3A_604 = arith.constant 6.100000e+01 : f32
    %broadcast_in_dim3A_605 = vector.broadcast %jit3A_603 : f32 to vector<1024x128xf32>
    %broadcast_in_dim3A_606 = vector.broadcast %jit3A_604 : f32 to vector<1024x128xf32>
    %select_n3A_607 = arith.select %le3A_602, %broadcast_in_dim3A_605, %broadcast_in_dim3A_606 : vector<1024x128xi1>, vector<1024x128xf32>
    %slice3A_608 = vector.extract_strided_slice %get3A_23 {offsets = [0, 7936], sizes = [1, 128], strides = [1, 1]} : vector<1x8192xf32> to vector<1x128xf32>
    %add3A_609 = vector.broadcast %broadcast_in_dim3A : vector<1024x1xf32> to vector<1024x128xf32>
    %add3A_610 = vector.broadcast %slice3A_608 : vector<1x128xf32> to vector<1024x128xf32>
    %add3A_611 = arith.addf %add3A_609, %add3A_610 : vector<1024x128xf32>
    %slice3A_612 = vector.extract_strided_slice %dot_general3A_20 {offsets = [0, 7936], sizes = [1024, 128], strides = [1, 1]} : vector<1024x8192xf32> to vector<1024x128xf32>
    %add3A_613 = arith.addf %add3A_611, %slice3A_612 : vector<1024x128xf32>
    %slice3A_614 = vector.extract_strided_slice %get3A_23 {offsets = [0, 8064], sizes = [1, 128], strides = [1, 1]} : vector<1x8192xf32> to vector<1x128xf32>
    %add3A_615 = vector.broadcast %broadcast_in_dim3A : vector<1024x1xf32> to vector<1024x128xf32>
    %add3A_616 = vector.broadcast %slice3A_614 : vector<1x128xf32> to vector<1024x128xf32>
    %add3A_617 = arith.addf %add3A_615, %add3A_616 : vector<1024x128xf32>
    %slice3A_618 = vector.extract_strided_slice %dot_general3A_20 {offsets = [0, 8064], sizes = [1024, 128], strides = [1, 1]} : vector<1024x8192xf32> to vector<1024x128xf32>
    %add3A_619 = arith.addf %add3A_617, %slice3A_618 : vector<1024x128xf32>
    %min3A_620 = arith.minimumf %add3A_613, %add3A_619 : vector<1024x128xf32>
    %le3A_621 = arith.cmpf ole, %add3A_613, %add3A_619 : vector<1024x128xf32>
    %jit3A_622 = arith.constant 6.200000e+01 : f32
    %jit3A_623 = arith.constant 6.300000e+01 : f32
    %broadcast_in_dim3A_624 = vector.broadcast %jit3A_622 : f32 to vector<1024x128xf32>
    %broadcast_in_dim3A_625 = vector.broadcast %jit3A_623 : f32 to vector<1024x128xf32>
    %select_n3A_626 = arith.select %le3A_621, %broadcast_in_dim3A_624, %broadcast_in_dim3A_625 : vector<1024x128xi1>, vector<1024x128xf32>
    %min3A_627 = arith.minimumf %min3A, %min3A_50 : vector<1024x128xf32>
    %le3A_628 = arith.cmpf ole, %min3A, %min3A_50 : vector<1024x128xf32>
    %select_n3A_629 = arith.select %le3A_628, %select_n3A, %select_n3A_56 : vector<1024x128xi1>, vector<1024x128xf32>
    %min3A_630 = arith.minimumf %min3A_69, %min3A_88 : vector<1024x128xf32>
    %le3A_631 = arith.cmpf ole, %min3A_69, %min3A_88 : vector<1024x128xf32>
    %select_n3A_632 = arith.select %le3A_631, %select_n3A_75, %select_n3A_94 : vector<1024x128xi1>, vector<1024x128xf32>
    %min3A_633 = arith.minimumf %min3A_107, %min3A_126 : vector<1024x128xf32>
    %le3A_634 = arith.cmpf ole, %min3A_107, %min3A_126 : vector<1024x128xf32>
    %select_n3A_635 = arith.select %le3A_634, %select_n3A_113, %select_n3A_132 : vector<1024x128xi1>, vector<1024x128xf32>
    %min3A_636 = arith.minimumf %min3A_145, %min3A_164 : vector<1024x128xf32>
    %le3A_637 = arith.cmpf ole, %min3A_145, %min3A_164 : vector<1024x128xf32>
    %select_n3A_638 = arith.select %le3A_637, %select_n3A_151, %select_n3A_170 : vector<1024x128xi1>, vector<1024x128xf32>
    %min3A_639 = arith.minimumf %min3A_183, %min3A_202 : vector<1024x128xf32>
    %le3A_640 = arith.cmpf ole, %min3A_183, %min3A_202 : vector<1024x128xf32>
    %select_n3A_641 = arith.select %le3A_640, %select_n3A_189, %select_n3A_208 : vector<1024x128xi1>, vector<1024x128xf32>
    %min3A_642 = arith.minimumf %min3A_221, %min3A_240 : vector<1024x128xf32>
    %le3A_643 = arith.cmpf ole, %min3A_221, %min3A_240 : vector<1024x128xf32>
    %select_n3A_644 = arith.select %le3A_643, %select_n3A_227, %select_n3A_246 : vector<1024x128xi1>, vector<1024x128xf32>
    %min3A_645 = arith.minimumf %min3A_259, %min3A_278 : vector<1024x128xf32>
    %le3A_646 = arith.cmpf ole, %min3A_259, %min3A_278 : vector<1024x128xf32>
    %select_n3A_647 = arith.select %le3A_646, %select_n3A_265, %select_n3A_284 : vector<1024x128xi1>, vector<1024x128xf32>
    %min3A_648 = arith.minimumf %min3A_297, %min3A_316 : vector<1024x128xf32>
    %le3A_649 = arith.cmpf ole, %min3A_297, %min3A_316 : vector<1024x128xf32>
    %select_n3A_650 = arith.select %le3A_649, %select_n3A_303, %select_n3A_322 : vector<1024x128xi1>, vector<1024x128xf32>
    %min3A_651 = arith.minimumf %min3A_335, %min3A_354 : vector<1024x128xf32>
    %le3A_652 = arith.cmpf ole, %min3A_335, %min3A_354 : vector<1024x128xf32>
    %select_n3A_653 = arith.select %le3A_652, %select_n3A_341, %select_n3A_360 : vector<1024x128xi1>, vector<1024x128xf32>
    %min3A_654 = arith.minimumf %min3A_373, %min3A_392 : vector<1024x128xf32>
    %le3A_655 = arith.cmpf ole, %min3A_373, %min3A_392 : vector<1024x128xf32>
    %select_n3A_656 = arith.select %le3A_655, %select_n3A_379, %select_n3A_398 : vector<1024x128xi1>, vector<1024x128xf32>
    %min3A_657 = arith.minimumf %min3A_411, %min3A_430 : vector<1024x128xf32>
    %le3A_658 = arith.cmpf ole, %min3A_411, %min3A_430 : vector<1024x128xf32>
    %select_n3A_659 = arith.select %le3A_658, %select_n3A_417, %select_n3A_436 : vector<1024x128xi1>, vector<1024x128xf32>
    %min3A_660 = arith.minimumf %min3A_449, %min3A_468 : vector<1024x128xf32>
    %le3A_661 = arith.cmpf ole, %min3A_449, %min3A_468 : vector<1024x128xf32>
    %select_n3A_662 = arith.select %le3A_661, %select_n3A_455, %select_n3A_474 : vector<1024x128xi1>, vector<1024x128xf32>
    %min3A_663 = arith.minimumf %min3A_487, %min3A_506 : vector<1024x128xf32>
    %le3A_664 = arith.cmpf ole, %min3A_487, %min3A_506 : vector<1024x128xf32>
    %select_n3A_665 = arith.select %le3A_664, %select_n3A_493, %select_n3A_512 : vector<1024x128xi1>, vector<1024x128xf32>
    %min3A_666 = arith.minimumf %min3A_525, %min3A_544 : vector<1024x128xf32>
    %le3A_667 = arith.cmpf ole, %min3A_525, %min3A_544 : vector<1024x128xf32>
    %select_n3A_668 = arith.select %le3A_667, %select_n3A_531, %select_n3A_550 : vector<1024x128xi1>, vector<1024x128xf32>
    %min3A_669 = arith.minimumf %min3A_563, %min3A_582 : vector<1024x128xf32>
    %le3A_670 = arith.cmpf ole, %min3A_563, %min3A_582 : vector<1024x128xf32>
    %select_n3A_671 = arith.select %le3A_670, %select_n3A_569, %select_n3A_588 : vector<1024x128xi1>, vector<1024x128xf32>
    %min3A_672 = arith.minimumf %min3A_601, %min3A_620 : vector<1024x128xf32>
    %le3A_673 = arith.cmpf ole, %min3A_601, %min3A_620 : vector<1024x128xf32>
    %select_n3A_674 = arith.select %le3A_673, %select_n3A_607, %select_n3A_626 : vector<1024x128xi1>, vector<1024x128xf32>
    %min3A_675 = arith.minimumf %min3A_627, %min3A_630 : vector<1024x128xf32>
    %le3A_676 = arith.cmpf ole, %min3A_627, %min3A_630 : vector<1024x128xf32>
    %select_n3A_677 = arith.select %le3A_676, %select_n3A_629, %select_n3A_632 : vector<1024x128xi1>, vector<1024x128xf32>
    %min3A_678 = arith.minimumf %min3A_633, %min3A_636 : vector<1024x128xf32>
    %le3A_679 = arith.cmpf ole, %min3A_633, %min3A_636 : vector<1024x128xf32>
    %select_n3A_680 = arith.select %le3A_679, %select_n3A_635, %select_n3A_638 : vector<1024x128xi1>, vector<1024x128xf32>
    %min3A_681 = arith.minimumf %min3A_639, %min3A_642 : vector<1024x128xf32>
    %le3A_682 = arith.cmpf ole, %min3A_639, %min3A_642 : vector<1024x128xf32>
    %select_n3A_683 = arith.select %le3A_682, %select_n3A_641, %select_n3A_644 : vector<1024x128xi1>, vector<1024x128xf32>
    %min3A_684 = arith.minimumf %min3A_645, %min3A_648 : vector<1024x128xf32>
    %le3A_685 = arith.cmpf ole, %min3A_645, %min3A_648 : vector<1024x128xf32>
    %select_n3A_686 = arith.select %le3A_685, %select_n3A_647, %select_n3A_650 : vector<1024x128xi1>, vector<1024x128xf32>
    %min3A_687 = arith.minimumf %min3A_651, %min3A_654 : vector<1024x128xf32>
    %le3A_688 = arith.cmpf ole, %min3A_651, %min3A_654 : vector<1024x128xf32>
    %select_n3A_689 = arith.select %le3A_688, %select_n3A_653, %select_n3A_656 : vector<1024x128xi1>, vector<1024x128xf32>
    %min3A_690 = arith.minimumf %min3A_657, %min3A_660 : vector<1024x128xf32>
    %le3A_691 = arith.cmpf ole, %min3A_657, %min3A_660 : vector<1024x128xf32>
    %select_n3A_692 = arith.select %le3A_691, %select_n3A_659, %select_n3A_662 : vector<1024x128xi1>, vector<1024x128xf32>
    %min3A_693 = arith.minimumf %min3A_663, %min3A_666 : vector<1024x128xf32>
    %le3A_694 = arith.cmpf ole, %min3A_663, %min3A_666 : vector<1024x128xf32>
    %select_n3A_695 = arith.select %le3A_694, %select_n3A_665, %select_n3A_668 : vector<1024x128xi1>, vector<1024x128xf32>
    %min3A_696 = arith.minimumf %min3A_669, %min3A_672 : vector<1024x128xf32>
    %le3A_697 = arith.cmpf ole, %min3A_669, %min3A_672 : vector<1024x128xf32>
    %select_n3A_698 = arith.select %le3A_697, %select_n3A_671, %select_n3A_674 : vector<1024x128xi1>, vector<1024x128xf32>
    %min3A_699 = arith.minimumf %min3A_675, %min3A_678 : vector<1024x128xf32>
    %le3A_700 = arith.cmpf ole, %min3A_675, %min3A_678 : vector<1024x128xf32>
    %select_n3A_701 = arith.select %le3A_700, %select_n3A_677, %select_n3A_680 : vector<1024x128xi1>, vector<1024x128xf32>
    %min3A_702 = arith.minimumf %min3A_681, %min3A_684 : vector<1024x128xf32>
    %le3A_703 = arith.cmpf ole, %min3A_681, %min3A_684 : vector<1024x128xf32>
    %select_n3A_704 = arith.select %le3A_703, %select_n3A_683, %select_n3A_686 : vector<1024x128xi1>, vector<1024x128xf32>
    %min3A_705 = arith.minimumf %min3A_687, %min3A_690 : vector<1024x128xf32>
    %le3A_706 = arith.cmpf ole, %min3A_687, %min3A_690 : vector<1024x128xf32>
    %select_n3A_707 = arith.select %le3A_706, %select_n3A_689, %select_n3A_692 : vector<1024x128xi1>, vector<1024x128xf32>
    %min3A_708 = arith.minimumf %min3A_693, %min3A_696 : vector<1024x128xf32>
    %le3A_709 = arith.cmpf ole, %min3A_693, %min3A_696 : vector<1024x128xf32>
    %select_n3A_710 = arith.select %le3A_709, %select_n3A_695, %select_n3A_698 : vector<1024x128xi1>, vector<1024x128xf32>
    %min3A_711 = arith.minimumf %min3A_699, %min3A_702 : vector<1024x128xf32>
    %le3A_712 = arith.cmpf ole, %min3A_699, %min3A_702 : vector<1024x128xf32>
    %select_n3A_713 = arith.select %le3A_712, %select_n3A_701, %select_n3A_704 : vector<1024x128xi1>, vector<1024x128xf32>
    %min3A_714 = arith.minimumf %min3A_705, %min3A_708 : vector<1024x128xf32>
    %le3A_715 = arith.cmpf ole, %min3A_705, %min3A_708 : vector<1024x128xf32>
    %select_n3A_716 = arith.select %le3A_715, %select_n3A_707, %select_n3A_710 : vector<1024x128xi1>, vector<1024x128xf32>
    %min3A_717 = arith.minimumf %min3A_711, %min3A_714 : vector<1024x128xf32>
    %le3A_718 = arith.cmpf ole, %min3A_711, %min3A_714 : vector<1024x128xf32>
    %select_n3A_719 = arith.select %le3A_718, %select_n3A_713, %select_n3A_716 : vector<1024x128xi1>, vector<1024x128xf32>
    %reduce_min3A = arith.constant dense<0x7F800000> : vector<1024xf32>
    %reduce_min3A_720 = vector.multi_reduction <minimumf>, %min3A_717, %reduce_min3A [1] : vector<1024x128xf32> to vector<1024xf32>
    %broadcast_in_dim3A_721 = vector.shape_cast %reduce_min3A_720 : vector<1024xf32> to vector<1024x1xf32>
    %iota3A = tpu.iota {dimensions = array<i32: 1>} : vector<1x128xi32>
    %convert_element_type3A = arith.sitofp %iota3A : vector<1x128xi32> to vector<1x128xf32>
    %eq3A = vector.broadcast %broadcast_in_dim3A_721 : vector<1024x1xf32> to vector<1024x128xf32>
    %eq3A_722 = arith.cmpf oeq, %min3A_717, %eq3A : vector<1024x128xf32>
    %mul3A_723 = arith.constant 1.280000e+02 : f32
    %mul3A_724 = vector.broadcast %mul3A_723 : f32 to vector<1024x128xf32>
    %mul3A_725 = arith.mulf %select_n3A_719, %mul3A_724 : vector<1024x128xf32>
    %add3A_726 = vector.broadcast %convert_element_type3A : vector<1x128xf32> to vector<1024x128xf32>
    %add3A_727 = arith.addf %mul3A_725, %add3A_726 : vector<1024x128xf32>
    %jit3A_728 = arith.constant 0x4C800000 : f32
    %broadcast_in_dim3A_729 = vector.broadcast %jit3A_728 : f32 to vector<1024x128xf32>
    %select_n3A_730 = arith.select %eq3A_722, %add3A_727, %broadcast_in_dim3A_729 : vector<1024x128xi1>, vector<1024x128xf32>
    %reduce_min3A_731 = arith.constant dense<0x7F800000> : vector<1024xf32>
    %reduce_min3A_732 = vector.multi_reduction <minimumf>, %select_n3A_730, %reduce_min3A_731 [1] : vector<1024x128xf32> to vector<1024xf32>
    %convert_element_type3A_733 = arith.fptosi %reduce_min3A_732 : vector<1024xf32> to vector<1024xi32>
    %swap3A_734 = arith.constant 0 : index
    %swap3A_735 = vector.load %arg7[%swap3A_734] : memref<1024xi32, #tpu.memory_space<vmem>>, vector<1024xi32>
    tpu.vector_store %arg7[%swap3A_734], %convert_element_type3A_733 {strides = array<i32>} : memref<1024xi32, #tpu.memory_space<vmem>>, vector<1024xi32>,
    return
  }
  func.func @transform_0(%arg0: i32) -> (i32, i32) {
    %c0_i32 = arith.constant 0 : i32
    %c0_i32_0 = arith.constant 0 : i32
    return %arg0, %c0_i32 : i32, i32
  }
  func.func @transform_1(%arg0: i32) -> (i32, i32) {
    %c0_i32 = arith.constant 0 : i32
    %c0_i32_0 = arith.constant 0 : i32
    %c0_i32_1 = arith.constant 0 : i32
    return %c0_i32, %c0_i32_0 : i32, i32
  }
  func.func @transform_2(%arg0: i32) -> (i32, i32) {
    %c0_i32 = arith.constant 0 : i32
    %c0_i32_0 = arith.constant 0 : i32
    %c0_i32_1 = arith.constant 0 : i32
    return %c0_i32, %c0_i32_0 : i32, i32
  }
  func.func @transform_3(%arg0: i32) -> (i32, i32) {
    %c0_i32 = arith.constant 0 : i32
    %c0_i32_0 = arith.constant 0 : i32
    %c0_i32_1 = arith.constant 0 : i32
    return %c0_i32, %c0_i32_0 : i32, i32
  }
  func.func @transform_4(%arg0: i32) -> (i32, i32) {
    %c0_i32 = arith.constant 0 : i32
    %c0_i32_0 = arith.constant 0 : i32
    %c0_i32_1 = arith.constant 0 : i32
    return %c0_i32, %c0_i32_0 : i32, i32
  }
  func.func @transform_5(%arg0: i32) -> (i32, i32) {
    %c0_i32 = arith.constant 0 : i32
    %c0_i32_0 = arith.constant 0 : i32
    return %arg0, %c0_i32 : i32, i32
  }
  func.func @transform_6(%arg0: i32) -> i32 {
    %c0_i32 = arith.constant 0 : i32
    return %arg0 : i32
  }
}

module attributes {stable_mosaic.version = 14 : i64} {
  func.func @_e2_body(%arg0: i32, %arg1: memref<1x8192x256xf32, #tpu.memory_space<vmem>>, %arg2: memref<1x1x8192xf32, #tpu.memory_space<vmem>>) attributes {dimension_semantics = [#tpu.dimension_semantics<arbitrary>], iteration_bounds = array<i64: 4>, scalar_prefetch = 0 : i64, scratch_operands = 0 : i64, tpu.core_type = #tpu.core_type<tc>, window_params = [{transform_indices = @transform_0, window_bounds = array<i64: 1, 8192, 256>}, {transform_indices = @transform_1, window_bounds = array<i64: 1, 1, 8192>}]} {
    %get3A = arith.constant 0 : index
    %get3A_0 = arith.constant 0 : index
    %get3A_1 = arith.constant 0 : index
    %get3A_2 = vector.load %arg1[%get3A, %get3A_0, %get3A_1] : memref<1x8192x256xf32, #tpu.memory_space<vmem>>, vector<1x8192x256xf32>
    %get3A_3 = vector.shape_cast %get3A_2 : vector<1x8192x256xf32> to vector<8192x256xf32>
    %mul3A = arith.mulf %get3A_3, %get3A_3 : vector<8192x256xf32>
    %reduce_sum3A = arith.constant dense<0.000000e+00> : vector<8192xf32>
    %reduce_sum3A_4 = vector.multi_reduction <add>, %mul3A, %reduce_sum3A [1] : vector<8192x256xf32> to vector<8192xf32>
    %swap3A = arith.constant 0 : index
    %swap3A_5 = arith.constant 0 : index
    %swap3A_6 = arith.constant 0 : index
    %swap3A_7 = vector.load %arg2[%swap3A, %swap3A_5, %swap3A_6] : memref<1x1x8192xf32, #tpu.memory_space<vmem>>, vector<1x1x8192xf32>
    %swap3A_8 = vector.shape_cast %swap3A_7 : vector<1x1x8192xf32> to vector<8192xf32>
    %swap3A_9 = vector.shape_cast %reduce_sum3A_4 : vector<8192xf32> to vector<1x1x8192xf32>
    tpu.vector_store %arg2[%swap3A, %swap3A_5, %swap3A_6], %swap3A_9 {strides = array<i32>} : memref<1x1x8192xf32, #tpu.memory_space<vmem>>, vector<1x1x8192xf32>,
    return
  }
  func.func @transform_0(%arg0: i32) -> (i32, i32, i32) {
    %c0_i32 = arith.constant 0 : i32
    %c0_i32_0 = arith.constant 0 : i32
    %c0_i32_1 = arith.constant 0 : i32
    return %arg0, %c0_i32, %c0_i32_0 : i32, i32, i32
  }
  func.func @transform_1(%arg0: i32) -> (i32, i32, i32) {
    %c0_i32 = arith.constant 0 : i32
    %c0_i32_0 = arith.constant 0 : i32
    %c0_i32_1 = arith.constant 0 : i32
    return %arg0, %c0_i32, %c0_i32_0 : i32, i32, i32
  }
}

module attributes {stable_mosaic.version = 14 : i64} {
  func.func @_upd_dist_body(%arg0: i32, %arg1: memref<1024x256xf32, #tpu.memory_space<vmem>>, %arg2: memref<1024x256xf32, #tpu.memory_space<vmem>>, %arg3: memref<1xi32, #tpu.memory_space<smem>>, %arg4: memref<8192x256xf32, #tpu.memory_space<vmem>>, %arg5: memref<1x8192xf32, #tpu.memory_space<vmem>>, %arg6: memref<1024x256xf32, #tpu.memory_space<vmem>>, %arg7: memref<1024x1xf32, #tpu.memory_space<vmem>>, %arg8: memref<1024x256xf32, #tpu.memory_space<vmem>>, %arg9: memref<1024xi32, #tpu.memory_space<vmem>>) attributes {dimension_semantics = [#tpu.dimension_semantics<parallel>], iteration_bounds = array<i64: 9>, scalar_prefetch = 0 : i64, scratch_operands = 0 : i64, tpu.core_type = #tpu.core_type<tc>, window_params = [{transform_indices = @transform_0, window_bounds = array<i64: 1024, 256>}, {transform_indices = @transform_1, window_bounds = array<i64: 1024, 256>}, {transform_indices = @transform_2, window_bounds = array<i64: 1>}, {pipeline_mode = #tpu.pipeline_mode<synchronous>, transform_indices = @transform_3, window_bounds = array<i64: 8192, 256>}, {pipeline_mode = #tpu.pipeline_mode<synchronous>, transform_indices = @transform_4, window_bounds = array<i64: 1, 8192>}, {transform_indices = @transform_5, window_bounds = array<i64: 1024, 256>}, {transform_indices = @transform_6, window_bounds = array<i64: 1024, 1>}, {transform_indices = @transform_7, window_bounds = array<i64: 1024, 256>}, {transform_indices = @transform_8, window_bounds = array<i64: 1024>}]} {
    %get3A = arith.constant 0 : index
    %get3A_0 = memref.load %arg3[%get3A] : memref<1xi32, #tpu.memory_space<smem>>
    %ne3A = arith.constant 0 : i32
    %ne3A_1 = arith.cmpi ne, %get3A_0, %ne3A : i32
    %get3A_2 = arith.constant 0 : index
    %get3A_3 = arith.constant 0 : index
    %get3A_4 = vector.load %arg1[%get3A_2, %get3A_3] : memref<1024x256xf32, #tpu.memory_space<vmem>>, vector<1024x256xf32>
    %get3A_5 = arith.constant 0 : index
    %get3A_6 = arith.constant 0 : index
    %get3A_7 = vector.load %arg2[%get3A_5, %get3A_6] : memref<1024x256xf32, #tpu.memory_space<vmem>>, vector<1024x256xf32>
    %sub3A = arith.subf %get3A_7, %get3A_4 : vector<1024x256xf32>
    %add3A = arith.addf %get3A_4, %sub3A : vector<1024x256xf32>
    %broadcast_in_dim3A = arith.constant 0.000000e+00 : f32
    %broadcast_in_dim3A_8 = vector.broadcast %broadcast_in_dim3A : f32 to vector<1024x256xf32>
    %select_n3A = arith.select %ne3A_1, %add3A, %broadcast_in_dim3A_8 : vector<1024x256xf32>
    %mul3A = arith.mulf %sub3A, %sub3A : vector<1024x256xf32>
    %reduce_sum3A = arith.constant dense<0.000000e+00> : vector<1024xf32>
    %reduce_sum3A_9 = vector.multi_reduction <add>, %mul3A, %reduce_sum3A [1] : vector<1024x256xf32> to vector<1024xf32>
    %broadcast_in_dim3A_10 = vector.shape_cast %reduce_sum3A_9 : vector<1024xf32> to vector<1024x1xf32>
    %div3A = arith.constant 2.560000e+02 : f32
    %div3A_11 = vector.broadcast %div3A : f32 to vector<1024x1xf32>
    %div3A_12 = arith.divf %broadcast_in_dim3A_10, %div3A_11 : vector<1024x1xf32>
    %mul3A_13 = arith.constant 2.500000e-01 : f32
    %mul3A_14 = vector.broadcast %mul3A_13 : f32 to vector<1024x1xf32>
    %mul3A_15 = arith.mulf %div3A_12, %mul3A_14 : vector<1024x1xf32>
    %add3A_16 = arith.addf %div3A_12, %mul3A_15 : vector<1024x1xf32>
    %broadcast_in_dim3A_17 = arith.constant 0.000000e+00 : f32
    %broadcast_in_dim3A_18 = vector.broadcast %broadcast_in_dim3A_17 : f32 to vector<1024x1xf32>
    %select_n3A_19 = arith.select %ne3A_1, %add3A_16, %broadcast_in_dim3A_18 : vector<1024x1xf32>
    %sub3A_20 = arith.subf %get3A_4, %select_n3A : vector<1024x256xf32>
    %swap3A = arith.constant 0 : index
    %swap3A_21 = arith.constant 0 : index
    %swap3A_22 = vector.load %arg6[%swap3A, %swap3A_21] : memref<1024x256xf32, #tpu.memory_space<vmem>>, vector<1024x256xf32>
    tpu.vector_store %arg6[%swap3A, %swap3A_21], %select_n3A {strides = array<i32>} : memref<1024x256xf32, #tpu.memory_space<vmem>>, vector<1024x256xf32>,
    %swap3A_23 = arith.constant 0 : index
    %swap3A_24 = arith.constant 0 : index
    %swap3A_25 = vector.load %arg7[%swap3A_23, %swap3A_24] : memref<1024x1xf32, #tpu.memory_space<vmem>>, vector<1024x1xf32>
    tpu.vector_store %arg7[%swap3A_23, %swap3A_24], %select_n3A_19 {strides = array<i32>} : memref<1024x1xf32, #tpu.memory_space<vmem>>, vector<1024x1xf32>,
    %swap3A_26 = arith.constant 0 : index
    %swap3A_27 = arith.constant 0 : index
    %swap3A_28 = vector.load %arg8[%swap3A_26, %swap3A_27] : memref<1024x256xf32, #tpu.memory_space<vmem>>, vector<1024x256xf32>
    tpu.vector_store %arg8[%swap3A_26, %swap3A_27], %sub3A_20 {strides = array<i32>} : memref<1024x256xf32, #tpu.memory_space<vmem>>, vector<1024x256xf32>,
    %mul3A_29 = arith.mulf %sub3A_20, %sub3A_20 : vector<1024x256xf32>
    %reduce_sum3A_30 = arith.constant dense<0.000000e+00> : vector<1024xf32>
    %reduce_sum3A_31 = vector.multi_reduction <add>, %mul3A_29, %reduce_sum3A_30 [1] : vector<1024x256xf32> to vector<1024xf32>
    %broadcast_in_dim3A_32 = vector.shape_cast %reduce_sum3A_31 : vector<1024xf32> to vector<1024x1xf32>
    %mul3A_33 = arith.constant -2.000000e+00 : f32
    %mul3A_34 = vector.broadcast %mul3A_33 : f32 to vector<1024x256xf32>
    %mul3A_35 = arith.mulf %sub3A_20, %mul3A_34 : vector<1024x256xf32>
    %get3A_36 = arith.constant 0 : index
    %get3A_37 = arith.constant 0 : index
    %get3A_38 = vector.load %arg4[%get3A_36, %get3A_37] : memref<8192x256xf32, #tpu.memory_space<vmem>>, vector<8192x256xf32>
    %dot_general3A = arith.constant dense<0.000000e+00> : vector<1024x8192xf32>
    %dot_general3A_39 = tpu.matmul %mul3A_35, %get3A_38, %dot_general3A {dimension_numbers = #tpu.dot_dimension_numbers<[1], [1], [0], [0], [0, 0, 1, 0], [], []>, transpose_lhs_hint = false} : vector<1024x256xf32>, vector<8192x256xf32>, vector<1024x8192xf32> -> vector<1024x8192xf32>
    %get3A_40 = arith.constant 0 : index
    %get3A_41 = arith.constant 0 : index
    %get3A_42 = vector.load %arg5[%get3A_40, %get3A_41] : memref<1x8192xf32, #tpu.memory_space<vmem>>, vector<1x8192xf32>
    %slice3A = vector.extract_strided_slice %get3A_42 {offsets = [0, 0], sizes = [1, 128], strides = [1, 1]} : vector<1x8192xf32> to vector<1x128xf32>
    %add3A_43 = vector.broadcast %broadcast_in_dim3A_32 : vector<1024x1xf32> to vector<1024x128xf32>
    %add3A_44 = vector.broadcast %slice3A : vector<1x128xf32> to vector<1024x128xf32>
    %add3A_45 = arith.addf %add3A_43, %add3A_44 : vector<1024x128xf32>
    %slice3A_46 = vector.extract_strided_slice %dot_general3A_39 {offsets = [0, 0], sizes = [1024, 128], strides = [1, 1]} : vector<1024x8192xf32> to vector<1024x128xf32>
    %add3A_47 = arith.addf %add3A_45, %slice3A_46 : vector<1024x128xf32>
    %slice3A_48 = vector.extract_strided_slice %get3A_42 {offsets = [0, 128], sizes = [1, 128], strides = [1, 1]} : vector<1x8192xf32> to vector<1x128xf32>
    %add3A_49 = vector.broadcast %broadcast_in_dim3A_32 : vector<1024x1xf32> to vector<1024x128xf32>
    %add3A_50 = vector.broadcast %slice3A_48 : vector<1x128xf32> to vector<1024x128xf32>
    %add3A_51 = arith.addf %add3A_49, %add3A_50 : vector<1024x128xf32>
    %slice3A_52 = vector.extract_strided_slice %dot_general3A_39 {offsets = [0, 128], sizes = [1024, 128], strides = [1, 1]} : vector<1024x8192xf32> to vector<1024x128xf32>
    %add3A_53 = arith.addf %add3A_51, %slice3A_52 : vector<1024x128xf32>
    %min3A = arith.minimumf %add3A_47, %add3A_53 : vector<1024x128xf32>
    %le3A = arith.cmpf ole, %add3A_47, %add3A_53 : vector<1024x128xf32>
    %jit3A = arith.constant 0.000000e+00 : f32
    %jit3A_54 = arith.constant 1.000000e+00 : f32
    %broadcast_in_dim3A_55 = vector.broadcast %jit3A : f32 to vector<1024x128xf32>
    %broadcast_in_dim3A_56 = vector.broadcast %jit3A_54 : f32 to vector<1024x128xf32>
    %select_n3A_57 = arith.select %le3A, %broadcast_in_dim3A_55, %broadcast_in_dim3A_56 : vector<1024x128xi1>, vector<1024x128xf32>
    %slice3A_58 = vector.extract_strided_slice %get3A_42 {offsets = [0, 256], sizes = [1, 128], strides = [1, 1]} : vector<1x8192xf32> to vector<1x128xf32>
    %add3A_59 = vector.broadcast %broadcast_in_dim3A_32 : vector<1024x1xf32> to vector<1024x128xf32>
    %add3A_60 = vector.broadcast %slice3A_58 : vector<1x128xf32> to vector<1024x128xf32>
    %add3A_61 = arith.addf %add3A_59, %add3A_60 : vector<1024x128xf32>
    %slice3A_62 = vector.extract_strided_slice %dot_general3A_39 {offsets = [0, 256], sizes = [1024, 128], strides = [1, 1]} : vector<1024x8192xf32> to vector<1024x128xf32>
    %add3A_63 = arith.addf %add3A_61, %slice3A_62 : vector<1024x128xf32>
    %slice3A_64 = vector.extract_strided_slice %get3A_42 {offsets = [0, 384], sizes = [1, 128], strides = [1, 1]} : vector<1x8192xf32> to vector<1x128xf32>
    %add3A_65 = vector.broadcast %broadcast_in_dim3A_32 : vector<1024x1xf32> to vector<1024x128xf32>
    %add3A_66 = vector.broadcast %slice3A_64 : vector<1x128xf32> to vector<1024x128xf32>
    %add3A_67 = arith.addf %add3A_65, %add3A_66 : vector<1024x128xf32>
    %slice3A_68 = vector.extract_strided_slice %dot_general3A_39 {offsets = [0, 384], sizes = [1024, 128], strides = [1, 1]} : vector<1024x8192xf32> to vector<1024x128xf32>
    %add3A_69 = arith.addf %add3A_67, %slice3A_68 : vector<1024x128xf32>
    %min3A_70 = arith.minimumf %add3A_63, %add3A_69 : vector<1024x128xf32>
    %le3A_71 = arith.cmpf ole, %add3A_63, %add3A_69 : vector<1024x128xf32>
    %jit3A_72 = arith.constant 2.000000e+00 : f32
    %jit3A_73 = arith.constant 3.000000e+00 : f32
    %broadcast_in_dim3A_74 = vector.broadcast %jit3A_72 : f32 to vector<1024x128xf32>
    %broadcast_in_dim3A_75 = vector.broadcast %jit3A_73 : f32 to vector<1024x128xf32>
    %select_n3A_76 = arith.select %le3A_71, %broadcast_in_dim3A_74, %broadcast_in_dim3A_75 : vector<1024x128xi1>, vector<1024x128xf32>
    %slice3A_77 = vector.extract_strided_slice %get3A_42 {offsets = [0, 512], sizes = [1, 128], strides = [1, 1]} : vector<1x8192xf32> to vector<1x128xf32>
    %add3A_78 = vector.broadcast %broadcast_in_dim3A_32 : vector<1024x1xf32> to vector<1024x128xf32>
    %add3A_79 = vector.broadcast %slice3A_77 : vector<1x128xf32> to vector<1024x128xf32>
    %add3A_80 = arith.addf %add3A_78, %add3A_79 : vector<1024x128xf32>
    %slice3A_81 = vector.extract_strided_slice %dot_general3A_39 {offsets = [0, 512], sizes = [1024, 128], strides = [1, 1]} : vector<1024x8192xf32> to vector<1024x128xf32>
    %add3A_82 = arith.addf %add3A_80, %slice3A_81 : vector<1024x128xf32>
    %slice3A_83 = vector.extract_strided_slice %get3A_42 {offsets = [0, 640], sizes = [1, 128], strides = [1, 1]} : vector<1x8192xf32> to vector<1x128xf32>
    %add3A_84 = vector.broadcast %broadcast_in_dim3A_32 : vector<1024x1xf32> to vector<1024x128xf32>
    %add3A_85 = vector.broadcast %slice3A_83 : vector<1x128xf32> to vector<1024x128xf32>
    %add3A_86 = arith.addf %add3A_84, %add3A_85 : vector<1024x128xf32>
    %slice3A_87 = vector.extract_strided_slice %dot_general3A_39 {offsets = [0, 640], sizes = [1024, 128], strides = [1, 1]} : vector<1024x8192xf32> to vector<1024x128xf32>
    %add3A_88 = arith.addf %add3A_86, %slice3A_87 : vector<1024x128xf32>
    %min3A_89 = arith.minimumf %add3A_82, %add3A_88 : vector<1024x128xf32>
    %le3A_90 = arith.cmpf ole, %add3A_82, %add3A_88 : vector<1024x128xf32>
    %jit3A_91 = arith.constant 4.000000e+00 : f32
    %jit3A_92 = arith.constant 5.000000e+00 : f32
    %broadcast_in_dim3A_93 = vector.broadcast %jit3A_91 : f32 to vector<1024x128xf32>
    %broadcast_in_dim3A_94 = vector.broadcast %jit3A_92 : f32 to vector<1024x128xf32>
    %select_n3A_95 = arith.select %le3A_90, %broadcast_in_dim3A_93, %broadcast_in_dim3A_94 : vector<1024x128xi1>, vector<1024x128xf32>
    %slice3A_96 = vector.extract_strided_slice %get3A_42 {offsets = [0, 768], sizes = [1, 128], strides = [1, 1]} : vector<1x8192xf32> to vector<1x128xf32>
    %add3A_97 = vector.broadcast %broadcast_in_dim3A_32 : vector<1024x1xf32> to vector<1024x128xf32>
    %add3A_98 = vector.broadcast %slice3A_96 : vector<1x128xf32> to vector<1024x128xf32>
    %add3A_99 = arith.addf %add3A_97, %add3A_98 : vector<1024x128xf32>
    %slice3A_100 = vector.extract_strided_slice %dot_general3A_39 {offsets = [0, 768], sizes = [1024, 128], strides = [1, 1]} : vector<1024x8192xf32> to vector<1024x128xf32>
    %add3A_101 = arith.addf %add3A_99, %slice3A_100 : vector<1024x128xf32>
    %slice3A_102 = vector.extract_strided_slice %get3A_42 {offsets = [0, 896], sizes = [1, 128], strides = [1, 1]} : vector<1x8192xf32> to vector<1x128xf32>
    %add3A_103 = vector.broadcast %broadcast_in_dim3A_32 : vector<1024x1xf32> to vector<1024x128xf32>
    %add3A_104 = vector.broadcast %slice3A_102 : vector<1x128xf32> to vector<1024x128xf32>
    %add3A_105 = arith.addf %add3A_103, %add3A_104 : vector<1024x128xf32>
    %slice3A_106 = vector.extract_strided_slice %dot_general3A_39 {offsets = [0, 896], sizes = [1024, 128], strides = [1, 1]} : vector<1024x8192xf32> to vector<1024x128xf32>
    %add3A_107 = arith.addf %add3A_105, %slice3A_106 : vector<1024x128xf32>
    %min3A_108 = arith.minimumf %add3A_101, %add3A_107 : vector<1024x128xf32>
    %le3A_109 = arith.cmpf ole, %add3A_101, %add3A_107 : vector<1024x128xf32>
    %jit3A_110 = arith.constant 6.000000e+00 : f32
    %jit3A_111 = arith.constant 7.000000e+00 : f32
    %broadcast_in_dim3A_112 = vector.broadcast %jit3A_110 : f32 to vector<1024x128xf32>
    %broadcast_in_dim3A_113 = vector.broadcast %jit3A_111 : f32 to vector<1024x128xf32>
    %select_n3A_114 = arith.select %le3A_109, %broadcast_in_dim3A_112, %broadcast_in_dim3A_113 : vector<1024x128xi1>, vector<1024x128xf32>
    %slice3A_115 = vector.extract_strided_slice %get3A_42 {offsets = [0, 1024], sizes = [1, 128], strides = [1, 1]} : vector<1x8192xf32> to vector<1x128xf32>
    %add3A_116 = vector.broadcast %broadcast_in_dim3A_32 : vector<1024x1xf32> to vector<1024x128xf32>
    %add3A_117 = vector.broadcast %slice3A_115 : vector<1x128xf32> to vector<1024x128xf32>
    %add3A_118 = arith.addf %add3A_116, %add3A_117 : vector<1024x128xf32>
    %slice3A_119 = vector.extract_strided_slice %dot_general3A_39 {offsets = [0, 1024], sizes = [1024, 128], strides = [1, 1]} : vector<1024x8192xf32> to vector<1024x128xf32>
    %add3A_120 = arith.addf %add3A_118, %slice3A_119 : vector<1024x128xf32>
    %slice3A_121 = vector.extract_strided_slice %get3A_42 {offsets = [0, 1152], sizes = [1, 128], strides = [1, 1]} : vector<1x8192xf32> to vector<1x128xf32>
    %add3A_122 = vector.broadcast %broadcast_in_dim3A_32 : vector<1024x1xf32> to vector<1024x128xf32>
    %add3A_123 = vector.broadcast %slice3A_121 : vector<1x128xf32> to vector<1024x128xf32>
    %add3A_124 = arith.addf %add3A_122, %add3A_123 : vector<1024x128xf32>
    %slice3A_125 = vector.extract_strided_slice %dot_general3A_39 {offsets = [0, 1152], sizes = [1024, 128], strides = [1, 1]} : vector<1024x8192xf32> to vector<1024x128xf32>
    %add3A_126 = arith.addf %add3A_124, %slice3A_125 : vector<1024x128xf32>
    %min3A_127 = arith.minimumf %add3A_120, %add3A_126 : vector<1024x128xf32>
    %le3A_128 = arith.cmpf ole, %add3A_120, %add3A_126 : vector<1024x128xf32>
    %jit3A_129 = arith.constant 8.000000e+00 : f32
    %jit3A_130 = arith.constant 9.000000e+00 : f32
    %broadcast_in_dim3A_131 = vector.broadcast %jit3A_129 : f32 to vector<1024x128xf32>
    %broadcast_in_dim3A_132 = vector.broadcast %jit3A_130 : f32 to vector<1024x128xf32>
    %select_n3A_133 = arith.select %le3A_128, %broadcast_in_dim3A_131, %broadcast_in_dim3A_132 : vector<1024x128xi1>, vector<1024x128xf32>
    %slice3A_134 = vector.extract_strided_slice %get3A_42 {offsets = [0, 1280], sizes = [1, 128], strides = [1, 1]} : vector<1x8192xf32> to vector<1x128xf32>
    %add3A_135 = vector.broadcast %broadcast_in_dim3A_32 : vector<1024x1xf32> to vector<1024x128xf32>
    %add3A_136 = vector.broadcast %slice3A_134 : vector<1x128xf32> to vector<1024x128xf32>
    %add3A_137 = arith.addf %add3A_135, %add3A_136 : vector<1024x128xf32>
    %slice3A_138 = vector.extract_strided_slice %dot_general3A_39 {offsets = [0, 1280], sizes = [1024, 128], strides = [1, 1]} : vector<1024x8192xf32> to vector<1024x128xf32>
    %add3A_139 = arith.addf %add3A_137, %slice3A_138 : vector<1024x128xf32>
    %slice3A_140 = vector.extract_strided_slice %get3A_42 {offsets = [0, 1408], sizes = [1, 128], strides = [1, 1]} : vector<1x8192xf32> to vector<1x128xf32>
    %add3A_141 = vector.broadcast %broadcast_in_dim3A_32 : vector<1024x1xf32> to vector<1024x128xf32>
    %add3A_142 = vector.broadcast %slice3A_140 : vector<1x128xf32> to vector<1024x128xf32>
    %add3A_143 = arith.addf %add3A_141, %add3A_142 : vector<1024x128xf32>
    %slice3A_144 = vector.extract_strided_slice %dot_general3A_39 {offsets = [0, 1408], sizes = [1024, 128], strides = [1, 1]} : vector<1024x8192xf32> to vector<1024x128xf32>
    %add3A_145 = arith.addf %add3A_143, %slice3A_144 : vector<1024x128xf32>
    %min3A_146 = arith.minimumf %add3A_139, %add3A_145 : vector<1024x128xf32>
    %le3A_147 = arith.cmpf ole, %add3A_139, %add3A_145 : vector<1024x128xf32>
    %jit3A_148 = arith.constant 1.000000e+01 : f32
    %jit3A_149 = arith.constant 1.100000e+01 : f32
    %broadcast_in_dim3A_150 = vector.broadcast %jit3A_148 : f32 to vector<1024x128xf32>
    %broadcast_in_dim3A_151 = vector.broadcast %jit3A_149 : f32 to vector<1024x128xf32>
    %select_n3A_152 = arith.select %le3A_147, %broadcast_in_dim3A_150, %broadcast_in_dim3A_151 : vector<1024x128xi1>, vector<1024x128xf32>
    %slice3A_153 = vector.extract_strided_slice %get3A_42 {offsets = [0, 1536], sizes = [1, 128], strides = [1, 1]} : vector<1x8192xf32> to vector<1x128xf32>
    %add3A_154 = vector.broadcast %broadcast_in_dim3A_32 : vector<1024x1xf32> to vector<1024x128xf32>
    %add3A_155 = vector.broadcast %slice3A_153 : vector<1x128xf32> to vector<1024x128xf32>
    %add3A_156 = arith.addf %add3A_154, %add3A_155 : vector<1024x128xf32>
    %slice3A_157 = vector.extract_strided_slice %dot_general3A_39 {offsets = [0, 1536], sizes = [1024, 128], strides = [1, 1]} : vector<1024x8192xf32> to vector<1024x128xf32>
    %add3A_158 = arith.addf %add3A_156, %slice3A_157 : vector<1024x128xf32>
    %slice3A_159 = vector.extract_strided_slice %get3A_42 {offsets = [0, 1664], sizes = [1, 128], strides = [1, 1]} : vector<1x8192xf32> to vector<1x128xf32>
    %add3A_160 = vector.broadcast %broadcast_in_dim3A_32 : vector<1024x1xf32> to vector<1024x128xf32>
    %add3A_161 = vector.broadcast %slice3A_159 : vector<1x128xf32> to vector<1024x128xf32>
    %add3A_162 = arith.addf %add3A_160, %add3A_161 : vector<1024x128xf32>
    %slice3A_163 = vector.extract_strided_slice %dot_general3A_39 {offsets = [0, 1664], sizes = [1024, 128], strides = [1, 1]} : vector<1024x8192xf32> to vector<1024x128xf32>
    %add3A_164 = arith.addf %add3A_162, %slice3A_163 : vector<1024x128xf32>
    %min3A_165 = arith.minimumf %add3A_158, %add3A_164 : vector<1024x128xf32>
    %le3A_166 = arith.cmpf ole, %add3A_158, %add3A_164 : vector<1024x128xf32>
    %jit3A_167 = arith.constant 1.200000e+01 : f32
    %jit3A_168 = arith.constant 1.300000e+01 : f32
    %broadcast_in_dim3A_169 = vector.broadcast %jit3A_167 : f32 to vector<1024x128xf32>
    %broadcast_in_dim3A_170 = vector.broadcast %jit3A_168 : f32 to vector<1024x128xf32>
    %select_n3A_171 = arith.select %le3A_166, %broadcast_in_dim3A_169, %broadcast_in_dim3A_170 : vector<1024x128xi1>, vector<1024x128xf32>
    %slice3A_172 = vector.extract_strided_slice %get3A_42 {offsets = [0, 1792], sizes = [1, 128], strides = [1, 1]} : vector<1x8192xf32> to vector<1x128xf32>
    %add3A_173 = vector.broadcast %broadcast_in_dim3A_32 : vector<1024x1xf32> to vector<1024x128xf32>
    %add3A_174 = vector.broadcast %slice3A_172 : vector<1x128xf32> to vector<1024x128xf32>
    %add3A_175 = arith.addf %add3A_173, %add3A_174 : vector<1024x128xf32>
    %slice3A_176 = vector.extract_strided_slice %dot_general3A_39 {offsets = [0, 1792], sizes = [1024, 128], strides = [1, 1]} : vector<1024x8192xf32> to vector<1024x128xf32>
    %add3A_177 = arith.addf %add3A_175, %slice3A_176 : vector<1024x128xf32>
    %slice3A_178 = vector.extract_strided_slice %get3A_42 {offsets = [0, 1920], sizes = [1, 128], strides = [1, 1]} : vector<1x8192xf32> to vector<1x128xf32>
    %add3A_179 = vector.broadcast %broadcast_in_dim3A_32 : vector<1024x1xf32> to vector<1024x128xf32>
    %add3A_180 = vector.broadcast %slice3A_178 : vector<1x128xf32> to vector<1024x128xf32>
    %add3A_181 = arith.addf %add3A_179, %add3A_180 : vector<1024x128xf32>
    %slice3A_182 = vector.extract_strided_slice %dot_general3A_39 {offsets = [0, 1920], sizes = [1024, 128], strides = [1, 1]} : vector<1024x8192xf32> to vector<1024x128xf32>
    %add3A_183 = arith.addf %add3A_181, %slice3A_182 : vector<1024x128xf32>
    %min3A_184 = arith.minimumf %add3A_177, %add3A_183 : vector<1024x128xf32>
    %le3A_185 = arith.cmpf ole, %add3A_177, %add3A_183 : vector<1024x128xf32>
    %jit3A_186 = arith.constant 1.400000e+01 : f32
    %jit3A_187 = arith.constant 1.500000e+01 : f32
    %broadcast_in_dim3A_188 = vector.broadcast %jit3A_186 : f32 to vector<1024x128xf32>
    %broadcast_in_dim3A_189 = vector.broadcast %jit3A_187 : f32 to vector<1024x128xf32>
    %select_n3A_190 = arith.select %le3A_185, %broadcast_in_dim3A_188, %broadcast_in_dim3A_189 : vector<1024x128xi1>, vector<1024x128xf32>
    %slice3A_191 = vector.extract_strided_slice %get3A_42 {offsets = [0, 2048], sizes = [1, 128], strides = [1, 1]} : vector<1x8192xf32> to vector<1x128xf32>
    %add3A_192 = vector.broadcast %broadcast_in_dim3A_32 : vector<1024x1xf32> to vector<1024x128xf32>
    %add3A_193 = vector.broadcast %slice3A_191 : vector<1x128xf32> to vector<1024x128xf32>
    %add3A_194 = arith.addf %add3A_192, %add3A_193 : vector<1024x128xf32>
    %slice3A_195 = vector.extract_strided_slice %dot_general3A_39 {offsets = [0, 2048], sizes = [1024, 128], strides = [1, 1]} : vector<1024x8192xf32> to vector<1024x128xf32>
    %add3A_196 = arith.addf %add3A_194, %slice3A_195 : vector<1024x128xf32>
    %slice3A_197 = vector.extract_strided_slice %get3A_42 {offsets = [0, 2176], sizes = [1, 128], strides = [1, 1]} : vector<1x8192xf32> to vector<1x128xf32>
    %add3A_198 = vector.broadcast %broadcast_in_dim3A_32 : vector<1024x1xf32> to vector<1024x128xf32>
    %add3A_199 = vector.broadcast %slice3A_197 : vector<1x128xf32> to vector<1024x128xf32>
    %add3A_200 = arith.addf %add3A_198, %add3A_199 : vector<1024x128xf32>
    %slice3A_201 = vector.extract_strided_slice %dot_general3A_39 {offsets = [0, 2176], sizes = [1024, 128], strides = [1, 1]} : vector<1024x8192xf32> to vector<1024x128xf32>
    %add3A_202 = arith.addf %add3A_200, %slice3A_201 : vector<1024x128xf32>
    %min3A_203 = arith.minimumf %add3A_196, %add3A_202 : vector<1024x128xf32>
    %le3A_204 = arith.cmpf ole, %add3A_196, %add3A_202 : vector<1024x128xf32>
    %jit3A_205 = arith.constant 1.600000e+01 : f32
    %jit3A_206 = arith.constant 1.700000e+01 : f32
    %broadcast_in_dim3A_207 = vector.broadcast %jit3A_205 : f32 to vector<1024x128xf32>
    %broadcast_in_dim3A_208 = vector.broadcast %jit3A_206 : f32 to vector<1024x128xf32>
    %select_n3A_209 = arith.select %le3A_204, %broadcast_in_dim3A_207, %broadcast_in_dim3A_208 : vector<1024x128xi1>, vector<1024x128xf32>
    %slice3A_210 = vector.extract_strided_slice %get3A_42 {offsets = [0, 2304], sizes = [1, 128], strides = [1, 1]} : vector<1x8192xf32> to vector<1x128xf32>
    %add3A_211 = vector.broadcast %broadcast_in_dim3A_32 : vector<1024x1xf32> to vector<1024x128xf32>
    %add3A_212 = vector.broadcast %slice3A_210 : vector<1x128xf32> to vector<1024x128xf32>
    %add3A_213 = arith.addf %add3A_211, %add3A_212 : vector<1024x128xf32>
    %slice3A_214 = vector.extract_strided_slice %dot_general3A_39 {offsets = [0, 2304], sizes = [1024, 128], strides = [1, 1]} : vector<1024x8192xf32> to vector<1024x128xf32>
    %add3A_215 = arith.addf %add3A_213, %slice3A_214 : vector<1024x128xf32>
    %slice3A_216 = vector.extract_strided_slice %get3A_42 {offsets = [0, 2432], sizes = [1, 128], strides = [1, 1]} : vector<1x8192xf32> to vector<1x128xf32>
    %add3A_217 = vector.broadcast %broadcast_in_dim3A_32 : vector<1024x1xf32> to vector<1024x128xf32>
    %add3A_218 = vector.broadcast %slice3A_216 : vector<1x128xf32> to vector<1024x128xf32>
    %add3A_219 = arith.addf %add3A_217, %add3A_218 : vector<1024x128xf32>
    %slice3A_220 = vector.extract_strided_slice %dot_general3A_39 {offsets = [0, 2432], sizes = [1024, 128], strides = [1, 1]} : vector<1024x8192xf32> to vector<1024x128xf32>
    %add3A_221 = arith.addf %add3A_219, %slice3A_220 : vector<1024x128xf32>
    %min3A_222 = arith.minimumf %add3A_215, %add3A_221 : vector<1024x128xf32>
    %le3A_223 = arith.cmpf ole, %add3A_215, %add3A_221 : vector<1024x128xf32>
    %jit3A_224 = arith.constant 1.800000e+01 : f32
    %jit3A_225 = arith.constant 1.900000e+01 : f32
    %broadcast_in_dim3A_226 = vector.broadcast %jit3A_224 : f32 to vector<1024x128xf32>
    %broadcast_in_dim3A_227 = vector.broadcast %jit3A_225 : f32 to vector<1024x128xf32>
    %select_n3A_228 = arith.select %le3A_223, %broadcast_in_dim3A_226, %broadcast_in_dim3A_227 : vector<1024x128xi1>, vector<1024x128xf32>
    %slice3A_229 = vector.extract_strided_slice %get3A_42 {offsets = [0, 2560], sizes = [1, 128], strides = [1, 1]} : vector<1x8192xf32> to vector<1x128xf32>
    %add3A_230 = vector.broadcast %broadcast_in_dim3A_32 : vector<1024x1xf32> to vector<1024x128xf32>
    %add3A_231 = vector.broadcast %slice3A_229 : vector<1x128xf32> to vector<1024x128xf32>
    %add3A_232 = arith.addf %add3A_230, %add3A_231 : vector<1024x128xf32>
    %slice3A_233 = vector.extract_strided_slice %dot_general3A_39 {offsets = [0, 2560], sizes = [1024, 128], strides = [1, 1]} : vector<1024x8192xf32> to vector<1024x128xf32>
    %add3A_234 = arith.addf %add3A_232, %slice3A_233 : vector<1024x128xf32>
    %slice3A_235 = vector.extract_strided_slice %get3A_42 {offsets = [0, 2688], sizes = [1, 128], strides = [1, 1]} : vector<1x8192xf32> to vector<1x128xf32>
    %add3A_236 = vector.broadcast %broadcast_in_dim3A_32 : vector<1024x1xf32> to vector<1024x128xf32>
    %add3A_237 = vector.broadcast %slice3A_235 : vector<1x128xf32> to vector<1024x128xf32>
    %add3A_238 = arith.addf %add3A_236, %add3A_237 : vector<1024x128xf32>
    %slice3A_239 = vector.extract_strided_slice %dot_general3A_39 {offsets = [0, 2688], sizes = [1024, 128], strides = [1, 1]} : vector<1024x8192xf32> to vector<1024x128xf32>
    %add3A_240 = arith.addf %add3A_238, %slice3A_239 : vector<1024x128xf32>
    %min3A_241 = arith.minimumf %add3A_234, %add3A_240 : vector<1024x128xf32>
    %le3A_242 = arith.cmpf ole, %add3A_234, %add3A_240 : vector<1024x128xf32>
    %jit3A_243 = arith.constant 2.000000e+01 : f32
    %jit3A_244 = arith.constant 2.100000e+01 : f32
    %broadcast_in_dim3A_245 = vector.broadcast %jit3A_243 : f32 to vector<1024x128xf32>
    %broadcast_in_dim3A_246 = vector.broadcast %jit3A_244 : f32 to vector<1024x128xf32>
    %select_n3A_247 = arith.select %le3A_242, %broadcast_in_dim3A_245, %broadcast_in_dim3A_246 : vector<1024x128xi1>, vector<1024x128xf32>
    %slice3A_248 = vector.extract_strided_slice %get3A_42 {offsets = [0, 2816], sizes = [1, 128], strides = [1, 1]} : vector<1x8192xf32> to vector<1x128xf32>
    %add3A_249 = vector.broadcast %broadcast_in_dim3A_32 : vector<1024x1xf32> to vector<1024x128xf32>
    %add3A_250 = vector.broadcast %slice3A_248 : vector<1x128xf32> to vector<1024x128xf32>
    %add3A_251 = arith.addf %add3A_249, %add3A_250 : vector<1024x128xf32>
    %slice3A_252 = vector.extract_strided_slice %dot_general3A_39 {offsets = [0, 2816], sizes = [1024, 128], strides = [1, 1]} : vector<1024x8192xf32> to vector<1024x128xf32>
    %add3A_253 = arith.addf %add3A_251, %slice3A_252 : vector<1024x128xf32>
    %slice3A_254 = vector.extract_strided_slice %get3A_42 {offsets = [0, 2944], sizes = [1, 128], strides = [1, 1]} : vector<1x8192xf32> to vector<1x128xf32>
    %add3A_255 = vector.broadcast %broadcast_in_dim3A_32 : vector<1024x1xf32> to vector<1024x128xf32>
    %add3A_256 = vector.broadcast %slice3A_254 : vector<1x128xf32> to vector<1024x128xf32>
    %add3A_257 = arith.addf %add3A_255, %add3A_256 : vector<1024x128xf32>
    %slice3A_258 = vector.extract_strided_slice %dot_general3A_39 {offsets = [0, 2944], sizes = [1024, 128], strides = [1, 1]} : vector<1024x8192xf32> to vector<1024x128xf32>
    %add3A_259 = arith.addf %add3A_257, %slice3A_258 : vector<1024x128xf32>
    %min3A_260 = arith.minimumf %add3A_253, %add3A_259 : vector<1024x128xf32>
    %le3A_261 = arith.cmpf ole, %add3A_253, %add3A_259 : vector<1024x128xf32>
    %jit3A_262 = arith.constant 2.200000e+01 : f32
    %jit3A_263 = arith.constant 2.300000e+01 : f32
    %broadcast_in_dim3A_264 = vector.broadcast %jit3A_262 : f32 to vector<1024x128xf32>
    %broadcast_in_dim3A_265 = vector.broadcast %jit3A_263 : f32 to vector<1024x128xf32>
    %select_n3A_266 = arith.select %le3A_261, %broadcast_in_dim3A_264, %broadcast_in_dim3A_265 : vector<1024x128xi1>, vector<1024x128xf32>
    %slice3A_267 = vector.extract_strided_slice %get3A_42 {offsets = [0, 3072], sizes = [1, 128], strides = [1, 1]} : vector<1x8192xf32> to vector<1x128xf32>
    %add3A_268 = vector.broadcast %broadcast_in_dim3A_32 : vector<1024x1xf32> to vector<1024x128xf32>
    %add3A_269 = vector.broadcast %slice3A_267 : vector<1x128xf32> to vector<1024x128xf32>
    %add3A_270 = arith.addf %add3A_268, %add3A_269 : vector<1024x128xf32>
    %slice3A_271 = vector.extract_strided_slice %dot_general3A_39 {offsets = [0, 3072], sizes = [1024, 128], strides = [1, 1]} : vector<1024x8192xf32> to vector<1024x128xf32>
    %add3A_272 = arith.addf %add3A_270, %slice3A_271 : vector<1024x128xf32>
    %slice3A_273 = vector.extract_strided_slice %get3A_42 {offsets = [0, 3200], sizes = [1, 128], strides = [1, 1]} : vector<1x8192xf32> to vector<1x128xf32>
    %add3A_274 = vector.broadcast %broadcast_in_dim3A_32 : vector<1024x1xf32> to vector<1024x128xf32>
    %add3A_275 = vector.broadcast %slice3A_273 : vector<1x128xf32> to vector<1024x128xf32>
    %add3A_276 = arith.addf %add3A_274, %add3A_275 : vector<1024x128xf32>
    %slice3A_277 = vector.extract_strided_slice %dot_general3A_39 {offsets = [0, 3200], sizes = [1024, 128], strides = [1, 1]} : vector<1024x8192xf32> to vector<1024x128xf32>
    %add3A_278 = arith.addf %add3A_276, %slice3A_277 : vector<1024x128xf32>
    %min3A_279 = arith.minimumf %add3A_272, %add3A_278 : vector<1024x128xf32>
    %le3A_280 = arith.cmpf ole, %add3A_272, %add3A_278 : vector<1024x128xf32>
    %jit3A_281 = arith.constant 2.400000e+01 : f32
    %jit3A_282 = arith.constant 2.500000e+01 : f32
    %broadcast_in_dim3A_283 = vector.broadcast %jit3A_281 : f32 to vector<1024x128xf32>
    %broadcast_in_dim3A_284 = vector.broadcast %jit3A_282 : f32 to vector<1024x128xf32>
    %select_n3A_285 = arith.select %le3A_280, %broadcast_in_dim3A_283, %broadcast_in_dim3A_284 : vector<1024x128xi1>, vector<1024x128xf32>
    %slice3A_286 = vector.extract_strided_slice %get3A_42 {offsets = [0, 3328], sizes = [1, 128], strides = [1, 1]} : vector<1x8192xf32> to vector<1x128xf32>
    %add3A_287 = vector.broadcast %broadcast_in_dim3A_32 : vector<1024x1xf32> to vector<1024x128xf32>
    %add3A_288 = vector.broadcast %slice3A_286 : vector<1x128xf32> to vector<1024x128xf32>
    %add3A_289 = arith.addf %add3A_287, %add3A_288 : vector<1024x128xf32>
    %slice3A_290 = vector.extract_strided_slice %dot_general3A_39 {offsets = [0, 3328], sizes = [1024, 128], strides = [1, 1]} : vector<1024x8192xf32> to vector<1024x128xf32>
    %add3A_291 = arith.addf %add3A_289, %slice3A_290 : vector<1024x128xf32>
    %slice3A_292 = vector.extract_strided_slice %get3A_42 {offsets = [0, 3456], sizes = [1, 128], strides = [1, 1]} : vector<1x8192xf32> to vector<1x128xf32>
    %add3A_293 = vector.broadcast %broadcast_in_dim3A_32 : vector<1024x1xf32> to vector<1024x128xf32>
    %add3A_294 = vector.broadcast %slice3A_292 : vector<1x128xf32> to vector<1024x128xf32>
    %add3A_295 = arith.addf %add3A_293, %add3A_294 : vector<1024x128xf32>
    %slice3A_296 = vector.extract_strided_slice %dot_general3A_39 {offsets = [0, 3456], sizes = [1024, 128], strides = [1, 1]} : vector<1024x8192xf32> to vector<1024x128xf32>
    %add3A_297 = arith.addf %add3A_295, %slice3A_296 : vector<1024x128xf32>
    %min3A_298 = arith.minimumf %add3A_291, %add3A_297 : vector<1024x128xf32>
    %le3A_299 = arith.cmpf ole, %add3A_291, %add3A_297 : vector<1024x128xf32>
    %jit3A_300 = arith.constant 2.600000e+01 : f32
    %jit3A_301 = arith.constant 2.700000e+01 : f32
    %broadcast_in_dim3A_302 = vector.broadcast %jit3A_300 : f32 to vector<1024x128xf32>
    %broadcast_in_dim3A_303 = vector.broadcast %jit3A_301 : f32 to vector<1024x128xf32>
    %select_n3A_304 = arith.select %le3A_299, %broadcast_in_dim3A_302, %broadcast_in_dim3A_303 : vector<1024x128xi1>, vector<1024x128xf32>
    %slice3A_305 = vector.extract_strided_slice %get3A_42 {offsets = [0, 3584], sizes = [1, 128], strides = [1, 1]} : vector<1x8192xf32> to vector<1x128xf32>
    %add3A_306 = vector.broadcast %broadcast_in_dim3A_32 : vector<1024x1xf32> to vector<1024x128xf32>
    %add3A_307 = vector.broadcast %slice3A_305 : vector<1x128xf32> to vector<1024x128xf32>
    %add3A_308 = arith.addf %add3A_306, %add3A_307 : vector<1024x128xf32>
    %slice3A_309 = vector.extract_strided_slice %dot_general3A_39 {offsets = [0, 3584], sizes = [1024, 128], strides = [1, 1]} : vector<1024x8192xf32> to vector<1024x128xf32>
    %add3A_310 = arith.addf %add3A_308, %slice3A_309 : vector<1024x128xf32>
    %slice3A_311 = vector.extract_strided_slice %get3A_42 {offsets = [0, 3712], sizes = [1, 128], strides = [1, 1]} : vector<1x8192xf32> to vector<1x128xf32>
    %add3A_312 = vector.broadcast %broadcast_in_dim3A_32 : vector<1024x1xf32> to vector<1024x128xf32>
    %add3A_313 = vector.broadcast %slice3A_311 : vector<1x128xf32> to vector<1024x128xf32>
    %add3A_314 = arith.addf %add3A_312, %add3A_313 : vector<1024x128xf32>
    %slice3A_315 = vector.extract_strided_slice %dot_general3A_39 {offsets = [0, 3712], sizes = [1024, 128], strides = [1, 1]} : vector<1024x8192xf32> to vector<1024x128xf32>
    %add3A_316 = arith.addf %add3A_314, %slice3A_315 : vector<1024x128xf32>
    %min3A_317 = arith.minimumf %add3A_310, %add3A_316 : vector<1024x128xf32>
    %le3A_318 = arith.cmpf ole, %add3A_310, %add3A_316 : vector<1024x128xf32>
    %jit3A_319 = arith.constant 2.800000e+01 : f32
    %jit3A_320 = arith.constant 2.900000e+01 : f32
    %broadcast_in_dim3A_321 = vector.broadcast %jit3A_319 : f32 to vector<1024x128xf32>
    %broadcast_in_dim3A_322 = vector.broadcast %jit3A_320 : f32 to vector<1024x128xf32>
    %select_n3A_323 = arith.select %le3A_318, %broadcast_in_dim3A_321, %broadcast_in_dim3A_322 : vector<1024x128xi1>, vector<1024x128xf32>
    %slice3A_324 = vector.extract_strided_slice %get3A_42 {offsets = [0, 3840], sizes = [1, 128], strides = [1, 1]} : vector<1x8192xf32> to vector<1x128xf32>
    %add3A_325 = vector.broadcast %broadcast_in_dim3A_32 : vector<1024x1xf32> to vector<1024x128xf32>
    %add3A_326 = vector.broadcast %slice3A_324 : vector<1x128xf32> to vector<1024x128xf32>
    %add3A_327 = arith.addf %add3A_325, %add3A_326 : vector<1024x128xf32>
    %slice3A_328 = vector.extract_strided_slice %dot_general3A_39 {offsets = [0, 3840], sizes = [1024, 128], strides = [1, 1]} : vector<1024x8192xf32> to vector<1024x128xf32>
    %add3A_329 = arith.addf %add3A_327, %slice3A_328 : vector<1024x128xf32>
    %slice3A_330 = vector.extract_strided_slice %get3A_42 {offsets = [0, 3968], sizes = [1, 128], strides = [1, 1]} : vector<1x8192xf32> to vector<1x128xf32>
    %add3A_331 = vector.broadcast %broadcast_in_dim3A_32 : vector<1024x1xf32> to vector<1024x128xf32>
    %add3A_332 = vector.broadcast %slice3A_330 : vector<1x128xf32> to vector<1024x128xf32>
    %add3A_333 = arith.addf %add3A_331, %add3A_332 : vector<1024x128xf32>
    %slice3A_334 = vector.extract_strided_slice %dot_general3A_39 {offsets = [0, 3968], sizes = [1024, 128], strides = [1, 1]} : vector<1024x8192xf32> to vector<1024x128xf32>
    %add3A_335 = arith.addf %add3A_333, %slice3A_334 : vector<1024x128xf32>
    %min3A_336 = arith.minimumf %add3A_329, %add3A_335 : vector<1024x128xf32>
    %le3A_337 = arith.cmpf ole, %add3A_329, %add3A_335 : vector<1024x128xf32>
    %jit3A_338 = arith.constant 3.000000e+01 : f32
    %jit3A_339 = arith.constant 3.100000e+01 : f32
    %broadcast_in_dim3A_340 = vector.broadcast %jit3A_338 : f32 to vector<1024x128xf32>
    %broadcast_in_dim3A_341 = vector.broadcast %jit3A_339 : f32 to vector<1024x128xf32>
    %select_n3A_342 = arith.select %le3A_337, %broadcast_in_dim3A_340, %broadcast_in_dim3A_341 : vector<1024x128xi1>, vector<1024x128xf32>
    %slice3A_343 = vector.extract_strided_slice %get3A_42 {offsets = [0, 4096], sizes = [1, 128], strides = [1, 1]} : vector<1x8192xf32> to vector<1x128xf32>
    %add3A_344 = vector.broadcast %broadcast_in_dim3A_32 : vector<1024x1xf32> to vector<1024x128xf32>
    %add3A_345 = vector.broadcast %slice3A_343 : vector<1x128xf32> to vector<1024x128xf32>
    %add3A_346 = arith.addf %add3A_344, %add3A_345 : vector<1024x128xf32>
    %slice3A_347 = vector.extract_strided_slice %dot_general3A_39 {offsets = [0, 4096], sizes = [1024, 128], strides = [1, 1]} : vector<1024x8192xf32> to vector<1024x128xf32>
    %add3A_348 = arith.addf %add3A_346, %slice3A_347 : vector<1024x128xf32>
    %slice3A_349 = vector.extract_strided_slice %get3A_42 {offsets = [0, 4224], sizes = [1, 128], strides = [1, 1]} : vector<1x8192xf32> to vector<1x128xf32>
    %add3A_350 = vector.broadcast %broadcast_in_dim3A_32 : vector<1024x1xf32> to vector<1024x128xf32>
    %add3A_351 = vector.broadcast %slice3A_349 : vector<1x128xf32> to vector<1024x128xf32>
    %add3A_352 = arith.addf %add3A_350, %add3A_351 : vector<1024x128xf32>
    %slice3A_353 = vector.extract_strided_slice %dot_general3A_39 {offsets = [0, 4224], sizes = [1024, 128], strides = [1, 1]} : vector<1024x8192xf32> to vector<1024x128xf32>
    %add3A_354 = arith.addf %add3A_352, %slice3A_353 : vector<1024x128xf32>
    %min3A_355 = arith.minimumf %add3A_348, %add3A_354 : vector<1024x128xf32>
    %le3A_356 = arith.cmpf ole, %add3A_348, %add3A_354 : vector<1024x128xf32>
    %jit3A_357 = arith.constant 3.200000e+01 : f32
    %jit3A_358 = arith.constant 3.300000e+01 : f32
    %broadcast_in_dim3A_359 = vector.broadcast %jit3A_357 : f32 to vector<1024x128xf32>
    %broadcast_in_dim3A_360 = vector.broadcast %jit3A_358 : f32 to vector<1024x128xf32>
    %select_n3A_361 = arith.select %le3A_356, %broadcast_in_dim3A_359, %broadcast_in_dim3A_360 : vector<1024x128xi1>, vector<1024x128xf32>
    %slice3A_362 = vector.extract_strided_slice %get3A_42 {offsets = [0, 4352], sizes = [1, 128], strides = [1, 1]} : vector<1x8192xf32> to vector<1x128xf32>
    %add3A_363 = vector.broadcast %broadcast_in_dim3A_32 : vector<1024x1xf32> to vector<1024x128xf32>
    %add3A_364 = vector.broadcast %slice3A_362 : vector<1x128xf32> to vector<1024x128xf32>
    %add3A_365 = arith.addf %add3A_363, %add3A_364 : vector<1024x128xf32>
    %slice3A_366 = vector.extract_strided_slice %dot_general3A_39 {offsets = [0, 4352], sizes = [1024, 128], strides = [1, 1]} : vector<1024x8192xf32> to vector<1024x128xf32>
    %add3A_367 = arith.addf %add3A_365, %slice3A_366 : vector<1024x128xf32>
    %slice3A_368 = vector.extract_strided_slice %get3A_42 {offsets = [0, 4480], sizes = [1, 128], strides = [1, 1]} : vector<1x8192xf32> to vector<1x128xf32>
    %add3A_369 = vector.broadcast %broadcast_in_dim3A_32 : vector<1024x1xf32> to vector<1024x128xf32>
    %add3A_370 = vector.broadcast %slice3A_368 : vector<1x128xf32> to vector<1024x128xf32>
    %add3A_371 = arith.addf %add3A_369, %add3A_370 : vector<1024x128xf32>
    %slice3A_372 = vector.extract_strided_slice %dot_general3A_39 {offsets = [0, 4480], sizes = [1024, 128], strides = [1, 1]} : vector<1024x8192xf32> to vector<1024x128xf32>
    %add3A_373 = arith.addf %add3A_371, %slice3A_372 : vector<1024x128xf32>
    %min3A_374 = arith.minimumf %add3A_367, %add3A_373 : vector<1024x128xf32>
    %le3A_375 = arith.cmpf ole, %add3A_367, %add3A_373 : vector<1024x128xf32>
    %jit3A_376 = arith.constant 3.400000e+01 : f32
    %jit3A_377 = arith.constant 3.500000e+01 : f32
    %broadcast_in_dim3A_378 = vector.broadcast %jit3A_376 : f32 to vector<1024x128xf32>
    %broadcast_in_dim3A_379 = vector.broadcast %jit3A_377 : f32 to vector<1024x128xf32>
    %select_n3A_380 = arith.select %le3A_375, %broadcast_in_dim3A_378, %broadcast_in_dim3A_379 : vector<1024x128xi1>, vector<1024x128xf32>
    %slice3A_381 = vector.extract_strided_slice %get3A_42 {offsets = [0, 4608], sizes = [1, 128], strides = [1, 1]} : vector<1x8192xf32> to vector<1x128xf32>
    %add3A_382 = vector.broadcast %broadcast_in_dim3A_32 : vector<1024x1xf32> to vector<1024x128xf32>
    %add3A_383 = vector.broadcast %slice3A_381 : vector<1x128xf32> to vector<1024x128xf32>
    %add3A_384 = arith.addf %add3A_382, %add3A_383 : vector<1024x128xf32>
    %slice3A_385 = vector.extract_strided_slice %dot_general3A_39 {offsets = [0, 4608], sizes = [1024, 128], strides = [1, 1]} : vector<1024x8192xf32> to vector<1024x128xf32>
    %add3A_386 = arith.addf %add3A_384, %slice3A_385 : vector<1024x128xf32>
    %slice3A_387 = vector.extract_strided_slice %get3A_42 {offsets = [0, 4736], sizes = [1, 128], strides = [1, 1]} : vector<1x8192xf32> to vector<1x128xf32>
    %add3A_388 = vector.broadcast %broadcast_in_dim3A_32 : vector<1024x1xf32> to vector<1024x128xf32>
    %add3A_389 = vector.broadcast %slice3A_387 : vector<1x128xf32> to vector<1024x128xf32>
    %add3A_390 = arith.addf %add3A_388, %add3A_389 : vector<1024x128xf32>
    %slice3A_391 = vector.extract_strided_slice %dot_general3A_39 {offsets = [0, 4736], sizes = [1024, 128], strides = [1, 1]} : vector<1024x8192xf32> to vector<1024x128xf32>
    %add3A_392 = arith.addf %add3A_390, %slice3A_391 : vector<1024x128xf32>
    %min3A_393 = arith.minimumf %add3A_386, %add3A_392 : vector<1024x128xf32>
    %le3A_394 = arith.cmpf ole, %add3A_386, %add3A_392 : vector<1024x128xf32>
    %jit3A_395 = arith.constant 3.600000e+01 : f32
    %jit3A_396 = arith.constant 3.700000e+01 : f32
    %broadcast_in_dim3A_397 = vector.broadcast %jit3A_395 : f32 to vector<1024x128xf32>
    %broadcast_in_dim3A_398 = vector.broadcast %jit3A_396 : f32 to vector<1024x128xf32>
    %select_n3A_399 = arith.select %le3A_394, %broadcast_in_dim3A_397, %broadcast_in_dim3A_398 : vector<1024x128xi1>, vector<1024x128xf32>
    %slice3A_400 = vector.extract_strided_slice %get3A_42 {offsets = [0, 4864], sizes = [1, 128], strides = [1, 1]} : vector<1x8192xf32> to vector<1x128xf32>
    %add3A_401 = vector.broadcast %broadcast_in_dim3A_32 : vector<1024x1xf32> to vector<1024x128xf32>
    %add3A_402 = vector.broadcast %slice3A_400 : vector<1x128xf32> to vector<1024x128xf32>
    %add3A_403 = arith.addf %add3A_401, %add3A_402 : vector<1024x128xf32>
    %slice3A_404 = vector.extract_strided_slice %dot_general3A_39 {offsets = [0, 4864], sizes = [1024, 128], strides = [1, 1]} : vector<1024x8192xf32> to vector<1024x128xf32>
    %add3A_405 = arith.addf %add3A_403, %slice3A_404 : vector<1024x128xf32>
    %slice3A_406 = vector.extract_strided_slice %get3A_42 {offsets = [0, 4992], sizes = [1, 128], strides = [1, 1]} : vector<1x8192xf32> to vector<1x128xf32>
    %add3A_407 = vector.broadcast %broadcast_in_dim3A_32 : vector<1024x1xf32> to vector<1024x128xf32>
    %add3A_408 = vector.broadcast %slice3A_406 : vector<1x128xf32> to vector<1024x128xf32>
    %add3A_409 = arith.addf %add3A_407, %add3A_408 : vector<1024x128xf32>
    %slice3A_410 = vector.extract_strided_slice %dot_general3A_39 {offsets = [0, 4992], sizes = [1024, 128], strides = [1, 1]} : vector<1024x8192xf32> to vector<1024x128xf32>
    %add3A_411 = arith.addf %add3A_409, %slice3A_410 : vector<1024x128xf32>
    %min3A_412 = arith.minimumf %add3A_405, %add3A_411 : vector<1024x128xf32>
    %le3A_413 = arith.cmpf ole, %add3A_405, %add3A_411 : vector<1024x128xf32>
    %jit3A_414 = arith.constant 3.800000e+01 : f32
    %jit3A_415 = arith.constant 3.900000e+01 : f32
    %broadcast_in_dim3A_416 = vector.broadcast %jit3A_414 : f32 to vector<1024x128xf32>
    %broadcast_in_dim3A_417 = vector.broadcast %jit3A_415 : f32 to vector<1024x128xf32>
    %select_n3A_418 = arith.select %le3A_413, %broadcast_in_dim3A_416, %broadcast_in_dim3A_417 : vector<1024x128xi1>, vector<1024x128xf32>
    %slice3A_419 = vector.extract_strided_slice %get3A_42 {offsets = [0, 5120], sizes = [1, 128], strides = [1, 1]} : vector<1x8192xf32> to vector<1x128xf32>
    %add3A_420 = vector.broadcast %broadcast_in_dim3A_32 : vector<1024x1xf32> to vector<1024x128xf32>
    %add3A_421 = vector.broadcast %slice3A_419 : vector<1x128xf32> to vector<1024x128xf32>
    %add3A_422 = arith.addf %add3A_420, %add3A_421 : vector<1024x128xf32>
    %slice3A_423 = vector.extract_strided_slice %dot_general3A_39 {offsets = [0, 5120], sizes = [1024, 128], strides = [1, 1]} : vector<1024x8192xf32> to vector<1024x128xf32>
    %add3A_424 = arith.addf %add3A_422, %slice3A_423 : vector<1024x128xf32>
    %slice3A_425 = vector.extract_strided_slice %get3A_42 {offsets = [0, 5248], sizes = [1, 128], strides = [1, 1]} : vector<1x8192xf32> to vector<1x128xf32>
    %add3A_426 = vector.broadcast %broadcast_in_dim3A_32 : vector<1024x1xf32> to vector<1024x128xf32>
    %add3A_427 = vector.broadcast %slice3A_425 : vector<1x128xf32> to vector<1024x128xf32>
    %add3A_428 = arith.addf %add3A_426, %add3A_427 : vector<1024x128xf32>
    %slice3A_429 = vector.extract_strided_slice %dot_general3A_39 {offsets = [0, 5248], sizes = [1024, 128], strides = [1, 1]} : vector<1024x8192xf32> to vector<1024x128xf32>
    %add3A_430 = arith.addf %add3A_428, %slice3A_429 : vector<1024x128xf32>
    %min3A_431 = arith.minimumf %add3A_424, %add3A_430 : vector<1024x128xf32>
    %le3A_432 = arith.cmpf ole, %add3A_424, %add3A_430 : vector<1024x128xf32>
    %jit3A_433 = arith.constant 4.000000e+01 : f32
    %jit3A_434 = arith.constant 4.100000e+01 : f32
    %broadcast_in_dim3A_435 = vector.broadcast %jit3A_433 : f32 to vector<1024x128xf32>
    %broadcast_in_dim3A_436 = vector.broadcast %jit3A_434 : f32 to vector<1024x128xf32>
    %select_n3A_437 = arith.select %le3A_432, %broadcast_in_dim3A_435, %broadcast_in_dim3A_436 : vector<1024x128xi1>, vector<1024x128xf32>
    %slice3A_438 = vector.extract_strided_slice %get3A_42 {offsets = [0, 5376], sizes = [1, 128], strides = [1, 1]} : vector<1x8192xf32> to vector<1x128xf32>
    %add3A_439 = vector.broadcast %broadcast_in_dim3A_32 : vector<1024x1xf32> to vector<1024x128xf32>
    %add3A_440 = vector.broadcast %slice3A_438 : vector<1x128xf32> to vector<1024x128xf32>
    %add3A_441 = arith.addf %add3A_439, %add3A_440 : vector<1024x128xf32>
    %slice3A_442 = vector.extract_strided_slice %dot_general3A_39 {offsets = [0, 5376], sizes = [1024, 128], strides = [1, 1]} : vector<1024x8192xf32> to vector<1024x128xf32>
    %add3A_443 = arith.addf %add3A_441, %slice3A_442 : vector<1024x128xf32>
    %slice3A_444 = vector.extract_strided_slice %get3A_42 {offsets = [0, 5504], sizes = [1, 128], strides = [1, 1]} : vector<1x8192xf32> to vector<1x128xf32>
    %add3A_445 = vector.broadcast %broadcast_in_dim3A_32 : vector<1024x1xf32> to vector<1024x128xf32>
    %add3A_446 = vector.broadcast %slice3A_444 : vector<1x128xf32> to vector<1024x128xf32>
    %add3A_447 = arith.addf %add3A_445, %add3A_446 : vector<1024x128xf32>
    %slice3A_448 = vector.extract_strided_slice %dot_general3A_39 {offsets = [0, 5504], sizes = [1024, 128], strides = [1, 1]} : vector<1024x8192xf32> to vector<1024x128xf32>
    %add3A_449 = arith.addf %add3A_447, %slice3A_448 : vector<1024x128xf32>
    %min3A_450 = arith.minimumf %add3A_443, %add3A_449 : vector<1024x128xf32>
    %le3A_451 = arith.cmpf ole, %add3A_443, %add3A_449 : vector<1024x128xf32>
    %jit3A_452 = arith.constant 4.200000e+01 : f32
    %jit3A_453 = arith.constant 4.300000e+01 : f32
    %broadcast_in_dim3A_454 = vector.broadcast %jit3A_452 : f32 to vector<1024x128xf32>
    %broadcast_in_dim3A_455 = vector.broadcast %jit3A_453 : f32 to vector<1024x128xf32>
    %select_n3A_456 = arith.select %le3A_451, %broadcast_in_dim3A_454, %broadcast_in_dim3A_455 : vector<1024x128xi1>, vector<1024x128xf32>
    %slice3A_457 = vector.extract_strided_slice %get3A_42 {offsets = [0, 5632], sizes = [1, 128], strides = [1, 1]} : vector<1x8192xf32> to vector<1x128xf32>
    %add3A_458 = vector.broadcast %broadcast_in_dim3A_32 : vector<1024x1xf32> to vector<1024x128xf32>
    %add3A_459 = vector.broadcast %slice3A_457 : vector<1x128xf32> to vector<1024x128xf32>
    %add3A_460 = arith.addf %add3A_458, %add3A_459 : vector<1024x128xf32>
    %slice3A_461 = vector.extract_strided_slice %dot_general3A_39 {offsets = [0, 5632], sizes = [1024, 128], strides = [1, 1]} : vector<1024x8192xf32> to vector<1024x128xf32>
    %add3A_462 = arith.addf %add3A_460, %slice3A_461 : vector<1024x128xf32>
    %slice3A_463 = vector.extract_strided_slice %get3A_42 {offsets = [0, 5760], sizes = [1, 128], strides = [1, 1]} : vector<1x8192xf32> to vector<1x128xf32>
    %add3A_464 = vector.broadcast %broadcast_in_dim3A_32 : vector<1024x1xf32> to vector<1024x128xf32>
    %add3A_465 = vector.broadcast %slice3A_463 : vector<1x128xf32> to vector<1024x128xf32>
    %add3A_466 = arith.addf %add3A_464, %add3A_465 : vector<1024x128xf32>
    %slice3A_467 = vector.extract_strided_slice %dot_general3A_39 {offsets = [0, 5760], sizes = [1024, 128], strides = [1, 1]} : vector<1024x8192xf32> to vector<1024x128xf32>
    %add3A_468 = arith.addf %add3A_466, %slice3A_467 : vector<1024x128xf32>
    %min3A_469 = arith.minimumf %add3A_462, %add3A_468 : vector<1024x128xf32>
    %le3A_470 = arith.cmpf ole, %add3A_462, %add3A_468 : vector<1024x128xf32>
    %jit3A_471 = arith.constant 4.400000e+01 : f32
    %jit3A_472 = arith.constant 4.500000e+01 : f32
    %broadcast_in_dim3A_473 = vector.broadcast %jit3A_471 : f32 to vector<1024x128xf32>
    %broadcast_in_dim3A_474 = vector.broadcast %jit3A_472 : f32 to vector<1024x128xf32>
    %select_n3A_475 = arith.select %le3A_470, %broadcast_in_dim3A_473, %broadcast_in_dim3A_474 : vector<1024x128xi1>, vector<1024x128xf32>
    %slice3A_476 = vector.extract_strided_slice %get3A_42 {offsets = [0, 5888], sizes = [1, 128], strides = [1, 1]} : vector<1x8192xf32> to vector<1x128xf32>
    %add3A_477 = vector.broadcast %broadcast_in_dim3A_32 : vector<1024x1xf32> to vector<1024x128xf32>
    %add3A_478 = vector.broadcast %slice3A_476 : vector<1x128xf32> to vector<1024x128xf32>
    %add3A_479 = arith.addf %add3A_477, %add3A_478 : vector<1024x128xf32>
    %slice3A_480 = vector.extract_strided_slice %dot_general3A_39 {offsets = [0, 5888], sizes = [1024, 128], strides = [1, 1]} : vector<1024x8192xf32> to vector<1024x128xf32>
    %add3A_481 = arith.addf %add3A_479, %slice3A_480 : vector<1024x128xf32>
    %slice3A_482 = vector.extract_strided_slice %get3A_42 {offsets = [0, 6016], sizes = [1, 128], strides = [1, 1]} : vector<1x8192xf32> to vector<1x128xf32>
    %add3A_483 = vector.broadcast %broadcast_in_dim3A_32 : vector<1024x1xf32> to vector<1024x128xf32>
    %add3A_484 = vector.broadcast %slice3A_482 : vector<1x128xf32> to vector<1024x128xf32>
    %add3A_485 = arith.addf %add3A_483, %add3A_484 : vector<1024x128xf32>
    %slice3A_486 = vector.extract_strided_slice %dot_general3A_39 {offsets = [0, 6016], sizes = [1024, 128], strides = [1, 1]} : vector<1024x8192xf32> to vector<1024x128xf32>
    %add3A_487 = arith.addf %add3A_485, %slice3A_486 : vector<1024x128xf32>
    %min3A_488 = arith.minimumf %add3A_481, %add3A_487 : vector<1024x128xf32>
    %le3A_489 = arith.cmpf ole, %add3A_481, %add3A_487 : vector<1024x128xf32>
    %jit3A_490 = arith.constant 4.600000e+01 : f32
    %jit3A_491 = arith.constant 4.700000e+01 : f32
    %broadcast_in_dim3A_492 = vector.broadcast %jit3A_490 : f32 to vector<1024x128xf32>
    %broadcast_in_dim3A_493 = vector.broadcast %jit3A_491 : f32 to vector<1024x128xf32>
    %select_n3A_494 = arith.select %le3A_489, %broadcast_in_dim3A_492, %broadcast_in_dim3A_493 : vector<1024x128xi1>, vector<1024x128xf32>
    %slice3A_495 = vector.extract_strided_slice %get3A_42 {offsets = [0, 6144], sizes = [1, 128], strides = [1, 1]} : vector<1x8192xf32> to vector<1x128xf32>
    %add3A_496 = vector.broadcast %broadcast_in_dim3A_32 : vector<1024x1xf32> to vector<1024x128xf32>
    %add3A_497 = vector.broadcast %slice3A_495 : vector<1x128xf32> to vector<1024x128xf32>
    %add3A_498 = arith.addf %add3A_496, %add3A_497 : vector<1024x128xf32>
    %slice3A_499 = vector.extract_strided_slice %dot_general3A_39 {offsets = [0, 6144], sizes = [1024, 128], strides = [1, 1]} : vector<1024x8192xf32> to vector<1024x128xf32>
    %add3A_500 = arith.addf %add3A_498, %slice3A_499 : vector<1024x128xf32>
    %slice3A_501 = vector.extract_strided_slice %get3A_42 {offsets = [0, 6272], sizes = [1, 128], strides = [1, 1]} : vector<1x8192xf32> to vector<1x128xf32>
    %add3A_502 = vector.broadcast %broadcast_in_dim3A_32 : vector<1024x1xf32> to vector<1024x128xf32>
    %add3A_503 = vector.broadcast %slice3A_501 : vector<1x128xf32> to vector<1024x128xf32>
    %add3A_504 = arith.addf %add3A_502, %add3A_503 : vector<1024x128xf32>
    %slice3A_505 = vector.extract_strided_slice %dot_general3A_39 {offsets = [0, 6272], sizes = [1024, 128], strides = [1, 1]} : vector<1024x8192xf32> to vector<1024x128xf32>
    %add3A_506 = arith.addf %add3A_504, %slice3A_505 : vector<1024x128xf32>
    %min3A_507 = arith.minimumf %add3A_500, %add3A_506 : vector<1024x128xf32>
    %le3A_508 = arith.cmpf ole, %add3A_500, %add3A_506 : vector<1024x128xf32>
    %jit3A_509 = arith.constant 4.800000e+01 : f32
    %jit3A_510 = arith.constant 4.900000e+01 : f32
    %broadcast_in_dim3A_511 = vector.broadcast %jit3A_509 : f32 to vector<1024x128xf32>
    %broadcast_in_dim3A_512 = vector.broadcast %jit3A_510 : f32 to vector<1024x128xf32>
    %select_n3A_513 = arith.select %le3A_508, %broadcast_in_dim3A_511, %broadcast_in_dim3A_512 : vector<1024x128xi1>, vector<1024x128xf32>
    %slice3A_514 = vector.extract_strided_slice %get3A_42 {offsets = [0, 6400], sizes = [1, 128], strides = [1, 1]} : vector<1x8192xf32> to vector<1x128xf32>
    %add3A_515 = vector.broadcast %broadcast_in_dim3A_32 : vector<1024x1xf32> to vector<1024x128xf32>
    %add3A_516 = vector.broadcast %slice3A_514 : vector<1x128xf32> to vector<1024x128xf32>
    %add3A_517 = arith.addf %add3A_515, %add3A_516 : vector<1024x128xf32>
    %slice3A_518 = vector.extract_strided_slice %dot_general3A_39 {offsets = [0, 6400], sizes = [1024, 128], strides = [1, 1]} : vector<1024x8192xf32> to vector<1024x128xf32>
    %add3A_519 = arith.addf %add3A_517, %slice3A_518 : vector<1024x128xf32>
    %slice3A_520 = vector.extract_strided_slice %get3A_42 {offsets = [0, 6528], sizes = [1, 128], strides = [1, 1]} : vector<1x8192xf32> to vector<1x128xf32>
    %add3A_521 = vector.broadcast %broadcast_in_dim3A_32 : vector<1024x1xf32> to vector<1024x128xf32>
    %add3A_522 = vector.broadcast %slice3A_520 : vector<1x128xf32> to vector<1024x128xf32>
    %add3A_523 = arith.addf %add3A_521, %add3A_522 : vector<1024x128xf32>
    %slice3A_524 = vector.extract_strided_slice %dot_general3A_39 {offsets = [0, 6528], sizes = [1024, 128], strides = [1, 1]} : vector<1024x8192xf32> to vector<1024x128xf32>
    %add3A_525 = arith.addf %add3A_523, %slice3A_524 : vector<1024x128xf32>
    %min3A_526 = arith.minimumf %add3A_519, %add3A_525 : vector<1024x128xf32>
    %le3A_527 = arith.cmpf ole, %add3A_519, %add3A_525 : vector<1024x128xf32>
    %jit3A_528 = arith.constant 5.000000e+01 : f32
    %jit3A_529 = arith.constant 5.100000e+01 : f32
    %broadcast_in_dim3A_530 = vector.broadcast %jit3A_528 : f32 to vector<1024x128xf32>
    %broadcast_in_dim3A_531 = vector.broadcast %jit3A_529 : f32 to vector<1024x128xf32>
    %select_n3A_532 = arith.select %le3A_527, %broadcast_in_dim3A_530, %broadcast_in_dim3A_531 : vector<1024x128xi1>, vector<1024x128xf32>
    %slice3A_533 = vector.extract_strided_slice %get3A_42 {offsets = [0, 6656], sizes = [1, 128], strides = [1, 1]} : vector<1x8192xf32> to vector<1x128xf32>
    %add3A_534 = vector.broadcast %broadcast_in_dim3A_32 : vector<1024x1xf32> to vector<1024x128xf32>
    %add3A_535 = vector.broadcast %slice3A_533 : vector<1x128xf32> to vector<1024x128xf32>
    %add3A_536 = arith.addf %add3A_534, %add3A_535 : vector<1024x128xf32>
    %slice3A_537 = vector.extract_strided_slice %dot_general3A_39 {offsets = [0, 6656], sizes = [1024, 128], strides = [1, 1]} : vector<1024x8192xf32> to vector<1024x128xf32>
    %add3A_538 = arith.addf %add3A_536, %slice3A_537 : vector<1024x128xf32>
    %slice3A_539 = vector.extract_strided_slice %get3A_42 {offsets = [0, 6784], sizes = [1, 128], strides = [1, 1]} : vector<1x8192xf32> to vector<1x128xf32>
    %add3A_540 = vector.broadcast %broadcast_in_dim3A_32 : vector<1024x1xf32> to vector<1024x128xf32>
    %add3A_541 = vector.broadcast %slice3A_539 : vector<1x128xf32> to vector<1024x128xf32>
    %add3A_542 = arith.addf %add3A_540, %add3A_541 : vector<1024x128xf32>
    %slice3A_543 = vector.extract_strided_slice %dot_general3A_39 {offsets = [0, 6784], sizes = [1024, 128], strides = [1, 1]} : vector<1024x8192xf32> to vector<1024x128xf32>
    %add3A_544 = arith.addf %add3A_542, %slice3A_543 : vector<1024x128xf32>
    %min3A_545 = arith.minimumf %add3A_538, %add3A_544 : vector<1024x128xf32>
    %le3A_546 = arith.cmpf ole, %add3A_538, %add3A_544 : vector<1024x128xf32>
    %jit3A_547 = arith.constant 5.200000e+01 : f32
    %jit3A_548 = arith.constant 5.300000e+01 : f32
    %broadcast_in_dim3A_549 = vector.broadcast %jit3A_547 : f32 to vector<1024x128xf32>
    %broadcast_in_dim3A_550 = vector.broadcast %jit3A_548 : f32 to vector<1024x128xf32>
    %select_n3A_551 = arith.select %le3A_546, %broadcast_in_dim3A_549, %broadcast_in_dim3A_550 : vector<1024x128xi1>, vector<1024x128xf32>
    %slice3A_552 = vector.extract_strided_slice %get3A_42 {offsets = [0, 6912], sizes = [1, 128], strides = [1, 1]} : vector<1x8192xf32> to vector<1x128xf32>
    %add3A_553 = vector.broadcast %broadcast_in_dim3A_32 : vector<1024x1xf32> to vector<1024x128xf32>
    %add3A_554 = vector.broadcast %slice3A_552 : vector<1x128xf32> to vector<1024x128xf32>
    %add3A_555 = arith.addf %add3A_553, %add3A_554 : vector<1024x128xf32>
    %slice3A_556 = vector.extract_strided_slice %dot_general3A_39 {offsets = [0, 6912], sizes = [1024, 128], strides = [1, 1]} : vector<1024x8192xf32> to vector<1024x128xf32>
    %add3A_557 = arith.addf %add3A_555, %slice3A_556 : vector<1024x128xf32>
    %slice3A_558 = vector.extract_strided_slice %get3A_42 {offsets = [0, 7040], sizes = [1, 128], strides = [1, 1]} : vector<1x8192xf32> to vector<1x128xf32>
    %add3A_559 = vector.broadcast %broadcast_in_dim3A_32 : vector<1024x1xf32> to vector<1024x128xf32>
    %add3A_560 = vector.broadcast %slice3A_558 : vector<1x128xf32> to vector<1024x128xf32>
    %add3A_561 = arith.addf %add3A_559, %add3A_560 : vector<1024x128xf32>
    %slice3A_562 = vector.extract_strided_slice %dot_general3A_39 {offsets = [0, 7040], sizes = [1024, 128], strides = [1, 1]} : vector<1024x8192xf32> to vector<1024x128xf32>
    %add3A_563 = arith.addf %add3A_561, %slice3A_562 : vector<1024x128xf32>
    %min3A_564 = arith.minimumf %add3A_557, %add3A_563 : vector<1024x128xf32>
    %le3A_565 = arith.cmpf ole, %add3A_557, %add3A_563 : vector<1024x128xf32>
    %jit3A_566 = arith.constant 5.400000e+01 : f32
    %jit3A_567 = arith.constant 5.500000e+01 : f32
    %broadcast_in_dim3A_568 = vector.broadcast %jit3A_566 : f32 to vector<1024x128xf32>
    %broadcast_in_dim3A_569 = vector.broadcast %jit3A_567 : f32 to vector<1024x128xf32>
    %select_n3A_570 = arith.select %le3A_565, %broadcast_in_dim3A_568, %broadcast_in_dim3A_569 : vector<1024x128xi1>, vector<1024x128xf32>
    %slice3A_571 = vector.extract_strided_slice %get3A_42 {offsets = [0, 7168], sizes = [1, 128], strides = [1, 1]} : vector<1x8192xf32> to vector<1x128xf32>
    %add3A_572 = vector.broadcast %broadcast_in_dim3A_32 : vector<1024x1xf32> to vector<1024x128xf32>
    %add3A_573 = vector.broadcast %slice3A_571 : vector<1x128xf32> to vector<1024x128xf32>
    %add3A_574 = arith.addf %add3A_572, %add3A_573 : vector<1024x128xf32>
    %slice3A_575 = vector.extract_strided_slice %dot_general3A_39 {offsets = [0, 7168], sizes = [1024, 128], strides = [1, 1]} : vector<1024x8192xf32> to vector<1024x128xf32>
    %add3A_576 = arith.addf %add3A_574, %slice3A_575 : vector<1024x128xf32>
    %slice3A_577 = vector.extract_strided_slice %get3A_42 {offsets = [0, 7296], sizes = [1, 128], strides = [1, 1]} : vector<1x8192xf32> to vector<1x128xf32>
    %add3A_578 = vector.broadcast %broadcast_in_dim3A_32 : vector<1024x1xf32> to vector<1024x128xf32>
    %add3A_579 = vector.broadcast %slice3A_577 : vector<1x128xf32> to vector<1024x128xf32>
    %add3A_580 = arith.addf %add3A_578, %add3A_579 : vector<1024x128xf32>
    %slice3A_581 = vector.extract_strided_slice %dot_general3A_39 {offsets = [0, 7296], sizes = [1024, 128], strides = [1, 1]} : vector<1024x8192xf32> to vector<1024x128xf32>
    %add3A_582 = arith.addf %add3A_580, %slice3A_581 : vector<1024x128xf32>
    %min3A_583 = arith.minimumf %add3A_576, %add3A_582 : vector<1024x128xf32>
    %le3A_584 = arith.cmpf ole, %add3A_576, %add3A_582 : vector<1024x128xf32>
    %jit3A_585 = arith.constant 5.600000e+01 : f32
    %jit3A_586 = arith.constant 5.700000e+01 : f32
    %broadcast_in_dim3A_587 = vector.broadcast %jit3A_585 : f32 to vector<1024x128xf32>
    %broadcast_in_dim3A_588 = vector.broadcast %jit3A_586 : f32 to vector<1024x128xf32>
    %select_n3A_589 = arith.select %le3A_584, %broadcast_in_dim3A_587, %broadcast_in_dim3A_588 : vector<1024x128xi1>, vector<1024x128xf32>
    %slice3A_590 = vector.extract_strided_slice %get3A_42 {offsets = [0, 7424], sizes = [1, 128], strides = [1, 1]} : vector<1x8192xf32> to vector<1x128xf32>
    %add3A_591 = vector.broadcast %broadcast_in_dim3A_32 : vector<1024x1xf32> to vector<1024x128xf32>
    %add3A_592 = vector.broadcast %slice3A_590 : vector<1x128xf32> to vector<1024x128xf32>
    %add3A_593 = arith.addf %add3A_591, %add3A_592 : vector<1024x128xf32>
    %slice3A_594 = vector.extract_strided_slice %dot_general3A_39 {offsets = [0, 7424], sizes = [1024, 128], strides = [1, 1]} : vector<1024x8192xf32> to vector<1024x128xf32>
    %add3A_595 = arith.addf %add3A_593, %slice3A_594 : vector<1024x128xf32>
    %slice3A_596 = vector.extract_strided_slice %get3A_42 {offsets = [0, 7552], sizes = [1, 128], strides = [1, 1]} : vector<1x8192xf32> to vector<1x128xf32>
    %add3A_597 = vector.broadcast %broadcast_in_dim3A_32 : vector<1024x1xf32> to vector<1024x128xf32>
    %add3A_598 = vector.broadcast %slice3A_596 : vector<1x128xf32> to vector<1024x128xf32>
    %add3A_599 = arith.addf %add3A_597, %add3A_598 : vector<1024x128xf32>
    %slice3A_600 = vector.extract_strided_slice %dot_general3A_39 {offsets = [0, 7552], sizes = [1024, 128], strides = [1, 1]} : vector<1024x8192xf32> to vector<1024x128xf32>
    %add3A_601 = arith.addf %add3A_599, %slice3A_600 : vector<1024x128xf32>
    %min3A_602 = arith.minimumf %add3A_595, %add3A_601 : vector<1024x128xf32>
    %le3A_603 = arith.cmpf ole, %add3A_595, %add3A_601 : vector<1024x128xf32>
    %jit3A_604 = arith.constant 5.800000e+01 : f32
    %jit3A_605 = arith.constant 5.900000e+01 : f32
    %broadcast_in_dim3A_606 = vector.broadcast %jit3A_604 : f32 to vector<1024x128xf32>
    %broadcast_in_dim3A_607 = vector.broadcast %jit3A_605 : f32 to vector<1024x128xf32>
    %select_n3A_608 = arith.select %le3A_603, %broadcast_in_dim3A_606, %broadcast_in_dim3A_607 : vector<1024x128xi1>, vector<1024x128xf32>
    %slice3A_609 = vector.extract_strided_slice %get3A_42 {offsets = [0, 7680], sizes = [1, 128], strides = [1, 1]} : vector<1x8192xf32> to vector<1x128xf32>
    %add3A_610 = vector.broadcast %broadcast_in_dim3A_32 : vector<1024x1xf32> to vector<1024x128xf32>
    %add3A_611 = vector.broadcast %slice3A_609 : vector<1x128xf32> to vector<1024x128xf32>
    %add3A_612 = arith.addf %add3A_610, %add3A_611 : vector<1024x128xf32>
    %slice3A_613 = vector.extract_strided_slice %dot_general3A_39 {offsets = [0, 7680], sizes = [1024, 128], strides = [1, 1]} : vector<1024x8192xf32> to vector<1024x128xf32>
    %add3A_614 = arith.addf %add3A_612, %slice3A_613 : vector<1024x128xf32>
    %slice3A_615 = vector.extract_strided_slice %get3A_42 {offsets = [0, 7808], sizes = [1, 128], strides = [1, 1]} : vector<1x8192xf32> to vector<1x128xf32>
    %add3A_616 = vector.broadcast %broadcast_in_dim3A_32 : vector<1024x1xf32> to vector<1024x128xf32>
    %add3A_617 = vector.broadcast %slice3A_615 : vector<1x128xf32> to vector<1024x128xf32>
    %add3A_618 = arith.addf %add3A_616, %add3A_617 : vector<1024x128xf32>
    %slice3A_619 = vector.extract_strided_slice %dot_general3A_39 {offsets = [0, 7808], sizes = [1024, 128], strides = [1, 1]} : vector<1024x8192xf32> to vector<1024x128xf32>
    %add3A_620 = arith.addf %add3A_618, %slice3A_619 : vector<1024x128xf32>
    %min3A_621 = arith.minimumf %add3A_614, %add3A_620 : vector<1024x128xf32>
    %le3A_622 = arith.cmpf ole, %add3A_614, %add3A_620 : vector<1024x128xf32>
    %jit3A_623 = arith.constant 6.000000e+01 : f32
    %jit3A_624 = arith.constant 6.100000e+01 : f32
    %broadcast_in_dim3A_625 = vector.broadcast %jit3A_623 : f32 to vector<1024x128xf32>
    %broadcast_in_dim3A_626 = vector.broadcast %jit3A_624 : f32 to vector<1024x128xf32>
    %select_n3A_627 = arith.select %le3A_622, %broadcast_in_dim3A_625, %broadcast_in_dim3A_626 : vector<1024x128xi1>, vector<1024x128xf32>
    %slice3A_628 = vector.extract_strided_slice %get3A_42 {offsets = [0, 7936], sizes = [1, 128], strides = [1, 1]} : vector<1x8192xf32> to vector<1x128xf32>
    %add3A_629 = vector.broadcast %broadcast_in_dim3A_32 : vector<1024x1xf32> to vector<1024x128xf32>
    %add3A_630 = vector.broadcast %slice3A_628 : vector<1x128xf32> to vector<1024x128xf32>
    %add3A_631 = arith.addf %add3A_629, %add3A_630 : vector<1024x128xf32>
    %slice3A_632 = vector.extract_strided_slice %dot_general3A_39 {offsets = [0, 7936], sizes = [1024, 128], strides = [1, 1]} : vector<1024x8192xf32> to vector<1024x128xf32>
    %add3A_633 = arith.addf %add3A_631, %slice3A_632 : vector<1024x128xf32>
    %slice3A_634 = vector.extract_strided_slice %get3A_42 {offsets = [0, 8064], sizes = [1, 128], strides = [1, 1]} : vector<1x8192xf32> to vector<1x128xf32>
    %add3A_635 = vector.broadcast %broadcast_in_dim3A_32 : vector<1024x1xf32> to vector<1024x128xf32>
    %add3A_636 = vector.broadcast %slice3A_634 : vector<1x128xf32> to vector<1024x128xf32>
    %add3A_637 = arith.addf %add3A_635, %add3A_636 : vector<1024x128xf32>
    %slice3A_638 = vector.extract_strided_slice %dot_general3A_39 {offsets = [0, 8064], sizes = [1024, 128], strides = [1, 1]} : vector<1024x8192xf32> to vector<1024x128xf32>
    %add3A_639 = arith.addf %add3A_637, %slice3A_638 : vector<1024x128xf32>
    %min3A_640 = arith.minimumf %add3A_633, %add3A_639 : vector<1024x128xf32>
    %le3A_641 = arith.cmpf ole, %add3A_633, %add3A_639 : vector<1024x128xf32>
    %jit3A_642 = arith.constant 6.200000e+01 : f32
    %jit3A_643 = arith.constant 6.300000e+01 : f32
    %broadcast_in_dim3A_644 = vector.broadcast %jit3A_642 : f32 to vector<1024x128xf32>
    %broadcast_in_dim3A_645 = vector.broadcast %jit3A_643 : f32 to vector<1024x128xf32>
    %select_n3A_646 = arith.select %le3A_641, %broadcast_in_dim3A_644, %broadcast_in_dim3A_645 : vector<1024x128xi1>, vector<1024x128xf32>
    %min3A_647 = arith.minimumf %min3A, %min3A_70 : vector<1024x128xf32>
    %le3A_648 = arith.cmpf ole, %min3A, %min3A_70 : vector<1024x128xf32>
    %select_n3A_649 = arith.select %le3A_648, %select_n3A_57, %select_n3A_76 : vector<1024x128xi1>, vector<1024x128xf32>
    %min3A_650 = arith.minimumf %min3A_89, %min3A_108 : vector<1024x128xf32>
    %le3A_651 = arith.cmpf ole, %min3A_89, %min3A_108 : vector<1024x128xf32>
    %select_n3A_652 = arith.select %le3A_651, %select_n3A_95, %select_n3A_114 : vector<1024x128xi1>, vector<1024x128xf32>
    %min3A_653 = arith.minimumf %min3A_127, %min3A_146 : vector<1024x128xf32>
    %le3A_654 = arith.cmpf ole, %min3A_127, %min3A_146 : vector<1024x128xf32>
    %select_n3A_655 = arith.select %le3A_654, %select_n3A_133, %select_n3A_152 : vector<1024x128xi1>, vector<1024x128xf32>
    %min3A_656 = arith.minimumf %min3A_165, %min3A_184 : vector<1024x128xf32>
    %le3A_657 = arith.cmpf ole, %min3A_165, %min3A_184 : vector<1024x128xf32>
    %select_n3A_658 = arith.select %le3A_657, %select_n3A_171, %select_n3A_190 : vector<1024x128xi1>, vector<1024x128xf32>
    %min3A_659 = arith.minimumf %min3A_203, %min3A_222 : vector<1024x128xf32>
    %le3A_660 = arith.cmpf ole, %min3A_203, %min3A_222 : vector<1024x128xf32>
    %select_n3A_661 = arith.select %le3A_660, %select_n3A_209, %select_n3A_228 : vector<1024x128xi1>, vector<1024x128xf32>
    %min3A_662 = arith.minimumf %min3A_241, %min3A_260 : vector<1024x128xf32>
    %le3A_663 = arith.cmpf ole, %min3A_241, %min3A_260 : vector<1024x128xf32>
    %select_n3A_664 = arith.select %le3A_663, %select_n3A_247, %select_n3A_266 : vector<1024x128xi1>, vector<1024x128xf32>
    %min3A_665 = arith.minimumf %min3A_279, %min3A_298 : vector<1024x128xf32>
    %le3A_666 = arith.cmpf ole, %min3A_279, %min3A_298 : vector<1024x128xf32>
    %select_n3A_667 = arith.select %le3A_666, %select_n3A_285, %select_n3A_304 : vector<1024x128xi1>, vector<1024x128xf32>
    %min3A_668 = arith.minimumf %min3A_317, %min3A_336 : vector<1024x128xf32>
    %le3A_669 = arith.cmpf ole, %min3A_317, %min3A_336 : vector<1024x128xf32>
    %select_n3A_670 = arith.select %le3A_669, %select_n3A_323, %select_n3A_342 : vector<1024x128xi1>, vector<1024x128xf32>
    %min3A_671 = arith.minimumf %min3A_355, %min3A_374 : vector<1024x128xf32>
    %le3A_672 = arith.cmpf ole, %min3A_355, %min3A_374 : vector<1024x128xf32>
    %select_n3A_673 = arith.select %le3A_672, %select_n3A_361, %select_n3A_380 : vector<1024x128xi1>, vector<1024x128xf32>
    %min3A_674 = arith.minimumf %min3A_393, %min3A_412 : vector<1024x128xf32>
    %le3A_675 = arith.cmpf ole, %min3A_393, %min3A_412 : vector<1024x128xf32>
    %select_n3A_676 = arith.select %le3A_675, %select_n3A_399, %select_n3A_418 : vector<1024x128xi1>, vector<1024x128xf32>
    %min3A_677 = arith.minimumf %min3A_431, %min3A_450 : vector<1024x128xf32>
    %le3A_678 = arith.cmpf ole, %min3A_431, %min3A_450 : vector<1024x128xf32>
    %select_n3A_679 = arith.select %le3A_678, %select_n3A_437, %select_n3A_456 : vector<1024x128xi1>, vector<1024x128xf32>
    %min3A_680 = arith.minimumf %min3A_469, %min3A_488 : vector<1024x128xf32>
    %le3A_681 = arith.cmpf ole, %min3A_469, %min3A_488 : vector<1024x128xf32>
    %select_n3A_682 = arith.select %le3A_681, %select_n3A_475, %select_n3A_494 : vector<1024x128xi1>, vector<1024x128xf32>
    %min3A_683 = arith.minimumf %min3A_507, %min3A_526 : vector<1024x128xf32>
    %le3A_684 = arith.cmpf ole, %min3A_507, %min3A_526 : vector<1024x128xf32>
    %select_n3A_685 = arith.select %le3A_684, %select_n3A_513, %select_n3A_532 : vector<1024x128xi1>, vector<1024x128xf32>
    %min3A_686 = arith.minimumf %min3A_545, %min3A_564 : vector<1024x128xf32>
    %le3A_687 = arith.cmpf ole, %min3A_545, %min3A_564 : vector<1024x128xf32>
    %select_n3A_688 = arith.select %le3A_687, %select_n3A_551, %select_n3A_570 : vector<1024x128xi1>, vector<1024x128xf32>
    %min3A_689 = arith.minimumf %min3A_583, %min3A_602 : vector<1024x128xf32>
    %le3A_690 = arith.cmpf ole, %min3A_583, %min3A_602 : vector<1024x128xf32>
    %select_n3A_691 = arith.select %le3A_690, %select_n3A_589, %select_n3A_608 : vector<1024x128xi1>, vector<1024x128xf32>
    %min3A_692 = arith.minimumf %min3A_621, %min3A_640 : vector<1024x128xf32>
    %le3A_693 = arith.cmpf ole, %min3A_621, %min3A_640 : vector<1024x128xf32>
    %select_n3A_694 = arith.select %le3A_693, %select_n3A_627, %select_n3A_646 : vector<1024x128xi1>, vector<1024x128xf32>
    %min3A_695 = arith.minimumf %min3A_647, %min3A_650 : vector<1024x128xf32>
    %le3A_696 = arith.cmpf ole, %min3A_647, %min3A_650 : vector<1024x128xf32>
    %select_n3A_697 = arith.select %le3A_696, %select_n3A_649, %select_n3A_652 : vector<1024x128xi1>, vector<1024x128xf32>
    %min3A_698 = arith.minimumf %min3A_653, %min3A_656 : vector<1024x128xf32>
    %le3A_699 = arith.cmpf ole, %min3A_653, %min3A_656 : vector<1024x128xf32>
    %select_n3A_700 = arith.select %le3A_699, %select_n3A_655, %select_n3A_658 : vector<1024x128xi1>, vector<1024x128xf32>
    %min3A_701 = arith.minimumf %min3A_659, %min3A_662 : vector<1024x128xf32>
    %le3A_702 = arith.cmpf ole, %min3A_659, %min3A_662 : vector<1024x128xf32>
    %select_n3A_703 = arith.select %le3A_702, %select_n3A_661, %select_n3A_664 : vector<1024x128xi1>, vector<1024x128xf32>
    %min3A_704 = arith.minimumf %min3A_665, %min3A_668 : vector<1024x128xf32>
    %le3A_705 = arith.cmpf ole, %min3A_665, %min3A_668 : vector<1024x128xf32>
    %select_n3A_706 = arith.select %le3A_705, %select_n3A_667, %select_n3A_670 : vector<1024x128xi1>, vector<1024x128xf32>
    %min3A_707 = arith.minimumf %min3A_671, %min3A_674 : vector<1024x128xf32>
    %le3A_708 = arith.cmpf ole, %min3A_671, %min3A_674 : vector<1024x128xf32>
    %select_n3A_709 = arith.select %le3A_708, %select_n3A_673, %select_n3A_676 : vector<1024x128xi1>, vector<1024x128xf32>
    %min3A_710 = arith.minimumf %min3A_677, %min3A_680 : vector<1024x128xf32>
    %le3A_711 = arith.cmpf ole, %min3A_677, %min3A_680 : vector<1024x128xf32>
    %select_n3A_712 = arith.select %le3A_711, %select_n3A_679, %select_n3A_682 : vector<1024x128xi1>, vector<1024x128xf32>
    %min3A_713 = arith.minimumf %min3A_683, %min3A_686 : vector<1024x128xf32>
    %le3A_714 = arith.cmpf ole, %min3A_683, %min3A_686 : vector<1024x128xf32>
    %select_n3A_715 = arith.select %le3A_714, %select_n3A_685, %select_n3A_688 : vector<1024x128xi1>, vector<1024x128xf32>
    %min3A_716 = arith.minimumf %min3A_689, %min3A_692 : vector<1024x128xf32>
    %le3A_717 = arith.cmpf ole, %min3A_689, %min3A_692 : vector<1024x128xf32>
    %select_n3A_718 = arith.select %le3A_717, %select_n3A_691, %select_n3A_694 : vector<1024x128xi1>, vector<1024x128xf32>
    %min3A_719 = arith.minimumf %min3A_695, %min3A_698 : vector<1024x128xf32>
    %le3A_720 = arith.cmpf ole, %min3A_695, %min3A_698 : vector<1024x128xf32>
    %select_n3A_721 = arith.select %le3A_720, %select_n3A_697, %select_n3A_700 : vector<1024x128xi1>, vector<1024x128xf32>
    %min3A_722 = arith.minimumf %min3A_701, %min3A_704 : vector<1024x128xf32>
    %le3A_723 = arith.cmpf ole, %min3A_701, %min3A_704 : vector<1024x128xf32>
    %select_n3A_724 = arith.select %le3A_723, %select_n3A_703, %select_n3A_706 : vector<1024x128xi1>, vector<1024x128xf32>
    %min3A_725 = arith.minimumf %min3A_707, %min3A_710 : vector<1024x128xf32>
    %le3A_726 = arith.cmpf ole, %min3A_707, %min3A_710 : vector<1024x128xf32>
    %select_n3A_727 = arith.select %le3A_726, %select_n3A_709, %select_n3A_712 : vector<1024x128xi1>, vector<1024x128xf32>
    %min3A_728 = arith.minimumf %min3A_713, %min3A_716 : vector<1024x128xf32>
    %le3A_729 = arith.cmpf ole, %min3A_713, %min3A_716 : vector<1024x128xf32>
    %select_n3A_730 = arith.select %le3A_729, %select_n3A_715, %select_n3A_718 : vector<1024x128xi1>, vector<1024x128xf32>
    %min3A_731 = arith.minimumf %min3A_719, %min3A_722 : vector<1024x128xf32>
    %le3A_732 = arith.cmpf ole, %min3A_719, %min3A_722 : vector<1024x128xf32>
    %select_n3A_733 = arith.select %le3A_732, %select_n3A_721, %select_n3A_724 : vector<1024x128xi1>, vector<1024x128xf32>
    %min3A_734 = arith.minimumf %min3A_725, %min3A_728 : vector<1024x128xf32>
    %le3A_735 = arith.cmpf ole, %min3A_725, %min3A_728 : vector<1024x128xf32>
    %select_n3A_736 = arith.select %le3A_735, %select_n3A_727, %select_n3A_730 : vector<1024x128xi1>, vector<1024x128xf32>
    %min3A_737 = arith.minimumf %min3A_731, %min3A_734 : vector<1024x128xf32>
    %le3A_738 = arith.cmpf ole, %min3A_731, %min3A_734 : vector<1024x128xf32>
    %select_n3A_739 = arith.select %le3A_738, %select_n3A_733, %select_n3A_736 : vector<1024x128xi1>, vector<1024x128xf32>
    %reduce_min3A = arith.constant dense<0x7F800000> : vector<1024xf32>
    %reduce_min3A_740 = vector.multi_reduction <minimumf>, %min3A_737, %reduce_min3A [1] : vector<1024x128xf32> to vector<1024xf32>
    %broadcast_in_dim3A_741 = vector.shape_cast %reduce_min3A_740 : vector<1024xf32> to vector<1024x1xf32>
    %iota3A = tpu.iota {dimensions = array<i32: 1>} : vector<1x128xi32>
    %convert_element_type3A = arith.sitofp %iota3A : vector<1x128xi32> to vector<1x128xf32>
    %eq3A = vector.broadcast %broadcast_in_dim3A_741 : vector<1024x1xf32> to vector<1024x128xf32>
    %eq3A_742 = arith.cmpf oeq, %min3A_737, %eq3A : vector<1024x128xf32>
    %mul3A_743 = arith.constant 1.280000e+02 : f32
    %mul3A_744 = vector.broadcast %mul3A_743 : f32 to vector<1024x128xf32>
    %mul3A_745 = arith.mulf %select_n3A_739, %mul3A_744 : vector<1024x128xf32>
    %add3A_746 = vector.broadcast %convert_element_type3A : vector<1x128xf32> to vector<1024x128xf32>
    %add3A_747 = arith.addf %mul3A_745, %add3A_746 : vector<1024x128xf32>
    %jit3A_748 = arith.constant 0x4C800000 : f32
    %broadcast_in_dim3A_749 = vector.broadcast %jit3A_748 : f32 to vector<1024x128xf32>
    %select_n3A_750 = arith.select %eq3A_742, %add3A_747, %broadcast_in_dim3A_749 : vector<1024x128xi1>, vector<1024x128xf32>
    %reduce_min3A_751 = arith.constant dense<0x7F800000> : vector<1024xf32>
    %reduce_min3A_752 = vector.multi_reduction <minimumf>, %select_n3A_750, %reduce_min3A_751 [1] : vector<1024x128xf32> to vector<1024xf32>
    %convert_element_type3A_753 = arith.fptosi %reduce_min3A_752 : vector<1024xf32> to vector<1024xi32>
    %swap3A_754 = arith.constant 0 : index
    %swap3A_755 = vector.load %arg9[%swap3A_754] : memref<1024xi32, #tpu.memory_space<vmem>>, vector<1024xi32>
    tpu.vector_store %arg9[%swap3A_754], %convert_element_type3A_753 {strides = array<i32>} : memref<1024xi32, #tpu.memory_space<vmem>>, vector<1024xi32>,
    return
  }
  func.func @transform_0(%arg0: i32) -> (i32, i32) {
    %c0_i32 = arith.constant 0 : i32
    %c0_i32_0 = arith.constant 0 : i32
    return %arg0, %c0_i32 : i32, i32
  }
  func.func @transform_1(%arg0: i32) -> (i32, i32) {
    %c0_i32 = arith.constant 0 : i32
    %c0_i32_0 = arith.constant 0 : i32
    return %arg0, %c0_i32 : i32, i32
  }
  func.func @transform_2(%arg0: i32) -> i32 {
    %c0_i32 = arith.constant 0 : i32
    %c0_i32_0 = arith.constant 0 : i32
    return %c0_i32 : i32
  }
  func.func @transform_3(%arg0: i32) -> (i32, i32) {
    %c0_i32 = arith.constant 0 : i32
    %c0_i32_0 = arith.constant 0 : i32
    %c0_i32_1 = arith.constant 0 : i32
    return %c0_i32, %c0_i32_0 : i32, i32
  }
  func.func @transform_4(%arg0: i32) -> (i32, i32) {
    %c0_i32 = arith.constant 0 : i32
    %c0_i32_0 = arith.constant 0 : i32
    %c0_i32_1 = arith.constant 0 : i32
    return %c0_i32, %c0_i32_0 : i32, i32
  }
  func.func @transform_5(%arg0: i32) -> (i32, i32) {
    %c0_i32 = arith.constant 0 : i32
    %c0_i32_0 = arith.constant 0 : i32
    return %arg0, %c0_i32 : i32, i32
  }
  func.func @transform_6(%arg0: i32) -> (i32, i32) {
    %c0_i32 = arith.constant 0 : i32
    %c0_i32_0 = arith.constant 0 : i32
    return %arg0, %c0_i32 : i32, i32
  }
  func.func @transform_7(%arg0: i32) -> (i32, i32) {
    %c0_i32 = arith.constant 0 : i32
    %c0_i32_0 = arith.constant 0 : i32
    return %arg0, %c0_i32 : i32, i32
  }
  func.func @transform_8(%arg0: i32) -> i32 {
    %c0_i32 = arith.constant 0 : i32
    return %arg0 : i32
  }
}

module attributes {stable_mosaic.version = 14 : i64} {
  func.func @_final_body(%arg0: i32, %arg1: memref<1024x256xf32, #tpu.memory_space<vmem>>, %arg2: memref<1024x256xf32, #tpu.memory_space<vmem>>, %arg3: memref<1024x256xf32, #tpu.memory_space<vmem>>, %arg4: memref<1024x256xf32, #tpu.memory_space<vmem>>, %arg5: memref<1024x256xf32, #tpu.memory_space<vmem>>, %arg6: memref<1xi32, #tpu.memory_space<smem>>, %arg7: memref<256x768xf32, #tpu.memory_space<vmem>>, %arg8: memref<1x768xf32, #tpu.memory_space<vmem>>, %arg9: memref<1024x1xf32, #tpu.memory_space<vmem>>, %arg10: memref<1024x1xf32, #tpu.memory_space<vmem>>, %arg11: memref<1024x1xf32, #tpu.memory_space<vmem>>, %arg12: memref<1024x768xf32, #tpu.memory_space<vmem>>, %arg13: memref<1024x256xf32, #tpu.memory_space<vmem>>, %arg14: memref<1024x1xf32, #tpu.memory_space<vmem>>, %arg15: memref<1024x256xf32, #tpu.memory_space<vmem>>) attributes {dimension_semantics = [#tpu.dimension_semantics<arbitrary>], iteration_bounds = array<i64: 9>, scalar_prefetch = 0 : i64, scratch_operands = 0 : i64, tpu.core_type = #tpu.core_type<tc>, window_params = [{transform_indices = @transform_0, window_bounds = array<i64: 1024, 256>}, {transform_indices = @transform_1, window_bounds = array<i64: 1024, 256>}, {transform_indices = @transform_2, window_bounds = array<i64: 1024, 256>}, {transform_indices = @transform_3, window_bounds = array<i64: 1024, 256>}, {transform_indices = @transform_4, window_bounds = array<i64: 1024, 256>}, {transform_indices = @transform_5, window_bounds = array<i64: 1>}, {pipeline_mode = #tpu.pipeline_mode<synchronous>, transform_indices = @transform_6, window_bounds = array<i64: 256, 768>}, {pipeline_mode = #tpu.pipeline_mode<synchronous>, transform_indices = @transform_7, window_bounds = array<i64: 1, 768>}, {transform_indices = @transform_8, window_bounds = array<i64: 1024, 1>}, {transform_indices = @transform_9, window_bounds = array<i64: 1024, 1>}, {transform_indices = @transform_10, window_bounds = array<i64: 1024, 1>}, {transform_indices = @transform_11, window_bounds = array<i64: 1024, 768>}, {transform_indices = @transform_12, window_bounds = array<i64: 1024, 256>}, {transform_indices = @transform_13, window_bounds = array<i64: 1024, 1>}, {transform_indices = @transform_14, window_bounds = array<i64: 1024, 256>}]} {
    %get3A = arith.constant 0 : index
    %get3A_0 = memref.load %arg6[%get3A] : memref<1xi32, #tpu.memory_space<smem>>
    %ne3A = arith.constant 0 : i32
    %ne3A_1 = arith.cmpi ne, %get3A_0, %ne3A : i32
    %get3A_2 = arith.constant 0 : index
    %get3A_3 = arith.constant 0 : index
    %get3A_4 = vector.load %arg4[%get3A_2, %get3A_3] : memref<1024x256xf32, #tpu.memory_space<vmem>>, vector<1024x256xf32>
    %get3A_5 = arith.constant 0 : index
    %get3A_6 = arith.constant 0 : index
    %get3A_7 = vector.load %arg5[%get3A_5, %get3A_6] : memref<1024x256xf32, #tpu.memory_space<vmem>>, vector<1024x256xf32>
    %sub3A = arith.subf %get3A_7, %get3A_4 : vector<1024x256xf32>
    %add3A = arith.addf %get3A_4, %sub3A : vector<1024x256xf32>
    %broadcast_in_dim3A = arith.constant 0.000000e+00 : f32
    %broadcast_in_dim3A_8 = vector.broadcast %broadcast_in_dim3A : f32 to vector<1024x256xf32>
    %select_n3A = arith.select %ne3A_1, %add3A, %broadcast_in_dim3A_8 : vector<1024x256xf32>
    %mul3A = arith.mulf %sub3A, %sub3A : vector<1024x256xf32>
    %reduce_sum3A = arith.constant dense<0.000000e+00> : vector<1024xf32>
    %reduce_sum3A_9 = vector.multi_reduction <add>, %mul3A, %reduce_sum3A [1] : vector<1024x256xf32> to vector<1024xf32>
    %broadcast_in_dim3A_10 = vector.shape_cast %reduce_sum3A_9 : vector<1024xf32> to vector<1024x1xf32>
    %div3A = arith.constant 2.560000e+02 : f32
    %div3A_11 = vector.broadcast %div3A : f32 to vector<1024x1xf32>
    %div3A_12 = arith.divf %broadcast_in_dim3A_10, %div3A_11 : vector<1024x1xf32>
    %mul3A_13 = arith.constant 2.500000e-01 : f32
    %mul3A_14 = vector.broadcast %mul3A_13 : f32 to vector<1024x1xf32>
    %mul3A_15 = arith.mulf %div3A_12, %mul3A_14 : vector<1024x1xf32>
    %add3A_16 = arith.addf %div3A_12, %mul3A_15 : vector<1024x1xf32>
    %broadcast_in_dim3A_17 = arith.constant 0.000000e+00 : f32
    %broadcast_in_dim3A_18 = vector.broadcast %broadcast_in_dim3A_17 : f32 to vector<1024x1xf32>
    %select_n3A_19 = arith.select %ne3A_1, %add3A_16, %broadcast_in_dim3A_18 : vector<1024x1xf32>
    %swap3A = arith.constant 0 : index
    %swap3A_20 = arith.constant 0 : index
    %swap3A_21 = vector.load %arg15[%swap3A, %swap3A_20] : memref<1024x256xf32, #tpu.memory_space<vmem>>, vector<1024x256xf32>
    tpu.vector_store %arg15[%swap3A, %swap3A_20], %select_n3A {strides = array<i32>} : memref<1024x256xf32, #tpu.memory_space<vmem>>, vector<1024x256xf32>,
    %get3A_22 = arith.constant 0 : index
    %get3A_23 = arith.constant 0 : index
    %get3A_24 = vector.load %arg1[%get3A_22, %get3A_23] : memref<1024x256xf32, #tpu.memory_space<vmem>>, vector<1024x256xf32>
    %get3A_25 = arith.constant 0 : index
    %get3A_26 = arith.constant 0 : index
    %get3A_27 = vector.load %arg2[%get3A_25, %get3A_26] : memref<1024x256xf32, #tpu.memory_space<vmem>>, vector<1024x256xf32>
    %add3A_28 = arith.addf %get3A_24, %get3A_27 : vector<1024x256xf32>
    %get3A_29 = arith.constant 0 : index
    %get3A_30 = arith.constant 0 : index
    %get3A_31 = vector.load %arg3[%get3A_29, %get3A_30] : memref<1024x256xf32, #tpu.memory_space<vmem>>, vector<1024x256xf32>
    %add3A_32 = arith.addf %add3A_28, %get3A_31 : vector<1024x256xf32>
    %add3A_33 = arith.addf %add3A_32, %select_n3A : vector<1024x256xf32>
    %swap3A_34 = arith.constant 0 : index
    %swap3A_35 = arith.constant 0 : index
    %swap3A_36 = vector.load %arg13[%swap3A_34, %swap3A_35] : memref<1024x256xf32, #tpu.memory_space<vmem>>, vector<1024x256xf32>
    tpu.vector_store %arg13[%swap3A_34, %swap3A_35], %add3A_33 {strides = array<i32>} : memref<1024x256xf32, #tpu.memory_space<vmem>>, vector<1024x256xf32>,
    %get3A_37 = arith.constant 0 : index
    %get3A_38 = arith.constant 0 : index
    %get3A_39 = vector.load %arg7[%get3A_37, %get3A_38] : memref<256x768xf32, #tpu.memory_space<vmem>>, vector<256x768xf32>
    %dot_general3A = arith.constant dense<0.000000e+00> : vector<1024x768xf32>
    %dot_general3A_40 = tpu.matmul %add3A_33, %get3A_39, %dot_general3A {dimension_numbers = #tpu.dot_dimension_numbers<[1], [0], [0], [1], [0, 0, 1, 1], [], []>, transpose_lhs_hint = false} : vector<1024x256xf32>, vector<256x768xf32>, vector<1024x768xf32> -> vector<1024x768xf32>
    %get3A_41 = arith.constant 0 : index
    %get3A_42 = arith.constant 0 : index
    %get3A_43 = vector.load %arg8[%get3A_41, %get3A_42] : memref<1x768xf32, #tpu.memory_space<vmem>>, vector<1x768xf32>
    %add3A_44 = vector.broadcast %get3A_43 : vector<1x768xf32> to vector<1024x768xf32>
    %add3A_45 = arith.addf %dot_general3A_40, %add3A_44 : vector<1024x768xf32>
    %swap3A_46 = arith.constant 0 : index
    %swap3A_47 = arith.constant 0 : index
    %swap3A_48 = vector.load %arg12[%swap3A_46, %swap3A_47] : memref<1024x768xf32, #tpu.memory_space<vmem>>, vector<1024x768xf32>
    tpu.vector_store %arg12[%swap3A_46, %swap3A_47], %add3A_45 {strides = array<i32>} : memref<1024x768xf32, #tpu.memory_space<vmem>>, vector<1024x768xf32>,
    %get3A_49 = arith.constant 0 : index
    %get3A_50 = arith.constant 0 : index
    %get3A_51 = vector.load %arg9[%get3A_49, %get3A_50] : memref<1024x1xf32, #tpu.memory_space<vmem>>, vector<1024x1xf32>
    %get3A_52 = arith.constant 0 : index
    %get3A_53 = arith.constant 0 : index
    %get3A_54 = vector.load %arg10[%get3A_52, %get3A_53] : memref<1024x1xf32, #tpu.memory_space<vmem>>, vector<1024x1xf32>
    %add3A_55 = arith.addf %get3A_51, %get3A_54 : vector<1024x1xf32>
    %get3A_56 = arith.constant 0 : index
    %get3A_57 = arith.constant 0 : index
    %get3A_58 = vector.load %arg11[%get3A_56, %get3A_57] : memref<1024x1xf32, #tpu.memory_space<vmem>>, vector<1024x1xf32>
    %add3A_59 = arith.addf %add3A_55, %get3A_58 : vector<1024x1xf32>
    %add3A_60 = arith.addf %add3A_59, %select_n3A_19 : vector<1024x1xf32>
    %div3A_61 = arith.constant 4.000000e+00 : f32
    %div3A_62 = vector.broadcast %div3A_61 : f32 to vector<1024x1xf32>
    %div3A_63 = arith.divf %add3A_60, %div3A_62 : vector<1024x1xf32>
    %swap3A_64 = arith.constant 0 : index
    %swap3A_65 = arith.constant 0 : index
    %swap3A_66 = vector.load %arg14[%swap3A_64, %swap3A_65] : memref<1024x1xf32, #tpu.memory_space<vmem>>, vector<1024x1xf32>
    tpu.vector_store %arg14[%swap3A_64, %swap3A_65], %div3A_63 {strides = array<i32>} : memref<1024x1xf32, #tpu.memory_space<vmem>>, vector<1024x1xf32>,
    return
  }
  func.func @transform_0(%arg0: i32) -> (i32, i32) {
    %c0_i32 = arith.constant 0 : i32
    %c0_i32_0 = arith.constant 0 : i32
    return %arg0, %c0_i32 : i32, i32
  }
  func.func @transform_1(%arg0: i32) -> (i32, i32) {
    %c0_i32 = arith.constant 0 : i32
    %c0_i32_0 = arith.constant 0 : i32
    return %arg0, %c0_i32 : i32, i32
  }
  func.func @transform_2(%arg0: i32) -> (i32, i32) {
    %c0_i32 = arith.constant 0 : i32
    %c0_i32_0 = arith.constant 0 : i32
    return %arg0, %c0_i32 : i32, i32
  }
  func.func @transform_3(%arg0: i32) -> (i32, i32) {
    %c0_i32 = arith.constant 0 : i32
    %c0_i32_0 = arith.constant 0 : i32
    return %arg0, %c0_i32 : i32, i32
  }
  func.func @transform_4(%arg0: i32) -> (i32, i32) {
    %c0_i32 = arith.constant 0 : i32
    %c0_i32_0 = arith.constant 0 : i32
    return %arg0, %c0_i32 : i32, i32
  }
  func.func @transform_5(%arg0: i32) -> i32 {
    %c0_i32 = arith.constant 0 : i32
    %c0_i32_0 = arith.constant 0 : i32
    return %c0_i32 : i32
  }
  func.func @transform_6(%arg0: i32) -> (i32, i32) {
    %c0_i32 = arith.constant 0 : i32
    %c0_i32_0 = arith.constant 0 : i32
    %c0_i32_1 = arith.constant 0 : i32
    return %c0_i32, %c0_i32_0 : i32, i32
  }
  func.func @transform_7(%arg0: i32) -> (i32, i32) {
    %c0_i32 = arith.constant 0 : i32
    %c0_i32_0 = arith.constant 0 : i32
    %c0_i32_1 = arith.constant 0 : i32
    return %c0_i32, %c0_i32_0 : i32, i32
  }
  func.func @transform_8(%arg0: i32) -> (i32, i32) {
    %c0_i32 = arith.constant 0 : i32
    %c0_i32_0 = arith.constant 0 : i32
    return %arg0, %c0_i32 : i32, i32
  }
  func.func @transform_9(%arg0: i32) -> (i32, i32) {
    %c0_i32 = arith.constant 0 : i32
    %c0_i32_0 = arith.constant 0 : i32
    return %arg0, %c0_i32 : i32, i32
  }
  func.func @transform_10(%arg0: i32) -> (i32, i32) {
    %c0_i32 = arith.constant 0 : i32
    %c0_i32_0 = arith.constant 0 : i32
    return %arg0, %c0_i32 : i32, i32
  }
  func.func @transform_11(%arg0: i32) -> (i32, i32) {
    %c0_i32 = arith.constant 0 : i32
    %c0_i32_0 = arith.constant 0 : i32
    return %arg0, %c0_i32 : i32, i32
  }
  func.func @transform_12(%arg0: i32) -> (i32, i32) {
    %c0_i32 = arith.constant 0 : i32
    %c0_i32_0 = arith.constant 0 : i32
    return %arg0, %c0_i32 : i32, i32
  }
  func.func @transform_13(%arg0: i32) -> (i32, i32) {
    %c0_i32 = arith.constant 0 : i32
    %c0_i32_0 = arith.constant 0 : i32
    return %arg0, %c0_i32 : i32, i32
  }
  func.func @transform_14(%arg0: i32) -> (i32, i32) {
    %c0_i32 = arith.constant 0 : i32
    %c0_i32_0 = arith.constant 0 : i32
    return %arg0, %c0_i32 : i32, i32
  }
}

</mosaic_0001>

<sc_bundles>
// kernel: kernel.12.cloned.1.call-start
scs
__scs_entry_jumppad:
0x0: {  	(pc) =	sbr.rel $0x88, $3  }
0x1: {  	(tag) =	ssettag $0x0;
	lr =	simm.s32 $0x1  }
0x2: {  	[smem:$0x3F9A] =	sst lr;
	_ =	strace $0xD0000000  }
0x3: {  	_ = 	snop  }
0x4: {  	_ = 	snop  }
0x5: {  	_ = 	snop  }
0x6: {  	_ = 	snop  }
0x7: {  	_ = 	snop  }
__scs_overlays_trampoline_lowered:
0x8: {  	[smem:$0x3FA9] =	sst s0  }
0x9: {  	[smem:$0x3FAA] =	sst s1  }
0xa: {  	[smem:$0x3FAB] =	sst s2  }
0xb: {  	[smem:$0x3FAC] =	sst s3  }
0xc: {  	[smem:$0x3FAD] =	sst s4  }
0xd: {  	[smem:$0x3FAE] =	sst s5  }
0xe: {  	[smem:$0x3FAF] =	sst s6  }
0xf: {  	[smem:$0x3FB0] =	sst s7  }
0x10: {  	[smem:$0x3FB1] =	sst s8  }
0x11: {  	[smem:$0x3FB2] =	sst s9;
	s0 =	simm.s32 @!p0 $0x0  }
0x12: {  	s1 =	sld [smem:$0x3F98];
	s0 =	simm.s32 @p0 $0x1  }
0x13: {  	[smem:$0x3FB3] =	sst s0;
	s0 =	simm.s32 @!p1 $0x0  }
0x14: {  	s2 =	sld [smem:$0x3F97];
	s0 =	simm.s32 @p1 $0x1  }
0x15: {  	[smem:$0x3FB4] =	sst s0;
	s0 =	simm.s32 @!p2 $0x0  }
0x16: {  	s3 =	sld [smem:$0x3FDB];
	s0 =	simm.s32 @p2 $0x1  }
0x17: {  	s4 =	simm.s32 $0x1BF5;
	[smem:$0x3FB6] =	sst s0  }
0x18: {  	s0 =	sld [smem:$0x3F99];
	_ =	swait.ge [sflag:s4], $0x0  }
0x19: {  	s7 =	sld [smem:$0x3F9A]  }
0x1a: {  	s8 =	sadd.s32 $0xFFFFE003, lr  }
0x1b: {  	s9 =	sadd.s32 $0xFFFFFEF7, lr;
	s5 =	simm.s32 $0xFFFFFFFF;
	p2 =	slt.u32 s8, $0xFFFFF086  }
0x1c: {  	p1 =	slt.u32 s9, $0xF7A;
	s5 =	simm.s32 @!p2 $0x0  }
0x1d: {  	s5 =	simm.s32 @p1 $0x1;
	p0 =	seq.s32 s7, s2  }
0x1e: {  	s7 =	smul.u32 @!p0 $0xF7A, s2;
	p2 =	seq.s32 @!p0 s5, $0x0  }
0x1f: {  	s9 =	smul.u32 $0xF7A, s1;
	s8 =	simm.s32 @!p0 $0x1BF5;
	p2 =	por !p2, p0  }
0x20: {  	[sflag:s8] =	ssyncset.s32 @!p0 $0xFFFFF086;
	s6 =	sadd.s32 @!p0 s3, s7;
	s7 =	simm.s32 @!p0 $0x108  }
0x21: {  	s3 =	sadd.s32 s3, s9;
	s6 =	sadd.s32 @!p0 $0x88, s6;
	s7 =	simm.s32 @p2 $0x1082  }
0x22: {  	[simem:s7], [sflag:s8] =	dma.local @!p0 [hbm:s6], $0xF7A  }
0x23: {  	s9 =	sor.u32 $0xD0000000, s2;
	s6 =	simm.s32 $0x108;
	_ =	swait.ge @!p0 [sflag:s8], $0x0  }
0x24: {  	s3 =	sadd.s32 $0x88, s3;
	s6 =	simm.s32 @!p1 $0x1082;
	[sflag:s4] =	ssyncset.s32 $0xFFFFF086  }
0x25: {  	[simem:s6], [sflag:s4] =	dma.local [hbm:s3], $0xF7A  }
0x26: {  	[smem:$0x3F9A] =	sst s1;
	(tag) =	ssettag s2;
	_ =	strace s9  }
0x27: {  	s1 =	sld [smem:$0x3FAA]  }
0x28: {  	s2 =	sld [smem:$0x3FAB]  }
0x29: {  	s4 =	sld [smem:$0x3FAD]  }
0x2a: {  	p0 =	seq.s32 s5, $0x0;
	s5 =	sld [smem:$0x3FAE]  }
0x2b: {  	s6 =	sld [smem:$0x3FAF]  }
0x2c: {  	s7 =	sld [smem:$0x3FB0]  }
0x2d: {  	s3 =	simm.s32 $0x108;
	s8 =	sld [smem:$0x3FB1]  }
0x2e: {  	s3 =	simm.s32 @!p0 $0x1082;
	s9 =	sld [smem:$0x3FB2]  }
0x2f: {  	lr =	sadd.s32 s0, s3;
	s0 =	sld [smem:$0x3FA9]  }
0x30: {  	s3 =	sld [smem:$0x3FAC]  }
0x31: {  	[smem:$0x3FB5] =	sst s10  }
0x32: {  	s10 =	sld [smem:$0x3FB3];
	_ =	sdelay $0x3  }
0x33: {  	p0 =	seq.s32 s10, $0x1;
	s10 =	sld [smem:$0x3FB5];
	_ =	sdelay $0x3  }
0x34: {  	[smem:$0x3FB5] =	sst s10  }
0x35: {  	s10 =	sld [smem:$0x3FB4];
	_ =	sdelay $0x3  }
0x36: {  	p1 =	seq.s32 s10, $0x1;
	s10 =	sld [smem:$0x3FB5];
	_ =	sdelay $0x3  }
0x37: {  	[smem:$0x3FB5] =	sst s10  }
0x38: {  	s10 =	sld [smem:$0x3FB6]  }
0x39: {  	_ = 	snop;
	(pc) =	sbr.ind lr, $3  }
0x3a: {  	_ = 	snop  }
0x3b: {  	_ = 	snop  }
0x3c: {  	p2 =	seq.s32 s10, $0x1;
	s10 =	sld [smem:$0x3FB5]  }
0x3d: {  	_ =	shalt  }
0x3e: {  	_ =	shalt  }
0x3f: {  	_ =	shalt  }
0x40: {  	_ =	shalt  }
0x41: {  	_ =	shalt  }
0x42: {  	_ =	shalt  }
0x43: {  	_ =	shalt  }
0x44: {  	_ =	shalt  }
0x45: {  	_ =	shalt  }
0x46: {  	_ =	shalt  }
0x47: {  	_ =	shalt  }
0x48: {  	_ =	shalt  }
0x49: {  	_ =	shalt  }
0x4a: {  	_ =	shalt  }
0x4b: {  	_ =	shalt  }
0x4c: {  	_ =	shalt  }
0x4d: {  	_ =	shalt  }
0x4e: {  	_ =	shalt  }
0x4f: {  	_ =	shalt  }
0x50: {  	_ =	shalt  }
0x51: {  	_ =	shalt  }
0x52: {  	_ =	shalt  }
0x53: {  	_ =	shalt  }
0x54: {  	_ =	shalt  }
0x55: {  	_ =	shalt  }
0x56: {  	_ =	shalt  }
0x57: {  	_ =	shalt  }
0x58: {  	_ =	shalt  }
0x59: {  	_ =	shalt  }
0x5a: {  	_ =	shalt  }
0x5b: {  	_ =	shalt  }
0x5c: {  	_ =	shalt  }
0x5d: {  	_ =	shalt  }
0x5e: {  	_ =	shalt  }
0x5f: {  	_ =	shalt  }
0x60: {  	_ =	shalt  }
0x61: {  	_ =	shalt  }
0x62: {  	_ =	shalt  }
0x63: {  	_ =	shalt  }
0x64: {  	_ =	shalt  }
0x65: {  	_ =	shalt  }
0x66: {  	_ =	shalt  }
0x67: {  	_ =	shalt  }
0x68: {  	_ =	shalt  }
0x69: {  	_ =	shalt  }
0x6a: {  	_ =	shalt  }
0x6b: {  	_ =	shalt  }
0x6c: {  	_ =	shalt  }
0x6d: {  	_ =	shalt  }
0x6e: {  	_ =	shalt  }
0x6f: {  	_ =	shalt  }
0x70: {  	_ =	shalt  }
0x71: {  	_ =	shalt  }
0x72: {  	_ =	shalt  }
0x73: {  	_ =	shalt  }
0x74: {  	_ =	shalt  }
0x75: {  	_ =	shalt  }
0x76: {  	_ =	shalt  }
0x77: {  	_ =	shalt  }
0x78: {  	_ =	shalt  }
0x79: {  	_ =	shalt  }
0x7a: {  	_ =	shalt  }
0x7b: {  	_ =	shalt  }
0x7c: {  	_ =	shalt  }
0x7d: {  	_ =	shalt  }
0x7e: {  	_ =	shalt  }
0x7f: {  	_ =	shalt  }
0x80: {  	_ =	shalt  }
0x81: {  	_ =	shalt  }
0x82: {  	_ =	shalt  }
0x83: {  	_ =	shalt  }
0x84: {  	_ =	shalt  }
0x85: {  	_ =	shalt  }
0x86: {  	_ =	shalt  }
0x87: {  	_ =	shalt  }
.Lfunc_end0:
.L_simem_size_0:
called_computation_lowered:
.L_overlay_start_0:
0x88: {  	s2 =	sld [smem:$0x3FD9]  }
0x89: {  	s3 =	sld [smem:$0x3FFE];
	_ =	sdelay $0x1  }
0x8a: {  	s1 =	srdreg.scid  }
0x8b: {  	s0 =	sand.u32 $0x1, s1  }
0x8c: {  	s15 =	sshll.u32 s0, $0xA;
	s2 =	sadd.s32 s3, s2  }
0x8d: {  	s2 =	sadd.s32 s2, s15  }
0x8e: {  	[smem:$0x3FC1] =	sst s2  }
0x8f: {  	_ = 	snop  }
0x90: {  	s2 =	sld [smem:$0x3FD0];
	_ =	sdelay $0x2  }
0x91: {  	s16 =	simm.s32 $0xA;
	s4 =	simm.s32 $0x10  }
0x92: {  	[smem:s4], [sflag:s16] =	dma.local [hbm:s2], $0x1  }
0x93: {  	_ =	swait.eq [sflag:s16], $0x1  }
0x94: {  	s17 =	sld [smem:$0x10];
	[sflag:s16] =	ssyncset.done $0x0  }
0x95: {  	s18 =	sld [smem:$0x11];
	[sflag:s16] =	ssyncadd.s32 $0xFFFFFFFF  }
0x96: {  	s19 =	sld [smem:$0x13];
	(tm) =	ssettm $0x1  }
0x97: {  	s5 =	sld [smem:$0x3FFB];
	_ =	sdelay $0x3  }
0x98: {  	_ =	strace s5  }
0x99: {  	s5 =	sld [smem:$0x3FFC];
	_ =	sdelay $0x3  }
0x9a: {  	_ =	strace s5  }
0x9b: {  	s5 =	sld [smem:$0x3FFD];
	_ =	sdelay $0x3  }
0x9c: {  	_ =	strace s5  }
0x9d: {  	_ =	strace $0x8FFFFFFF  }
0x9e: {  	s20 =	sld [smem:$0x3FDB];
	_ =	sdelay $0x1  }
0x9f: {  	s6 =	simm.s32 $_scs_section_size  }
0xa0: {  	s7 =	simm.s32 $_size__tile_overlayer_lowered;
	s8 =	simm.s32 $_tile_overlayer_lowered  }
0xa1: {  	s23 =	simm.s32 $0x1BFF;
	s22 =	sshll.u32 s8, $0x1;
	s5 =	sadd.s32 s6, s20  }
0xa2: {  	s9 =	simm.s32 $0x0;
	s21 =	sshll.u32 s7, $0x1;
	s7 =	sadd.s32 s22, s5  }
0xa3: {  	[timem:s9], [sflag:s23] =	dma.local [hbm:s7], s21  }
0xa4: {  	_ =	swait.ge [sflag:s23], s21  }
0xa5: {  	s6 =	ssub.s32 $0x0, s21;
	[sflag:s23] =	ssyncset.done $0x0  }
0xa6: {  	[sflag:s23] =	ssyncadd.s32 s6;
	_ =	sdelay $0x1  }
0xa7: {  	s24 =	simm.s32 $0x1B8B  }
0xa8: {  	_ =	swait.ge [sflag:s24], $0x1  }
0xa9: {  	[sflag:s24] =	ssyncset.done $0x0  }
0xaa: {  	s25 =	simm.s32 $0x1B8E;
	[sflag:s24] =	ssyncadd.s32 $0xFFFFFFFF  }
0xab: {  	s26 =	simm.s32 $execute0_lowered;
	[smem:$0x3FD2] =	sst s25  }
0xac: {  	s6 =	sshll.u32 s26, $0x1;
	_ =	strace $0x80000046;
	[dreg:$0x1] =	wrdreg $0xFFFFFFFF  }
0xad: {  	s28 =	simm.s32 $_size_execute0_lowered;
	s5 =	sadd.s32 s5, s6;
	[dreg:$0x0] =	wrdreg $0x0  }
0xae: {  	s6 =	sshll.u32 s28, $0x1;
	[dreg:$0x2] =	wrdreg s5  }
0xaf: {  	[dreg:$0x3] =	wrdreg s6  }
0xb0: {  	[dreg:$0x4] =	wrdreg $0xC0  }
0xb1: {  	_ =	task [dreg:s9], $0x5FFFF  }
0xb2: {  	[dreg:$0x1] =	wrdreg $0xFFFFFFFF  }
0xb3: {  	[dreg:$0x0] =	wrdreg $0x60  }
0xb4: {  	[dreg:$0x2] =	wrdreg s17  }
0xb5: {  	[dreg:$0x3] =	wrdreg s18  }
0xb6: {  	[dreg:$0x4] =	wrdreg s19  }
0xb7: {  	[dreg:$0x5] =	wrdreg $0x9  }
0xb8: {  	_ =	task.clear_ibuf [dreg:s9], $0x6FFFF;
	_ =	strace $0x90000046  }
0xb9: {  	s29 =	simm.s32 $0x9;
	_ =	strace $0x80000048  }
0xba: {  	_ =	swait.ge [sflag:s29], $0x1  }
0xbb: {  	[sflag:s29] =	ssyncadd.s32 $0xFFFFFFFF  }
0xbc: {  	_ =	strace $0x90000048  }
0xbd: {  	_ =	sfence  }
0xbe: {  	s30 =	sld [smem:$0x0];
	_ =	sdelay $0x2  }
0xbf: {  	s31 =	sshll.u32 s1, $0xD;
	s1 =	sshrl.u32 s1, $0x2  }
0xc0: {  	s3 =	sand.u32 $0x4000, s31;
	s1 =	sadd.s32 s1, s30  }
0xc1: {  	s0 =	sor.u32 s3, s0;
	s1 =	sshll.u32 s1, $0x11  }
0xc2: {  	s0 =	sor.u32 s1, s0  }
0xc3: {  	s0 =	sadd.s32 $0x8F2B, s0  }
0xc4: {  	[sflag:s0] =	ssyncadd.remote.s32 $0x1  }
0xc5: {  	_ =	sfence.sel $0xFFFF  }
0xc6: {  	[dreg:$0x0] =	wrdreg $0xFFFFFFFF;
	(pc) =	sbr.abs _section_cstart, $3  }
0xc7: {  	[dreg:$0x1] =	wrdreg $0xFFFFFFFF  }
0xc8: {  	_ =	task.clear_ibuf [dreg:s9], $0x2FFFF;
	_ =	strace $0x9FFFFFFF  }
0xc9: {  	(tm) =	ssettm $0x7FFFFFFF  }
tec
execute0_lowered:
.L_overlay_start_1:
0x0: {  	(tag) =	ssettag $0x1  }
0x1: {  	s2 =	srdreg.scid  }
0x2: {  	s0 =	stileid.u32;
	s1 =	rddreg [dreg:$0x0]  }
0x3: {  	s4 =	rddreg [dreg:$0x1];
	s2 =	sand.u32 $0x1, s2;
	s3 =	sshll.u32 s0, $0x1  }
0x4: {  	s6 =	rddreg [dreg:$0x2];
	s5 =	sor.u32 s2, s3;
	s3 =	simm.s32 $0x0  }
0x5: {  	s13 =	simm.s32 $0x80;
	[smem:$0x7FF] =	sst s3  }
0x6: {  	s14 =	simm.s32 $0x100;
	_ =	strace $0x80000047;
	[dreg:$0xa] =	wrdreg s13  }
0x7: {  	s15 =	simm.s32 $0xA00;
	[dreg:$0xb] =	wrdreg s14  }
0x8: {  	s16 =	simm.s32 $0x1200;
	[dreg:$0xc] =	wrdreg s15  }
0x9: {  	s17 =	simm.s32 $0x1A00;
	[dreg:$0xd] =	wrdreg s16  }
0xa: {  	s18 =	simm.s32 $0x2200;
	[dreg:$0xe] =	wrdreg s17  }
0xb: {  	s19 =	simm.s32 $0x2A00;
	s20 =	simm.s32 $0x3200;
	[dreg:$0xf] =	wrdreg s18  }
0xc: {  	s21 =	simm.s32 $0x3A00;
	s23 =	simm.s32 $0x4200;
	[dreg:$0x10] =	wrdreg s19  }
0xd: {  	s24 =	simm.s32 $0x4A00;
	s25 =	simm.s32 $0x5200;
	[dreg:$0x11] =	wrdreg s20  }
0xe: {  	s26 =	simm.s32 $0x5A00;
	s28 =	simm.s32 $0x10200;
	[dreg:$0x12] =	wrdreg s21  }
0xf: {  	s29 =	simm.s32 $0x10A00;
	s30 =	simm.s32 $0x11200;
	[dreg:$0x13] =	wrdreg s23  }
0x10: {  	s31 =	simm.s32 $0x11A00;
	s2 =	ssub.s32 $0x2, s2;
	[dreg:$0x14] =	wrdreg s24  }
0x11: {  	s7 =	smul.u32 $0x120, s5;
	s22 =	sshrl.u32 s2, $0x1;
	[dreg:$0x15] =	wrdreg s25  }
0x12: {  	s5 =	smul.u32 $0x2400, s5;
	s2 =	ssub.s32 s2, s22;
	[dreg:$0x16] =	wrdreg s26  }
0x13: {  	s13 =	simm.s32 $0x9200;
	s14 =	simm.s32 $0x9A00;
	s15 =	simm.s32 $0xA200  }
0x14: {  	s16 =	simm.s32 $0xAA00;
	s17 =	simm.s32 $0xB200;
	s18 =	simm.s32 $0xBA00  }
0x15: {  	s19 =	simm.s32 $0xC200;
	s20 =	simm.s32 $0xCA00;
	s21 =	simm.s32 $0xD200  }
0x16: {  	s22 =	simm.s32 $0xDA00;
	s23 =	simm.s32 $0xE200;
	s24 =	simm.s32 $0xEA00  }
0x17: {  	s25 =	simm.s32 $0xF200;
	s26 =	simm.s32 $0xFA00;
	s8 =	sshrl.u32 s7, $0x3  }
0x18: {  	s9 =	sadd.s32 $0x60, s7;
	s7 =	sadd.s32 $0xC0, s7;
	s8 =	sadd.s32 s4, s8  }
0x19: {  	s0 =	sshrl.u32 s9, $0x3;
	s10 =	sshrl.u32 s7, $0x3;
	s9 =	sshll.u32 s9, $0x5  }
0x1a: {  	s11 =	sshll.u32 s7, $0x5;
	[dreg:$0x4] =	wrdreg s8;
	s8 =	sadd.s32 s4, s0  }
0x1b: {  	s7 =	simm.s32 $0x6200;
	s4 =	sadd.s32 s4, s10;
	[dreg:$0x5] =	wrdreg s8  }
0x1c: {  	s10 =	sadd.s32 s6, s9;
	s12 =	sadd.s32 s6, s11;
	[dreg:$0x6] =	wrdreg s4  }
0x1d: {  	s9 =	simm.s32 $0x7200;
	s11 =	simm.s32 $0x8200;
	[dreg:$0x8] =	wrdreg s10  }
0x1e: {  	v2 =	vlaneseq.u32;
	s8 =	sadd.s32 s6, s5;
	[dreg:$0x9] =	wrdreg s12;
	s4 =	smax.u32 s2, $0x1  }
0x1f: {  	vm0 =	vmmov $0xffff;
	v1 =	vshrl.u32 v2, $0x3;
	s5 =	simm.s32 $0x2;
	s6 =	simm.s32 $0x200;
	s10 =	simm.s32 $0x7A00  }
0x20: {  	v0 =	vand.u32 $0x7, v2;
	v2 =	vor.u32 $0x8, v2;
	v1 =	vmul.u32 $0x8, v1;
	s12 =	simm.s32 $0x8A00;
	s2 =	simm.s32 $0x1;
	[dreg:$0x7] =	wrdreg s8  }
.LBB2_1:
0x21: {  	s0 =	rddreg [dreg:$0x4]  }
0x22: {  	[tilespmem:s3], [sflag:$0x2] =	stream.linear.gather [hbm4b:s0+s3], $0x60, $0x38;
	[tilespmem:$0x12200] =	vst v63  }
0x23: {  	_ =	swait.ge [sflag:s5], $0x60  }
0x24: {  	s0 =	rddreg [dreg:$0x5];
	[sflag:s5] =	ssyncset.done $0x0  }
0x25: {  	s8 =	rddreg [dreg:$0xa];
	[sflag:s5] =	ssyncadd.s32 $0xFFFFFFA0  }
0x26: {  	[tilespmem:s8], [sflag:$0x2] =	stream.linear.gather [hbm4b:s0+s3], $0x60, $0x38;
	[tilespmem:$0x12200] =	vst v63  }
0x27: {  	_ =	swait.ge [sflag:s5], $0x60  }
0x28: {  	s0 =	rddreg [dreg:$0x6];
	[sflag:s5] =	ssyncset.done $0x0  }
0x29: {  	s8 =	rddreg [dreg:$0xb];
	[sflag:s5] =	ssyncadd.s32 $0xFFFFFFA0  }
0x2a: {  	[tilespmem:s8], [sflag:$0x2] =	stream.linear.gather [hbm4b:s0+s3], $0x60, $0x38;
	[tilespmem:$0x12200] =	vst v63  }
0x2b: {  	_ =	swait.ge [sflag:s5], $0x60  }
0x2c: {  	[sflag:s5] =	ssyncset.done $0x0  }
0x2d: {  	[sflag:s5] =	ssyncadd.s32 $0xFFFFFFA0  }
0x2e: {  	v3 =	vld [tilespmem:$0x0];
	_ =	sdelay $0x4  }
0x2f: {  	v4 =	vshll.u32 v3, $0x1  }
0x30: {  	v3 =	vand.u32 $0x7, v3;
	v4 =	vand.u32 $0xFFFFFFF0, v4  }
0x31: {  	v3 =	vor.u32 v3, v4  }
0x32: {  	v4 =	vperm.xlane v3, v0;
	_ =	sdelay $0x1  }
0x33: {  	v3 =	vperm.xlane v3, v2;
	v4 =	vadd.s32 v1, v4;
	_ =	sdelay $0x1  }
0x34: {  	v3 =	vadd.s32 v1, v3;
	_ =	sdelay $0x2  }
0x35: {  	[tilespmem:s6], [sflag:$0x1] =	stream.indirect_vreg.gather [hbm4b:s1+s3], $0x80, v4, vm0, $0xb8;
	[tilespmem:$0x12200] =	vst v63  }
0x36: {  	s8 =	rddreg [dreg:$0xc]  }
0x37: {  	[tilespmem:s8], [sflag:$0x1] =	stream.indirect_vreg.gather [hbm4b:s1+s3], $0x80, v3, vm0, $0xb8;
	[tilespmem:$0x12200] =	vst v63  }
0x38: {  	v3 =	vld [tilespmem:$0x10];
	_ =	sdelay $0x4  }
0x39: {  	v47 =	vshll.u32 v3, $0x1  }
0x3a: {  	v3 =	vand.u32 $0x7, v3;
	v4 =	vand.u32 $0xFFFFFFF0, v47  }
0x3b: {  	v3 =	vor.u32 v3, v4  }
0x3c: {  	v4 =	vperm.xlane v3, v0;
	_ =	sdelay $0x1  }
0x3d: {  	v3 =	vperm.xlane v3, v2;
	v4 =	vadd.s32 v1, v4;
	_ =	sdelay $0x1  }
0x3e: {  	v3 =	vadd.s32 v1, v3;
	_ =	sdelay $0x1  }
0x3f: {  	s0 =	rddreg [dreg:$0xd]  }
0x40: {  	[tilespmem:s0], [sflag:$0x1] =	stream.indirect_vreg.gather [hbm4b:s1+s3], $0x80, v4, vm0, $0xb8;
	[tilespmem:$0x12200] =	vst v63  }
0x41: {  	s8 =	rddreg [dreg:$0xe]  }
0x42: {  	[tilespmem:s8], [sflag:$0x1] =	stream.indirect_vreg.gather [hbm4b:s1+s3], $0x80, v3, vm0, $0xb8;
	[tilespmem:$0x12200] =	vst v63  }
0x43: {  	v3 =	vld [tilespmem:$0x20];
	_ =	sdelay $0x4  }
0x44: {  	v48 =	vshll.u32 v3, $0x1  }
0x45: {  	v3 =	vand.u32 $0x7, v3;
	v4 =	vand.u32 $0xFFFFFFF0, v48  }
0x46: {  	v3 =	vor.u32 v3, v4  }
0x47: {  	v4 =	vperm.xlane v3, v0;
	_ =	sdelay $0x1  }
0x48: {  	v3 =	vperm.xlane v3, v2;
	v4 =	vadd.s32 v1, v4;
	_ =	sdelay $0x1  }
0x49: {  	v3 =	vadd.s32 v1, v3;
	_ =	sdelay $0x1  }
0x4a: {  	s0 =	rddreg [dreg:$0xf]  }
0x4b: {  	[tilespmem:s0], [sflag:$0x1] =	stream.indirect_vreg.gather [hbm4b:s1+s3], $0x80, v4, vm0, $0xb8;
	[tilespmem:$0x12200] =	vst v63  }
0x4c: {  	s8 =	rddreg [dreg:$0x10]  }
0x4d: {  	[tilespmem:s8], [sflag:$0x1] =	stream.indirect_vreg.gather [hbm4b:s1+s3], $0x80, v3, vm0, $0xb8;
	[tilespmem:$0x12200] =	vst v63  }
0x4e: {  	v3 =	vld [tilespmem:$0x30];
	_ =	sdelay $0x4  }
0x4f: {  	v49 =	vshll.u32 v3, $0x1  }
0x50: {  	v3 =	vand.u32 $0x7, v3;
	v4 =	vand.u32 $0xFFFFFFF0, v49  }
0x51: {  	v3 =	vor.u32 v3, v4  }
0x52: {  	v4 =	vperm.xlane v3, v0;
	_ =	sdelay $0x1  }
0x53: {  	v3 =	vperm.xlane v3, v2;
	v4 =	vadd.s32 v1, v4;
	_ =	sdelay $0x1  }
0x54: {  	v3 =	vadd.s32 v1, v3;
	_ =	sdelay $0x1  }
0x55: {  	s0 =	rddreg [dreg:$0x11]  }
0x56: {  	[tilespmem:s0], [sflag:$0x1] =	stream.indirect_vreg.gather [hbm4b:s1+s3], $0x80, v4, vm0, $0xb8;
	[tilespmem:$0x12200] =	vst v63  }
0x57: {  	s8 =	rddreg [dreg:$0x12]  }
0x58: {  	[tilespmem:s8], [sflag:$0x1] =	stream.indirect_vreg.gather [hbm4b:s1+s3], $0x80, v3, vm0, $0xb8;
	[tilespmem:$0x12200] =	vst v63  }
0x59: {  	v3 =	vld [tilespmem:$0x40];
	_ =	sdelay $0x4  }
0x5a: {  	v50 =	vshll.u32 v3, $0x1  }
0x5b: {  	v3 =	vand.u32 $0x7, v3;
	v4 =	vand.u32 $0xFFFFFFF0, v50  }
0x5c: {  	v3 =	vor.u32 v3, v4  }
0x5d: {  	v4 =	vperm.xlane v3, v0;
	_ =	sdelay $0x1  }
0x5e: {  	v3 =	vperm.xlane v3, v2;
	v4 =	vadd.s32 v1, v4;
	_ =	sdelay $0x1  }
0x5f: {  	v3 =	vadd.s32 v1, v3;
	_ =	sdelay $0x1  }
0x60: {  	s0 =	rddreg [dreg:$0x13]  }
0x61: {  	[tilespmem:s0], [sflag:$0x1] =	stream.indirect_vreg.gather [hbm4b:s1+s3], $0x80, v4, vm0, $0xb8;
	[tilespmem:$0x12200] =	vst v63  }
0x62: {  	s8 =	rddreg [dreg:$0x14]  }
0x63: {  	[tilespmem:s8], [sflag:$0x1] =	stream.indirect_vreg.gather [hbm4b:s1+s3], $0x80, v3, vm0, $0xb8;
	[tilespmem:$0x12200] =	vst v63  }
0x64: {  	v3 =	vld [tilespmem:$0x50];
	_ =	sdelay $0x4  }
0x65: {  	v51 =	vshll.u32 v3, $0x1  }
0x66: {  	v3 =	vand.u32 $0x7, v3;
	v4 =	vand.u32 $0xFFFFFFF0, v51  }
0x67: {  	v3 =	vor.u32 v3, v4  }
0x68: {  	v4 =	vperm.xlane v3, v0;
	_ =	sdelay $0x1  }
0x69: {  	v3 =	vperm.xlane v3, v2;
	v4 =	vadd.s32 v1, v4;
	_ =	sdelay $0x1  }
0x6a: {  	v3 =	vadd.s32 v1, v3;
	_ =	sdelay $0x1  }
0x6b: {  	s0 =	rddreg [dreg:$0x15]  }
0x6c: {  	[tilespmem:s0], [sflag:$0x1] =	stream.indirect_vreg.gather [hbm4b:s1+s3], $0x80, v4, vm0, $0xb8;
	[tilespmem:$0x12200] =	vst v63  }
0x6d: {  	s8 =	rddreg [dreg:$0x16]  }
0x6e: {  	[tilespmem:s8], [sflag:$0x1] =	stream.indirect_vreg.gather [hbm4b:s1+s3], $0x80, v3, vm0, $0xb8;
	[tilespmem:$0x12200] =	vst v63  }
0x6f: {  	v3 =	vld [tilespmem:$0x80];
	_ =	sdelay $0x4  }
0x70: {  	v52 =	vshll.u32 v3, $0x1  }
0x71: {  	v3 =	vand.u32 $0x7, v3;
	v4 =	vand.u32 $0xFFFFFFF0, v52  }
0x72: {  	v3 =	vor.u32 v3, v4  }
0x73: {  	v4 =	vperm.xlane v3, v0;
	_ =	sdelay $0x1  }
0x74: {  	v3 =	vperm.xlane v3, v2;
	v4 =	vadd.s32 v1, v4;
	_ =	sdelay $0x1  }
0x75: {  	v3 =	vadd.s32 v1, v3;
	_ =	sdelay $0x2  }
0x76: {  	[tilespmem:s7], [sflag:$0x1] =	stream.indirect_vreg.gather [hbm4b:s1+s3], $0x80, v4, vm0, $0xb8;
	[tilespmem:$0x12200] =	vst v63  }
0x77: {  	s8 =	simm.s32 $0x6A00  }
0x78: {  	[tilespmem:s8], [sflag:$0x1] =	stream.indirect_vreg.gather [hbm4b:s1+s3], $0x80, v3, vm0, $0xb8;
	[tilespmem:$0x12200] =	vst v63  }
0x79: {  	v3 =	vld [tilespmem:$0x90];
	_ =	sdelay $0x4  }
0x7a: {  	v53 =	vshll.u32 v3, $0x1  }
0x7b: {  	v3 =	vand.u32 $0x7, v3;
	v4 =	vand.u32 $0xFFFFFFF0, v53  }
0x7c: {  	v3 =	vor.u32 v3, v4  }
0x7d: {  	v4 =	vperm.xlane v3, v0;
	_ =	sdelay $0x1  }
0x7e: {  	v3 =	vperm.xlane v3, v2;
	v4 =	vadd.s32 v1, v4;
	_ =	sdelay $0x1  }
0x7f: {  	v3 =	vadd.s32 v1, v3;
	_ =	sdelay $0x2  }
0x80: {  	[tilespmem:s9], [sflag:$0x1] =	stream.indirect_vreg.gather [hbm4b:s1+s3], $0x80, v4, vm0, $0xb8;
	[tilespmem:$0x12200] =	vst v63  }
0x81: {  	_ = 	snop  }
0x82: {  	[tilespmem:s10], [sflag:$0x1] =	stream.indirect_vreg.gather [hbm4b:s1+s3], $0x80, v3, vm0, $0xb8;
	[tilespmem:$0x12200] =	vst v63  }
0x83: {  	v3 =	vld [tilespmem:$0xA0];
	_ =	sdelay $0x4  }
0x84: {  	v54 =	vshll.u32 v3, $0x1  }
0x85: {  	v3 =	vand.u32 $0x7, v3;
	v4 =	vand.u32 $0xFFFFFFF0, v54  }
0x86: {  	v3 =	vor.u32 v3, v4  }
0x87: {  	v4 =	vperm.xlane v3, v0;
	_ =	sdelay $0x1  }
0x88: {  	v3 =	vperm.xlane v3, v2;
	v4 =	vadd.s32 v1, v4;
	_ =	sdelay $0x1  }
0x89: {  	v3 =	vadd.s32 v1, v3;
	_ =	sdelay $0x2  }
0x8a: {  	[tilespmem:s11], [sflag:$0x1] =	stream.indirect_vreg.gather [hbm4b:s1+s3], $0x80, v4, vm0, $0xb8;
	[tilespmem:$0x12200] =	vst v63  }
0x8b: {  	_ = 	snop  }
0x8c: {  	[tilespmem:s12], [sflag:$0x1] =	stream.indirect_vreg.gather [hbm4b:s1+s3], $0x80, v3, vm0, $0xb8;
	[tilespmem:$0x12200] =	vst v63  }
0x8d: {  	v3 =	vld [tilespmem:$0xB0];
	_ =	sdelay $0x4  }
0x8e: {  	v55 =	vshll.u32 v3, $0x1  }
0x8f: {  	v3 =	vand.u32 $0x7, v3;
	v4 =	vand.u32 $0xFFFFFFF0, v55  }
0x90: {  	v3 =	vor.u32 v3, v4  }
0x91: {  	v4 =	vperm.xlane v3, v0;
	_ =	sdelay $0x1  }
0x92: {  	v3 =	vperm.xlane v3, v2;
	v4 =	vadd.s32 v1, v4;
	_ =	sdelay $0x1  }
0x93: {  	v3 =	vadd.s32 v1, v3;
	_ =	sdelay $0x2  }
0x94: {  	[tilespmem:s13], [sflag:$0x1] =	stream.indirect_vreg.gather [hbm4b:s1+s3], $0x80, v4, vm0, $0xb8;
	[tilespmem:$0x12200] =	vst v63  }
0x95: {  	_ = 	snop  }
0x96: {  	[tilespmem:s14], [sflag:$0x1] =	stream.indirect_vreg.gather [hbm4b:s1+s3], $0x80, v3, vm0, $0xb8;
	[tilespmem:$0x12200] =	vst v63  }
0x97: {  	v3 =	vld [tilespmem:$0xC0];
	_ =	sdelay $0x4  }
0x98: {  	v56 =	vshll.u32 v3, $0x1  }
0x99: {  	v3 =	vand.u32 $0x7, v3;
	v4 =	vand.u32 $0xFFFFFFF0, v56  }
0x9a: {  	v3 =	vor.u32 v3, v4  }
0x9b: {  	v4 =	vperm.xlane v3, v0;
	_ =	sdelay $0x1  }
0x9c: {  	v3 =	vperm.xlane v3, v2;
	v4 =	vadd.s32 v1, v4;
	_ =	sdelay $0x1  }
0x9d: {  	v3 =	vadd.s32 v1, v3;
	_ =	sdelay $0x2  }
0x9e: {  	[tilespmem:s15], [sflag:$0x1] =	stream.indirect_vreg.gather [hbm4b:s1+s3], $0x80, v4, vm0, $0xb8;
	[tilespmem:$0x12200] =	vst v63  }
0x9f: {  	_ = 	snop  }
0xa0: {  	[tilespmem:s16], [sflag:$0x1] =	stream.indirect_vreg.gather [hbm4b:s1+s3], $0x80, v3, vm0, $0xb8;
	[tilespmem:$0x12200] =	vst v63  }
0xa1: {  	v3 =	vld [tilespmem:$0xD0];
	_ =	sdelay $0x4  }
0xa2: {  	v57 =	vshll.u32 v3, $0x1  }
0xa3: {  	v3 =	vand.u32 $0x7, v3;
	v4 =	vand.u32 $0xFFFFFFF0, v57  }
0xa4: {  	v3 =	vor.u32 v3, v4  }
0xa5: {  	v4 =	vperm.xlane v3, v0;
	_ =	sdelay $0x1  }
0xa6: {  	v3 =	vperm.xlane v3, v2;
	v4 =	vadd.s32 v1, v4;
	_ =	sdelay $0x1  }
0xa7: {  	v3 =	vadd.s32 v1, v3;
	_ =	sdelay $0x2  }
0xa8: {  	[tilespmem:s17], [sflag:$0x1] =	stream.indirect_vreg.gather [hbm4b:s1+s3], $0x80, v4, vm0, $0xb8;
	[tilespmem:$0x12200] =	vst v63  }
0xa9: {  	_ = 	snop  }
0xaa: {  	[tilespmem:s18], [sflag:$0x1] =	stream.indirect_vreg.gather [hbm4b:s1+s3], $0x80, v3, vm0, $0xb8;
	[tilespmem:$0x12200] =	vst v63  }
0xab: {  	v3 =	vld [tilespmem:$0x100];
	_ =	sdelay $0x4  }
0xac: {  	v58 =	vshll.u32 v3, $0x1  }
0xad: {  	v3 =	vand.u32 $0x7, v3;
	v4 =	vand.u32 $0xFFFFFFF0, v58  }
0xae: {  	v3 =	vor.u32 v3, v4  }
0xaf: {  	v4 =	vperm.xlane v3, v0;
	_ =	sdelay $0x1  }
0xb0: {  	v3 =	vperm.xlane v3, v2;
	v4 =	vadd.s32 v1, v4;
	_ =	sdelay $0x1  }
0xb1: {  	v3 =	vadd.s32 v1, v3;
	_ =	sdelay $0x2  }
0xb2: {  	[tilespmem:s19], [sflag:$0x1] =	stream.indirect_vreg.gather [hbm4b:s1+s3], $0x80, v4, vm0, $0xb8;
	[tilespmem:$0x12200] =	vst v63  }
0xb3: {  	_ = 	snop  }
0xb4: {  	[tilespmem:s20], [sflag:$0x1] =	stream.indirect_vreg.gather [hbm4b:s1+s3], $0x80, v3, vm0, $0xb8;
	[tilespmem:$0x12200] =	vst v63  }
0xb5: {  	v3 =	vld [tilespmem:$0x110];
	_ =	sdelay $0x4  }
0xb6: {  	v59 =	vshll.u32 v3, $0x1  }
0xb7: {  	v3 =	vand.u32 $0x7, v3;
	v4 =	vand.u32 $0xFFFFFFF0, v59  }
0xb8: {  	v3 =	vor.u32 v3, v4  }
0xb9: {  	v4 =	vperm.xlane v3, v0;
	_ =	sdelay $0x1  }
0xba: {  	v3 =	vperm.xlane v3, v2;
	v4 =	vadd.s32 v1, v4;
	_ =	sdelay $0x1  }
0xbb: {  	v3 =	vadd.s32 v1, v3;
	_ =	sdelay $0x2  }
0xbc: {  	[tilespmem:s21], [sflag:$0x1] =	stream.indirect_vreg.gather [hbm4b:s1+s3], $0x80, v4, vm0, $0xb8;
	[tilespmem:$0x12200] =	vst v63  }
0xbd: {  	_ = 	snop  }
0xbe: {  	[tilespmem:s22], [sflag:$0x1] =	stream.indirect_vreg.gather [hbm4b:s1+s3], $0x80, v3, vm0, $0xb8;
	[tilespmem:$0x12200] =	vst v63  }
0xbf: {  	v3 =	vld [tilespmem:$0x120];
	_ =	sdelay $0x4  }
0xc0: {  	v60 =	vshll.u32 v3, $0x1  }
0xc1: {  	v3 =	vand.u32 $0x7, v3;
	v4 =	vand.u32 $0xFFFFFFF0, v60  }
0xc2: {  	v3 =	vor.u32 v3, v4  }
0xc3: {  	v4 =	vperm.xlane v3, v0;
	_ =	sdelay $0x1  }
0xc4: {  	v3 =	vperm.xlane v3, v2;
	v4 =	vadd.s32 v1, v4;
	_ =	sdelay $0x1  }
0xc5: {  	v3 =	vadd.s32 v1, v3;
	_ =	sdelay $0x2  }
0xc6: {  	[tilespmem:s23], [sflag:$0x1] =	stream.indirect_vreg.gather [hbm4b:s1+s3], $0x80, v4, vm0, $0xb8;
	[tilespmem:$0x12200] =	vst v63  }
0xc7: {  	_ = 	snop  }
0xc8: {  	[tilespmem:s24], [sflag:$0x1] =	stream.indirect_vreg.gather [hbm4b:s1+s3], $0x80, v3, vm0, $0xb8;
	[tilespmem:$0x12200] =	vst v63  }
0xc9: {  	v3 =	vld [tilespmem:$0x130];
	_ =	sdelay $0x4  }
0xca: {  	v61 =	vshll.u32 v3, $0x1  }
0xcb: {  	v3 =	vand.u32 $0x7, v3;
	v4 =	vand.u32 $0xFFFFFFF0, v61  }
0xcc: {  	v3 =	vor.u32 v3, v4  }
0xcd: {  	v4 =	vperm.xlane v3, v0;
	_ =	sdelay $0x1  }
0xce: {  	v3 =	vperm.xlane v3, v2;
	v4 =	vadd.s32 v1, v4;
	_ =	sdelay $0x1  }
0xcf: {  	v3 =	vadd.s32 v1, v3;
	_ =	sdelay $0x2  }
0xd0: {  	[tilespmem:s25], [sflag:$0x1] =	stream.indirect_vreg.gather [hbm4b:s1+s3], $0x80, v4, vm0, $0xb8;
	[tilespmem:$0x12200] =	vst v63  }
0xd1: {  	_ = 	snop  }
0xd2: {  	[tilespmem:s26], [sflag:$0x1] =	stream.indirect_vreg.gather [hbm4b:s1+s3], $0x80, v3, vm0, $0xb8;
	[tilespmem:$0x12200] =	vst v63  }
0xd3: {  	v3 =	vld [tilespmem:$0x140];
	_ =	sdelay $0x4  }
0xd4: {  	v62 =	vshll.u32 v3, $0x1  }
0xd5: {  	v3 =	vand.u32 $0x7, v3;
	v4 =	vand.u32 $0xFFFFFFF0, v62  }
0xd6: {  	v3 =	vor.u32 v3, v4  }
0xd7: {  	v4 =	vperm.xlane v3, v0;
	_ =	sdelay $0x1  }
0xd8: {  	v3 =	vperm.xlane v3, v2;
	v4 =	vadd.s32 v1, v4;
	_ =	sdelay $0x1  }
0xd9: {  	v3 =	vadd.s32 v1, v3;
	_ =	sdelay $0x2  }
0xda: {  	[tilespmem:s28], [sflag:$0x1] =	stream.indirect_vreg.gather [hbm4b:s1+s3], $0x80, v4, vm0, $0xb8;
	[tilespmem:$0x12200] =	vst v63  }
0xdb: {  	_ = 	snop  }
0xdc: {  	[tilespmem:s29], [sflag:$0x1] =	stream.indirect_vreg.gather [hbm4b:s1+s3], $0x80, v3, vm0, $0xb8;
	[tilespmem:$0x12200] =	vst v63  }
0xdd: {  	v3 =	vld [tilespmem:$0x150];
	_ =	sdelay $0x4  }
0xde: {  	v63 =	vshll.u32 v3, $0x1  }
0xdf: {  	v3 =	vand.u32 $0x7, v3;
	v4 =	vand.u32 $0xFFFFFFF0, v63  }
0xe0: {  	v3 =	vor.u32 v3, v4  }
0xe1: {  	v4 =	vperm.xlane v3, v0;
	_ =	sdelay $0x1  }
0xe2: {  	v3 =	vperm.xlane v3, v2;
	v4 =	vadd.s32 v1, v4;
	_ =	sdelay $0x1  }
0xe3: {  	v3 =	vadd.s32 v1, v3;
	_ =	sdelay $0x2  }
0xe4: {  	[tilespmem:s30], [sflag:$0x1] =	stream.indirect_vreg.gather [hbm4b:s1+s3], $0x80, v4, vm0, $0xb8;
	[tilespmem:$0x12200] =	vst v63  }
0xe5: {  	_ = 	snop  }
0xe6: {  	[tilespmem:s31], [sflag:$0x1] =	stream.indirect_vreg.gather [hbm4b:s1+s3], $0x80, v3, vm0, $0xb8;
	[tilespmem:$0x12200] =	vst v63  }
0xe7: {  	_ =	swait.ge [sflag:s2], $0x6000  }
0xe8: {  	[sflag:s2] =	ssyncset.done $0x0  }
0xe9: {  	[sflag:s2] =	ssyncadd.s32 $0xFFFFA000  }
0xea: {  	_ =	swait.ge [sflag:s2], $0x6000  }
0xeb: {  	[sflag:s2] =	ssyncset.done $0x0  }
0xec: {  	[sflag:s2] =	ssyncadd.s32 $0xFFFFA000  }
0xed: {  	_ =	swait.ge [sflag:s2], $0x6000  }
0xee: {  	[sflag:s2] =	ssyncset.done $0x0  }
0xef: {  	s8 =	rddreg [dreg:$0x7];
	[sflag:s2] =	ssyncadd.s32 $0xFFFFA000  }
0xf0: {  	[hbm4b:s8+s3] =	stream.linear.scatter [tilespmem:s6], [sflag:$0x2], $0x6000, $0x38;
	[tilespmem:$0x12200] =	vst v63  }
0xf1: {  	_ =	swait.ge [sflag:s5], $0x6000  }
0xf2: {  	[sflag:s5] =	ssyncset.done $0x0  }
0xf3: {  	s8 =	rddreg [dreg:$0x8];
	[sflag:s5] =	ssyncadd.s32 $0xFFFFA000  }
0xf4: {  	[hbm4b:s8+s3] =	stream.linear.scatter [tilespmem:s7], [sflag:$0x2], $0x6000, $0x38;
	[tilespmem:$0x12200] =	vst v63  }
0xf5: {  	_ =	swait.ge [sflag:s5], $0x6000  }
0xf6: {  	p0 =	sne.s32 s4, $0x1;
	[sflag:s5] =	ssyncset.done $0x0  }
.Ltmp0:
0xf7: {  	s8 =	rddreg [dreg:$0x9];
	[sflag:s5] =	ssyncadd.s32 $0xFFFFA000;
	(pc) =	sbr.rel @p0 .LBB2_1-.Ltmp0, $4  }
0xf8: {  	[hbm4b:s8+s3] =	stream.linear.scatter [tilespmem:s19], [sflag:$0x2], $0x6000, $0x38;
	[tilespmem:$0x12200] =	vst v63  }
0xf9: {  	_ =	swait.ge [sflag:s5], $0x6000  }
0xfa: {  	[sflag:s5] =	ssyncset.done $0x0  }
0xfb: {  	s4 =	sadd.s32 $0xFFFFFFFF, s4;
	[sflag:s5] =	ssyncadd.s32 $0xFFFFA000  }
0xfc: {  	_ =	sfence.sel $0x180000  }
0xfd: {  	[bflag:$0x0] =	sbarrier.arrive $0xFFFF  }
0xfe: {  	_ =	strace $0x90000047  }
0xff: {  	s0 =	stileid.u32;
	[bflag:$0x2] =	sbarrier.arrive $0xFFFF  }
0x100: {  	p0 =	sne.s32 s0, $0x0;
	s0 =	rddreg [dreg:$0x3]  }
0x101: {  	s0 =	sadd.s32 @!p0 $0x100000, s0  }
0x102: {  	[sflag:s0] =	ssyncadd.tile.s32 @!p0 $0x1;
	_ =	shalt  }
.Lfunc_end2:
_tile_overlayer_lowered:
.L_overlay_start_2:
0x103: {  	(tag) =	ssettag $0x2  }
0x104: {  	s0 =	rddreg [dreg:$0x0];
	s2 =	stileid.u32  }
0x105: {  	s1 =	rddreg [dreg:$0x1];
	p0 =	sne.s32 s2, $0x0  }
0x106: {  	s3 =	rddreg [dreg:$0x2];
	[bflag:$0x3] =	sbarrier.arrive $0xFFFF;
	s2 =	simm.s32 @!p0 $0x1C02  }
0x107: {  	[timem:s3], [sflag:s2] =	dma.local @!p0 [hbm:s0], s1  }
0x108: {  	s0 =	simm.s32 @!p0 $0x2  }
0x109: {  	_ =	swait.ge @!p0 [sflag:s0], s1  }
0x10a: {  	s1 =	ssub.s32 @!p0 $0x0, s1;
	[sflag:s0] =	ssyncset.done @!p0 $0x0  }
0x10b: {  	[sflag:s0] =	ssyncadd.s32 @!p0 s1  }
0x10c: {  	[bflag:$0x3] =	sbarrier.arrive $0xFFFF  }
0x10d: {  	_ =	shalt  }

// kernel: kernel.15.cloned.1.call-start
scs
__scs_entry_jumppad:
0x0: {  	(pc) =	sbr.rel $0x88, $3  }
0x1: {  	(tag) =	ssettag $0x0;
	lr =	simm.s32 $0x1  }
0x2: {  	[smem:$0x3F9A] =	sst lr;
	_ =	strace $0xD0000000  }
0x3: {  	_ = 	snop  }
0x4: {  	_ = 	snop  }
0x5: {  	_ = 	snop  }
0x6: {  	_ = 	snop  }
0x7: {  	_ = 	snop  }
__scs_overlays_trampoline_lowered:
0x8: {  	[smem:$0x3FA9] =	sst s0  }
0x9: {  	[smem:$0x3FAA] =	sst s1  }
0xa: {  	[smem:$0x3FAB] =	sst s2  }
0xb: {  	[smem:$0x3FAC] =	sst s3  }
0xc: {  	[smem:$0x3FAD] =	sst s4  }
0xd: {  	[smem:$0x3FAE] =	sst s5  }
0xe: {  	[smem:$0x3FAF] =	sst s6  }
0xf: {  	[smem:$0x3FB0] =	sst s7  }
0x10: {  	[smem:$0x3FB1] =	sst s8  }
0x11: {  	[smem:$0x3FB2] =	sst s9;
	s0 =	simm.s32 @!p0 $0x0  }
0x12: {  	s1 =	sld [smem:$0x3F98];
	s0 =	simm.s32 @p0 $0x1  }
0x13: {  	[smem:$0x3FB3] =	sst s0;
	s0 =	simm.s32 @!p1 $0x0  }
0x14: {  	s2 =	sld [smem:$0x3F97];
	s0 =	simm.s32 @p1 $0x1  }
0x15: {  	[smem:$0x3FB4] =	sst s0;
	s0 =	simm.s32 @!p2 $0x0  }
0x16: {  	s3 =	sld [smem:$0x3FDB];
	s0 =	simm.s32 @p2 $0x1  }
0x17: {  	s4 =	simm.s32 $0x1BF5;
	[smem:$0x3FB6] =	sst s0  }
0x18: {  	s0 =	sld [smem:$0x3F99];
	_ =	swait.ge [sflag:s4], $0x0  }
0x19: {  	s7 =	sld [smem:$0x3F9A]  }
0x1a: {  	s8 =	sadd.s32 $0xFFFFE003, lr  }
0x1b: {  	s9 =	sadd.s32 $0xFFFFFEF7, lr;
	s5 =	simm.s32 $0xFFFFFFFF;
	p2 =	slt.u32 s8, $0xFFFFF086  }
0x1c: {  	p1 =	slt.u32 s9, $0xF7A;
	s5 =	simm.s32 @!p2 $0x0  }
0x1d: {  	s5 =	simm.s32 @p1 $0x1;
	p0 =	seq.s32 s7, s2  }
0x1e: {  	s7 =	smul.u32 @!p0 $0xF7A, s2;
	p2 =	seq.s32 @!p0 s5, $0x0  }
0x1f: {  	s9 =	smul.u32 $0xF7A, s1;
	s8 =	simm.s32 @!p0 $0x1BF5;
	p2 =	por !p2, p0  }
0x20: {  	[sflag:s8] =	ssyncset.s32 @!p0 $0xFFFFF086;
	s6 =	sadd.s32 @!p0 s3, s7;
	s7 =	simm.s32 @!p0 $0x108  }
0x21: {  	s3 =	sadd.s32 s3, s9;
	s6 =	sadd.s32 @!p0 $0x88, s6;
	s7 =	simm.s32 @p2 $0x1082  }
0x22: {  	[simem:s7], [sflag:s8] =	dma.local @!p0 [hbm:s6], $0xF7A  }
0x23: {  	s9 =	sor.u32 $0xD0000000, s2;
	s6 =	simm.s32 $0x108;
	_ =	swait.ge @!p0 [sflag:s8], $0x0  }
0x24: {  	s3 =	sadd.s32 $0x88, s3;
	s6 =	simm.s32 @!p1 $0x1082;
	[sflag:s4] =	ssyncset.s32 $0xFFFFF086  }
0x25: {  	[simem:s6], [sflag:s4] =	dma.local [hbm:s3], $0xF7A  }
0x26: {  	[smem:$0x3F9A] =	sst s1;
	(tag) =	ssettag s2;
	_ =	strace s9  }
0x27: {  	s1 =	sld [smem:$0x3FAA]  }
0x28: {  	s2 =	sld [smem:$0x3FAB]  }
0x29: {  	s4 =	sld [smem:$0x3FAD]  }
0x2a: {  	p0 =	seq.s32 s5, $0x0;
	s5 =	sld [smem:$0x3FAE]  }
0x2b: {  	s6 =	sld [smem:$0x3FAF]  }
0x2c: {  	s7 =	sld [smem:$0x3FB0]  }
0x2d: {  	s3 =	simm.s32 $0x108;
	s8 =	sld [smem:$0x3FB1]  }
0x2e: {  	s3 =	simm.s32 @!p0 $0x1082;
	s9 =	sld [smem:$0x3FB2]  }
0x2f: {  	lr =	sadd.s32 s0, s3;
	s0 =	sld [smem:$0x3FA9]  }
0x30: {  	s3 =	sld [smem:$0x3FAC]  }
0x31: {  	[smem:$0x3FB5] =	sst s10  }
0x32: {  	s10 =	sld [smem:$0x3FB3];
	_ =	sdelay $0x3  }
0x33: {  	p0 =	seq.s32 s10, $0x1;
	s10 =	sld [smem:$0x3FB5];
	_ =	sdelay $0x3  }
0x34: {  	[smem:$0x3FB5] =	sst s10  }
0x35: {  	s10 =	sld [smem:$0x3FB4];
	_ =	sdelay $0x3  }
0x36: {  	p1 =	seq.s32 s10, $0x1;
	s10 =	sld [smem:$0x3FB5];
	_ =	sdelay $0x3  }
0x37: {  	[smem:$0x3FB5] =	sst s10  }
0x38: {  	s10 =	sld [smem:$0x3FB6]  }
0x39: {  	_ = 	snop;
	(pc) =	sbr.ind lr, $3  }
0x3a: {  	_ = 	snop  }
0x3b: {  	_ = 	snop  }
0x3c: {  	p2 =	seq.s32 s10, $0x1;
	s10 =	sld [smem:$0x3FB5]  }
0x3d: {  	_ =	shalt  }
0x3e: {  	_ =	shalt  }
0x3f: {  	_ =	shalt  }
0x40: {  	_ =	shalt  }
0x41: {  	_ =	shalt  }
0x42: {  	_ =	shalt  }
0x43: {  	_ =	shalt  }
0x44: {  	_ =	shalt  }
0x45: {  	_ =	shalt  }
0x46: {  	_ =	shalt  }
0x47: {  	_ =	shalt  }
0x48: {  	_ =	shalt  }
0x49: {  	_ =	shalt  }
0x4a: {  	_ =	shalt  }
0x4b: {  	_ =	shalt  }
0x4c: {  	_ =	shalt  }
0x4d: {  	_ =	shalt  }
0x4e: {  	_ =	shalt  }
0x4f: {  	_ =	shalt  }
0x50: {  	_ =	shalt  }
0x51: {  	_ =	shalt  }
0x52: {  	_ =	shalt  }
0x53: {  	_ =	shalt  }
0x54: {  	_ =	shalt  }
0x55: {  	_ =	shalt  }
0x56: {  	_ =	shalt  }
0x57: {  	_ =	shalt  }
0x58: {  	_ =	shalt  }
0x59: {  	_ =	shalt  }
0x5a: {  	_ =	shalt  }
0x5b: {  	_ =	shalt  }
0x5c: {  	_ =	shalt  }
0x5d: {  	_ =	shalt  }
0x5e: {  	_ =	shalt  }
0x5f: {  	_ =	shalt  }
0x60: {  	_ =	shalt  }
0x61: {  	_ =	shalt  }
0x62: {  	_ =	shalt  }
0x63: {  	_ =	shalt  }
0x64: {  	_ =	shalt  }
0x65: {  	_ =	shalt  }
0x66: {  	_ =	shalt  }
0x67: {  	_ =	shalt  }
0x68: {  	_ =	shalt  }
0x69: {  	_ =	shalt  }
0x6a: {  	_ =	shalt  }
0x6b: {  	_ =	shalt  }
0x6c: {  	_ =	shalt  }
0x6d: {  	_ =	shalt  }
0x6e: {  	_ =	shalt  }
0x6f: {  	_ =	shalt  }
0x70: {  	_ =	shalt  }
0x71: {  	_ =	shalt  }
0x72: {  	_ =	shalt  }
0x73: {  	_ =	shalt  }
0x74: {  	_ =	shalt  }
0x75: {  	_ =	shalt  }
0x76: {  	_ =	shalt  }
0x77: {  	_ =	shalt  }
0x78: {  	_ =	shalt  }
0x79: {  	_ =	shalt  }
0x7a: {  	_ =	shalt  }
0x7b: {  	_ =	shalt  }
0x7c: {  	_ =	shalt  }
0x7d: {  	_ =	shalt  }
0x7e: {  	_ =	shalt  }
0x7f: {  	_ =	shalt  }
0x80: {  	_ =	shalt  }
0x81: {  	_ =	shalt  }
0x82: {  	_ =	shalt  }
0x83: {  	_ =	shalt  }
0x84: {  	_ =	shalt  }
0x85: {  	_ =	shalt  }
0x86: {  	_ =	shalt  }
0x87: {  	_ =	shalt  }
.Lfunc_end0:
.L_simem_size_0:
called_computation.1_lowered:
.L_overlay_start_0:
0x88: {  	s2 =	sld [smem:$0x3FD9]  }
0x89: {  	s3 =	sld [smem:$0x3FFE];
	_ =	sdelay $0x1  }
0x8a: {  	s1 =	srdreg.scid  }
0x8b: {  	s0 =	sand.u32 $0x1, s1  }
0x8c: {  	s14 =	sshll.u32 s0, $0xA;
	s2 =	sadd.s32 s3, s2  }
0x8d: {  	s2 =	sadd.s32 s2, s14  }
0x8e: {  	[smem:$0x3FC1] =	sst s2  }
0x8f: {  	_ = 	snop  }
0x90: {  	s2 =	sld [smem:$0x3FD0];
	_ =	sdelay $0x2  }
0x91: {  	s15 =	simm.s32 $0xA;
	s4 =	simm.s32 $0x10  }
0x92: {  	[smem:s4], [sflag:s15] =	dma.local [hbm:s2], $0x1  }
0x93: {  	_ =	swait.eq [sflag:s15], $0x1  }
0x94: {  	[sflag:s15] =	ssyncset.done $0x0  }
0x95: {  	[sflag:s15] =	ssyncadd.s32 $0xFFFFFFFF  }
0x96: {  	s16 =	sld [smem:$0x12];
	(tm) =	ssettm $0x1  }
0x97: {  	s17 =	sld [smem:$0x3FFB];
	_ =	sdelay $0x3  }
0x98: {  	_ =	strace s17  }
0x99: {  	s3 =	sld [smem:$0x3FFC];
	_ =	sdelay $0x3  }
0x9a: {  	_ =	strace s3  }
0x9b: {  	s3 =	sld [smem:$0x3FFD];
	_ =	sdelay $0x3  }
0x9c: {  	_ =	strace s3  }
0x9d: {  	_ =	strace $0x8FFFFFFF  }
0x9e: {  	s18 =	sld [smem:$0x3FDB];
	_ =	sdelay $0x1  }
0x9f: {  	s19 =	simm.s32 $_scs_section_size  }
0xa0: {  	s5 =	simm.s32 $_size__tile_overlayer_lowered;
	s6 =	simm.s32 $_tile_overlayer_lowered  }
0xa1: {  	s22 =	simm.s32 $0x1BFF;
	s21 =	sshll.u32 s6, $0x1;
	s3 =	sadd.s32 s19, s18  }
0xa2: {  	s7 =	simm.s32 $0x0;
	s20 =	sshll.u32 s5, $0x1;
	s5 =	sadd.s32 s21, s3  }
0xa3: {  	[timem:s7], [sflag:s22] =	dma.local [hbm:s5], s20  }
0xa4: {  	_ =	swait.ge [sflag:s22], s20  }
0xa5: {  	s4 =	ssub.s32 $0x0, s20;
	[sflag:s22] =	ssyncset.done $0x0  }
0xa6: {  	[sflag:s22] =	ssyncadd.s32 s4;
	_ =	sdelay $0x1  }
0xa7: {  	s23 =	simm.s32 $0x1B8B  }
0xa8: {  	_ =	swait.ge [sflag:s23], $0x1  }
0xa9: {  	[sflag:s23] =	ssyncset.done $0x0  }
0xaa: {  	s25 =	simm.s32 $0x1B8E;
	s24 =	sld [smem:$0x3FFE];
	[sflag:s23] =	ssyncadd.s32 $0xFFFFFFFF  }
0xab: {  	s26 =	simm.s32 $execute0_lowered;
	[smem:$0x3FD2] =	sst s25  }
0xac: {  	s5 =	sshll.u32 s26, $0x1;
	_ =	strace $0x80000049;
	[dreg:$0x1] =	wrdreg $0xFFFFFFFF  }
0xad: {  	s28 =	simm.s32 $_size_execute0_lowered;
	s3 =	sadd.s32 s3, s5;
	[dreg:$0x0] =	wrdreg $0x0  }
0xae: {  	s5 =	sshll.u32 s28, $0x1;
	[dreg:$0x2] =	wrdreg s3  }
0xaf: {  	[dreg:$0x3] =	wrdreg s5  }
0xb0: {  	[dreg:$0x4] =	wrdreg $0xC0  }
0xb1: {  	_ =	task [dreg:s7], $0x5FFFF  }
0xb2: {  	[dreg:$0x1] =	wrdreg $0xFFFFFFFF  }
0xb3: {  	[dreg:$0x0] =	wrdreg $0x60  }
0xb4: {  	[dreg:$0x2] =	wrdreg s24  }
0xb5: {  	[dreg:$0x3] =	wrdreg s16  }
0xb6: {  	[dreg:$0x4] =	wrdreg $0x9  }
0xb7: {  	_ =	task.clear_ibuf [dreg:s7], $0x5FFFF;
	_ =	strace $0x90000049  }
0xb8: {  	s29 =	simm.s32 $0x9;
	_ =	strace $0x8000004B  }
0xb9: {  	_ =	swait.ge [sflag:s29], $0x1  }
0xba: {  	[sflag:s29] =	ssyncadd.s32 $0xFFFFFFFF  }
0xbb: {  	_ =	strace $0x9000004B  }
0xbc: {  	_ =	sfence  }
0xbd: {  	s30 =	sld [smem:$0x0];
	_ =	sdelay $0x2  }
0xbe: {  	s31 =	sshll.u32 s1, $0xD;
	s1 =	sshrl.u32 s1, $0x2  }
0xbf: {  	s3 =	sand.u32 $0x4000, s31;
	s1 =	sadd.s32 s1, s30  }
0xc0: {  	s0 =	sor.u32 s3, s0;
	s1 =	sshll.u32 s1, $0x11  }
0xc1: {  	s0 =	sor.u32 s1, s0  }
0xc2: {  	s0 =	sadd.s32 $0x8F2B, s0  }
0xc3: {  	[sflag:s0] =	ssyncadd.remote.s32 $0x1  }
0xc4: {  	_ =	sfence.sel $0xFFFF  }
0xc5: {  	[dreg:$0x0] =	wrdreg $0xFFFFFFFF;
	(pc) =	sbr.abs _section_cstart, $3  }
0xc6: {  	[dreg:$0x1] =	wrdreg $0xFFFFFFFF  }
0xc7: {  	_ =	task.clear_ibuf [dreg:s7], $0x2FFFF;
	_ =	strace $0x9FFFFFFF  }
0xc8: {  	(tm) =	ssettm $0x7FFFFFFF  }
0xc9: {  	_ =	shalt  }
tec
execute0_lowered:
.L_overlay_start_1:
0x0: {  	(tag) =	ssettag $0x1  }
0x1: {  	s1 =	srdreg.scid;
	s0 =	stileid.u32  }
0x2: {  	s3 =	rddreg [dreg:$0x0];
	s1 =	sand.u32 $0x1, s1;
	s2 =	sshll.u32 s0, $0x1  }
0x3: {  	s5 =	rddreg [dreg:$0x1];
	s4 =	sor.u32 s1, s2;
	s2 =	simm.s32 $0x0  }
0x4: {  	s13 =	simm.s32 $0x80;
	[smem:$0x7FF] =	sst s2  }
0x5: {  	s14 =	simm.s32 $0x100;
	_ =	strace $0x8000004A;
	[dreg:$0x9] =	wrdreg s13  }
0x6: {  	s15 =	simm.s32 $0xA00;
	[dreg:$0xa] =	wrdreg s14  }
0x7: {  	s16 =	simm.s32 $0x1200;
	[dreg:$0xb] =	wrdreg s15  }
0x8: {  	s17 =	simm.s32 $0x1A00;
	s18 =	simm.s32 $0x2200;
	[dreg:$0xc] =	wrdreg s16  }
0x9: {  	s19 =	simm.s32 $0x2A00;
	s20 =	simm.s32 $0x3200;
	[dreg:$0xd] =	wrdreg s17  }
0xa: {  	s21 =	simm.s32 $0x3A00;
	s23 =	simm.s32 $0x4200;
	[dreg:$0xe] =	wrdreg s18  }
0xb: {  	s24 =	simm.s32 $0x4A00;
	s25 =	simm.s32 $0x5200;
	[dreg:$0xf] =	wrdreg s19  }
0xc: {  	s26 =	simm.s32 $0x5A00;
	s28 =	simm.s32 $0x10200;
	[dreg:$0x10] =	wrdreg s20  }
0xd: {  	s29 =	simm.s32 $0x10A00;
	s30 =	simm.s32 $0x11200;
	[dreg:$0x11] =	wrdreg s21  }
0xe: {  	s31 =	simm.s32 $0x11A00;
	s10 =	sadd.s32 $0xE9600, s3;
	[dreg:$0x12] =	wrdreg s23  }
0xf: {  	s3 =	sadd.s32 $0x5400, s3;
	s1 =	ssub.s32 $0x2, s1;
	[dreg:$0x13] =	wrdreg s24  }
0x10: {  	s6 =	smul.u32 $0x120, s4;
	s22 =	sshrl.u32 s1, $0x1;
	[dreg:$0x14] =	wrdreg s25  }
0x11: {  	s4 =	smul.u32 $0x2400, s4;
	s1 =	ssub.s32 s1, s22;
	[dreg:$0x15] =	wrdreg s26  }
0x12: {  	s13 =	simm.s32 $0x9200;
	s14 =	simm.s32 $0x9A00;
	s15 =	simm.s32 $0xA200  }
0x13: {  	s16 =	simm.s32 $0xAA00;
	s17 =	simm.s32 $0xB200;
	s18 =	simm.s32 $0xBA00  }
0x14: {  	s19 =	simm.s32 $0xC200;
	s20 =	simm.s32 $0xCA00;
	s21 =	simm.s32 $0xD200  }
0x15: {  	s22 =	simm.s32 $0xDA00;
	s23 =	simm.s32 $0xE200;
	s24 =	simm.s32 $0xEA00  }
0x16: {  	s25 =	simm.s32 $0xF200;
	s26 =	simm.s32 $0xFA00;
	s7 =	sshrl.u32 s6, $0x3  }
0x17: {  	s8 =	sadd.s32 $0x60, s6;
	s6 =	sadd.s32 $0xC0, s6;
	s4 =	sadd.s32 s10, s4  }
0x18: {  	s7 =	sadd.s32 s5, s7;
	s0 =	sshrl.u32 s8, $0x3;
	s9 =	sshrl.u32 s6, $0x3  }
0x19: {  	s8 =	sshll.u32 s8, $0x5;
	[dreg:$0x6] =	wrdreg s4;
	s11 =	sshll.u32 s6, $0x5  }
0x1a: {  	s4 =	smax.u32 s1, $0x1;
	[dreg:$0x3] =	wrdreg s7;
	s7 =	sadd.s32 s5, s0  }
0x1b: {  	s6 =	simm.s32 $0x200;
	s5 =	sadd.s32 s5, s9;
	[dreg:$0x4] =	wrdreg s7  }
0x1c: {  	s1 =	simm.s32 $0x1;
	s9 =	sadd.s32 s10, s8;
	[dreg:$0x5] =	wrdreg s5  }
0x1d: {  	v2 =	vlaneseq.u32;
	s12 =	sadd.s32 s10, s11;
	s10 =	simm.s32 $0x7A00;
	[dreg:$0x7] =	wrdreg s9  }
0x1e: {  	vm0 =	vmmov $0xffff;
	v1 =	vshrl.u32 v2, $0x3;
	s11 =	simm.s32 $0x8200;
	[dreg:$0x8] =	wrdreg s12;
	s5 =	simm.s32 $0x2  }
0x1f: {  	v0 =	vand.u32 $0x7, v2;
	v2 =	vor.u32 $0x8, v2;
	v1 =	vmul.u32 $0x8, v1;
	s7 =	simm.s32 $0x6200;
	s9 =	simm.s32 $0x7200;
	s12 =	simm.s32 $0x8A00  }
.LBB2_1:
0x20: {  	s0 =	rddreg [dreg:$0x3]  }
0x21: {  	[tilespmem:s2], [sflag:$0x2] =	stream.linear.gather [hbm4b:s0+s2], $0x60, $0x38;
	[tilespmem:$0x12200] =	vst v63  }
0x22: {  	_ =	swait.ge [sflag:s5], $0x60  }
0x23: {  	s0 =	rddreg [dreg:$0x4];
	[sflag:s5] =	ssyncset.done $0x0  }
0x24: {  	s8 =	rddreg [dreg:$0x9];
	[sflag:s5] =	ssyncadd.s32 $0xFFFFFFA0  }
0x25: {  	[tilespmem:s8], [sflag:$0x2] =	stream.linear.gather [hbm4b:s0+s2], $0x60, $0x38;
	[tilespmem:$0x12200] =	vst v63  }
0x26: {  	_ =	swait.ge [sflag:s5], $0x60  }
0x27: {  	s0 =	rddreg [dreg:$0x5];
	[sflag:s5] =	ssyncset.done $0x0  }
0x28: {  	s8 =	rddreg [dreg:$0xa];
	[sflag:s5] =	ssyncadd.s32 $0xFFFFFFA0  }
0x29: {  	[tilespmem:s8], [sflag:$0x2] =	stream.linear.gather [hbm4b:s0+s2], $0x60, $0x38;
	[tilespmem:$0x12200] =	vst v63  }
0x2a: {  	_ =	swait.ge [sflag:s5], $0x60  }
0x2b: {  	[sflag:s5] =	ssyncset.done $0x0  }
0x2c: {  	[sflag:s5] =	ssyncadd.s32 $0xFFFFFFA0  }
0x2d: {  	v3 =	vld [tilespmem:$0x0];
	_ =	sdelay $0x4  }
0x2e: {  	v4 =	vshll.u32 v3, $0x1  }
0x2f: {  	v3 =	vand.u32 $0x7, v3;
	v4 =	vand.u32 $0xFFFFFFF0, v4  }
0x30: {  	v3 =	vor.u32 v3, v4  }
0x31: {  	v4 =	vperm.xlane v3, v0;
	_ =	sdelay $0x1  }
0x32: {  	v3 =	vperm.xlane v3, v2;
	v4 =	vadd.s32 v1, v4;
	_ =	sdelay $0x1  }
0x33: {  	v3 =	vadd.s32 v1, v3;
	_ =	sdelay $0x2  }
0x34: {  	[tilespmem:s6], [sflag:$0x1] =	stream.indirect_vreg.gather [hbm4b:s3+s2], $0x80, v4, vm0, $0xb8;
	[tilespmem:$0x12200] =	vst v63  }
0x35: {  	s8 =	rddreg [dreg:$0xb]  }
0x36: {  	[tilespmem:s8], [sflag:$0x1] =	stream.indirect_vreg.gather [hbm4b:s3+s2], $0x80, v3, vm0, $0xb8;
	[tilespmem:$0x12200] =	vst v63  }
0x37: {  	v3 =	vld [tilespmem:$0x10];
	_ =	sdelay $0x4  }
0x38: {  	v47 =	vshll.u32 v3, $0x1  }
0x39: {  	v3 =	vand.u32 $0x7, v3;
	v4 =	vand.u32 $0xFFFFFFF0, v47  }
0x3a: {  	v3 =	vor.u32 v3, v4  }
0x3b: {  	v4 =	vperm.xlane v3, v0;
	_ =	sdelay $0x1  }
0x3c: {  	v3 =	vperm.xlane v3, v2;
	v4 =	vadd.s32 v1, v4;
	_ =	sdelay $0x1  }
0x3d: {  	v3 =	vadd.s32 v1, v3;
	_ =	sdelay $0x1  }
0x3e: {  	s0 =	rddreg [dreg:$0xc]  }
0x3f: {  	[tilespmem:s0], [sflag:$0x1] =	stream.indirect_vreg.gather [hbm4b:s3+s2], $0x80, v4, vm0, $0xb8;
	[tilespmem:$0x12200] =	vst v63  }
0x40: {  	s8 =	rddreg [dreg:$0xd]  }
0x41: {  	[tilespmem:s8], [sflag:$0x1] =	stream.indirect_vreg.gather [hbm4b:s3+s2], $0x80, v3, vm0, $0xb8;
	[tilespmem:$0x12200] =	vst v63  }
0x42: {  	v3 =	vld [tilespmem:$0x20];
	_ =	sdelay $0x4  }
0x43: {  	v48 =	vshll.u32 v3, $0x1  }
0x44: {  	v3 =	vand.u32 $0x7, v3;
	v4 =	vand.u32 $0xFFFFFFF0, v48  }
0x45: {  	v3 =	vor.u32 v3, v4  }
0x46: {  	v4 =	vperm.xlane v3, v0;
	_ =	sdelay $0x1  }
0x47: {  	v3 =	vperm.xlane v3, v2;
	v4 =	vadd.s32 v1, v4;
	_ =	sdelay $0x1  }
0x48: {  	v3 =	vadd.s32 v1, v3;
	_ =	sdelay $0x1  }
0x49: {  	s0 =	rddreg [dreg:$0xe]  }
0x4a: {  	[tilespmem:s0], [sflag:$0x1] =	stream.indirect_vreg.gather [hbm4b:s3+s2], $0x80, v4, vm0, $0xb8;
	[tilespmem:$0x12200] =	vst v63  }
0x4b: {  	s8 =	rddreg [dreg:$0xf]  }
0x4c: {  	[tilespmem:s8], [sflag:$0x1] =	stream.indirect_vreg.gather [hbm4b:s3+s2], $0x80, v3, vm0, $0xb8;
	[tilespmem:$0x12200] =	vst v63  }
0x4d: {  	v3 =	vld [tilespmem:$0x30];
	_ =	sdelay $0x4  }
0x4e: {  	v49 =	vshll.u32 v3, $0x1  }
0x4f: {  	v3 =	vand.u32 $0x7, v3;
	v4 =	vand.u32 $0xFFFFFFF0, v49  }
0x50: {  	v3 =	vor.u32 v3, v4  }
0x51: {  	v4 =	vperm.xlane v3, v0;
	_ =	sdelay $0x1  }
0x52: {  	v3 =	vperm.xlane v3, v2;
	v4 =	vadd.s32 v1, v4;
	_ =	sdelay $0x1  }
0x53: {  	v3 =	vadd.s32 v1, v3;
	_ =	sdelay $0x1  }
0x54: {  	s0 =	rddreg [dreg:$0x10]  }
0x55: {  	[tilespmem:s0], [sflag:$0x1] =	stream.indirect_vreg.gather [hbm4b:s3+s2], $0x80, v4, vm0, $0xb8;
	[tilespmem:$0x12200] =	vst v63  }
0x56: {  	s8 =	rddreg [dreg:$0x11]  }
0x57: {  	[tilespmem:s8], [sflag:$0x1] =	stream.indirect_vreg.gather [hbm4b:s3+s2], $0x80, v3, vm0, $0xb8;
	[tilespmem:$0x12200] =	vst v63  }
0x58: {  	v3 =	vld [tilespmem:$0x40];
	_ =	sdelay $0x4  }
0x59: {  	v50 =	vshll.u32 v3, $0x1  }
0x5a: {  	v3 =	vand.u32 $0x7, v3;
	v4 =	vand.u32 $0xFFFFFFF0, v50  }
0x5b: {  	v3 =	vor.u32 v3, v4  }
0x5c: {  	v4 =	vperm.xlane v3, v0;
	_ =	sdelay $0x1  }
0x5d: {  	v3 =	vperm.xlane v3, v2;
	v4 =	vadd.s32 v1, v4;
	_ =	sdelay $0x1  }
0x5e: {  	v3 =	vadd.s32 v1, v3;
	_ =	sdelay $0x1  }
0x5f: {  	s0 =	rddreg [dreg:$0x12]  }
0x60: {  	[tilespmem:s0], [sflag:$0x1] =	stream.indirect_vreg.gather [hbm4b:s3+s2], $0x80, v4, vm0, $0xb8;
	[tilespmem:$0x12200] =	vst v63  }
0x61: {  	s8 =	rddreg [dreg:$0x13]  }
0x62: {  	[tilespmem:s8], [sflag:$0x1] =	stream.indirect_vreg.gather [hbm4b:s3+s2], $0x80, v3, vm0, $0xb8;
	[tilespmem:$0x12200] =	vst v63  }
0x63: {  	v3 =	vld [tilespmem:$0x50];
	_ =	sdelay $0x4  }
0x64: {  	v51 =	vshll.u32 v3, $0x1  }
0x65: {  	v3 =	vand.u32 $0x7, v3;
	v4 =	vand.u32 $0xFFFFFFF0, v51  }
0x66: {  	v3 =	vor.u32 v3, v4  }
0x67: {  	v4 =	vperm.xlane v3, v0;
	_ =	sdelay $0x1  }
0x68: {  	v3 =	vperm.xlane v3, v2;
	v4 =	vadd.s32 v1, v4;
	_ =	sdelay $0x1  }
0x69: {  	v3 =	vadd.s32 v1, v3;
	_ =	sdelay $0x1  }
0x6a: {  	s0 =	rddreg [dreg:$0x14]  }
0x6b: {  	[tilespmem:s0], [sflag:$0x1] =	stream.indirect_vreg.gather [hbm4b:s3+s2], $0x80, v4, vm0, $0xb8;
	[tilespmem:$0x12200] =	vst v63  }
0x6c: {  	s8 =	rddreg [dreg:$0x15]  }
0x6d: {  	[tilespmem:s8], [sflag:$0x1] =	stream.indirect_vreg.gather [hbm4b:s3+s2], $0x80, v3, vm0, $0xb8;
	[tilespmem:$0x12200] =	vst v63  }
0x6e: {  	v3 =	vld [tilespmem:$0x80];
	_ =	sdelay $0x4  }
0x6f: {  	v52 =	vshll.u32 v3, $0x1  }
0x70: {  	v3 =	vand.u32 $0x7, v3;
	v4 =	vand.u32 $0xFFFFFFF0, v52  }
0x71: {  	v3 =	vor.u32 v3, v4  }
0x72: {  	v4 =	vperm.xlane v3, v0;
	_ =	sdelay $0x1  }
0x73: {  	v3 =	vperm.xlane v3, v2;
	v4 =	vadd.s32 v1, v4;
	_ =	sdelay $0x1  }
0x74: {  	v3 =	vadd.s32 v1, v3;
	_ =	sdelay $0x2  }
0x75: {  	[tilespmem:s7], [sflag:$0x1] =	stream.indirect_vreg.gather [hbm4b:s3+s2], $0x80, v4, vm0, $0xb8;
	[tilespmem:$0x12200] =	vst v63  }
0x76: {  	s8 =	simm.s32 $0x6A00  }
0x77: {  	[tilespmem:s8], [sflag:$0x1] =	stream.indirect_vreg.gather [hbm4b:s3+s2], $0x80, v3, vm0, $0xb8;
	[tilespmem:$0x12200] =	vst v63  }
0x78: {  	v3 =	vld [tilespmem:$0x90];
	_ =	sdelay $0x4  }
0x79: {  	v53 =	vshll.u32 v3, $0x1  }
0x7a: {  	v3 =	vand.u32 $0x7, v3;
	v4 =	vand.u32 $0xFFFFFFF0, v53  }
0x7b: {  	v3 =	vor.u32 v3, v4  }
0x7c: {  	v4 =	vperm.xlane v3, v0;
	_ =	sdelay $0x1  }
0x7d: {  	v3 =	vperm.xlane v3, v2;
	v4 =	vadd.s32 v1, v4;
	_ =	sdelay $0x1  }
0x7e: {  	v3 =	vadd.s32 v1, v3;
	_ =	sdelay $0x2  }
0x7f: {  	[tilespmem:s9], [sflag:$0x1] =	stream.indirect_vreg.gather [hbm4b:s3+s2], $0x80, v4, vm0, $0xb8;
	[tilespmem:$0x12200] =	vst v63  }
0x80: {  	_ = 	snop  }
0x81: {  	[tilespmem:s10], [sflag:$0x1] =	stream.indirect_vreg.gather [hbm4b:s3+s2], $0x80, v3, vm0, $0xb8;
	[tilespmem:$0x12200] =	vst v63  }
0x82: {  	v3 =	vld [tilespmem:$0xA0];
	_ =	sdelay $0x4  }
0x83: {  	v54 =	vshll.u32 v3, $0x1  }
0x84: {  	v3 =	vand.u32 $0x7, v3;
	v4 =	vand.u32 $0xFFFFFFF0, v54  }
0x85: {  	v3 =	vor.u32 v3, v4  }
0x86: {  	v4 =	vperm.xlane v3, v0;
	_ =	sdelay $0x1  }
0x87: {  	v3 =	vperm.xlane v3, v2;
	v4 =	vadd.s32 v1, v4;
	_ =	sdelay $0x1  }
0x88: {  	v3 =	vadd.s32 v1, v3;
	_ =	sdelay $0x2  }
0x89: {  	[tilespmem:s11], [sflag:$0x1] =	stream.indirect_vreg.gather [hbm4b:s3+s2], $0x80, v4, vm0, $0xb8;
	[tilespmem:$0x12200] =	vst v63  }
0x8a: {  	_ = 	snop  }
0x8b: {  	[tilespmem:s12], [sflag:$0x1] =	stream.indirect_vreg.gather [hbm4b:s3+s2], $0x80, v3, vm0, $0xb8;
	[tilespmem:$0x12200] =	vst v63  }
0x8c: {  	v3 =	vld [tilespmem:$0xB0];
	_ =	sdelay $0x4  }
0x8d: {  	v55 =	vshll.u32 v3, $0x1  }
0x8e: {  	v3 =	vand.u32 $0x7, v3;
	v4 =	vand.u32 $0xFFFFFFF0, v55  }
0x8f: {  	v3 =	vor.u32 v3, v4  }
0x90: {  	v4 =	vperm.xlane v3, v0;
	_ =	sdelay $0x1  }
0x91: {  	v3 =	vperm.xlane v3, v2;
	v4 =	vadd.s32 v1, v4;
	_ =	sdelay $0x1  }
0x92: {  	v3 =	vadd.s32 v1, v3;
	_ =	sdelay $0x2  }
0x93: {  	[tilespmem:s13], [sflag:$0x1] =	stream.indirect_vreg.gather [hbm4b:s3+s2], $0x80, v4, vm0, $0xb8;
	[tilespmem:$0x12200] =	vst v63  }
0x94: {  	_ = 	snop  }
0x95: {  	[tilespmem:s14], [sflag:$0x1] =	stream.indirect_vreg.gather [hbm4b:s3+s2], $0x80, v3, vm0, $0xb8;
	[tilespmem:$0x12200] =	vst v63  }
0x96: {  	v3 =	vld [tilespmem:$0xC0];
	_ =	sdelay $0x4  }
0x97: {  	v56 =	vshll.u32 v3, $0x1  }
0x98: {  	v3 =	vand.u32 $0x7, v3;
	v4 =	vand.u32 $0xFFFFFFF0, v56  }
0x99: {  	v3 =	vor.u32 v3, v4  }
0x9a: {  	v4 =	vperm.xlane v3, v0;
	_ =	sdelay $0x1  }
0x9b: {  	v3 =	vperm.xlane v3, v2;
	v4 =	vadd.s32 v1, v4;
	_ =	sdelay $0x1  }
0x9c: {  	v3 =	vadd.s32 v1, v3;
	_ =	sdelay $0x2  }
0x9d: {  	[tilespmem:s15], [sflag:$0x1] =	stream.indirect_vreg.gather [hbm4b:s3+s2], $0x80, v4, vm0, $0xb8;
	[tilespmem:$0x12200] =	vst v63  }
0x9e: {  	_ = 	snop  }
0x9f: {  	[tilespmem:s16], [sflag:$0x1] =	stream.indirect_vreg.gather [hbm4b:s3+s2], $0x80, v3, vm0, $0xb8;
	[tilespmem:$0x12200] =	vst v63  }
0xa0: {  	v3 =	vld [tilespmem:$0xD0];
	_ =	sdelay $0x4  }
0xa1: {  	v57 =	vshll.u32 v3, $0x1  }
0xa2: {  	v3 =	vand.u32 $0x7, v3;
	v4 =	vand.u32 $0xFFFFFFF0, v57  }
0xa3: {  	v3 =	vor.u32 v3, v4  }
0xa4: {  	v4 =	vperm.xlane v3, v0;
	_ =	sdelay $0x1  }
0xa5: {  	v3 =	vperm.xlane v3, v2;
	v4 =	vadd.s32 v1, v4;
	_ =	sdelay $0x1  }
0xa6: {  	v3 =	vadd.s32 v1, v3;
	_ =	sdelay $0x2  }
0xa7: {  	[tilespmem:s17], [sflag:$0x1] =	stream.indirect_vreg.gather [hbm4b:s3+s2], $0x80, v4, vm0, $0xb8;
	[tilespmem:$0x12200] =	vst v63  }
0xa8: {  	_ = 	snop  }
0xa9: {  	[tilespmem:s18], [sflag:$0x1] =	stream.indirect_vreg.gather [hbm4b:s3+s2], $0x80, v3, vm0, $0xb8;
	[tilespmem:$0x12200] =	vst v63  }
0xaa: {  	v3 =	vld [tilespmem:$0x100];
	_ =	sdelay $0x4  }
0xab: {  	v58 =	vshll.u32 v3, $0x1  }
0xac: {  	v3 =	vand.u32 $0x7, v3;
	v4 =	vand.u32 $0xFFFFFFF0, v58  }
0xad: {  	v3 =	vor.u32 v3, v4  }
0xae: {  	v4 =	vperm.xlane v3, v0;
	_ =	sdelay $0x1  }
0xaf: {  	v3 =	vperm.xlane v3, v2;
	v4 =	vadd.s32 v1, v4;
	_ =	sdelay $0x1  }
0xb0: {  	v3 =	vadd.s32 v1, v3;
	_ =	sdelay $0x2  }
0xb1: {  	[tilespmem:s19], [sflag:$0x1] =	stream.indirect_vreg.gather [hbm4b:s3+s2], $0x80, v4, vm0, $0xb8;
	[tilespmem:$0x12200] =	vst v63  }
0xb2: {  	_ = 	snop  }
0xb3: {  	[tilespmem:s20], [sflag:$0x1] =	stream.indirect_vreg.gather [hbm4b:s3+s2], $0x80, v3, vm0, $0xb8;
	[tilespmem:$0x12200] =	vst v63  }
0xb4: {  	v3 =	vld [tilespmem:$0x110];
	_ =	sdelay $0x4  }
0xb5: {  	v59 =	vshll.u32 v3, $0x1  }
0xb6: {  	v3 =	vand.u32 $0x7, v3;
	v4 =	vand.u32 $0xFFFFFFF0, v59  }
0xb7: {  	v3 =	vor.u32 v3, v4  }
0xb8: {  	v4 =	vperm.xlane v3, v0;
	_ =	sdelay $0x1  }
0xb9: {  	v3 =	vperm.xlane v3, v2;
	v4 =	vadd.s32 v1, v4;
	_ =	sdelay $0x1  }
0xba: {  	v3 =	vadd.s32 v1, v3;
	_ =	sdelay $0x2  }
0xbb: {  	[tilespmem:s21], [sflag:$0x1] =	stream.indirect_vreg.gather [hbm4b:s3+s2], $0x80, v4, vm0, $0xb8;
	[tilespmem:$0x12200] =	vst v63  }
0xbc: {  	_ = 	snop  }
0xbd: {  	[tilespmem:s22], [sflag:$0x1] =	stream.indirect_vreg.gather [hbm4b:s3+s2], $0x80, v3, vm0, $0xb8;
	[tilespmem:$0x12200] =	vst v63  }
0xbe: {  	v3 =	vld [tilespmem:$0x120];
	_ =	sdelay $0x4  }
0xbf: {  	v60 =	vshll.u32 v3, $0x1  }
0xc0: {  	v3 =	vand.u32 $0x7, v3;
	v4 =	vand.u32 $0xFFFFFFF0, v60  }
0xc1: {  	v3 =	vor.u32 v3, v4  }
0xc2: {  	v4 =	vperm.xlane v3, v0;
	_ =	sdelay $0x1  }
0xc3: {  	v3 =	vperm.xlane v3, v2;
	v4 =	vadd.s32 v1, v4;
	_ =	sdelay $0x1  }
0xc4: {  	v3 =	vadd.s32 v1, v3;
	_ =	sdelay $0x2  }
0xc5: {  	[tilespmem:s23], [sflag:$0x1] =	stream.indirect_vreg.gather [hbm4b:s3+s2], $0x80, v4, vm0, $0xb8;
	[tilespmem:$0x12200] =	vst v63  }
0xc6: {  	_ = 	snop  }
0xc7: {  	[tilespmem:s24], [sflag:$0x1] =	stream.indirect_vreg.gather [hbm4b:s3+s2], $0x80, v3, vm0, $0xb8;
	[tilespmem:$0x12200] =	vst v63  }
0xc8: {  	v3 =	vld [tilespmem:$0x130];
	_ =	sdelay $0x4  }
0xc9: {  	v61 =	vshll.u32 v3, $0x1  }
0xca: {  	v3 =	vand.u32 $0x7, v3;
	v4 =	vand.u32 $0xFFFFFFF0, v61  }
0xcb: {  	v3 =	vor.u32 v3, v4  }
0xcc: {  	v4 =	vperm.xlane v3, v0;
	_ =	sdelay $0x1  }
0xcd: {  	v3 =	vperm.xlane v3, v2;
	v4 =	vadd.s32 v1, v4;
	_ =	sdelay $0x1  }
0xce: {  	v3 =	vadd.s32 v1, v3;
	_ =	sdelay $0x2  }
0xcf: {  	[tilespmem:s25], [sflag:$0x1] =	stream.indirect_vreg.gather [hbm4b:s3+s2], $0x80, v4, vm0, $0xb8;
	[tilespmem:$0x12200] =	vst v63  }
0xd0: {  	_ = 	snop  }
0xd1: {  	[tilespmem:s26], [sflag:$0x1] =	stream.indirect_vreg.gather [hbm4b:s3+s2], $0x80, v3, vm0, $0xb8;
	[tilespmem:$0x12200] =	vst v63  }
0xd2: {  	v3 =	vld [tilespmem:$0x140];
	_ =	sdelay $0x4  }
0xd3: {  	v62 =	vshll.u32 v3, $0x1  }
0xd4: {  	v3 =	vand.u32 $0x7, v3;
	v4 =	vand.u32 $0xFFFFFFF0, v62  }
0xd5: {  	v3 =	vor.u32 v3, v4  }
0xd6: {  	v4 =	vperm.xlane v3, v0;
	_ =	sdelay $0x1  }
0xd7: {  	v3 =	vperm.xlane v3, v2;
	v4 =	vadd.s32 v1, v4;
	_ =	sdelay $0x1  }
0xd8: {  	v3 =	vadd.s32 v1, v3;
	_ =	sdelay $0x2  }
0xd9: {  	[tilespmem:s28], [sflag:$0x1] =	stream.indirect_vreg.gather [hbm4b:s3+s2], $0x80, v4, vm0, $0xb8;
	[tilespmem:$0x12200] =	vst v63  }
0xda: {  	_ = 	snop  }
0xdb: {  	[tilespmem:s29], [sflag:$0x1] =	stream.indirect_vreg.gather [hbm4b:s3+s2], $0x80, v3, vm0, $0xb8;
	[tilespmem:$0x12200] =	vst v63  }
0xdc: {  	v3 =	vld [tilespmem:$0x150];
	_ =	sdelay $0x4  }
0xdd: {  	v63 =	vshll.u32 v3, $0x1  }
0xde: {  	v3 =	vand.u32 $0x7, v3;
	v4 =	vand.u32 $0xFFFFFFF0, v63  }
0xdf: {  	v3 =	vor.u32 v3, v4  }
0xe0: {  	v4 =	vperm.xlane v3, v0;
	_ =	sdelay $0x1  }
0xe1: {  	v3 =	vperm.xlane v3, v2;
	v4 =	vadd.s32 v1, v4;
	_ =	sdelay $0x1  }
0xe2: {  	v3 =	vadd.s32 v1, v3;
	_ =	sdelay $0x2  }
0xe3: {  	[tilespmem:s30], [sflag:$0x1] =	stream.indirect_vreg.gather [hbm4b:s3+s2], $0x80, v4, vm0, $0xb8;
	[tilespmem:$0x12200] =	vst v63  }
0xe4: {  	_ = 	snop  }
0xe5: {  	[tilespmem:s31], [sflag:$0x1] =	stream.indirect_vreg.gather [hbm4b:s3+s2], $0x80, v3, vm0, $0xb8;
	[tilespmem:$0x12200] =	vst v63  }
0xe6: {  	_ =	swait.ge [sflag:s1], $0x6000  }
0xe7: {  	[sflag:s1] =	ssyncset.done $0x0  }
0xe8: {  	[sflag:s1] =	ssyncadd.s32 $0xFFFFA000  }
0xe9: {  	_ =	swait.ge [sflag:s1], $0x6000  }
0xea: {  	[sflag:s1] =	ssyncset.done $0x0  }
0xeb: {  	[sflag:s1] =	ssyncadd.s32 $0xFFFFA000  }
0xec: {  	_ =	swait.ge [sflag:s1], $0x6000  }
0xed: {  	[sflag:s1] =	ssyncset.done $0x0  }
0xee: {  	s8 =	rddreg [dreg:$0x6];
	[sflag:s1] =	ssyncadd.s32 $0xFFFFA000  }
0xef: {  	[hbm4b:s8+s2] =	stream.linear.scatter [tilespmem:s6], [sflag:$0x2], $0x6000, $0x38;
	[tilespmem:$0x12200] =	vst v63  }
0xf0: {  	_ =	swait.ge [sflag:s5], $0x6000  }
0xf1: {  	[sflag:s5] =	ssyncset.done $0x0  }
0xf2: {  	s8 =	rddreg [dreg:$0x7];
	[sflag:s5] =	ssyncadd.s32 $0xFFFFA000  }
0xf3: {  	[hbm4b:s8+s2] =	stream.linear.scatter [tilespmem:s7], [sflag:$0x2], $0x6000, $0x38;
	[tilespmem:$0x12200] =	vst v63  }
0xf4: {  	_ =	swait.ge [sflag:s5], $0x6000  }
0xf5: {  	p0 =	sne.s32 s4, $0x1;
	[sflag:s5] =	ssyncset.done $0x0  }
.Ltmp0:
0xf6: {  	s8 =	rddreg [dreg:$0x8];
	[sflag:s5] =	ssyncadd.s32 $0xFFFFA000;
	(pc) =	sbr.rel @p0 .LBB2_1-.Ltmp0, $4  }
0xf7: {  	[hbm4b:s8+s2] =	stream.linear.scatter [tilespmem:s19], [sflag:$0x2], $0x6000, $0x38;
	[tilespmem:$0x12200] =	vst v63  }
0xf8: {  	_ =	swait.ge [sflag:s5], $0x6000  }
0xf9: {  	[sflag:s5] =	ssyncset.done $0x0  }
0xfa: {  	s4 =	sadd.s32 $0xFFFFFFFF, s4;
	[sflag:s5] =	ssyncadd.s32 $0xFFFFA000  }
0xfb: {  	_ =	sfence.sel $0x180000  }
0xfc: {  	[bflag:$0x0] =	sbarrier.arrive $0xFFFF  }
0xfd: {  	_ =	strace $0x9000004A  }
0xfe: {  	s0 =	stileid.u32;
	[bflag:$0x2] =	sbarrier.arrive $0xFFFF  }
0xff: {  	p0 =	sne.s32 s0, $0x0;
	s0 =	rddreg [dreg:$0x2]  }
0x100: {  	s0 =	sadd.s32 @!p0 $0x100000, s0  }
0x101: {  	[sflag:s0] =	ssyncadd.tile.s32 @!p0 $0x1;
	_ =	shalt  }
.Lfunc_end2:
_tile_overlayer_lowered:
.L_overlay_start_2:
0x102: {  	(tag) =	ssettag $0x2  }
0x103: {  	s0 =	rddreg [dreg:$0x0];
	s2 =	stileid.u32  }
0x104: {  	s1 =	rddreg [dreg:$0x1];
	p0 =	sne.s32 s2, $0x0  }
0x105: {  	s3 =	rddreg [dreg:$0x2];
	[bflag:$0x3] =	sbarrier.arrive $0xFFFF;
	s2 =	simm.s32 @!p0 $0x1C02  }
0x106: {  	[timem:s3], [sflag:s2] =	dma.local @!p0 [hbm:s0], s1  }
0x107: {  	s0 =	simm.s32 @!p0 $0x2  }
0x108: {  	_ =	swait.ge @!p0 [sflag:s0], s1  }
0x109: {  	s1 =	ssub.s32 @!p0 $0x0, s1;
	[sflag:s0] =	ssyncset.done @!p0 $0x0  }
0x10a: {  	[sflag:s0] =	ssyncadd.s32 @!p0 s1  }
0x10b: {  	[bflag:$0x3] =	sbarrier.arrive $0xFFFF  }
0x10c: {  	_ =	shalt  }

// kernel: kernel.18.cloned.1.call-start
scs
__scs_entry_jumppad:
0x0: {  	(pc) =	sbr.rel $0x88, $3  }
0x1: {  	(tag) =	ssettag $0x0;
	lr =	simm.s32 $0x1  }
0x2: {  	[smem:$0x3F9A] =	sst lr;
	_ =	strace $0xD0000000  }
0x3: {  	_ = 	snop  }
0x4: {  	_ = 	snop  }
0x5: {  	_ = 	snop  }
0x6: {  	_ = 	snop  }
0x7: {  	_ = 	snop  }
__scs_overlays_trampoline_lowered:
0x8: {  	[smem:$0x3FA9] =	sst s0  }
0x9: {  	[smem:$0x3FAA] =	sst s1  }
0xa: {  	[smem:$0x3FAB] =	sst s2  }
0xb: {  	[smem:$0x3FAC] =	sst s3  }
0xc: {  	[smem:$0x3FAD] =	sst s4  }
0xd: {  	[smem:$0x3FAE] =	sst s5  }
0xe: {  	[smem:$0x3FAF] =	sst s6  }
0xf: {  	[smem:$0x3FB0] =	sst s7  }
0x10: {  	[smem:$0x3FB1] =	sst s8  }
0x11: {  	[smem:$0x3FB2] =	sst s9;
	s0 =	simm.s32 @!p0 $0x0  }
0x12: {  	s1 =	sld [smem:$0x3F98];
	s0 =	simm.s32 @p0 $0x1  }
0x13: {  	[smem:$0x3FB3] =	sst s0;
	s0 =	simm.s32 @!p1 $0x0  }
0x14: {  	s2 =	sld [smem:$0x3F97];
	s0 =	simm.s32 @p1 $0x1  }
0x15: {  	[smem:$0x3FB4] =	sst s0;
	s0 =	simm.s32 @!p2 $0x0  }
0x16: {  	s3 =	sld [smem:$0x3FDB];
	s0 =	simm.s32 @p2 $0x1  }
0x17: {  	s4 =	simm.s32 $0x1BF5;
	[smem:$0x3FB6] =	sst s0  }
0x18: {  	s0 =	sld [smem:$0x3F99];
	_ =	swait.ge [sflag:s4], $0x0  }
0x19: {  	s7 =	sld [smem:$0x3F9A]  }
0x1a: {  	s8 =	sadd.s32 $0xFFFFE003, lr  }
0x1b: {  	s9 =	sadd.s32 $0xFFFFFEF7, lr;
	s5 =	simm.s32 $0xFFFFFFFF;
	p2 =	slt.u32 s8, $0xFFFFF086  }
0x1c: {  	p1 =	slt.u32 s9, $0xF7A;
	s5 =	simm.s32 @!p2 $0x0  }
0x1d: {  	s5 =	simm.s32 @p1 $0x1;
	p0 =	seq.s32 s7, s2  }
0x1e: {  	s7 =	smul.u32 @!p0 $0xF7A, s2;
	p2 =	seq.s32 @!p0 s5, $0x0  }
0x1f: {  	s9 =	smul.u32 $0xF7A, s1;
	s8 =	simm.s32 @!p0 $0x1BF5;
	p2 =	por !p2, p0  }
0x20: {  	[sflag:s8] =	ssyncset.s32 @!p0 $0xFFFFF086;
	s6 =	sadd.s32 @!p0 s3, s7;
	s7 =	simm.s32 @!p0 $0x108  }
0x21: {  	s3 =	sadd.s32 s3, s9;
	s6 =	sadd.s32 @!p0 $0x88, s6;
	s7 =	simm.s32 @p2 $0x1082  }
0x22: {  	[simem:s7], [sflag:s8] =	dma.local @!p0 [hbm:s6], $0xF7A  }
0x23: {  	s9 =	sor.u32 $0xD0000000, s2;
	s6 =	simm.s32 $0x108;
	_ =	swait.ge @!p0 [sflag:s8], $0x0  }
0x24: {  	s3 =	sadd.s32 $0x88, s3;
	s6 =	simm.s32 @!p1 $0x1082;
	[sflag:s4] =	ssyncset.s32 $0xFFFFF086  }
0x25: {  	[simem:s6], [sflag:s4] =	dma.local [hbm:s3], $0xF7A  }
0x26: {  	[smem:$0x3F9A] =	sst s1;
	(tag) =	ssettag s2;
	_ =	strace s9  }
0x27: {  	s1 =	sld [smem:$0x3FAA]  }
0x28: {  	s2 =	sld [smem:$0x3FAB]  }
0x29: {  	s4 =	sld [smem:$0x3FAD]  }
0x2a: {  	p0 =	seq.s32 s5, $0x0;
	s5 =	sld [smem:$0x3FAE]  }
0x2b: {  	s6 =	sld [smem:$0x3FAF]  }
0x2c: {  	s7 =	sld [smem:$0x3FB0]  }
0x2d: {  	s3 =	simm.s32 $0x108;
	s8 =	sld [smem:$0x3FB1]  }
0x2e: {  	s3 =	simm.s32 @!p0 $0x1082;
	s9 =	sld [smem:$0x3FB2]  }
0x2f: {  	lr =	sadd.s32 s0, s3;
	s0 =	sld [smem:$0x3FA9]  }
0x30: {  	s3 =	sld [smem:$0x3FAC]  }
0x31: {  	[smem:$0x3FB5] =	sst s10  }
0x32: {  	s10 =	sld [smem:$0x3FB3];
	_ =	sdelay $0x3  }
0x33: {  	p0 =	seq.s32 s10, $0x1;
	s10 =	sld [smem:$0x3FB5];
	_ =	sdelay $0x3  }
0x34: {  	[smem:$0x3FB5] =	sst s10  }
0x35: {  	s10 =	sld [smem:$0x3FB4];
	_ =	sdelay $0x3  }
0x36: {  	p1 =	seq.s32 s10, $0x1;
	s10 =	sld [smem:$0x3FB5];
	_ =	sdelay $0x3  }
0x37: {  	[smem:$0x3FB5] =	sst s10  }
0x38: {  	s10 =	sld [smem:$0x3FB6]  }
0x39: {  	_ = 	snop;
	(pc) =	sbr.ind lr, $3  }
0x3a: {  	_ = 	snop  }
0x3b: {  	_ = 	snop  }
0x3c: {  	p2 =	seq.s32 s10, $0x1;
	s10 =	sld [smem:$0x3FB5]  }
0x3d: {  	_ =	shalt  }
0x3e: {  	_ =	shalt  }
0x3f: {  	_ =	shalt  }
0x40: {  	_ =	shalt  }
0x41: {  	_ =	shalt  }
0x42: {  	_ =	shalt  }
0x43: {  	_ =	shalt  }
0x44: {  	_ =	shalt  }
0x45: {  	_ =	shalt  }
0x46: {  	_ =	shalt  }
0x47: {  	_ =	shalt  }
0x48: {  	_ =	shalt  }
0x49: {  	_ =	shalt  }
0x4a: {  	_ =	shalt  }
0x4b: {  	_ =	shalt  }
0x4c: {  	_ =	shalt  }
0x4d: {  	_ =	shalt  }
0x4e: {  	_ =	shalt  }
0x4f: {  	_ =	shalt  }
0x50: {  	_ =	shalt  }
0x51: {  	_ =	shalt  }
0x52: {  	_ =	shalt  }
0x53: {  	_ =	shalt  }
0x54: {  	_ =	shalt  }
0x55: {  	_ =	shalt  }
0x56: {  	_ =	shalt  }
0x57: {  	_ =	shalt  }
0x58: {  	_ =	shalt  }
0x59: {  	_ =	shalt  }
0x5a: {  	_ =	shalt  }
0x5b: {  	_ =	shalt  }
0x5c: {  	_ =	shalt  }
0x5d: {  	_ =	shalt  }
0x5e: {  	_ =	shalt  }
0x5f: {  	_ =	shalt  }
0x60: {  	_ =	shalt  }
0x61: {  	_ =	shalt  }
0x62: {  	_ =	shalt  }
0x63: {  	_ =	shalt  }
0x64: {  	_ =	shalt  }
0x65: {  	_ =	shalt  }
0x66: {  	_ =	shalt  }
0x67: {  	_ =	shalt  }
0x68: {  	_ =	shalt  }
0x69: {  	_ =	shalt  }
0x6a: {  	_ =	shalt  }
0x6b: {  	_ =	shalt  }
0x6c: {  	_ =	shalt  }
0x6d: {  	_ =	shalt  }
0x6e: {  	_ =	shalt  }
0x6f: {  	_ =	shalt  }
0x70: {  	_ =	shalt  }
0x71: {  	_ =	shalt  }
0x72: {  	_ =	shalt  }
0x73: {  	_ =	shalt  }
0x74: {  	_ =	shalt  }
0x75: {  	_ =	shalt  }
0x76: {  	_ =	shalt  }
0x77: {  	_ =	shalt  }
0x78: {  	_ =	shalt  }
0x79: {  	_ =	shalt  }
0x7a: {  	_ =	shalt  }
0x7b: {  	_ =	shalt  }
0x7c: {  	_ =	shalt  }
0x7d: {  	_ =	shalt  }
0x7e: {  	_ =	shalt  }
0x7f: {  	_ =	shalt  }
0x80: {  	_ =	shalt  }
0x81: {  	_ =	shalt  }
0x82: {  	_ =	shalt  }
0x83: {  	_ =	shalt  }
0x84: {  	_ =	shalt  }
0x85: {  	_ =	shalt  }
0x86: {  	_ =	shalt  }
0x87: {  	_ =	shalt  }
.Lfunc_end0:
.L_simem_size_0:
called_computation.2_lowered:
.L_overlay_start_0:
0x88: {  	s2 =	sld [smem:$0x3FD9]  }
0x89: {  	s3 =	sld [smem:$0x3FFE];
	_ =	sdelay $0x1  }
0x8a: {  	s1 =	srdreg.scid  }
0x8b: {  	s0 =	sand.u32 $0x1, s1  }
0x8c: {  	s14 =	sshll.u32 s0, $0xA;
	s2 =	sadd.s32 s3, s2  }
0x8d: {  	s2 =	sadd.s32 s2, s14  }
0x8e: {  	[smem:$0x3FC1] =	sst s2  }
0x8f: {  	_ = 	snop  }
0x90: {  	s2 =	sld [smem:$0x3FD0];
	_ =	sdelay $0x2  }
0x91: {  	s15 =	simm.s32 $0xA;
	s4 =	simm.s32 $0x10  }
0x92: {  	[smem:s4], [sflag:s15] =	dma.local [hbm:s2], $0x1  }
0x93: {  	_ =	swait.eq [sflag:s15], $0x1  }
0x94: {  	[sflag:s15] =	ssyncset.done $0x0  }
0x95: {  	s16 =	sld [smem:$0x10];
	[sflag:s15] =	ssyncadd.s32 $0xFFFFFFFF  }
0x96: {  	s17 =	sld [smem:$0x12];
	(tm) =	ssettm $0x1  }
0x97: {  	s18 =	sld [smem:$0x3FFB];
	_ =	sdelay $0x3  }
0x98: {  	_ =	strace s18  }
0x99: {  	s4 =	sld [smem:$0x3FFC];
	_ =	sdelay $0x3  }
0x9a: {  	_ =	strace s4  }
0x9b: {  	s4 =	sld [smem:$0x3FFD];
	_ =	sdelay $0x3  }
0x9c: {  	_ =	strace s4  }
0x9d: {  	_ =	strace $0x8FFFFFFF  }
0x9e: {  	s19 =	sld [smem:$0x3FDB];
	_ =	sdelay $0x1  }
0x9f: {  	s5 =	simm.s32 $_scs_section_size  }
0xa0: {  	s6 =	simm.s32 $_size__tile_overlayer_lowered;
	s7 =	simm.s32 $_tile_overlayer_lowered  }
0xa1: {  	s22 =	simm.s32 $0x1BFF;
	s21 =	sshll.u32 s7, $0x1;
	s4 =	sadd.s32 s5, s19  }
0xa2: {  	s8 =	simm.s32 $0x0;
	s20 =	sshll.u32 s6, $0x1;
	s6 =	sadd.s32 s21, s4  }
0xa3: {  	[timem:s8], [sflag:s22] =	dma.local [hbm:s6], s20  }
0xa4: {  	_ =	swait.ge [sflag:s22], s20  }
0xa5: {  	s5 =	ssub.s32 $0x0, s20;
	[sflag:s22] =	ssyncset.done $0x0  }
0xa6: {  	[sflag:s22] =	ssyncadd.s32 s5;
	_ =	sdelay $0x1  }
0xa7: {  	s23 =	simm.s32 $0x1B8B  }
0xa8: {  	_ =	swait.ge [sflag:s23], $0x1  }
0xa9: {  	[sflag:s23] =	ssyncset.done $0x0  }
0xaa: {  	s25 =	simm.s32 $0x1B8E;
	s24 =	sld [smem:$0x3FFE];
	[sflag:s23] =	ssyncadd.s32 $0xFFFFFFFF  }
0xab: {  	s26 =	simm.s32 $execute0_lowered;
	[smem:$0x3FD2] =	sst s25  }
0xac: {  	s6 =	sshll.u32 s26, $0x1;
	_ =	strace $0x8000004C;
	[dreg:$0x1] =	wrdreg $0xFFFFFFFF  }
0xad: {  	s28 =	simm.s32 $_size_execute0_lowered;
	s4 =	sadd.s32 s4, s6;
	[dreg:$0x0] =	wrdreg $0x0  }
0xae: {  	s6 =	sshll.u32 s28, $0x1;
	[dreg:$0x2] =	wrdreg s4  }
0xaf: {  	[dreg:$0x3] =	wrdreg s6  }
0xb0: {  	[dreg:$0x4] =	wrdreg $0xC0  }
0xb1: {  	_ =	task [dreg:s8], $0x5FFFF  }
0xb2: {  	[dreg:$0x1] =	wrdreg $0xFFFFFFFF  }
0xb3: {  	[dreg:$0x0] =	wrdreg $0x60  }
0xb4: {  	[dreg:$0x2] =	wrdreg s24  }
0xb5: {  	[dreg:$0x3] =	wrdreg s17  }
0xb6: {  	[dreg:$0x4] =	wrdreg s16  }
0xb7: {  	[dreg:$0x5] =	wrdreg $0x9  }
0xb8: {  	_ =	task.clear_ibuf [dreg:s8], $0x6FFFF;
	_ =	strace $0x9000004C  }
0xb9: {  	s29 =	simm.s32 $0x9;
	_ =	strace $0x8000004E  }
0xba: {  	_ =	swait.ge [sflag:s29], $0x1  }
0xbb: {  	[sflag:s29] =	ssyncadd.s32 $0xFFFFFFFF  }
0xbc: {  	_ =	strace $0x9000004E  }
0xbd: {  	_ =	sfence  }
0xbe: {  	s30 =	sld [smem:$0x0];
	_ =	sdelay $0x2  }
0xbf: {  	s31 =	sshll.u32 s1, $0xD;
	s1 =	sshrl.u32 s1, $0x2  }
0xc0: {  	s3 =	sand.u32 $0x4000, s31;
	s1 =	sadd.s32 s1, s30  }
0xc1: {  	s0 =	sor.u32 s3, s0;
	s1 =	sshll.u32 s1, $0x11  }
0xc2: {  	s0 =	sor.u32 s1, s0  }
0xc3: {  	s0 =	sadd.s32 $0x8F2B, s0  }
0xc4: {  	[sflag:s0] =	ssyncadd.remote.s32 $0x1  }
0xc5: {  	_ =	sfence.sel $0xFFFF  }
0xc6: {  	[dreg:$0x0] =	wrdreg $0xFFFFFFFF;
	(pc) =	sbr.abs _section_cstart, $3  }
0xc7: {  	[dreg:$0x1] =	wrdreg $0xFFFFFFFF  }
0xc8: {  	_ =	task.clear_ibuf [dreg:s8], $0x2FFFF;
	_ =	strace $0x9FFFFFFF  }
0xc9: {  	(tm) =	ssettm $0x7FFFFFFF  }
tec
execute0_lowered:
.L_overlay_start_1:
0x0: {  	(tag) =	ssettag $0x1  }
0x1: {  	s1 =	srdreg.scid  }
0x2: {  	s0 =	stileid.u32;
	s3 =	rddreg [dreg:$0x0]  }
0x3: {  	s4 =	rddreg [dreg:$0x1];
	s1 =	sand.u32 $0x1, s1;
	s2 =	sshll.u32 s0, $0x1  }
0x4: {  	s6 =	rddreg [dreg:$0x2];
	s5 =	sor.u32 s1, s2;
	s2 =	simm.s32 $0x0  }
0x5: {  	s13 =	simm.s32 $0x80;
	[smem:$0x7FF] =	sst s2  }
0x6: {  	s14 =	simm.s32 $0x100;
	_ =	strace $0x8000004D;
	[dreg:$0xa] =	wrdreg s13  }
0x7: {  	s15 =	simm.s32 $0xA00;
	[dreg:$0xb] =	wrdreg s14  }
0x8: {  	s16 =	simm.s32 $0x1200;
	[dreg:$0xc] =	wrdreg s15  }
0x9: {  	s17 =	simm.s32 $0x1A00;
	[dreg:$0xd] =	wrdreg s16  }
0xa: {  	s18 =	simm.s32 $0x2200;
	s19 =	simm.s32 $0x2A00;
	[dreg:$0xe] =	wrdreg s17  }
0xb: {  	s20 =	simm.s32 $0x3200;
	s21 =	simm.s32 $0x3A00;
	[dreg:$0xf] =	wrdreg s18  }
0xc: {  	s23 =	simm.s32 $0x4200;
	s24 =	simm.s32 $0x4A00;
	[dreg:$0x10] =	wrdreg s19  }
0xd: {  	s25 =	simm.s32 $0x5200;
	s26 =	simm.s32 $0x5A00;
	[dreg:$0x11] =	wrdreg s20  }
0xe: {  	s28 =	simm.s32 $0x10200;
	s29 =	simm.s32 $0x10A00;
	[dreg:$0x12] =	wrdreg s21  }
0xf: {  	s30 =	simm.s32 $0x11200;
	s31 =	simm.s32 $0x11A00;
	[dreg:$0x13] =	wrdreg s23  }
0x10: {  	s3 =	sadd.s32 $0x45400, s3;
	s1 =	ssub.s32 $0x2, s1;
	[dreg:$0x14] =	wrdreg s24  }
0x11: {  	s7 =	smul.u32 $0x120, s5;
	s22 =	sshrl.u32 s1, $0x1;
	[dreg:$0x15] =	wrdreg s25  }
0x12: {  	s5 =	smul.u32 $0x2400, s5;
	s1 =	ssub.s32 s1, s22;
	[dreg:$0x16] =	wrdreg s26  }
0x13: {  	s13 =	simm.s32 $0x9200;
	s14 =	simm.s32 $0x9A00;
	s15 =	simm.s32 $0xA200  }
0x14: {  	s16 =	simm.s32 $0xAA00;
	s17 =	simm.s32 $0xB200;
	s18 =	simm.s32 $0xBA00  }
0x15: {  	s19 =	simm.s32 $0xC200;
	s20 =	simm.s32 $0xCA00;
	s21 =	simm.s32 $0xD200  }
0x16: {  	s22 =	simm.s32 $0xDA00;
	s23 =	simm.s32 $0xE200;
	s24 =	simm.s32 $0xEA00  }
0x17: {  	s25 =	simm.s32 $0xF200;
	s26 =	simm.s32 $0xFA00;
	s8 =	sshrl.u32 s7, $0x3  }
0x18: {  	s9 =	sadd.s32 $0x60, s7;
	s7 =	sadd.s32 $0xC0, s7;
	s8 =	sadd.s32 s4, s8  }
0x19: {  	s0 =	sshrl.u32 s9, $0x3;
	s10 =	sshrl.u32 s7, $0x3;
	s9 =	sshll.u32 s9, $0x5  }
0x1a: {  	s11 =	sshll.u32 s7, $0x5;
	[dreg:$0x4] =	wrdreg s8;
	s8 =	sadd.s32 s4, s0  }
0x1b: {  	s7 =	simm.s32 $0x6200;
	s4 =	sadd.s32 s4, s10;
	[dreg:$0x5] =	wrdreg s8  }
0x1c: {  	s10 =	sadd.s32 s6, s9;
	s12 =	sadd.s32 s6, s11;
	[dreg:$0x6] =	wrdreg s4  }
0x1d: {  	s9 =	simm.s32 $0x7200;
	s11 =	simm.s32 $0x8200;
	[dreg:$0x8] =	wrdreg s10  }
0x1e: {  	v2 =	vlaneseq.u32;
	s8 =	sadd.s32 s6, s5;
	[dreg:$0x9] =	wrdreg s12;
	s4 =	smax.u32 s1, $0x1  }
0x1f: {  	vm0 =	vmmov $0xffff;
	v1 =	vshrl.u32 v2, $0x3;
	s5 =	simm.s32 $0x2;
	s6 =	simm.s32 $0x200;
	s10 =	simm.s32 $0x7A00  }
0x20: {  	v0 =	vand.u32 $0x7, v2;
	v2 =	vor.u32 $0x8, v2;
	v1 =	vmul.u32 $0x8, v1;
	s12 =	simm.s32 $0x8A00;
	s1 =	simm.s32 $0x1;
	[dreg:$0x7] =	wrdreg s8  }
.LBB2_1:
0x21: {  	s0 =	rddreg [dreg:$0x4]  }
0x22: {  	[tilespmem:s2], [sflag:$0x2] =	stream.linear.gather [hbm4b:s0+s2], $0x60, $0x38;
	[tilespmem:$0x12200] =	vst v63  }
0x23: {  	_ =	swait.ge [sflag:s5], $0x60  }
0x24: {  	s0 =	rddreg [dreg:$0x5];
	[sflag:s5] =	ssyncset.done $0x0  }
0x25: {  	s8 =	rddreg [dreg:$0xa];
	[sflag:s5] =	ssyncadd.s32 $0xFFFFFFA0  }
0x26: {  	[tilespmem:s8], [sflag:$0x2] =	stream.linear.gather [hbm4b:s0+s2], $0x60, $0x38;
	[tilespmem:$0x12200] =	vst v63  }
0x27: {  	_ =	swait.ge [sflag:s5], $0x60  }
0x28: {  	s0 =	rddreg [dreg:$0x6];
	[sflag:s5] =	ssyncset.done $0x0  }
0x29: {  	s8 =	rddreg [dreg:$0xb];
	[sflag:s5] =	ssyncadd.s32 $0xFFFFFFA0  }
0x2a: {  	[tilespmem:s8], [sflag:$0x2] =	stream.linear.gather [hbm4b:s0+s2], $0x60, $0x38;
	[tilespmem:$0x12200] =	vst v63  }
0x2b: {  	_ =	swait.ge [sflag:s5], $0x60  }
0x2c: {  	[sflag:s5] =	ssyncset.done $0x0  }
0x2d: {  	[sflag:s5] =	ssyncadd.s32 $0xFFFFFFA0  }
0x2e: {  	v3 =	vld [tilespmem:$0x0];
	_ =	sdelay $0x4  }
0x2f: {  	v4 =	vshll.u32 v3, $0x1  }
0x30: {  	v3 =	vand.u32 $0x7, v3;
	v4 =	vand.u32 $0xFFFFFFF0, v4  }
0x31: {  	v3 =	vor.u32 v3, v4  }
0x32: {  	v4 =	vperm.xlane v3, v0;
	_ =	sdelay $0x1  }
0x33: {  	v3 =	vperm.xlane v3, v2;
	v4 =	vadd.s32 v1, v4;
	_ =	sdelay $0x1  }
0x34: {  	v3 =	vadd.s32 v1, v3;
	_ =	sdelay $0x2  }
0x35: {  	[tilespmem:s6], [sflag:$0x1] =	stream.indirect_vreg.gather [hbm4b:s3+s2], $0x80, v4, vm0, $0xb8;
	[tilespmem:$0x12200] =	vst v63  }
0x36: {  	s8 =	rddreg [dreg:$0xc]  }
0x37: {  	[tilespmem:s8], [sflag:$0x1] =	stream.indirect_vreg.gather [hbm4b:s3+s2], $0x80, v3, vm0, $0xb8;
	[tilespmem:$0x12200] =	vst v63  }
0x38: {  	v3 =	vld [tilespmem:$0x10];
	_ =	sdelay $0x4  }
0x39: {  	v47 =	vshll.u32 v3, $0x1  }
0x3a: {  	v3 =	vand.u32 $0x7, v3;
	v4 =	vand.u32 $0xFFFFFFF0, v47  }
0x3b: {  	v3 =	vor.u32 v3, v4  }
0x3c: {  	v4 =	vperm.xlane v3, v0;
	_ =	sdelay $0x1  }
0x3d: {  	v3 =	vperm.xlane v3, v2;
	v4 =	vadd.s32 v1, v4;
	_ =	sdelay $0x1  }
0x3e: {  	v3 =	vadd.s32 v1, v3;
	_ =	sdelay $0x1  }
0x3f: {  	s0 =	rddreg [dreg:$0xd]  }
0x40: {  	[tilespmem:s0], [sflag:$0x1] =	stream.indirect_vreg.gather [hbm4b:s3+s2], $0x80, v4, vm0, $0xb8;
	[tilespmem:$0x12200] =	vst v63  }
0x41: {  	s8 =	rddreg [dreg:$0xe]  }
0x42: {  	[tilespmem:s8], [sflag:$0x1] =	stream.indirect_vreg.gather [hbm4b:s3+s2], $0x80, v3, vm0, $0xb8;
	[tilespmem:$0x12200] =	vst v63  }
0x43: {  	v3 =	vld [tilespmem:$0x20];
	_ =	sdelay $0x4  }
0x44: {  	v48 =	vshll.u32 v3, $0x1  }
0x45: {  	v3 =	vand.u32 $0x7, v3;
	v4 =	vand.u32 $0xFFFFFFF0, v48  }
0x46: {  	v3 =	vor.u32 v3, v4  }
0x47: {  	v4 =	vperm.xlane v3, v0;
	_ =	sdelay $0x1  }
0x48: {  	v3 =	vperm.xlane v3, v2;
	v4 =	vadd.s32 v1, v4;
	_ =	sdelay $0x1  }
0x49: {  	v3 =	vadd.s32 v1, v3;
	_ =	sdelay $0x1  }
0x4a: {  	s0 =	rddreg [dreg:$0xf]  }
0x4b: {  	[tilespmem:s0], [sflag:$0x1] =	stream.indirect_vreg.gather [hbm4b:s3+s2], $0x80, v4, vm0, $0xb8;
	[tilespmem:$0x12200] =	vst v63  }
0x4c: {  	s8 =	rddreg [dreg:$0x10]  }
0x4d: {  	[tilespmem:s8], [sflag:$0x1] =	stream.indirect_vreg.gather [hbm4b:s3+s2], $0x80, v3, vm0, $0xb8;
	[tilespmem:$0x12200] =	vst v63  }
0x4e: {  	v3 =	vld [tilespmem:$0x30];
	_ =	sdelay $0x4  }
0x4f: {  	v49 =	vshll.u32 v3, $0x1  }
0x50: {  	v3 =	vand.u32 $0x7, v3;
	v4 =	vand.u32 $0xFFFFFFF0, v49  }
0x51: {  	v3 =	vor.u32 v3, v4  }
0x52: {  	v4 =	vperm.xlane v3, v0;
	_ =	sdelay $0x1  }
0x53: {  	v3 =	vperm.xlane v3, v2;
	v4 =	vadd.s32 v1, v4;
	_ =	sdelay $0x1  }
0x54: {  	v3 =	vadd.s32 v1, v3;
	_ =	sdelay $0x1  }
0x55: {  	s0 =	rddreg [dreg:$0x11]  }
0x56: {  	[tilespmem:s0], [sflag:$0x1] =	stream.indirect_vreg.gather [hbm4b:s3+s2], $0x80, v4, vm0, $0xb8;
	[tilespmem:$0x12200] =	vst v63  }
0x57: {  	s8 =	rddreg [dreg:$0x12]  }
0x58: {  	[tilespmem:s8], [sflag:$0x1] =	stream.indirect_vreg.gather [hbm4b:s3+s2], $0x80, v3, vm0, $0xb8;
	[tilespmem:$0x12200] =	vst v63  }
0x59: {  	v3 =	vld [tilespmem:$0x40];
	_ =	sdelay $0x4  }
0x5a: {  	v50 =	vshll.u32 v3, $0x1  }
0x5b: {  	v3 =	vand.u32 $0x7, v3;
	v4 =	vand.u32 $0xFFFFFFF0, v50  }
0x5c: {  	v3 =	vor.u32 v3, v4  }
0x5d: {  	v4 =	vperm.xlane v3, v0;
	_ =	sdelay $0x1  }
0x5e: {  	v3 =	vperm.xlane v3, v2;
	v4 =	vadd.s32 v1, v4;
	_ =	sdelay $0x1  }
0x5f: {  	v3 =	vadd.s32 v1, v3;
	_ =	sdelay $0x1  }
0x60: {  	s0 =	rddreg [dreg:$0x13]  }
0x61: {  	[tilespmem:s0], [sflag:$0x1] =	stream.indirect_vreg.gather [hbm4b:s3+s2], $0x80, v4, vm0, $0xb8;
	[tilespmem:$0x12200] =	vst v63  }
0x62: {  	s8 =	rddreg [dreg:$0x14]  }
0x63: {  	[tilespmem:s8], [sflag:$0x1] =	stream.indirect_vreg.gather [hbm4b:s3+s2], $0x80, v3, vm0, $0xb8;
	[tilespmem:$0x12200] =	vst v63  }
0x64: {  	v3 =	vld [tilespmem:$0x50];
	_ =	sdelay $0x4  }
0x65: {  	v51 =	vshll.u32 v3, $0x1  }
0x66: {  	v3 =	vand.u32 $0x7, v3;
	v4 =	vand.u32 $0xFFFFFFF0, v51  }
0x67: {  	v3 =	vor.u32 v3, v4  }
0x68: {  	v4 =	vperm.xlane v3, v0;
	_ =	sdelay $0x1  }
0x69: {  	v3 =	vperm.xlane v3, v2;
	v4 =	vadd.s32 v1, v4;
	_ =	sdelay $0x1  }
0x6a: {  	v3 =	vadd.s32 v1, v3;
	_ =	sdelay $0x1  }
0x6b: {  	s0 =	rddreg [dreg:$0x15]  }
0x6c: {  	[tilespmem:s0], [sflag:$0x1] =	stream.indirect_vreg.gather [hbm4b:s3+s2], $0x80, v4, vm0, $0xb8;
	[tilespmem:$0x12200] =	vst v63  }
0x6d: {  	s8 =	rddreg [dreg:$0x16]  }
0x6e: {  	[tilespmem:s8], [sflag:$0x1] =	stream.indirect_vreg.gather [hbm4b:s3+s2], $0x80, v3, vm0, $0xb8;
	[tilespmem:$0x12200] =	vst v63  }
0x6f: {  	v3 =	vld [tilespmem:$0x80];
	_ =	sdelay $0x4  }
0x70: {  	v52 =	vshll.u32 v3, $0x1  }
0x71: {  	v3 =	vand.u32 $0x7, v3;
	v4 =	vand.u32 $0xFFFFFFF0, v52  }
0x72: {  	v3 =	vor.u32 v3, v4  }
0x73: {  	v4 =	vperm.xlane v3, v0;
	_ =	sdelay $0x1  }
0x74: {  	v3 =	vperm.xlane v3, v2;
	v4 =	vadd.s32 v1, v4;
	_ =	sdelay $0x1  }
0x75: {  	v3 =	vadd.s32 v1, v3;
	_ =	sdelay $0x2  }
0x76: {  	[tilespmem:s7], [sflag:$0x1] =	stream.indirect_vreg.gather [hbm4b:s3+s2], $0x80, v4, vm0, $0xb8;
	[tilespmem:$0x12200] =	vst v63  }
0x77: {  	s8 =	simm.s32 $0x6A00  }
0x78: {  	[tilespmem:s8], [sflag:$0x1] =	stream.indirect_vreg.gather [hbm4b:s3+s2], $0x80, v3, vm0, $0xb8;
	[tilespmem:$0x12200] =	vst v63  }
0x79: {  	v3 =	vld [tilespmem:$0x90];
	_ =	sdelay $0x4  }
0x7a: {  	v53 =	vshll.u32 v3, $0x1  }
0x7b: {  	v3 =	vand.u32 $0x7, v3;
	v4 =	vand.u32 $0xFFFFFFF0, v53  }
0x7c: {  	v3 =	vor.u32 v3, v4  }
0x7d: {  	v4 =	vperm.xlane v3, v0;
	_ =	sdelay $0x1  }
0x7e: {  	v3 =	vperm.xlane v3, v2;
	v4 =	vadd.s32 v1, v4;
	_ =	sdelay $0x1  }
0x7f: {  	v3 =	vadd.s32 v1, v3;
	_ =	sdelay $0x2  }
0x80: {  	[tilespmem:s9], [sflag:$0x1] =	stream.indirect_vreg.gather [hbm4b:s3+s2], $0x80, v4, vm0, $0xb8;
	[tilespmem:$0x12200] =	vst v63  }
0x81: {  	_ = 	snop  }
0x82: {  	[tilespmem:s10], [sflag:$0x1] =	stream.indirect_vreg.gather [hbm4b:s3+s2], $0x80, v3, vm0, $0xb8;
	[tilespmem:$0x12200] =	vst v63  }
0x83: {  	v3 =	vld [tilespmem:$0xA0];
	_ =	sdelay $0x4  }
0x84: {  	v54 =	vshll.u32 v3, $0x1  }
0x85: {  	v3 =	vand.u32 $0x7, v3;
	v4 =	vand.u32 $0xFFFFFFF0, v54  }
0x86: {  	v3 =	vor.u32 v3, v4  }
0x87: {  	v4 =	vperm.xlane v3, v0;
	_ =	sdelay $0x1  }
0x88: {  	v3 =	vperm.xlane v3, v2;
	v4 =	vadd.s32 v1, v4;
	_ =	sdelay $0x1  }
0x89: {  	v3 =	vadd.s32 v1, v3;
	_ =	sdelay $0x2  }
0x8a: {  	[tilespmem:s11], [sflag:$0x1] =	stream.indirect_vreg.gather [hbm4b:s3+s2], $0x80, v4, vm0, $0xb8;
	[tilespmem:$0x12200] =	vst v63  }
0x8b: {  	_ = 	snop  }
0x8c: {  	[tilespmem:s12], [sflag:$0x1] =	stream.indirect_vreg.gather [hbm4b:s3+s2], $0x80, v3, vm0, $0xb8;
	[tilespmem:$0x12200] =	vst v63  }
0x8d: {  	v3 =	vld [tilespmem:$0xB0];
	_ =	sdelay $0x4  }
0x8e: {  	v55 =	vshll.u32 v3, $0x1  }
0x8f: {  	v3 =	vand.u32 $0x7, v3;
	v4 =	vand.u32 $0xFFFFFFF0, v55  }
0x90: {  	v3 =	vor.u32 v3, v4  }
0x91: {  	v4 =	vperm.xlane v3, v0;
	_ =	sdelay $0x1  }
0x92: {  	v3 =	vperm.xlane v3, v2;
	v4 =	vadd.s32 v1, v4;
	_ =	sdelay $0x1  }
0x93: {  	v3 =	vadd.s32 v1, v3;
	_ =	sdelay $0x2  }
0x94: {  	[tilespmem:s13], [sflag:$0x1] =	stream.indirect_vreg.gather [hbm4b:s3+s2], $0x80, v4, vm0, $0xb8;
	[tilespmem:$0x12200] =	vst v63  }
0x95: {  	_ = 	snop  }
0x96: {  	[tilespmem:s14], [sflag:$0x1] =	stream.indirect_vreg.gather [hbm4b:s3+s2], $0x80, v3, vm0, $0xb8;
	[tilespmem:$0x12200] =	vst v63  }
0x97: {  	v3 =	vld [tilespmem:$0xC0];
	_ =	sdelay $0x4  }
0x98: {  	v56 =	vshll.u32 v3, $0x1  }
0x99: {  	v3 =	vand.u32 $0x7, v3;
	v4 =	vand.u32 $0xFFFFFFF0, v56  }
0x9a: {  	v3 =	vor.u32 v3, v4  }
0x9b: {  	v4 =	vperm.xlane v3, v0;
	_ =	sdelay $0x1  }
0x9c: {  	v3 =	vperm.xlane v3, v2;
	v4 =	vadd.s32 v1, v4;
	_ =	sdelay $0x1  }
0x9d: {  	v3 =	vadd.s32 v1, v3;
	_ =	sdelay $0x2  }
0x9e: {  	[tilespmem:s15], [sflag:$0x1] =	stream.indirect_vreg.gather [hbm4b:s3+s2], $0x80, v4, vm0, $0xb8;
	[tilespmem:$0x12200] =	vst v63  }
0x9f: {  	_ = 	snop  }
0xa0: {  	[tilespmem:s16], [sflag:$0x1] =	stream.indirect_vreg.gather [hbm4b:s3+s2], $0x80, v3, vm0, $0xb8;
	[tilespmem:$0x12200] =	vst v63  }
0xa1: {  	v3 =	vld [tilespmem:$0xD0];
	_ =	sdelay $0x4  }
0xa2: {  	v57 =	vshll.u32 v3, $0x1  }
0xa3: {  	v3 =	vand.u32 $0x7, v3;
	v4 =	vand.u32 $0xFFFFFFF0, v57  }
0xa4: {  	v3 =	vor.u32 v3, v4  }
0xa5: {  	v4 =	vperm.xlane v3, v0;
	_ =	sdelay $0x1  }
0xa6: {  	v3 =	vperm.xlane v3, v2;
	v4 =	vadd.s32 v1, v4;
	_ =	sdelay $0x1  }
0xa7: {  	v3 =	vadd.s32 v1, v3;
	_ =	sdelay $0x2  }
0xa8: {  	[tilespmem:s17], [sflag:$0x1] =	stream.indirect_vreg.gather [hbm4b:s3+s2], $0x80, v4, vm0, $0xb8;
	[tilespmem:$0x12200] =	vst v63  }
0xa9: {  	_ = 	snop  }
0xaa: {  	[tilespmem:s18], [sflag:$0x1] =	stream.indirect_vreg.gather [hbm4b:s3+s2], $0x80, v3, vm0, $0xb8;
	[tilespmem:$0x12200] =	vst v63  }
0xab: {  	v3 =	vld [tilespmem:$0x100];
	_ =	sdelay $0x4  }
0xac: {  	v58 =	vshll.u32 v3, $0x1  }
0xad: {  	v3 =	vand.u32 $0x7, v3;
	v4 =	vand.u32 $0xFFFFFFF0, v58  }
0xae: {  	v3 =	vor.u32 v3, v4  }
0xaf: {  	v4 =	vperm.xlane v3, v0;
	_ =	sdelay $0x1  }
0xb0: {  	v3 =	vperm.xlane v3, v2;
	v4 =	vadd.s32 v1, v4;
	_ =	sdelay $0x1  }
0xb1: {  	v3 =	vadd.s32 v1, v3;
	_ =	sdelay $0x2  }
0xb2: {  	[tilespmem:s19], [sflag:$0x1] =	stream.indirect_vreg.gather [hbm4b:s3+s2], $0x80, v4, vm0, $0xb8;
	[tilespmem:$0x12200] =	vst v63  }
0xb3: {  	_ = 	snop  }
0xb4: {  	[tilespmem:s20], [sflag:$0x1] =	stream.indirect_vreg.gather [hbm4b:s3+s2], $0x80, v3, vm0, $0xb8;
	[tilespmem:$0x12200] =	vst v63  }
0xb5: {  	v3 =	vld [tilespmem:$0x110];
	_ =	sdelay $0x4  }
0xb6: {  	v59 =	vshll.u32 v3, $0x1  }
0xb7: {  	v3 =	vand.u32 $0x7, v3;
	v4 =	vand.u32 $0xFFFFFFF0, v59  }
0xb8: {  	v3 =	vor.u32 v3, v4  }
0xb9: {  	v4 =	vperm.xlane v3, v0;
	_ =	sdelay $0x1  }
0xba: {  	v3 =	vperm.xlane v3, v2;
	v4 =	vadd.s32 v1, v4;
	_ =	sdelay $0x1  }
0xbb: {  	v3 =	vadd.s32 v1, v3;
	_ =	sdelay $0x2  }
0xbc: {  	[tilespmem:s21], [sflag:$0x1] =	stream.indirect_vreg.gather [hbm4b:s3+s2], $0x80, v4, vm0, $0xb8;
	[tilespmem:$0x12200] =	vst v63  }
0xbd: {  	_ = 	snop  }
0xbe: {  	[tilespmem:s22], [sflag:$0x1] =	stream.indirect_vreg.gather [hbm4b:s3+s2], $0x80, v3, vm0, $0xb8;
	[tilespmem:$0x12200] =	vst v63  }
0xbf: {  	v3 =	vld [tilespmem:$0x120];
	_ =	sdelay $0x4  }
0xc0: {  	v60 =	vshll.u32 v3, $0x1  }
0xc1: {  	v3 =	vand.u32 $0x7, v3;
	v4 =	vand.u32 $0xFFFFFFF0, v60  }
0xc2: {  	v3 =	vor.u32 v3, v4  }
0xc3: {  	v4 =	vperm.xlane v3, v0;
	_ =	sdelay $0x1  }
0xc4: {  	v3 =	vperm.xlane v3, v2;
	v4 =	vadd.s32 v1, v4;
	_ =	sdelay $0x1  }
0xc5: {  	v3 =	vadd.s32 v1, v3;
	_ =	sdelay $0x2  }
0xc6: {  	[tilespmem:s23], [sflag:$0x1] =	stream.indirect_vreg.gather [hbm4b:s3+s2], $0x80, v4, vm0, $0xb8;
	[tilespmem:$0x12200] =	vst v63  }
0xc7: {  	_ = 	snop  }
0xc8: {  	[tilespmem:s24], [sflag:$0x1] =	stream.indirect_vreg.gather [hbm4b:s3+s2], $0x80, v3, vm0, $0xb8;
	[tilespmem:$0x12200] =	vst v63  }
0xc9: {  	v3 =	vld [tilespmem:$0x130];
	_ =	sdelay $0x4  }
0xca: {  	v61 =	vshll.u32 v3, $0x1  }
0xcb: {  	v3 =	vand.u32 $0x7, v3;
	v4 =	vand.u32 $0xFFFFFFF0, v61  }
0xcc: {  	v3 =	vor.u32 v3, v4  }
0xcd: {  	v4 =	vperm.xlane v3, v0;
	_ =	sdelay $0x1  }
0xce: {  	v3 =	vperm.xlane v3, v2;
	v4 =	vadd.s32 v1, v4;
	_ =	sdelay $0x1  }
0xcf: {  	v3 =	vadd.s32 v1, v3;
	_ =	sdelay $0x2  }
0xd0: {  	[tilespmem:s25], [sflag:$0x1] =	stream.indirect_vreg.gather [hbm4b:s3+s2], $0x80, v4, vm0, $0xb8;
	[tilespmem:$0x12200] =	vst v63  }
0xd1: {  	_ = 	snop  }
0xd2: {  	[tilespmem:s26], [sflag:$0x1] =	stream.indirect_vreg.gather [hbm4b:s3+s2], $0x80, v3, vm0, $0xb8;
	[tilespmem:$0x12200] =	vst v63  }
0xd3: {  	v3 =	vld [tilespmem:$0x140];
	_ =	sdelay $0x4  }
0xd4: {  	v62 =	vshll.u32 v3, $0x1  }
0xd5: {  	v3 =	vand.u32 $0x7, v3;
	v4 =	vand.u32 $0xFFFFFFF0, v62  }
0xd6: {  	v3 =	vor.u32 v3, v4  }
0xd7: {  	v4 =	vperm.xlane v3, v0;
	_ =	sdelay $0x1  }
0xd8: {  	v3 =	vperm.xlane v3, v2;
	v4 =	vadd.s32 v1, v4;
	_ =	sdelay $0x1  }
0xd9: {  	v3 =	vadd.s32 v1, v3;
	_ =	sdelay $0x2  }
0xda: {  	[tilespmem:s28], [sflag:$0x1] =	stream.indirect_vreg.gather [hbm4b:s3+s2], $0x80, v4, vm0, $0xb8;
	[tilespmem:$0x12200] =	vst v63  }
0xdb: {  	_ = 	snop  }
0xdc: {  	[tilespmem:s29], [sflag:$0x1] =	stream.indirect_vreg.gather [hbm4b:s3+s2], $0x80, v3, vm0, $0xb8;
	[tilespmem:$0x12200] =	vst v63  }
0xdd: {  	v3 =	vld [tilespmem:$0x150];
	_ =	sdelay $0x4  }
0xde: {  	v63 =	vshll.u32 v3, $0x1  }
0xdf: {  	v3 =	vand.u32 $0x7, v3;
	v4 =	vand.u32 $0xFFFFFFF0, v63  }
0xe0: {  	v3 =	vor.u32 v3, v4  }
0xe1: {  	v4 =	vperm.xlane v3, v0;
	_ =	sdelay $0x1  }
0xe2: {  	v3 =	vperm.xlane v3, v2;
	v4 =	vadd.s32 v1, v4;
	_ =	sdelay $0x1  }
0xe3: {  	v3 =	vadd.s32 v1, v3;
	_ =	sdelay $0x2  }
0xe4: {  	[tilespmem:s30], [sflag:$0x1] =	stream.indirect_vreg.gather [hbm4b:s3+s2], $0x80, v4, vm0, $0xb8;
	[tilespmem:$0x12200] =	vst v63  }
0xe5: {  	_ = 	snop  }
0xe6: {  	[tilespmem:s31], [sflag:$0x1] =	stream.indirect_vreg.gather [hbm4b:s3+s2], $0x80, v3, vm0, $0xb8;
	[tilespmem:$0x12200] =	vst v63  }
0xe7: {  	_ =	swait.ge [sflag:s1], $0x6000  }
0xe8: {  	[sflag:s1] =	ssyncset.done $0x0  }
0xe9: {  	[sflag:s1] =	ssyncadd.s32 $0xFFFFA000  }
0xea: {  	_ =	swait.ge [sflag:s1], $0x6000  }
0xeb: {  	[sflag:s1] =	ssyncset.done $0x0  }
0xec: {  	[sflag:s1] =	ssyncadd.s32 $0xFFFFA000  }
0xed: {  	_ =	swait.ge [sflag:s1], $0x6000  }
0xee: {  	[sflag:s1] =	ssyncset.done $0x0  }
0xef: {  	s8 =	rddreg [dreg:$0x7];
	[sflag:s1] =	ssyncadd.s32 $0xFFFFA000  }
0xf0: {  	[hbm4b:s8+s2] =	stream.linear.scatter [tilespmem:s6], [sflag:$0x2], $0x6000, $0x38;
	[tilespmem:$0x12200] =	vst v63  }
0xf1: {  	_ =	swait.ge [sflag:s5], $0x6000  }
0xf2: {  	[sflag:s5] =	ssyncset.done $0x0  }
0xf3: {  	s8 =	rddreg [dreg:$0x8];
	[sflag:s5] =	ssyncadd.s32 $0xFFFFA000  }
0xf4: {  	[hbm4b:s8+s2] =	stream.linear.scatter [tilespmem:s7], [sflag:$0x2], $0x6000, $0x38;
	[tilespmem:$0x12200] =	vst v63  }
0xf5: {  	_ =	swait.ge [sflag:s5], $0x6000  }
0xf6: {  	p0 =	sne.s32 s4, $0x1;
	[sflag:s5] =	ssyncset.done $0x0  }
.Ltmp0:
0xf7: {  	s8 =	rddreg [dreg:$0x9];
	[sflag:s5] =	ssyncadd.s32 $0xFFFFA000;
	(pc) =	sbr.rel @p0 .LBB2_1-.Ltmp0, $4  }
0xf8: {  	[hbm4b:s8+s2] =	stream.linear.scatter [tilespmem:s19], [sflag:$0x2], $0x6000, $0x38;
	[tilespmem:$0x12200] =	vst v63  }
0xf9: {  	_ =	swait.ge [sflag:s5], $0x6000  }
0xfa: {  	[sflag:s5] =	ssyncset.done $0x0  }
0xfb: {  	s4 =	sadd.s32 $0xFFFFFFFF, s4;
	[sflag:s5] =	ssyncadd.s32 $0xFFFFA000  }
0xfc: {  	_ =	sfence.sel $0x180000  }
0xfd: {  	[bflag:$0x0] =	sbarrier.arrive $0xFFFF  }
0xfe: {  	_ =	strace $0x9000004D  }
0xff: {  	s0 =	stileid.u32;
	[bflag:$0x2] =	sbarrier.arrive $0xFFFF  }
0x100: {  	p0 =	sne.s32 s0, $0x0;
	s0 =	rddreg [dreg:$0x3]  }
0x101: {  	s0 =	sadd.s32 @!p0 $0x100000, s0  }
0x102: {  	[sflag:s0] =	ssyncadd.tile.s32 @!p0 $0x1;
	_ =	shalt  }
.Lfunc_end2:
_tile_overlayer_lowered:
.L_overlay_start_2:
0x103: {  	(tag) =	ssettag $0x2  }
0x104: {  	s0 =	rddreg [dreg:$0x0];
	s2 =	stileid.u32  }
0x105: {  	s1 =	rddreg [dreg:$0x1];
	p0 =	sne.s32 s2, $0x0  }
0x106: {  	s3 =	rddreg [dreg:$0x2];
	[bflag:$0x3] =	sbarrier.arrive $0xFFFF;
	s2 =	simm.s32 @!p0 $0x1C02  }
0x107: {  	[timem:s3], [sflag:s2] =	dma.local @!p0 [hbm:s0], s1  }
0x108: {  	s0 =	simm.s32 @!p0 $0x2  }
0x109: {  	_ =	swait.ge @!p0 [sflag:s0], s1  }
0x10a: {  	s1 =	ssub.s32 @!p0 $0x0, s1;
	[sflag:s0] =	ssyncset.done @!p0 $0x0  }
0x10b: {  	[sflag:s0] =	ssyncadd.s32 @!p0 s1  }
0x10c: {  	[bflag:$0x3] =	sbarrier.arrive $0xFFFF  }
0x10d: {  	_ =	shalt  }

// kernel: kernel.21.cloned.1.call-start
scs
__scs_entry_jumppad:
0x0: {  	(pc) =	sbr.rel $0x88, $3  }
0x1: {  	(tag) =	ssettag $0x0;
	lr =	simm.s32 $0x1  }
0x2: {  	[smem:$0x3F9A] =	sst lr;
	_ =	strace $0xD0000000  }
0x3: {  	_ = 	snop  }
0x4: {  	_ = 	snop  }
0x5: {  	_ = 	snop  }
0x6: {  	_ = 	snop  }
0x7: {  	_ = 	snop  }
__scs_overlays_trampoline_lowered:
0x8: {  	[smem:$0x3FA9] =	sst s0  }
0x9: {  	[smem:$0x3FAA] =	sst s1  }
0xa: {  	[smem:$0x3FAB] =	sst s2  }
0xb: {  	[smem:$0x3FAC] =	sst s3  }
0xc: {  	[smem:$0x3FAD] =	sst s4  }
0xd: {  	[smem:$0x3FAE] =	sst s5  }
0xe: {  	[smem:$0x3FAF] =	sst s6  }
0xf: {  	[smem:$0x3FB0] =	sst s7  }
0x10: {  	[smem:$0x3FB1] =	sst s8  }
0x11: {  	[smem:$0x3FB2] =	sst s9;
	s0 =	simm.s32 @!p0 $0x0  }
0x12: {  	s1 =	sld [smem:$0x3F98];
	s0 =	simm.s32 @p0 $0x1  }
0x13: {  	[smem:$0x3FB3] =	sst s0;
	s0 =	simm.s32 @!p1 $0x0  }
0x14: {  	s2 =	sld [smem:$0x3F97];
	s0 =	simm.s32 @p1 $0x1  }
0x15: {  	[smem:$0x3FB4] =	sst s0;
	s0 =	simm.s32 @!p2 $0x0  }
0x16: {  	s3 =	sld [smem:$0x3FDB];
	s0 =	simm.s32 @p2 $0x1  }
0x17: {  	s4 =	simm.s32 $0x1BF5;
	[smem:$0x3FB6] =	sst s0  }
0x18: {  	s0 =	sld [smem:$0x3F99];
	_ =	swait.ge [sflag:s4], $0x0  }
0x19: {  	s7 =	sld [smem:$0x3F9A]  }
0x1a: {  	s8 =	sadd.s32 $0xFFFFE003, lr  }
0x1b: {  	s9 =	sadd.s32 $0xFFFFFEF7, lr;
	s5 =	simm.s32 $0xFFFFFFFF;
	p2 =	slt.u32 s8, $0xFFFFF086  }
0x1c: {  	p1 =	slt.u32 s9, $0xF7A;
	s5 =	simm.s32 @!p2 $0x0  }
0x1d: {  	s5 =	simm.s32 @p1 $0x1;
	p0 =	seq.s32 s7, s2  }
0x1e: {  	s7 =	smul.u32 @!p0 $0xF7A, s2;
	p2 =	seq.s32 @!p0 s5, $0x0  }
0x1f: {  	s9 =	smul.u32 $0xF7A, s1;
	s8 =	simm.s32 @!p0 $0x1BF5;
	p2 =	por !p2, p0  }
0x20: {  	[sflag:s8] =	ssyncset.s32 @!p0 $0xFFFFF086;
	s6 =	sadd.s32 @!p0 s3, s7;
	s7 =	simm.s32 @!p0 $0x108  }
0x21: {  	s3 =	sadd.s32 s3, s9;
	s6 =	sadd.s32 @!p0 $0x88, s6;
	s7 =	simm.s32 @p2 $0x1082  }
0x22: {  	[simem:s7], [sflag:s8] =	dma.local @!p0 [hbm:s6], $0xF7A  }
0x23: {  	s9 =	sor.u32 $0xD0000000, s2;
	s6 =	simm.s32 $0x108;
	_ =	swait.ge @!p0 [sflag:s8], $0x0  }
0x24: {  	s3 =	sadd.s32 $0x88, s3;
	s6 =	simm.s32 @!p1 $0x1082;
	[sflag:s4] =	ssyncset.s32 $0xFFFFF086  }
0x25: {  	[simem:s6], [sflag:s4] =	dma.local [hbm:s3], $0xF7A  }
0x26: {  	[smem:$0x3F9A] =	sst s1;
	(tag) =	ssettag s2;
	_ =	strace s9  }
0x27: {  	s1 =	sld [smem:$0x3FAA]  }
0x28: {  	s2 =	sld [smem:$0x3FAB]  }
0x29: {  	s4 =	sld [smem:$0x3FAD]  }
0x2a: {  	p0 =	seq.s32 s5, $0x0;
	s5 =	sld [smem:$0x3FAE]  }
0x2b: {  	s6 =	sld [smem:$0x3FAF]  }
0x2c: {  	s7 =	sld [smem:$0x3FB0]  }
0x2d: {  	s3 =	simm.s32 $0x108;
	s8 =	sld [smem:$0x3FB1]  }
0x2e: {  	s3 =	simm.s32 @!p0 $0x1082;
	s9 =	sld [smem:$0x3FB2]  }
0x2f: {  	lr =	sadd.s32 s0, s3;
	s0 =	sld [smem:$0x3FA9]  }
0x30: {  	s3 =	sld [smem:$0x3FAC]  }
0x31: {  	[smem:$0x3FB5] =	sst s10  }
0x32: {  	s10 =	sld [smem:$0x3FB3];
	_ =	sdelay $0x3  }
0x33: {  	p0 =	seq.s32 s10, $0x1;
	s10 =	sld [smem:$0x3FB5];
	_ =	sdelay $0x3  }
0x34: {  	[smem:$0x3FB5] =	sst s10  }
0x35: {  	s10 =	sld [smem:$0x3FB4];
	_ =	sdelay $0x3  }
0x36: {  	p1 =	seq.s32 s10, $0x1;
	s10 =	sld [smem:$0x3FB5];
	_ =	sdelay $0x3  }
0x37: {  	[smem:$0x3FB5] =	sst s10  }
0x38: {  	s10 =	sld [smem:$0x3FB6]  }
0x39: {  	_ = 	snop;
	(pc) =	sbr.ind lr, $3  }
0x3a: {  	_ = 	snop  }
0x3b: {  	_ = 	snop  }
0x3c: {  	p2 =	seq.s32 s10, $0x1;
	s10 =	sld [smem:$0x3FB5]  }
0x3d: {  	_ =	shalt  }
0x3e: {  	_ =	shalt  }
0x3f: {  	_ =	shalt  }
0x40: {  	_ =	shalt  }
0x41: {  	_ =	shalt  }
0x42: {  	_ =	shalt  }
0x43: {  	_ =	shalt  }
0x44: {  	_ =	shalt  }
0x45: {  	_ =	shalt  }
0x46: {  	_ =	shalt  }
0x47: {  	_ =	shalt  }
0x48: {  	_ =	shalt  }
0x49: {  	_ =	shalt  }
0x4a: {  	_ =	shalt  }
0x4b: {  	_ =	shalt  }
0x4c: {  	_ =	shalt  }
0x4d: {  	_ =	shalt  }
0x4e: {  	_ =	shalt  }
0x4f: {  	_ =	shalt  }
0x50: {  	_ =	shalt  }
0x51: {  	_ =	shalt  }
0x52: {  	_ =	shalt  }
0x53: {  	_ =	shalt  }
0x54: {  	_ =	shalt  }
0x55: {  	_ =	shalt  }
0x56: {  	_ =	shalt  }
0x57: {  	_ =	shalt  }
0x58: {  	_ =	shalt  }
0x59: {  	_ =	shalt  }
0x5a: {  	_ =	shalt  }
0x5b: {  	_ =	shalt  }
0x5c: {  	_ =	shalt  }
0x5d: {  	_ =	shalt  }
0x5e: {  	_ =	shalt  }
0x5f: {  	_ =	shalt  }
0x60: {  	_ =	shalt  }
0x61: {  	_ =	shalt  }
0x62: {  	_ =	shalt  }
0x63: {  	_ =	shalt  }
0x64: {  	_ =	shalt  }
0x65: {  	_ =	shalt  }
0x66: {  	_ =	shalt  }
0x67: {  	_ =	shalt  }
0x68: {  	_ =	shalt  }
0x69: {  	_ =	shalt  }
0x6a: {  	_ =	shalt  }
0x6b: {  	_ =	shalt  }
0x6c: {  	_ =	shalt  }
0x6d: {  	_ =	shalt  }
0x6e: {  	_ =	shalt  }
0x6f: {  	_ =	shalt  }
0x70: {  	_ =	shalt  }
0x71: {  	_ =	shalt  }
0x72: {  	_ =	shalt  }
0x73: {  	_ =	shalt  }
0x74: {  	_ =	shalt  }
0x75: {  	_ =	shalt  }
0x76: {  	_ =	shalt  }
0x77: {  	_ =	shalt  }
0x78: {  	_ =	shalt  }
0x79: {  	_ =	shalt  }
0x7a: {  	_ =	shalt  }
0x7b: {  	_ =	shalt  }
0x7c: {  	_ =	shalt  }
0x7d: {  	_ =	shalt  }
0x7e: {  	_ =	shalt  }
0x7f: {  	_ =	shalt  }
0x80: {  	_ =	shalt  }
0x81: {  	_ =	shalt  }
0x82: {  	_ =	shalt  }
0x83: {  	_ =	shalt  }
0x84: {  	_ =	shalt  }
0x85: {  	_ =	shalt  }
0x86: {  	_ =	shalt  }
0x87: {  	_ =	shalt  }
.Lfunc_end0:
.L_simem_size_0:
called_computation.3_lowered:
.L_overlay_start_0:
0x88: {  	s2 =	sld [smem:$0x3FD9]  }
0x89: {  	s3 =	sld [smem:$0x3FFE];
	_ =	sdelay $0x1  }
0x8a: {  	s1 =	srdreg.scid  }
0x8b: {  	s0 =	sand.u32 $0x1, s1  }
0x8c: {  	s14 =	sshll.u32 s0, $0xA;
	s2 =	sadd.s32 s3, s2  }
0x8d: {  	s2 =	sadd.s32 s2, s14  }
0x8e: {  	[smem:$0x3FC1] =	sst s2  }
0x8f: {  	_ = 	snop  }
0x90: {  	s2 =	sld [smem:$0x3FD0];
	_ =	sdelay $0x2  }
0x91: {  	s15 =	simm.s32 $0xA;
	s4 =	simm.s32 $0x10  }
0x92: {  	[smem:s4], [sflag:s15] =	dma.local [hbm:s2], $0x1  }
0x93: {  	_ =	swait.eq [sflag:s15], $0x1  }
0x94: {  	[sflag:s15] =	ssyncset.done $0x0  }
0x95: {  	[sflag:s15] =	ssyncadd.s32 $0xFFFFFFFF  }
0x96: {  	s16 =	sld [smem:$0x12];
	(tm) =	ssettm $0x1  }
0x97: {  	s17 =	sld [smem:$0x3FFB];
	_ =	sdelay $0x3  }
0x98: {  	_ =	strace s17  }
0x99: {  	s3 =	sld [smem:$0x3FFC];
	_ =	sdelay $0x3  }
0x9a: {  	_ =	strace s3  }
0x9b: {  	s3 =	sld [smem:$0x3FFD];
	_ =	sdelay $0x3  }
0x9c: {  	_ =	strace s3  }
0x9d: {  	_ =	strace $0x8FFFFFFF  }
0x9e: {  	s18 =	sld [smem:$0x3FDB];
	_ =	sdelay $0x1  }
0x9f: {  	s19 =	simm.s32 $_scs_section_size  }
0xa0: {  	s5 =	simm.s32 $_size__tile_overlayer_lowered;
	s6 =	simm.s32 $_tile_overlayer_lowered  }
0xa1: {  	s22 =	simm.s32 $0x1BFF;
	s21 =	sshll.u32 s6, $0x1;
	s3 =	sadd.s32 s19, s18  }
0xa2: {  	s7 =	simm.s32 $0x0;
	s20 =	sshll.u32 s5, $0x1;
	s5 =	sadd.s32 s21, s3  }
0xa3: {  	[timem:s7], [sflag:s22] =	dma.local [hbm:s5], s20  }
0xa4: {  	_ =	swait.ge [sflag:s22], s20  }
0xa5: {  	s4 =	ssub.s32 $0x0, s20;
	[sflag:s22] =	ssyncset.done $0x0  }
0xa6: {  	[sflag:s22] =	ssyncadd.s32 s4;
	_ =	sdelay $0x1  }
0xa7: {  	s23 =	simm.s32 $0x1B8B  }
0xa8: {  	_ =	swait.ge [sflag:s23], $0x1  }
0xa9: {  	[sflag:s23] =	ssyncset.done $0x0  }
0xaa: {  	s25 =	simm.s32 $0x1B8E;
	s24 =	sld [smem:$0x3FFE];
	[sflag:s23] =	ssyncadd.s32 $0xFFFFFFFF  }
0xab: {  	s26 =	simm.s32 $execute0_lowered;
	[smem:$0x3FD2] =	sst s25  }
0xac: {  	s5 =	sshll.u32 s26, $0x1;
	_ =	strace $0x8000004F;
	[dreg:$0x1] =	wrdreg $0xFFFFFFFF  }
0xad: {  	s28 =	simm.s32 $_size_execute0_lowered;
	s3 =	sadd.s32 s3, s5;
	[dreg:$0x0] =	wrdreg $0x0  }
0xae: {  	s5 =	sshll.u32 s28, $0x1;
	[dreg:$0x2] =	wrdreg s3  }
0xaf: {  	[dreg:$0x3] =	wrdreg s5  }
0xb0: {  	[dreg:$0x4] =	wrdreg $0xC0  }
0xb1: {  	_ =	task [dreg:s7], $0x5FFFF  }
0xb2: {  	[dreg:$0x1] =	wrdreg $0xFFFFFFFF  }
0xb3: {  	[dreg:$0x0] =	wrdreg $0x60  }
0xb4: {  	[dreg:$0x2] =	wrdreg s24  }
0xb5: {  	[dreg:$0x3] =	wrdreg s16  }
0xb6: {  	[dreg:$0x4] =	wrdreg $0x9  }
0xb7: {  	_ =	task.clear_ibuf [dreg:s7], $0x5FFFF;
	_ =	strace $0x9000004F  }
0xb8: {  	s29 =	simm.s32 $0x9;
	_ =	strace $0x80000051  }
0xb9: {  	_ =	swait.ge [sflag:s29], $0x1  }
0xba: {  	[sflag:s29] =	ssyncadd.s32 $0xFFFFFFFF  }
0xbb: {  	_ =	strace $0x90000051  }
0xbc: {  	_ =	sfence  }
0xbd: {  	s30 =	sld [smem:$0x0];
	_ =	sdelay $0x2  }
0xbe: {  	s31 =	sshll.u32 s1, $0xD;
	s1 =	sshrl.u32 s1, $0x2  }
0xbf: {  	s3 =	sand.u32 $0x4000, s31;
	s1 =	sadd.s32 s1, s30  }
0xc0: {  	s0 =	sor.u32 s3, s0;
	s1 =	sshll.u32 s1, $0x11  }
0xc1: {  	s0 =	sor.u32 s1, s0  }
0xc2: {  	s0 =	sadd.s32 $0x8F2B, s0  }
0xc3: {  	[sflag:s0] =	ssyncadd.remote.s32 $0x1  }
0xc4: {  	_ =	sfence.sel $0xFFFF  }
0xc5: {  	[dreg:$0x0] =	wrdreg $0xFFFFFFFF;
	(pc) =	sbr.abs _section_cstart, $3  }
0xc6: {  	[dreg:$0x1] =	wrdreg $0xFFFFFFFF  }
0xc7: {  	_ =	task.clear_ibuf [dreg:s7], $0x2FFFF;
	_ =	strace $0x9FFFFFFF  }
0xc8: {  	(tm) =	ssettm $0x7FFFFFFF  }
0xc9: {  	_ =	shalt  }
tec
execute0_lowered:
.L_overlay_start_1:
0x0: {  	(tag) =	ssettag $0x1  }
0x1: {  	s1 =	srdreg.scid;
	s0 =	stileid.u32  }
0x2: {  	s3 =	rddreg [dreg:$0x0];
	s1 =	sand.u32 $0x1, s1;
	s2 =	sshll.u32 s0, $0x1  }
0x3: {  	s5 =	rddreg [dreg:$0x1];
	s4 =	sor.u32 s1, s2;
	s2 =	simm.s32 $0x0  }
0x4: {  	s13 =	simm.s32 $0x80;
	[smem:$0x7FF] =	sst s2  }
0x5: {  	s14 =	simm.s32 $0x100;
	_ =	strace $0x80000050;
	[dreg:$0x9] =	wrdreg s13  }
0x6: {  	s15 =	simm.s32 $0xA00;
	[dreg:$0xa] =	wrdreg s14  }
0x7: {  	s16 =	simm.s32 $0x1200;
	[dreg:$0xb] =	wrdreg s15  }
0x8: {  	s17 =	simm.s32 $0x1A00;
	s18 =	simm.s32 $0x2200;
	[dreg:$0xc] =	wrdreg s16  }
0x9: {  	s19 =	simm.s32 $0x2A00;
	s20 =	simm.s32 $0x3200;
	[dreg:$0xd] =	wrdreg s17  }
0xa: {  	s21 =	simm.s32 $0x3A00;
	s23 =	simm.s32 $0x4200;
	[dreg:$0xe] =	wrdreg s18  }
0xb: {  	s24 =	simm.s32 $0x4A00;
	s25 =	simm.s32 $0x5200;
	[dreg:$0xf] =	wrdreg s19  }
0xc: {  	s26 =	simm.s32 $0x5A00;
	s28 =	simm.s32 $0x10200;
	[dreg:$0x10] =	wrdreg s20  }
0xd: {  	s29 =	simm.s32 $0x10A00;
	s30 =	simm.s32 $0x11200;
	[dreg:$0x11] =	wrdreg s21  }
0xe: {  	s31 =	simm.s32 $0x11A00;
	s10 =	sadd.s32 $0x179600, s3;
	[dreg:$0x12] =	wrdreg s23  }
0xf: {  	s3 =	sadd.s32 $0x85400, s3;
	s1 =	ssub.s32 $0x2, s1;
	[dreg:$0x13] =	wrdreg s24  }
0x10: {  	s6 =	smul.u32 $0x120, s4;
	s22 =	sshrl.u32 s1, $0x1;
	[dreg:$0x14] =	wrdreg s25  }
0x11: {  	s4 =	smul.u32 $0x2400, s4;
	s1 =	ssub.s32 s1, s22;
	[dreg:$0x15] =	wrdreg s26  }
0x12: {  	s13 =	simm.s32 $0x9200;
	s14 =	simm.s32 $0x9A00;
	s15 =	simm.s32 $0xA200  }
0x13: {  	s16 =	simm.s32 $0xAA00;
	s17 =	simm.s32 $0xB200;
	s18 =	simm.s32 $0xBA00  }
0x14: {  	s19 =	simm.s32 $0xC200;
	s20 =	simm.s32 $0xCA00;
	s21 =	simm.s32 $0xD200  }
0x15: {  	s22 =	simm.s32 $0xDA00;
	s23 =	simm.s32 $0xE200;
	s24 =	simm.s32 $0xEA00  }
0x16: {  	s25 =	simm.s32 $0xF200;
	s26 =	simm.s32 $0xFA00;
	s7 =	sshrl.u32 s6, $0x3  }
0x17: {  	s8 =	sadd.s32 $0x60, s6;
	s6 =	sadd.s32 $0xC0, s6;
	s4 =	sadd.s32 s10, s4  }
0x18: {  	s7 =	sadd.s32 s5, s7;
	s0 =	sshrl.u32 s8, $0x3;
	s9 =	sshrl.u32 s6, $0x3  }
0x19: {  	s8 =	sshll.u32 s8, $0x5;
	[dreg:$0x6] =	wrdreg s4;
	s11 =	sshll.u32 s6, $0x5  }
0x1a: {  	s4 =	smax.u32 s1, $0x1;
	[dreg:$0x3] =	wrdreg s7;
	s7 =	sadd.s32 s5, s0  }
0x1b: {  	s6 =	simm.s32 $0x200;
	s5 =	sadd.s32 s5, s9;
	[dreg:$0x4] =	wrdreg s7  }
0x1c: {  	s1 =	simm.s32 $0x1;
	s9 =	sadd.s32 s10, s8;
	[dreg:$0x5] =	wrdreg s5  }
0x1d: {  	v2 =	vlaneseq.u32;
	s12 =	sadd.s32 s10, s11;
	s10 =	simm.s32 $0x7A00;
	[dreg:$0x7] =	wrdreg s9  }
0x1e: {  	vm0 =	vmmov $0xffff;
	v1 =	vshrl.u32 v2, $0x3;
	s11 =	simm.s32 $0x8200;
	[dreg:$0x8] =	wrdreg s12;
	s5 =	simm.s32 $0x2  }
0x1f: {  	v0 =	vand.u32 $0x7, v2;
	v2 =	vor.u32 $0x8, v2;
	v1 =	vmul.u32 $0x8, v1;
	s7 =	simm.s32 $0x6200;
	s9 =	simm.s32 $0x7200;
	s12 =	simm.s32 $0x8A00  }
.LBB2_1:
0x20: {  	s0 =	rddreg [dreg:$0x3]  }
0x21: {  	[tilespmem:s2], [sflag:$0x2] =	stream.linear.gather [hbm4b:s0+s2], $0x60, $0x38;
	[tilespmem:$0x12200] =	vst v63  }
0x22: {  	_ =	swait.ge [sflag:s5], $0x60  }
0x23: {  	s0 =	rddreg [dreg:$0x4];
	[sflag:s5] =	ssyncset.done $0x0  }
0x24: {  	s8 =	rddreg [dreg:$0x9];
	[sflag:s5] =	ssyncadd.s32 $0xFFFFFFA0  }
0x25: {  	[tilespmem:s8], [sflag:$0x2] =	stream.linear.gather [hbm4b:s0+s2], $0x60, $0x38;
	[tilespmem:$0x12200] =	vst v63  }
0x26: {  	_ =	swait.ge [sflag:s5], $0x60  }
0x27: {  	s0 =	rddreg [dreg:$0x5];
	[sflag:s5] =	ssyncset.done $0x0  }
0x28: {  	s8 =	rddreg [dreg:$0xa];
	[sflag:s5] =	ssyncadd.s32 $0xFFFFFFA0  }
0x29: {  	[tilespmem:s8], [sflag:$0x2] =	stream.linear.gather [hbm4b:s0+s2], $0x60, $0x38;
	[tilespmem:$0x12200] =	vst v63  }
0x2a: {  	_ =	swait.ge [sflag:s5], $0x60  }
0x2b: {  	[sflag:s5] =	ssyncset.done $0x0  }
0x2c: {  	[sflag:s5] =	ssyncadd.s32 $0xFFFFFFA0  }
0x2d: {  	v3 =	vld [tilespmem:$0x0];
	_ =	sdelay $0x4  }
0x2e: {  	v4 =	vshll.u32 v3, $0x1  }
0x2f: {  	v3 =	vand.u32 $0x7, v3;
	v4 =	vand.u32 $0xFFFFFFF0, v4  }
0x30: {  	v3 =	vor.u32 v3, v4  }
0x31: {  	v4 =	vperm.xlane v3, v0;
	_ =	sdelay $0x1  }
0x32: {  	v3 =	vperm.xlane v3, v2;
	v4 =	vadd.s32 v1, v4;
	_ =	sdelay $0x1  }
0x33: {  	v3 =	vadd.s32 v1, v3;
	_ =	sdelay $0x2  }
0x34: {  	[tilespmem:s6], [sflag:$0x1] =	stream.indirect_vreg.gather [hbm4b:s3+s2], $0x80, v4, vm0, $0xb8;
	[tilespmem:$0x12200] =	vst v63  }
0x35: {  	s8 =	rddreg [dreg:$0xb]  }
0x36: {  	[tilespmem:s8], [sflag:$0x1] =	stream.indirect_vreg.gather [hbm4b:s3+s2], $0x80, v3, vm0, $0xb8;
	[tilespmem:$0x12200] =	vst v63  }
0x37: {  	v3 =	vld [tilespmem:$0x10];
	_ =	sdelay $0x4  }
0x38: {  	v47 =	vshll.u32 v3, $0x1  }
0x39: {  	v3 =	vand.u32 $0x7, v3;
	v4 =	vand.u32 $0xFFFFFFF0, v47  }
0x3a: {  	v3 =	vor.u32 v3, v4  }
0x3b: {  	v4 =	vperm.xlane v3, v0;
	_ =	sdelay $0x1  }
0x3c: {  	v3 =	vperm.xlane v3, v2;
	v4 =	vadd.s32 v1, v4;
	_ =	sdelay $0x1  }
0x3d: {  	v3 =	vadd.s32 v1, v3;
	_ =	sdelay $0x1  }
0x3e: {  	s0 =	rddreg [dreg:$0xc]  }
0x3f: {  	[tilespmem:s0], [sflag:$0x1] =	stream.indirect_vreg.gather [hbm4b:s3+s2], $0x80, v4, vm0, $0xb8;
	[tilespmem:$0x12200] =	vst v63  }
0x40: {  	s8 =	rddreg [dreg:$0xd]  }
0x41: {  	[tilespmem:s8], [sflag:$0x1] =	stream.indirect_vreg.gather [hbm4b:s3+s2], $0x80, v3, vm0, $0xb8;
	[tilespmem:$0x12200] =	vst v63  }
0x42: {  	v3 =	vld [tilespmem:$0x20];
	_ =	sdelay $0x4  }
0x43: {  	v48 =	vshll.u32 v3, $0x1  }
0x44: {  	v3 =	vand.u32 $0x7, v3;
	v4 =	vand.u32 $0xFFFFFFF0, v48  }
0x45: {  	v3 =	vor.u32 v3, v4  }
0x46: {  	v4 =	vperm.xlane v3, v0;
	_ =	sdelay $0x1  }
0x47: {  	v3 =	vperm.xlane v3, v2;
	v4 =	vadd.s32 v1, v4;
	_ =	sdelay $0x1  }
0x48: {  	v3 =	vadd.s32 v1, v3;
	_ =	sdelay $0x1  }
0x49: {  	s0 =	rddreg [dreg:$0xe]  }
0x4a: {  	[tilespmem:s0], [sflag:$0x1] =	stream.indirect_vreg.gather [hbm4b:s3+s2], $0x80, v4, vm0, $0xb8;
	[tilespmem:$0x12200] =	vst v63  }
0x4b: {  	s8 =	rddreg [dreg:$0xf]  }
0x4c: {  	[tilespmem:s8], [sflag:$0x1] =	stream.indirect_vreg.gather [hbm4b:s3+s2], $0x80, v3, vm0, $0xb8;
	[tilespmem:$0x12200] =	vst v63  }
0x4d: {  	v3 =	vld [tilespmem:$0x30];
	_ =	sdelay $0x4  }
0x4e: {  	v49 =	vshll.u32 v3, $0x1  }
0x4f: {  	v3 =	vand.u32 $0x7, v3;
	v4 =	vand.u32 $0xFFFFFFF0, v49  }
0x50: {  	v3 =	vor.u32 v3, v4  }
0x51: {  	v4 =	vperm.xlane v3, v0;
	_ =	sdelay $0x1  }
0x52: {  	v3 =	vperm.xlane v3, v2;
	v4 =	vadd.s32 v1, v4;
	_ =	sdelay $0x1  }
0x53: {  	v3 =	vadd.s32 v1, v3;
	_ =	sdelay $0x1  }
0x54: {  	s0 =	rddreg [dreg:$0x10]  }
0x55: {  	[tilespmem:s0], [sflag:$0x1] =	stream.indirect_vreg.gather [hbm4b:s3+s2], $0x80, v4, vm0, $0xb8;
	[tilespmem:$0x12200] =	vst v63  }
0x56: {  	s8 =	rddreg [dreg:$0x11]  }
0x57: {  	[tilespmem:s8], [sflag:$0x1] =	stream.indirect_vreg.gather [hbm4b:s3+s2], $0x80, v3, vm0, $0xb8;
	[tilespmem:$0x12200] =	vst v63  }
0x58: {  	v3 =	vld [tilespmem:$0x40];
	_ =	sdelay $0x4  }
0x59: {  	v50 =	vshll.u32 v3, $0x1  }
0x5a: {  	v3 =	vand.u32 $0x7, v3;
	v4 =	vand.u32 $0xFFFFFFF0, v50  }
0x5b: {  	v3 =	vor.u32 v3, v4  }
0x5c: {  	v4 =	vperm.xlane v3, v0;
	_ =	sdelay $0x1  }
0x5d: {  	v3 =	vperm.xlane v3, v2;
	v4 =	vadd.s32 v1, v4;
	_ =	sdelay $0x1  }
0x5e: {  	v3 =	vadd.s32 v1, v3;
	_ =	sdelay $0x1  }
0x5f: {  	s0 =	rddreg [dreg:$0x12]  }
0x60: {  	[tilespmem:s0], [sflag:$0x1] =	stream.indirect_vreg.gather [hbm4b:s3+s2], $0x80, v4, vm0, $0xb8;
	[tilespmem:$0x12200] =	vst v63  }
0x61: {  	s8 =	rddreg [dreg:$0x13]  }
0x62: {  	[tilespmem:s8], [sflag:$0x1] =	stream.indirect_vreg.gather [hbm4b:s3+s2], $0x80, v3, vm0, $0xb8;
	[tilespmem:$0x12200] =	vst v63  }
0x63: {  	v3 =	vld [tilespmem:$0x50];
	_ =	sdelay $0x4  }
0x64: {  	v51 =	vshll.u32 v3, $0x1  }
0x65: {  	v3 =	vand.u32 $0x7, v3;
	v4 =	vand.u32 $0xFFFFFFF0, v51  }
0x66: {  	v3 =	vor.u32 v3, v4  }
0x67: {  	v4 =	vperm.xlane v3, v0;
	_ =	sdelay $0x1  }
0x68: {  	v3 =	vperm.xlane v3, v2;
	v4 =	vadd.s32 v1, v4;
	_ =	sdelay $0x1  }
0x69: {  	v3 =	vadd.s32 v1, v3;
	_ =	sdelay $0x1  }
0x6a: {  	s0 =	rddreg [dreg:$0x14]  }
0x6b: {  	[tilespmem:s0], [sflag:$0x1] =	stream.indirect_vreg.gather [hbm4b:s3+s2], $0x80, v4, vm0, $0xb8;
	[tilespmem:$0x12200] =	vst v63  }
0x6c: {  	s8 =	rddreg [dreg:$0x15]  }
0x6d: {  	[tilespmem:s8], [sflag:$0x1] =	stream.indirect_vreg.gather [hbm4b:s3+s2], $0x80, v3, vm0, $0xb8;
	[tilespmem:$0x12200] =	vst v63  }
0x6e: {  	v3 =	vld [tilespmem:$0x80];
	_ =	sdelay $0x4  }
0x6f: {  	v52 =	vshll.u32 v3, $0x1  }
0x70: {  	v3 =	vand.u32 $0x7, v3;
	v4 =	vand.u32 $0xFFFFFFF0, v52  }
0x71: {  	v3 =	vor.u32 v3, v4  }
0x72: {  	v4 =	vperm.xlane v3, v0;
	_ =	sdelay $0x1  }
0x73: {  	v3 =	vperm.xlane v3, v2;
	v4 =	vadd.s32 v1, v4;
	_ =	sdelay $0x1  }
0x74: {  	v3 =	vadd.s32 v1, v3;
	_ =	sdelay $0x2  }
0x75: {  	[tilespmem:s7], [sflag:$0x1] =	stream.indirect_vreg.gather [hbm4b:s3+s2], $0x80, v4, vm0, $0xb8;
	[tilespmem:$0x12200] =	vst v63  }
0x76: {  	s8 =	simm.s32 $0x6A00  }
0x77: {  	[tilespmem:s8], [sflag:$0x1] =	stream.indirect_vreg.gather [hbm4b:s3+s2], $0x80, v3, vm0, $0xb8;
	[tilespmem:$0x12200] =	vst v63  }
0x78: {  	v3 =	vld [tilespmem:$0x90];
	_ =	sdelay $0x4  }
0x79: {  	v53 =	vshll.u32 v3, $0x1  }
0x7a: {  	v3 =	vand.u32 $0x7, v3;
	v4 =	vand.u32 $0xFFFFFFF0, v53  }
0x7b: {  	v3 =	vor.u32 v3, v4  }
0x7c: {  	v4 =	vperm.xlane v3, v0;
	_ =	sdelay $0x1  }
0x7d: {  	v3 =	vperm.xlane v3, v2;
	v4 =	vadd.s32 v1, v4;
	_ =	sdelay $0x1  }
0x7e: {  	v3 =	vadd.s32 v1, v3;
	_ =	sdelay $0x2  }
0x7f: {  	[tilespmem:s9], [sflag:$0x1] =	stream.indirect_vreg.gather [hbm4b:s3+s2], $0x80, v4, vm0, $0xb8;
	[tilespmem:$0x12200] =	vst v63  }
0x80: {  	_ = 	snop  }
0x81: {  	[tilespmem:s10], [sflag:$0x1] =	stream.indirect_vreg.gather [hbm4b:s3+s2], $0x80, v3, vm0, $0xb8;
	[tilespmem:$0x12200] =	vst v63  }
0x82: {  	v3 =	vld [tilespmem:$0xA0];
	_ =	sdelay $0x4  }
0x83: {  	v54 =	vshll.u32 v3, $0x1  }
0x84: {  	v3 =	vand.u32 $0x7, v3;
	v4 =	vand.u32 $0xFFFFFFF0, v54  }
0x85: {  	v3 =	vor.u32 v3, v4  }
0x86: {  	v4 =	vperm.xlane v3, v0;
	_ =	sdelay $0x1  }
0x87: {  	v3 =	vperm.xlane v3, v2;
	v4 =	vadd.s32 v1, v4;
	_ =	sdelay $0x1  }
0x88: {  	v3 =	vadd.s32 v1, v3;
	_ =	sdelay $0x2  }
0x89: {  	[tilespmem:s11], [sflag:$0x1] =	stream.indirect_vreg.gather [hbm4b:s3+s2], $0x80, v4, vm0, $0xb8;
	[tilespmem:$0x12200] =	vst v63  }
0x8a: {  	_ = 	snop  }
0x8b: {  	[tilespmem:s12], [sflag:$0x1] =	stream.indirect_vreg.gather [hbm4b:s3+s2], $0x80, v3, vm0, $0xb8;
	[tilespmem:$0x12200] =	vst v63  }
0x8c: {  	v3 =	vld [tilespmem:$0xB0];
	_ =	sdelay $0x4  }
0x8d: {  	v55 =	vshll.u32 v3, $0x1  }
0x8e: {  	v3 =	vand.u32 $0x7, v3;
	v4 =	vand.u32 $0xFFFFFFF0, v55  }
0x8f: {  	v3 =	vor.u32 v3, v4  }
0x90: {  	v4 =	vperm.xlane v3, v0;
	_ =	sdelay $0x1  }
0x91: {  	v3 =	vperm.xlane v3, v2;
	v4 =	vadd.s32 v1, v4;
	_ =	sdelay $0x1  }
0x92: {  	v3 =	vadd.s32 v1, v3;
	_ =	sdelay $0x2  }
0x93: {  	[tilespmem:s13], [sflag:$0x1] =	stream.indirect_vreg.gather [hbm4b:s3+s2], $0x80, v4, vm0, $0xb8;
	[tilespmem:$0x12200] =	vst v63  }
0x94: {  	_ = 	snop  }
0x95: {  	[tilespmem:s14], [sflag:$0x1] =	stream.indirect_vreg.gather [hbm4b:s3+s2], $0x80, v3, vm0, $0xb8;
	[tilespmem:$0x12200] =	vst v63  }
0x96: {  	v3 =	vld [tilespmem:$0xC0];
	_ =	sdelay $0x4  }
0x97: {  	v56 =	vshll.u32 v3, $0x1  }
0x98: {  	v3 =	vand.u32 $0x7, v3;
	v4 =	vand.u32 $0xFFFFFFF0, v56  }
0x99: {  	v3 =	vor.u32 v3, v4  }
0x9a: {  	v4 =	vperm.xlane v3, v0;
	_ =	sdelay $0x1  }
0x9b: {  	v3 =	vperm.xlane v3, v2;
	v4 =	vadd.s32 v1, v4;
	_ =	sdelay $0x1  }
0x9c: {  	v3 =	vadd.s32 v1, v3;
	_ =	sdelay $0x2  }
0x9d: {  	[tilespmem:s15], [sflag:$0x1] =	stream.indirect_vreg.gather [hbm4b:s3+s2], $0x80, v4, vm0, $0xb8;
	[tilespmem:$0x12200] =	vst v63  }
0x9e: {  	_ = 	snop  }
0x9f: {  	[tilespmem:s16], [sflag:$0x1] =	stream.indirect_vreg.gather [hbm4b:s3+s2], $0x80, v3, vm0, $0xb8;
	[tilespmem:$0x12200] =	vst v63  }
0xa0: {  	v3 =	vld [tilespmem:$0xD0];
	_ =	sdelay $0x4  }
0xa1: {  	v57 =	vshll.u32 v3, $0x1  }
0xa2: {  	v3 =	vand.u32 $0x7, v3;
	v4 =	vand.u32 $0xFFFFFFF0, v57  }
0xa3: {  	v3 =	vor.u32 v3, v4  }
0xa4: {  	v4 =	vperm.xlane v3, v0;
	_ =	sdelay $0x1  }
0xa5: {  	v3 =	vperm.xlane v3, v2;
	v4 =	vadd.s32 v1, v4;
	_ =	sdelay $0x1  }
0xa6: {  	v3 =	vadd.s32 v1, v3;
	_ =	sdelay $0x2  }
0xa7: {  	[tilespmem:s17], [sflag:$0x1] =	stream.indirect_vreg.gather [hbm4b:s3+s2], $0x80, v4, vm0, $0xb8;
	[tilespmem:$0x12200] =	vst v63  }
0xa8: {  	_ = 	snop  }
0xa9: {  	[tilespmem:s18], [sflag:$0x1] =	stream.indirect_vreg.gather [hbm4b:s3+s2], $0x80, v3, vm0, $0xb8;
	[tilespmem:$0x12200] =	vst v63  }
0xaa: {  	v3 =	vld [tilespmem:$0x100];
	_ =	sdelay $0x4  }
0xab: {  	v58 =	vshll.u32 v3, $0x1  }
0xac: {  	v3 =	vand.u32 $0x7, v3;
	v4 =	vand.u32 $0xFFFFFFF0, v58  }
0xad: {  	v3 =	vor.u32 v3, v4  }
0xae: {  	v4 =	vperm.xlane v3, v0;
	_ =	sdelay $0x1  }
0xaf: {  	v3 =	vperm.xlane v3, v2;
	v4 =	vadd.s32 v1, v4;
	_ =	sdelay $0x1  }
0xb0: {  	v3 =	vadd.s32 v1, v3;
	_ =	sdelay $0x2  }
0xb1: {  	[tilespmem:s19], [sflag:$0x1] =	stream.indirect_vreg.gather [hbm4b:s3+s2], $0x80, v4, vm0, $0xb8;
	[tilespmem:$0x12200] =	vst v63  }
0xb2: {  	_ = 	snop  }
0xb3: {  	[tilespmem:s20], [sflag:$0x1] =	stream.indirect_vreg.gather [hbm4b:s3+s2], $0x80, v3, vm0, $0xb8;
	[tilespmem:$0x12200] =	vst v63  }
0xb4: {  	v3 =	vld [tilespmem:$0x110];
	_ =	sdelay $0x4  }
0xb5: {  	v59 =	vshll.u32 v3, $0x1  }
0xb6: {  	v3 =	vand.u32 $0x7, v3;
	v4 =	vand.u32 $0xFFFFFFF0, v59  }
0xb7: {  	v3 =	vor.u32 v3, v4  }
0xb8: {  	v4 =	vperm.xlane v3, v0;
	_ =	sdelay $0x1  }
0xb9: {  	v3 =	vperm.xlane v3, v2;
	v4 =	vadd.s32 v1, v4;
	_ =	sdelay $0x1  }
0xba: {  	v3 =	vadd.s32 v1, v3;
	_ =	sdelay $0x2  }
0xbb: {  	[tilespmem:s21], [sflag:$0x1] =	stream.indirect_vreg.gather [hbm4b:s3+s2], $0x80, v4, vm0, $0xb8;
	[tilespmem:$0x12200] =	vst v63  }
0xbc: {  	_ = 	snop  }
0xbd: {  	[tilespmem:s22], [sflag:$0x1] =	stream.indirect_vreg.gather [hbm4b:s3+s2], $0x80, v3, vm0, $0xb8;
	[tilespmem:$0x12200] =	vst v63  }
0xbe: {  	v3 =	vld [tilespmem:$0x120];
	_ =	sdelay $0x4  }
0xbf: {  	v60 =	vshll.u32 v3, $0x1  }
0xc0: {  	v3 =	vand.u32 $0x7, v3;
	v4 =	vand.u32 $0xFFFFFFF0, v60  }
0xc1: {  	v3 =	vor.u32 v3, v4  }
0xc2: {  	v4 =	vperm.xlane v3, v0;
	_ =	sdelay $0x1  }
0xc3: {  	v3 =	vperm.xlane v3, v2;
	v4 =	vadd.s32 v1, v4;
	_ =	sdelay $0x1  }
0xc4: {  	v3 =	vadd.s32 v1, v3;
	_ =	sdelay $0x2  }
0xc5: {  	[tilespmem:s23], [sflag:$0x1] =	stream.indirect_vreg.gather [hbm4b:s3+s2], $0x80, v4, vm0, $0xb8;
	[tilespmem:$0x12200] =	vst v63  }
0xc6: {  	_ = 	snop  }
0xc7: {  	[tilespmem:s24], [sflag:$0x1] =	stream.indirect_vreg.gather [hbm4b:s3+s2], $0x80, v3, vm0, $0xb8;
	[tilespmem:$0x12200] =	vst v63  }
0xc8: {  	v3 =	vld [tilespmem:$0x130];
	_ =	sdelay $0x4  }
0xc9: {  	v61 =	vshll.u32 v3, $0x1  }
0xca: {  	v3 =	vand.u32 $0x7, v3;
	v4 =	vand.u32 $0xFFFFFFF0, v61  }
0xcb: {  	v3 =	vor.u32 v3, v4  }
0xcc: {  	v4 =	vperm.xlane v3, v0;
	_ =	sdelay $0x1  }
0xcd: {  	v3 =	vperm.xlane v3, v2;
	v4 =	vadd.s32 v1, v4;
	_ =	sdelay $0x1  }
0xce: {  	v3 =	vadd.s32 v1, v3;
	_ =	sdelay $0x2  }
0xcf: {  	[tilespmem:s25], [sflag:$0x1] =	stream.indirect_vreg.gather [hbm4b:s3+s2], $0x80, v4, vm0, $0xb8;
	[tilespmem:$0x12200] =	vst v63  }
0xd0: {  	_ = 	snop  }
0xd1: {  	[tilespmem:s26], [sflag:$0x1] =	stream.indirect_vreg.gather [hbm4b:s3+s2], $0x80, v3, vm0, $0xb8;
	[tilespmem:$0x12200] =	vst v63  }
0xd2: {  	v3 =	vld [tilespmem:$0x140];
	_ =	sdelay $0x4  }
0xd3: {  	v62 =	vshll.u32 v3, $0x1  }
0xd4: {  	v3 =	vand.u32 $0x7, v3;
	v4 =	vand.u32 $0xFFFFFFF0, v62  }
0xd5: {  	v3 =	vor.u32 v3, v4  }
0xd6: {  	v4 =	vperm.xlane v3, v0;
	_ =	sdelay $0x1  }
0xd7: {  	v3 =	vperm.xlane v3, v2;
	v4 =	vadd.s32 v1, v4;
	_ =	sdelay $0x1  }
0xd8: {  	v3 =	vadd.s32 v1, v3;
	_ =	sdelay $0x2  }
0xd9: {  	[tilespmem:s28], [sflag:$0x1] =	stream.indirect_vreg.gather [hbm4b:s3+s2], $0x80, v4, vm0, $0xb8;
	[tilespmem:$0x12200] =	vst v63  }
0xda: {  	_ = 	snop  }
0xdb: {  	[tilespmem:s29], [sflag:$0x1] =	stream.indirect_vreg.gather [hbm4b:s3+s2], $0x80, v3, vm0, $0xb8;
	[tilespmem:$0x12200] =	vst v63  }
0xdc: {  	v3 =	vld [tilespmem:$0x150];
	_ =	sdelay $0x4  }
0xdd: {  	v63 =	vshll.u32 v3, $0x1  }
0xde: {  	v3 =	vand.u32 $0x7, v3;
	v4 =	vand.u32 $0xFFFFFFF0, v63  }
0xdf: {  	v3 =	vor.u32 v3, v4  }
0xe0: {  	v4 =	vperm.xlane v3, v0;
	_ =	sdelay $0x1  }
0xe1: {  	v3 =	vperm.xlane v3, v2;
	v4 =	vadd.s32 v1, v4;
	_ =	sdelay $0x1  }
0xe2: {  	v3 =	vadd.s32 v1, v3;
	_ =	sdelay $0x2  }
0xe3: {  	[tilespmem:s30], [sflag:$0x1] =	stream.indirect_vreg.gather [hbm4b:s3+s2], $0x80, v4, vm0, $0xb8;
	[tilespmem:$0x12200] =	vst v63  }
0xe4: {  	_ = 	snop  }
0xe5: {  	[tilespmem:s31], [sflag:$0x1] =	stream.indirect_vreg.gather [hbm4b:s3+s2], $0x80, v3, vm0, $0xb8;
	[tilespmem:$0x12200] =	vst v63  }
0xe6: {  	_ =	swait.ge [sflag:s1], $0x6000  }
0xe7: {  	[sflag:s1] =	ssyncset.done $0x0  }
0xe8: {  	[sflag:s1] =	ssyncadd.s32 $0xFFFFA000  }
0xe9: {  	_ =	swait.ge [sflag:s1], $0x6000  }
0xea: {  	[sflag:s1] =	ssyncset.done $0x0  }
0xeb: {  	[sflag:s1] =	ssyncadd.s32 $0xFFFFA000  }
0xec: {  	_ =	swait.ge [sflag:s1], $0x6000  }
0xed: {  	[sflag:s1] =	ssyncset.done $0x0  }
0xee: {  	s8 =	rddreg [dreg:$0x6];
	[sflag:s1] =	ssyncadd.s32 $0xFFFFA000  }
0xef: {  	[hbm4b:s8+s2] =	stream.linear.scatter [tilespmem:s6], [sflag:$0x2], $0x6000, $0x38;
	[tilespmem:$0x12200] =	vst v63  }
0xf0: {  	_ =	swait.ge [sflag:s5], $0x6000  }
0xf1: {  	[sflag:s5] =	ssyncset.done $0x0  }
0xf2: {  	s8 =	rddreg [dreg:$0x7];
	[sflag:s5] =	ssyncadd.s32 $0xFFFFA000  }
0xf3: {  	[hbm4b:s8+s2] =	stream.linear.scatter [tilespmem:s7], [sflag:$0x2], $0x6000, $0x38;
	[tilespmem:$0x12200] =	vst v63  }
0xf4: {  	_ =	swait.ge [sflag:s5], $0x6000  }
0xf5: {  	p0 =	sne.s32 s4, $0x1;
	[sflag:s5] =	ssyncset.done $0x0  }
.Ltmp0:
0xf6: {  	s8 =	rddreg [dreg:$0x8];
	[sflag:s5] =	ssyncadd.s32 $0xFFFFA000;
	(pc) =	sbr.rel @p0 .LBB2_1-.Ltmp0, $4  }
0xf7: {  	[hbm4b:s8+s2] =	stream.linear.scatter [tilespmem:s19], [sflag:$0x2], $0x6000, $0x38;
	[tilespmem:$0x12200] =	vst v63  }
0xf8: {  	_ =	swait.ge [sflag:s5], $0x6000  }
0xf9: {  	[sflag:s5] =	ssyncset.done $0x0  }
0xfa: {  	s4 =	sadd.s32 $0xFFFFFFFF, s4;
	[sflag:s5] =	ssyncadd.s32 $0xFFFFA000  }
0xfb: {  	_ =	sfence.sel $0x180000  }
0xfc: {  	[bflag:$0x0] =	sbarrier.arrive $0xFFFF  }
0xfd: {  	_ =	strace $0x90000050  }
0xfe: {  	s0 =	stileid.u32;
	[bflag:$0x2] =	sbarrier.arrive $0xFFFF  }
0xff: {  	p0 =	sne.s32 s0, $0x0;
	s0 =	rddreg [dreg:$0x2]  }
0x100: {  	s0 =	sadd.s32 @!p0 $0x100000, s0  }
0x101: {  	[sflag:s0] =	ssyncadd.tile.s32 @!p0 $0x1;
	_ =	shalt  }
.Lfunc_end2:
_tile_overlayer_lowered:
.L_overlay_start_2:
0x102: {  	(tag) =	ssettag $0x2  }
0x103: {  	s0 =	rddreg [dreg:$0x0];
	s2 =	stileid.u32  }
0x104: {  	s1 =	rddreg [dreg:$0x1];
	p0 =	sne.s32 s2, $0x0  }
0x105: {  	s3 =	rddreg [dreg:$0x2];
	[bflag:$0x3] =	sbarrier.arrive $0xFFFF;
	s2 =	simm.s32 @!p0 $0x1C02  }
0x106: {  	[timem:s3], [sflag:s2] =	dma.local @!p0 [hbm:s0], s1  }
0x107: {  	s0 =	simm.s32 @!p0 $0x2  }
0x108: {  	_ =	swait.ge @!p0 [sflag:s0], s1  }
0x109: {  	s1 =	ssub.s32 @!p0 $0x0, s1;
	[sflag:s0] =	ssyncset.done @!p0 $0x0  }
0x10a: {  	[sflag:s0] =	ssyncadd.s32 @!p0 s1  }
0x10b: {  	[bflag:$0x3] =	sbarrier.arrive $0xFFFF  }
0x10c: {  	_ =	shalt  }

</sc_bundles>
